<compile_context>
chip_gen: v7x
topology: tpu7x:2x2x1
jax: 0.10.2.dev20260603
libtpu: 0.0.44.dev20260713+nightly
codegen_flags: <defaults>
</compile_context>

<pallas_src>
import jax
import jax.numpy as jnp
from jax import lax
from jax.experimental import pallas as pl
from jax.experimental.pallas import tpu as pltpu
from jax.experimental.pallas import tpu_sc as plsc

B = 1024
S = 200
EMB = 128
NC = 2
NS = 16
NW = NC * NS
ROWS = B * S
RPW = ROWS // NW
SEQS = RPW // S
G = 8
P = 8
CR = G * P
PBLK = S // P
GBLK = SEQS // G
CHUNKS = PBLK * GBLK
NBUF = 2
ROUNDS = CHUNKS // NBUF
VPR = EMB // 16


def _body(x_hbm, table_hbm, pe_hbm, out_hbm,
          idx_v, pe_v, psem, bufs, obufs, gsems, osems):
  wid = lax.axis_index("s") * NC + lax.axis_index("c")
  base = wid * RPW

  pltpu.sync_copy(x_hbm.at[pl.ds(base, RPW)], idx_v)

  def chunk_coords(j):
    g = lax.div(j, PBLK)
    pb = lax.rem(j, PBLK)
    return g, pb

  def start_gathers(j, slot):
    g, pb = chunk_coords(j)
    for q in range(G):
      off = (g * G + q) * S + pb * P
      pltpu.async_copy(
          table_hbm.at[idx_v.at[pl.ds(off, P)]],
          bufs[slot].at[pl.ds(q * P, P)], gsems[slot])

  def wait_gathers(slot):
    pltpu.make_async_copy(
        table_hbm.at[pl.ds(0, CR)], bufs[slot], gsems[slot]).wait()

  def start_outs(j, slot):
    g, pb = chunk_coords(j)
    for q in range(G):
      off = (g * G + q) * S + pb * P
      pltpu.async_copy(
          obufs[slot].at[pl.ds(q * P, P)],
          out_hbm.at[pl.ds(base + off, P)], osems[slot])

  def wait_outs(slot):
    pltpu.make_async_copy(
        obufs[slot], out_hbm.at[pl.ds(base, CR)], osems[slot]).wait()

  def add_pe(j, slot):
    buf = bufs[slot]
    obuf = obufs[slot]
    _, pb = chunk_coords(j)
    poff = pb * P

    def row(p, _):
      pp = poff + p
      pes = [pe_v[pp, pl.ds(c * 16, 16)] for c in range(VPR)]
      for q in range(G):
        r = q * P + p
        a = [buf[r, pl.ds(c * 16, 16)] for c in range(VPR)]
        for c in range(VPR):
          obuf[r, pl.ds(c * 16, 16)] = a[c] + pes[c]
      return 0

    lax.fori_loop(0, P, row, 0, unroll=2)

  for s in range(NBUF):
    start_gathers(s, s)
  pltpu.async_copy(pe_hbm.at[pl.ds(0, S)], pe_v, psem)

  def round_body(r, _):
    for s in range(NBUF):
      j = r * NBUF + s

      if s == 0:
        @pl.when(r == 0)
        def _():
          pltpu.make_async_copy(pe_hbm.at[pl.ds(0, S)], pe_v, psem).wait()

      @pl.when(r >= 1)
      def _():
        wait_outs(s)
      wait_gathers(s)
      add_pe(j, s)

      @pl.when(r < ROUNDS - 1)
      def _():
        start_gathers(j + NBUF, s)
      start_outs(j, s)
    return 0

  lax.fori_loop(0, ROUNDS, round_body, 0)

  for s in range(NBUF):
    wait_outs(s)


def _kernel_body(x_hbm, table_hbm, pe_hbm, out_hbm, idx_v, pe_v, psem, *rest):
  bufs = list(rest[:NBUF])
  obufs = list(rest[NBUF:2 * NBUF])
  gsems = list(rest[2 * NBUF:3 * NBUF])
  osems = list(rest[3 * NBUF:4 * NBUF])
  _body(x_hbm, table_hbm, pe_hbm, out_hbm, idx_v, pe_v, psem,
        bufs, obufs, gsems, osems)


@jax.jit
def _run(x_flat, table, pe):
  buf_t = pltpu.VMEM((CR, EMB), jnp.float32)
  kern = pl.kernel(
      _kernel_body,
      out_type=jax.ShapeDtypeStruct((ROWS, EMB), jnp.float32),
      mesh=plsc.VectorSubcoreMesh(core_axis_name="c", subcore_axis_name="s"),
      scratch_types=(
          [pltpu.VMEM((RPW,), jnp.int32),
           pltpu.VMEM((S, EMB), jnp.float32),
           pltpu.SemaphoreType.DMA]
          + [buf_t] * (2 * NBUF)
          + [pltpu.SemaphoreType.DMA] * (2 * NBUF)
      ),
      name="pos_word_embedding_sc",
  )
  return kern(x_flat, table, pe)


def kernel(x, table, pe):
  b, s = x.shape
  out = _run(x.reshape(-1), table, pe)
  return out.reshape(b, s, EMB)

# --- scband reference (transcript-rebuilt; emitter-appended) ---
"""Pipeline reference for scband-positional-word-embedding-43052752175222 (READ-ONLY COPY).

The authoritative reference and input builder live on the scoring server;
editing this copy changes nothing except your own understanding.
"""

import math
import jax, jax.numpy as jnp
import numpy as np

VOCAB = 100000
EMB = 128
MAXLEN = 512
BATCH = 1024
SEQ = 200


def _make_pe():
    dims = np.arange(0, EMB, 2).astype(np.float64)
    freq = np.exp(dims * -math.log(10000.0) / EMB)
    pos = np.arange(0, MAXLEN).astype(np.float64)[:, None]
    pe = np.zeros((MAXLEN, EMB), dtype=np.float32)
    pe[:, 0::2] = np.sin(pos * freq).astype(np.float32)
    pe[:, 1::2] = np.cos(pos * freq).astype(np.float32)
    return jnp.asarray(pe)


def setup_inputs(seed: int = 0):
    key = jax.random.key(seed)
    k1, k2 = jax.random.split(key)
    x = jax.random.randint(k1, (BATCH, SEQ), 0, VOCAB, dtype=jnp.int32)
    table = jax.random.normal(k2, (VOCAB, EMB), dtype=jnp.float32)
    pe = _make_pe()
    return {"x": x, "table": table, "pe": pe}


def reference(x, table, pe):
    B, S = x.shape
    emb = jnp.take(table, x, axis=0)
    pos = jnp.broadcast_to(pe[:S][None, :, :], (B, S, pe.shape[1]))
    return emb + pos

if __name__ == "__main__":
    import jax
    _d = setup_inputs()
    print(jax.jit(kernel)(*tuple(_d.values())))

</pallas_src>

<mosaic_0001>
#map = affine_map<(d0, d1) -> (0)>
#map1 = affine_map<(d0, d1) -> (0, 0)>
module attributes {stable_mosaic.version = 14 : i64} {
  func.func @pos_word_embedding_sc(%arg0: i32, %arg1: i32, %arg2: memref<204800xi32, #tpu.memory_space<hbm>>, %arg3: memref<100000x128xf32, #tpu.memory_space<hbm>>, %arg4: memref<512x128xf32, #tpu.memory_space<hbm>>, %arg5: memref<204800x128xf32, #tpu.memory_space<hbm>>, %arg6: memref<6400xi32, #tpu.memory_space<vmem>>, %arg7: memref<200x128xf32, #tpu.memory_space<vmem>>, %arg8: memref<!tpu.dma_semaphore, #tpu.memory_space<semaphore_mem>>, %arg9: memref<64x128xf32, #tpu.memory_space<vmem>>, %arg10: memref<64x128xf32, #tpu.memory_space<vmem>>, %arg11: memref<64x128xf32, #tpu.memory_space<vmem>>, %arg12: memref<64x128xf32, #tpu.memory_space<vmem>>, %arg13: memref<!tpu.dma_semaphore, #tpu.memory_space<semaphore_mem>>, %arg14: memref<!tpu.dma_semaphore, #tpu.memory_space<semaphore_mem>>, %arg15: memref<!tpu.dma_semaphore, #tpu.memory_space<semaphore_mem>>, %arg16: memref<!tpu.dma_semaphore, #tpu.memory_space<semaphore_mem>>) attributes {dimension_semantics = [#tpu.dimension_semantics<core_parallel>, #tpu.dimension_semantics<subcore_parallel>], iteration_bounds = array<i64: 2, 16>, scalar_prefetch = 0 : i64, scratch_operands = 11 : i64, tpu.core_type = #tpu.core_type<sc_vector_subcore>, window_params = [{transform_indices = #map}, {transform_indices = #map1}, {transform_indices = #map1}, {transform_indices = #map1}]} {
    %mul3A = arith.constant 2 : i32
    %mul3A_0 = arith.muli %arg1, %mul3A : i32
    %add3A = arith.addi %mul3A_0, %arg0 : i32
    %mul3A_1 = arith.constant 6400 : i32
    %mul3A_2 = arith.muli %add3A, %mul3A_1 : i32
    "tpu.region"() ({
      %run_scoped3A = tpu.sem_alloc : memref<!tpu.dma_semaphore, #tpu.memory_space<semaphore_mem>>
      %dma_start3A_287 = tpu.memref_slice %arg2[%mul3A_2] : memref<204800xi32, #tpu.memory_space<hbm>> -> memref<6400xi32, #tpu.memory_space<hbm>>
      %dma_start3A_288 = tpu.memref_slice %arg2[%mul3A_2] : memref<204800xi32, #tpu.memory_space<hbm>> -> memref<6400xi32, #tpu.memory_space<hbm>>
      tpu.enqueue_dma source(%dma_start3A_288 : memref<6400xi32, #tpu.memory_space<hbm>>) target(%arg6 : memref<6400xi32, #tpu.memory_space<vmem>>) target_semaphore(%run_scoped3A : memref<!tpu.dma_semaphore, #tpu.memory_space<semaphore_mem>>)
      %dma_wait3A_289 = tpu.memref_slice %arg2[%mul3A_2] : memref<204800xi32, #tpu.memory_space<hbm>> -> memref<6400xi32, #tpu.memory_space<hbm>>
      %dma_wait3A_290 = tpu.memref_slice %arg2[%mul3A_2] : memref<204800xi32, #tpu.memory_space<hbm>> -> memref<6400xi32, #tpu.memory_space<hbm>>
      tpu.wait_dma2 semaphore(%run_scoped3A : memref<!tpu.dma_semaphore, #tpu.memory_space<semaphore_mem>>) src(%dma_wait3A_290 : memref<6400xi32, #tpu.memory_space<hbm>>) dst(%arg6 : memref<6400xi32, #tpu.memory_space<vmem>>)
      tpu.yield
    }) : () -> ()
    %div3A = arith.constant 0 : i32
    %div3A_3 = arith.constant 25 : i32
    %div3A_4 = arith.divsi %div3A, %div3A_3 : i32
    %rem3A = arith.constant 0 : i32
    %rem3A_5 = arith.constant 25 : i32
    %rem3A_6 = arith.remsi %rem3A, %rem3A_5 : i32
    %mul3A_7 = arith.constant 8 : i32
    %mul3A_8 = arith.muli %div3A_4, %mul3A_7 : i32
    %add3A_9 = arith.constant 0 : i32
    %add3A_10 = arith.addi %mul3A_8, %add3A_9 : i32
    %mul3A_11 = arith.constant 200 : i32
    %mul3A_12 = arith.muli %add3A_10, %mul3A_11 : i32
    %mul3A_13 = arith.constant 8 : i32
    %mul3A_14 = arith.muli %rem3A_6, %mul3A_13 : i32
    %add3A_15 = arith.addi %mul3A_12, %mul3A_14 : i32
    %dma_start3A = arith.constant 0 : i32
    %dma_start3A_16 = arith.constant 0 : i32
    %dma_start3A_17 = tpu.memref_slice %arg9[%dma_start3A, %dma_start3A_16] : memref<64x128xf32, #tpu.memory_space<vmem>> -> memref<8x128xf32, #tpu.memory_space<vmem>>
    %dma_start3A_18 = tpu.memref_slice %arg6[%add3A_15] : memref<6400xi32, #tpu.memory_space<vmem>> -> memref<8xi32, #tpu.memory_space<vmem>>
    %dma_start3A_19 = arith.constant 0 : i32
    %dma_start3A_20 = arith.constant 0 : i32
    %dma_start3A_21 = tpu.memref_slice %arg3[%dma_start3A_19, %dma_start3A_20] : memref<100000x128xf32, #tpu.memory_space<hbm>> -> memref<100000x128xf32, #tpu.memory_space<hbm>>
    tpu.enqueue_indirect_dma source(%dma_start3A_21 : memref<100000x128xf32, #tpu.memory_space<hbm>>) target(%dma_start3A_17 : memref<8x128xf32, #tpu.memory_space<vmem>>) offsets(%dma_start3A_18 : memref<8xi32, #tpu.memory_space<vmem>>) semaphore(%arg13 : memref<!tpu.dma_semaphore, #tpu.memory_space<semaphore_mem>>)
    %mul3A_22 = arith.constant 8 : i32
    %mul3A_23 = arith.muli %div3A_4, %mul3A_22 : i32
    %add3A_24 = arith.constant 1 : i32
    %add3A_25 = arith.addi %mul3A_23, %add3A_24 : i32
    %mul3A_26 = arith.constant 200 : i32
    %mul3A_27 = arith.muli %add3A_25, %mul3A_26 : i32
    %mul3A_28 = arith.constant 8 : i32
    %mul3A_29 = arith.muli %rem3A_6, %mul3A_28 : i32
    %add3A_30 = arith.addi %mul3A_27, %mul3A_29 : i32
    %dma_start3A_31 = arith.constant 8 : i32
    %dma_start3A_32 = arith.constant 0 : i32
    %dma_start3A_33 = tpu.memref_slice %arg9[%dma_start3A_31, %dma_start3A_32] : memref<64x128xf32, #tpu.memory_space<vmem>> -> memref<8x128xf32, #tpu.memory_space<vmem>>
    %dma_start3A_34 = tpu.memref_slice %arg6[%add3A_30] : memref<6400xi32, #tpu.memory_space<vmem>> -> memref<8xi32, #tpu.memory_space<vmem>>
    %dma_start3A_35 = arith.constant 0 : i32
    %dma_start3A_36 = arith.constant 0 : i32
    %dma_start3A_37 = tpu.memref_slice %arg3[%dma_start3A_35, %dma_start3A_36] : memref<100000x128xf32, #tpu.memory_space<hbm>> -> memref<100000x128xf32, #tpu.memory_space<hbm>>
    tpu.enqueue_indirect_dma source(%dma_start3A_37 : memref<100000x128xf32, #tpu.memory_space<hbm>>) target(%dma_start3A_33 : memref<8x128xf32, #tpu.memory_space<vmem>>) offsets(%dma_start3A_34 : memref<8xi32, #tpu.memory_space<vmem>>) semaphore(%arg13 : memref<!tpu.dma_semaphore, #tpu.memory_space<semaphore_mem>>)
    %mul3A_38 = arith.constant 8 : i32
    %mul3A_39 = arith.muli %div3A_4, %mul3A_38 : i32
    %add3A_40 = arith.constant 2 : i32
    %add3A_41 = arith.addi %mul3A_39, %add3A_40 : i32
    %mul3A_42 = arith.constant 200 : i32
    %mul3A_43 = arith.muli %add3A_41, %mul3A_42 : i32
    %mul3A_44 = arith.constant 8 : i32
    %mul3A_45 = arith.muli %rem3A_6, %mul3A_44 : i32
    %add3A_46 = arith.addi %mul3A_43, %mul3A_45 : i32
    %dma_start3A_47 = arith.constant 16 : i32
    %dma_start3A_48 = arith.constant 0 : i32
    %dma_start3A_49 = tpu.memref_slice %arg9[%dma_start3A_47, %dma_start3A_48] : memref<64x128xf32, #tpu.memory_space<vmem>> -> memref<8x128xf32, #tpu.memory_space<vmem>>
    %dma_start3A_50 = tpu.memref_slice %arg6[%add3A_46] : memref<6400xi32, #tpu.memory_space<vmem>> -> memref<8xi32, #tpu.memory_space<vmem>>
    %dma_start3A_51 = arith.constant 0 : i32
    %dma_start3A_52 = arith.constant 0 : i32
    %dma_start3A_53 = tpu.memref_slice %arg3[%dma_start3A_51, %dma_start3A_52] : memref<100000x128xf32, #tpu.memory_space<hbm>> -> memref<100000x128xf32, #tpu.memory_space<hbm>>
    tpu.enqueue_indirect_dma source(%dma_start3A_53 : memref<100000x128xf32, #tpu.memory_space<hbm>>) target(%dma_start3A_49 : memref<8x128xf32, #tpu.memory_space<vmem>>) offsets(%dma_start3A_50 : memref<8xi32, #tpu.memory_space<vmem>>) semaphore(%arg13 : memref<!tpu.dma_semaphore, #tpu.memory_space<semaphore_mem>>)
    %mul3A_54 = arith.constant 8 : i32
    %mul3A_55 = arith.muli %div3A_4, %mul3A_54 : i32
    %add3A_56 = arith.constant 3 : i32
    %add3A_57 = arith.addi %mul3A_55, %add3A_56 : i32
    %mul3A_58 = arith.constant 200 : i32
    %mul3A_59 = arith.muli %add3A_57, %mul3A_58 : i32
    %mul3A_60 = arith.constant 8 : i32
    %mul3A_61 = arith.muli %rem3A_6, %mul3A_60 : i32
    %add3A_62 = arith.addi %mul3A_59, %mul3A_61 : i32
    %dma_start3A_63 = arith.constant 24 : i32
    %dma_start3A_64 = arith.constant 0 : i32
    %dma_start3A_65 = tpu.memref_slice %arg9[%dma_start3A_63, %dma_start3A_64] : memref<64x128xf32, #tpu.memory_space<vmem>> -> memref<8x128xf32, #tpu.memory_space<vmem>>
    %dma_start3A_66 = tpu.memref_slice %arg6[%add3A_62] : memref<6400xi32, #tpu.memory_space<vmem>> -> memref<8xi32, #tpu.memory_space<vmem>>
    %dma_start3A_67 = arith.constant 0 : i32
    %dma_start3A_68 = arith.constant 0 : i32
    %dma_start3A_69 = tpu.memref_slice %arg3[%dma_start3A_67, %dma_start3A_68] : memref<100000x128xf32, #tpu.memory_space<hbm>> -> memref<100000x128xf32, #tpu.memory_space<hbm>>
    tpu.enqueue_indirect_dma source(%dma_start3A_69 : memref<100000x128xf32, #tpu.memory_space<hbm>>) target(%dma_start3A_65 : memref<8x128xf32, #tpu.memory_space<vmem>>) offsets(%dma_start3A_66 : memref<8xi32, #tpu.memory_space<vmem>>) semaphore(%arg13 : memref<!tpu.dma_semaphore, #tpu.memory_space<semaphore_mem>>)
    %mul3A_70 = arith.constant 8 : i32
    %mul3A_71 = arith.muli %div3A_4, %mul3A_70 : i32
    %add3A_72 = arith.constant 4 : i32
    %add3A_73 = arith.addi %mul3A_71, %add3A_72 : i32
    %mul3A_74 = arith.constant 200 : i32
    %mul3A_75 = arith.muli %add3A_73, %mul3A_74 : i32
    %mul3A_76 = arith.constant 8 : i32
    %mul3A_77 = arith.muli %rem3A_6, %mul3A_76 : i32
    %add3A_78 = arith.addi %mul3A_75, %mul3A_77 : i32
    %dma_start3A_79 = arith.constant 32 : i32
    %dma_start3A_80 = arith.constant 0 : i32
    %dma_start3A_81 = tpu.memref_slice %arg9[%dma_start3A_79, %dma_start3A_80] : memref<64x128xf32, #tpu.memory_space<vmem>> -> memref<8x128xf32, #tpu.memory_space<vmem>>
    %dma_start3A_82 = tpu.memref_slice %arg6[%add3A_78] : memref<6400xi32, #tpu.memory_space<vmem>> -> memref<8xi32, #tpu.memory_space<vmem>>
    %dma_start3A_83 = arith.constant 0 : i32
    %dma_start3A_84 = arith.constant 0 : i32
    %dma_start3A_85 = tpu.memref_slice %arg3[%dma_start3A_83, %dma_start3A_84] : memref<100000x128xf32, #tpu.memory_space<hbm>> -> memref<100000x128xf32, #tpu.memory_space<hbm>>
    tpu.enqueue_indirect_dma source(%dma_start3A_85 : memref<100000x128xf32, #tpu.memory_space<hbm>>) target(%dma_start3A_81 : memref<8x128xf32, #tpu.memory_space<vmem>>) offsets(%dma_start3A_82 : memref<8xi32, #tpu.memory_space<vmem>>) semaphore(%arg13 : memref<!tpu.dma_semaphore, #tpu.memory_space<semaphore_mem>>)
    %mul3A_86 = arith.constant 8 : i32
    %mul3A_87 = arith.muli %div3A_4, %mul3A_86 : i32
    %add3A_88 = arith.constant 5 : i32
    %add3A_89 = arith.addi %mul3A_87, %add3A_88 : i32
    %mul3A_90 = arith.constant 200 : i32
    %mul3A_91 = arith.muli %add3A_89, %mul3A_90 : i32
    %mul3A_92 = arith.constant 8 : i32
    %mul3A_93 = arith.muli %rem3A_6, %mul3A_92 : i32
    %add3A_94 = arith.addi %mul3A_91, %mul3A_93 : i32
    %dma_start3A_95 = arith.constant 40 : i32
    %dma_start3A_96 = arith.constant 0 : i32
    %dma_start3A_97 = tpu.memref_slice %arg9[%dma_start3A_95, %dma_start3A_96] : memref<64x128xf32, #tpu.memory_space<vmem>> -> memref<8x128xf32, #tpu.memory_space<vmem>>
    %dma_start3A_98 = tpu.memref_slice %arg6[%add3A_94] : memref<6400xi32, #tpu.memory_space<vmem>> -> memref<8xi32, #tpu.memory_space<vmem>>
    %dma_start3A_99 = arith.constant 0 : i32
    %dma_start3A_100 = arith.constant 0 : i32
    %dma_start3A_101 = tpu.memref_slice %arg3[%dma_start3A_99, %dma_start3A_100] : memref<100000x128xf32, #tpu.memory_space<hbm>> -> memref<100000x128xf32, #tpu.memory_space<hbm>>
    tpu.enqueue_indirect_dma source(%dma_start3A_101 : memref<100000x128xf32, #tpu.memory_space<hbm>>) target(%dma_start3A_97 : memref<8x128xf32, #tpu.memory_space<vmem>>) offsets(%dma_start3A_98 : memref<8xi32, #tpu.memory_space<vmem>>) semaphore(%arg13 : memref<!tpu.dma_semaphore, #tpu.memory_space<semaphore_mem>>)
    %mul3A_102 = arith.constant 8 : i32
    %mul3A_103 = arith.muli %div3A_4, %mul3A_102 : i32
    %add3A_104 = arith.constant 6 : i32
    %add3A_105 = arith.addi %mul3A_103, %add3A_104 : i32
    %mul3A_106 = arith.constant 200 : i32
    %mul3A_107 = arith.muli %add3A_105, %mul3A_106 : i32
    %mul3A_108 = arith.constant 8 : i32
    %mul3A_109 = arith.muli %rem3A_6, %mul3A_108 : i32
    %add3A_110 = arith.addi %mul3A_107, %mul3A_109 : i32
    %dma_start3A_111 = arith.constant 48 : i32
    %dma_start3A_112 = arith.constant 0 : i32
    %dma_start3A_113 = tpu.memref_slice %arg9[%dma_start3A_111, %dma_start3A_112] : memref<64x128xf32, #tpu.memory_space<vmem>> -> memref<8x128xf32, #tpu.memory_space<vmem>>
    %dma_start3A_114 = tpu.memref_slice %arg6[%add3A_110] : memref<6400xi32, #tpu.memory_space<vmem>> -> memref<8xi32, #tpu.memory_space<vmem>>
    %dma_start3A_115 = arith.constant 0 : i32
    %dma_start3A_116 = arith.constant 0 : i32
    %dma_start3A_117 = tpu.memref_slice %arg3[%dma_start3A_115, %dma_start3A_116] : memref<100000x128xf32, #tpu.memory_space<hbm>> -> memref<100000x128xf32, #tpu.memory_space<hbm>>
    tpu.enqueue_indirect_dma source(%dma_start3A_117 : memref<100000x128xf32, #tpu.memory_space<hbm>>) target(%dma_start3A_113 : memref<8x128xf32, #tpu.memory_space<vmem>>) offsets(%dma_start3A_114 : memref<8xi32, #tpu.memory_space<vmem>>) semaphore(%arg13 : memref<!tpu.dma_semaphore, #tpu.memory_space<semaphore_mem>>)
    %mul3A_118 = arith.constant 8 : i32
    %mul3A_119 = arith.muli %div3A_4, %mul3A_118 : i32
    %add3A_120 = arith.constant 7 : i32
    %add3A_121 = arith.addi %mul3A_119, %add3A_120 : i32
    %mul3A_122 = arith.constant 200 : i32
    %mul3A_123 = arith.muli %add3A_121, %mul3A_122 : i32
    %mul3A_124 = arith.constant 8 : i32
    %mul3A_125 = arith.muli %rem3A_6, %mul3A_124 : i32
    %add3A_126 = arith.addi %mul3A_123, %mul3A_125 : i32
    %dma_start3A_127 = arith.constant 56 : i32
    %dma_start3A_128 = arith.constant 0 : i32
    %dma_start3A_129 = tpu.memref_slice %arg9[%dma_start3A_127, %dma_start3A_128] : memref<64x128xf32, #tpu.memory_space<vmem>> -> memref<8x128xf32, #tpu.memory_space<vmem>>
    %dma_start3A_130 = tpu.memref_slice %arg6[%add3A_126] : memref<6400xi32, #tpu.memory_space<vmem>> -> memref<8xi32, #tpu.memory_space<vmem>>
    %dma_start3A_131 = arith.constant 0 : i32
    %dma_start3A_132 = arith.constant 0 : i32
    %dma_start3A_133 = tpu.memref_slice %arg3[%dma_start3A_131, %dma_start3A_132] : memref<100000x128xf32, #tpu.memory_space<hbm>> -> memref<100000x128xf32, #tpu.memory_space<hbm>>
    tpu.enqueue_indirect_dma source(%dma_start3A_133 : memref<100000x128xf32, #tpu.memory_space<hbm>>) target(%dma_start3A_129 : memref<8x128xf32, #tpu.memory_space<vmem>>) offsets(%dma_start3A_130 : memref<8xi32, #tpu.memory_space<vmem>>) semaphore(%arg13 : memref<!tpu.dma_semaphore, #tpu.memory_space<semaphore_mem>>)
    %div3A_134 = arith.constant 1 : i32
    %div3A_135 = arith.constant 25 : i32
    %div3A_136 = arith.divsi %div3A_134, %div3A_135 : i32
    %rem3A_137 = arith.constant 1 : i32
    %rem3A_138 = arith.constant 25 : i32
    %rem3A_139 = arith.remsi %rem3A_137, %rem3A_138 : i32
    %mul3A_140 = arith.constant 8 : i32
    %mul3A_141 = arith.muli %div3A_136, %mul3A_140 : i32
    %add3A_142 = arith.constant 0 : i32
    %add3A_143 = arith.addi %mul3A_141, %add3A_142 : i32
    %mul3A_144 = arith.constant 200 : i32
    %mul3A_145 = arith.muli %add3A_143, %mul3A_144 : i32
    %mul3A_146 = arith.constant 8 : i32
    %mul3A_147 = arith.muli %rem3A_139, %mul3A_146 : i32
    %add3A_148 = arith.addi %mul3A_145, %mul3A_147 : i32
    %dma_start3A_149 = arith.constant 0 : i32
    %dma_start3A_150 = arith.constant 0 : i32
    %dma_start3A_151 = tpu.memref_slice %arg10[%dma_start3A_149, %dma_start3A_150] : memref<64x128xf32, #tpu.memory_space<vmem>> -> memref<8x128xf32, #tpu.memory_space<vmem>>
    %dma_start3A_152 = tpu.memref_slice %arg6[%add3A_148] : memref<6400xi32, #tpu.memory_space<vmem>> -> memref<8xi32, #tpu.memory_space<vmem>>
    %dma_start3A_153 = arith.constant 0 : i32
    %dma_start3A_154 = arith.constant 0 : i32
    %dma_start3A_155 = tpu.memref_slice %arg3[%dma_start3A_153, %dma_start3A_154] : memref<100000x128xf32, #tpu.memory_space<hbm>> -> memref<100000x128xf32, #tpu.memory_space<hbm>>
    tpu.enqueue_indirect_dma source(%dma_start3A_155 : memref<100000x128xf32, #tpu.memory_space<hbm>>) target(%dma_start3A_151 : memref<8x128xf32, #tpu.memory_space<vmem>>) offsets(%dma_start3A_152 : memref<8xi32, #tpu.memory_space<vmem>>) semaphore(%arg14 : memref<!tpu.dma_semaphore, #tpu.memory_space<semaphore_mem>>)
    %mul3A_156 = arith.constant 8 : i32
    %mul3A_157 = arith.muli %div3A_136, %mul3A_156 : i32
    %add3A_158 = arith.constant 1 : i32
    %add3A_159 = arith.addi %mul3A_157, %add3A_158 : i32
    %mul3A_160 = arith.constant 200 : i32
    %mul3A_161 = arith.muli %add3A_159, %mul3A_160 : i32
    %mul3A_162 = arith.constant 8 : i32
    %mul3A_163 = arith.muli %rem3A_139, %mul3A_162 : i32
    %add3A_164 = arith.addi %mul3A_161, %mul3A_163 : i32
    %dma_start3A_165 = arith.constant 8 : i32
    %dma_start3A_166 = arith.constant 0 : i32
    %dma_start3A_167 = tpu.memref_slice %arg10[%dma_start3A_165, %dma_start3A_166] : memref<64x128xf32, #tpu.memory_space<vmem>> -> memref<8x128xf32, #tpu.memory_space<vmem>>
    %dma_start3A_168 = tpu.memref_slice %arg6[%add3A_164] : memref<6400xi32, #tpu.memory_space<vmem>> -> memref<8xi32, #tpu.memory_space<vmem>>
    %dma_start3A_169 = arith.constant 0 : i32
    %dma_start3A_170 = arith.constant 0 : i32
    %dma_start3A_171 = tpu.memref_slice %arg3[%dma_start3A_169, %dma_start3A_170] : memref<100000x128xf32, #tpu.memory_space<hbm>> -> memref<100000x128xf32, #tpu.memory_space<hbm>>
    tpu.enqueue_indirect_dma source(%dma_start3A_171 : memref<100000x128xf32, #tpu.memory_space<hbm>>) target(%dma_start3A_167 : memref<8x128xf32, #tpu.memory_space<vmem>>) offsets(%dma_start3A_168 : memref<8xi32, #tpu.memory_space<vmem>>) semaphore(%arg14 : memref<!tpu.dma_semaphore, #tpu.memory_space<semaphore_mem>>)
    %mul3A_172 = arith.constant 8 : i32
    %mul3A_173 = arith.muli %div3A_136, %mul3A_172 : i32
    %add3A_174 = arith.constant 2 : i32
    %add3A_175 = arith.addi %mul3A_173, %add3A_174 : i32
    %mul3A_176 = arith.constant 200 : i32
    %mul3A_177 = arith.muli %add3A_175, %mul3A_176 : i32
    %mul3A_178 = arith.constant 8 : i32
    %mul3A_179 = arith.muli %rem3A_139, %mul3A_178 : i32
    %add3A_180 = arith.addi %mul3A_177, %mul3A_179 : i32
    %dma_start3A_181 = arith.constant 16 : i32
    %dma_start3A_182 = arith.constant 0 : i32
    %dma_start3A_183 = tpu.memref_slice %arg10[%dma_start3A_181, %dma_start3A_182] : memref<64x128xf32, #tpu.memory_space<vmem>> -> memref<8x128xf32, #tpu.memory_space<vmem>>
    %dma_start3A_184 = tpu.memref_slice %arg6[%add3A_180] : memref<6400xi32, #tpu.memory_space<vmem>> -> memref<8xi32, #tpu.memory_space<vmem>>
    %dma_start3A_185 = arith.constant 0 : i32
    %dma_start3A_186 = arith.constant 0 : i32
    %dma_start3A_187 = tpu.memref_slice %arg3[%dma_start3A_185, %dma_start3A_186] : memref<100000x128xf32, #tpu.memory_space<hbm>> -> memref<100000x128xf32, #tpu.memory_space<hbm>>
    tpu.enqueue_indirect_dma source(%dma_start3A_187 : memref<100000x128xf32, #tpu.memory_space<hbm>>) target(%dma_start3A_183 : memref<8x128xf32, #tpu.memory_space<vmem>>) offsets(%dma_start3A_184 : memref<8xi32, #tpu.memory_space<vmem>>) semaphore(%arg14 : memref<!tpu.dma_semaphore, #tpu.memory_space<semaphore_mem>>)
    %mul3A_188 = arith.constant 8 : i32
    %mul3A_189 = arith.muli %div3A_136, %mul3A_188 : i32
    %add3A_190 = arith.constant 3 : i32
    %add3A_191 = arith.addi %mul3A_189, %add3A_190 : i32
    %mul3A_192 = arith.constant 200 : i32
    %mul3A_193 = arith.muli %add3A_191, %mul3A_192 : i32
    %mul3A_194 = arith.constant 8 : i32
    %mul3A_195 = arith.muli %rem3A_139, %mul3A_194 : i32
    %add3A_196 = arith.addi %mul3A_193, %mul3A_195 : i32
    %dma_start3A_197 = arith.constant 24 : i32
    %dma_start3A_198 = arith.constant 0 : i32
    %dma_start3A_199 = tpu.memref_slice %arg10[%dma_start3A_197, %dma_start3A_198] : memref<64x128xf32, #tpu.memory_space<vmem>> -> memref<8x128xf32, #tpu.memory_space<vmem>>
    %dma_start3A_200 = tpu.memref_slice %arg6[%add3A_196] : memref<6400xi32, #tpu.memory_space<vmem>> -> memref<8xi32, #tpu.memory_space<vmem>>
    %dma_start3A_201 = arith.constant 0 : i32
    %dma_start3A_202 = arith.constant 0 : i32
    %dma_start3A_203 = tpu.memref_slice %arg3[%dma_start3A_201, %dma_start3A_202] : memref<100000x128xf32, #tpu.memory_space<hbm>> -> memref<100000x128xf32, #tpu.memory_space<hbm>>
    tpu.enqueue_indirect_dma source(%dma_start3A_203 : memref<100000x128xf32, #tpu.memory_space<hbm>>) target(%dma_start3A_199 : memref<8x128xf32, #tpu.memory_space<vmem>>) offsets(%dma_start3A_200 : memref<8xi32, #tpu.memory_space<vmem>>) semaphore(%arg14 : memref<!tpu.dma_semaphore, #tpu.memory_space<semaphore_mem>>)
    %mul3A_204 = arith.constant 8 : i32
    %mul3A_205 = arith.muli %div3A_136, %mul3A_204 : i32
    %add3A_206 = arith.constant 4 : i32
    %add3A_207 = arith.addi %mul3A_205, %add3A_206 : i32
    %mul3A_208 = arith.constant 200 : i32
    %mul3A_209 = arith.muli %add3A_207, %mul3A_208 : i32
    %mul3A_210 = arith.constant 8 : i32
    %mul3A_211 = arith.muli %rem3A_139, %mul3A_210 : i32
    %add3A_212 = arith.addi %mul3A_209, %mul3A_211 : i32
    %dma_start3A_213 = arith.constant 32 : i32
    %dma_start3A_214 = arith.constant 0 : i32
    %dma_start3A_215 = tpu.memref_slice %arg10[%dma_start3A_213, %dma_start3A_214] : memref<64x128xf32, #tpu.memory_space<vmem>> -> memref<8x128xf32, #tpu.memory_space<vmem>>
    %dma_start3A_216 = tpu.memref_slice %arg6[%add3A_212] : memref<6400xi32, #tpu.memory_space<vmem>> -> memref<8xi32, #tpu.memory_space<vmem>>
    %dma_start3A_217 = arith.constant 0 : i32
    %dma_start3A_218 = arith.constant 0 : i32
    %dma_start3A_219 = tpu.memref_slice %arg3[%dma_start3A_217, %dma_start3A_218] : memref<100000x128xf32, #tpu.memory_space<hbm>> -> memref<100000x128xf32, #tpu.memory_space<hbm>>
    tpu.enqueue_indirect_dma source(%dma_start3A_219 : memref<100000x128xf32, #tpu.memory_space<hbm>>) target(%dma_start3A_215 : memref<8x128xf32, #tpu.memory_space<vmem>>) offsets(%dma_start3A_216 : memref<8xi32, #tpu.memory_space<vmem>>) semaphore(%arg14 : memref<!tpu.dma_semaphore, #tpu.memory_space<semaphore_mem>>)
    %mul3A_220 = arith.constant 8 : i32
    %mul3A_221 = arith.muli %div3A_136, %mul3A_220 : i32
    %add3A_222 = arith.constant 5 : i32
    %add3A_223 = arith.addi %mul3A_221, %add3A_222 : i32
    %mul3A_224 = arith.constant 200 : i32
    %mul3A_225 = arith.muli %add3A_223, %mul3A_224 : i32
    %mul3A_226 = arith.constant 8 : i32
    %mul3A_227 = arith.muli %rem3A_139, %mul3A_226 : i32
    %add3A_228 = arith.addi %mul3A_225, %mul3A_227 : i32
    %dma_start3A_229 = arith.constant 40 : i32
    %dma_start3A_230 = arith.constant 0 : i32
    %dma_start3A_231 = tpu.memref_slice %arg10[%dma_start3A_229, %dma_start3A_230] : memref<64x128xf32, #tpu.memory_space<vmem>> -> memref<8x128xf32, #tpu.memory_space<vmem>>
    %dma_start3A_232 = tpu.memref_slice %arg6[%add3A_228] : memref<6400xi32, #tpu.memory_space<vmem>> -> memref<8xi32, #tpu.memory_space<vmem>>
    %dma_start3A_233 = arith.constant 0 : i32
    %dma_start3A_234 = arith.constant 0 : i32
    %dma_start3A_235 = tpu.memref_slice %arg3[%dma_start3A_233, %dma_start3A_234] : memref<100000x128xf32, #tpu.memory_space<hbm>> -> memref<100000x128xf32, #tpu.memory_space<hbm>>
    tpu.enqueue_indirect_dma source(%dma_start3A_235 : memref<100000x128xf32, #tpu.memory_space<hbm>>) target(%dma_start3A_231 : memref<8x128xf32, #tpu.memory_space<vmem>>) offsets(%dma_start3A_232 : memref<8xi32, #tpu.memory_space<vmem>>) semaphore(%arg14 : memref<!tpu.dma_semaphore, #tpu.memory_space<semaphore_mem>>)
    %mul3A_236 = arith.constant 8 : i32
    %mul3A_237 = arith.muli %div3A_136, %mul3A_236 : i32
    %add3A_238 = arith.constant 6 : i32
    %add3A_239 = arith.addi %mul3A_237, %add3A_238 : i32
    %mul3A_240 = arith.constant 200 : i32
    %mul3A_241 = arith.muli %add3A_239, %mul3A_240 : i32
    %mul3A_242 = arith.constant 8 : i32
    %mul3A_243 = arith.muli %rem3A_139, %mul3A_242 : i32
    %add3A_244 = arith.addi %mul3A_241, %mul3A_243 : i32
    %dma_start3A_245 = arith.constant 48 : i32
    %dma_start3A_246 = arith.constant 0 : i32
    %dma_start3A_247 = tpu.memref_slice %arg10[%dma_start3A_245, %dma_start3A_246] : memref<64x128xf32, #tpu.memory_space<vmem>> -> memref<8x128xf32, #tpu.memory_space<vmem>>
    %dma_start3A_248 = tpu.memref_slice %arg6[%add3A_244] : memref<6400xi32, #tpu.memory_space<vmem>> -> memref<8xi32, #tpu.memory_space<vmem>>
    %dma_start3A_249 = arith.constant 0 : i32
    %dma_start3A_250 = arith.constant 0 : i32
    %dma_start3A_251 = tpu.memref_slice %arg3[%dma_start3A_249, %dma_start3A_250] : memref<100000x128xf32, #tpu.memory_space<hbm>> -> memref<100000x128xf32, #tpu.memory_space<hbm>>
    tpu.enqueue_indirect_dma source(%dma_start3A_251 : memref<100000x128xf32, #tpu.memory_space<hbm>>) target(%dma_start3A_247 : memref<8x128xf32, #tpu.memory_space<vmem>>) offsets(%dma_start3A_248 : memref<8xi32, #tpu.memory_space<vmem>>) semaphore(%arg14 : memref<!tpu.dma_semaphore, #tpu.memory_space<semaphore_mem>>)
    %mul3A_252 = arith.constant 8 : i32
    %mul3A_253 = arith.muli %div3A_136, %mul3A_252 : i32
    %add3A_254 = arith.constant 7 : i32
    %add3A_255 = arith.addi %mul3A_253, %add3A_254 : i32
    %mul3A_256 = arith.constant 200 : i32
    %mul3A_257 = arith.muli %add3A_255, %mul3A_256 : i32
    %mul3A_258 = arith.constant 8 : i32
    %mul3A_259 = arith.muli %rem3A_139, %mul3A_258 : i32
    %add3A_260 = arith.addi %mul3A_257, %mul3A_259 : i32
    %dma_start3A_261 = arith.constant 56 : i32
    %dma_start3A_262 = arith.constant 0 : i32
    %dma_start3A_263 = tpu.memref_slice %arg10[%dma_start3A_261, %dma_start3A_262] : memref<64x128xf32, #tpu.memory_space<vmem>> -> memref<8x128xf32, #tpu.memory_space<vmem>>
    %dma_start3A_264 = tpu.memref_slice %arg6[%add3A_260] : memref<6400xi32, #tpu.memory_space<vmem>> -> memref<8xi32, #tpu.memory_space<vmem>>
    %dma_start3A_265 = arith.constant 0 : i32
    %dma_start3A_266 = arith.constant 0 : i32
    %dma_start3A_267 = tpu.memref_slice %arg3[%dma_start3A_265, %dma_start3A_266] : memref<100000x128xf32, #tpu.memory_space<hbm>> -> memref<100000x128xf32, #tpu.memory_space<hbm>>
    tpu.enqueue_indirect_dma source(%dma_start3A_267 : memref<100000x128xf32, #tpu.memory_space<hbm>>) target(%dma_start3A_263 : memref<8x128xf32, #tpu.memory_space<vmem>>) offsets(%dma_start3A_264 : memref<8xi32, #tpu.memory_space<vmem>>) semaphore(%arg14 : memref<!tpu.dma_semaphore, #tpu.memory_space<semaphore_mem>>)
    %dma_start3A_268 = arith.constant 0 : i32
    %dma_start3A_269 = arith.constant 0 : i32
    %dma_start3A_270 = tpu.memref_slice %arg4[%dma_start3A_268, %dma_start3A_269] : memref<512x128xf32, #tpu.memory_space<hbm>> -> memref<200x128xf32, #tpu.memory_space<hbm>>
    %dma_start3A_271 = arith.constant 0 : i32
    %dma_start3A_272 = arith.constant 0 : i32
    %dma_start3A_273 = tpu.memref_slice %arg4[%dma_start3A_271, %dma_start3A_272] : memref<512x128xf32, #tpu.memory_space<hbm>> -> memref<200x128xf32, #tpu.memory_space<hbm>>
    tpu.enqueue_dma source(%dma_start3A_273 : memref<200x128xf32, #tpu.memory_space<hbm>>) target(%arg7 : memref<200x128xf32, #tpu.memory_space<vmem>>) target_semaphore(%arg8 : memref<!tpu.dma_semaphore, #tpu.memory_space<semaphore_mem>>)
    %scan3A = arith.constant 0 : i32
    %scan3A_274 = arith.constant 0 : i32
    %scan3A_275 = arith.constant 50 : i32
    %scan3A_276 = arith.addi %scan3A_274, %scan3A_275 : i32
    %scan3A_277 = arith.constant 1 : i32
    %scan3A_278 = scf.for %scan3A_287 = %scan3A_274 to %scan3A_276 step %scan3A_277 iter_args(%scan3A_288 = %scan3A) -> (i32)  : i32 {
      %mul3A_289 = arith.constant 2 : i32
      %mul3A_290 = arith.muli %scan3A_287, %mul3A_289 : i32
      %add3A_291 = arith.constant 0 : i32
      %add3A_292 = arith.addi %mul3A_290, %add3A_291 : i32
      %eq3A = arith.constant 0 : i32
      %eq3A_293 = arith.cmpi eq, %scan3A_287, %eq3A : i32
      %convert_element_type3A = arith.extui %eq3A_293 : i1 to i32
      %cond3A = arith.constant 0 : i32
      %cond3A_294 = arith.cmpi ne, %convert_element_type3A, %cond3A : i32
      scf.if %cond3A_294 {
        %dma_wait3A_684 = arith.constant 0 : i32
        %dma_wait3A_685 = arith.constant 0 : i32
        %dma_wait3A_686 = tpu.memref_slice %arg4[%dma_wait3A_684, %dma_wait3A_685] : memref<512x128xf32, #tpu.memory_space<hbm>> -> memref<200x128xf32, #tpu.memory_space<hbm>>
        %dma_wait3A_687 = arith.constant 0 : i32
        %dma_wait3A_688 = arith.constant 0 : i32
        %dma_wait3A_689 = tpu.memref_slice %arg4[%dma_wait3A_687, %dma_wait3A_688] : memref<512x128xf32, #tpu.memory_space<hbm>> -> memref<200x128xf32, #tpu.memory_space<hbm>>
        tpu.wait_dma2 semaphore(%arg8 : memref<!tpu.dma_semaphore, #tpu.memory_space<semaphore_mem>>) src(%dma_wait3A_689 : memref<200x128xf32, #tpu.memory_space<hbm>>) dst(%arg7 : memref<200x128xf32, #tpu.memory_space<vmem>>)
      } else {
      }
      %ge3A = arith.constant 1 : i32
      %ge3A_295 = arith.cmpi sge, %scan3A_287, %ge3A : i32
      %convert_element_type3A_296 = arith.extui %ge3A_295 : i1 to i32
      %cond3A_297 = arith.constant 0 : i32
      %cond3A_298 = arith.cmpi ne, %convert_element_type3A_296, %cond3A_297 : i32
      scf.if %cond3A_298 {
        %dma_wait3A_684 = arith.constant 0 : i32
        %dma_wait3A_685 = tpu.memref_slice %arg5[%mul3A_2, %dma_wait3A_684] : memref<204800x128xf32, #tpu.memory_space<hbm>> -> memref<64x128xf32, #tpu.memory_space<hbm>>
        %dma_wait3A_686 = arith.constant 0 : i32
        %dma_wait3A_687 = tpu.memref_slice %arg5[%mul3A_2, %dma_wait3A_686] : memref<204800x128xf32, #tpu.memory_space<hbm>> -> memref<64x128xf32, #tpu.memory_space<hbm>>
        tpu.wait_dma2 semaphore(%arg15 : memref<!tpu.dma_semaphore, #tpu.memory_space<semaphore_mem>>) src(%arg11 : memref<64x128xf32, #tpu.memory_space<vmem>>) dst(%dma_wait3A_687 : memref<64x128xf32, #tpu.memory_space<hbm>>)
      } else {
      }
      %dma_wait3A_299 = arith.constant 0 : i32
      %dma_wait3A_300 = arith.constant 0 : i32
      %dma_wait3A_301 = tpu.memref_slice %arg3[%dma_wait3A_299, %dma_wait3A_300] : memref<100000x128xf32, #tpu.memory_space<hbm>> -> memref<64x128xf32, #tpu.memory_space<hbm>>
      %dma_wait3A_302 = arith.constant 0 : i32
      %dma_wait3A_303 = arith.constant 0 : i32
      %dma_wait3A_304 = tpu.memref_slice %arg3[%dma_wait3A_302, %dma_wait3A_303] : memref<100000x128xf32, #tpu.memory_space<hbm>> -> memref<64x128xf32, #tpu.memory_space<hbm>>
      tpu.wait_dma2 semaphore(%arg13 : memref<!tpu.dma_semaphore, #tpu.memory_space<semaphore_mem>>) src(%dma_wait3A_304 : memref<64x128xf32, #tpu.memory_space<hbm>>) dst(%arg9 : memref<64x128xf32, #tpu.memory_space<vmem>>)
      %div3A_305 = arith.constant 25 : i32
      %div3A_306 = arith.divsi %add3A_292, %div3A_305 : i32
      %rem3A_307 = arith.constant 25 : i32
      %rem3A_308 = arith.remsi %add3A_292, %rem3A_307 : i32
      %mul3A_309 = arith.constant 8 : i32
      %mul3A_310 = arith.muli %rem3A_308, %mul3A_309 : i32
      %scan3A_311 = arith.constant 0 : i32
      %scan3A_312 = arith.constant 0 : i32
      %scan3A_313 = arith.constant 8 : i32
      %scan3A_314 = arith.addi %scan3A_312, %scan3A_313 : i32
      %scan3A_315 = arith.constant 2 : i32
      %scan3A_316 = scf.for %scan3A_684 = %scan3A_312 to %scan3A_314 step %scan3A_315 iter_args(%scan3A_685 = %scan3A_311) -> (i32)  : i32 {
        %add3A_686 = arith.addi %mul3A_310, %scan3A_684 : i32
        %get3A = arith.index_cast %add3A_686 : i32 to index
        %get3A_687 = arith.constant 0 : index
        %get3A_688 = tpu.vector_load %arg7[%get3A, %get3A_687] {strides = array<i32>} : memref<200x128xf32, #tpu.memory_space<vmem>>, vector<1x16xf32>,
        %get3A_689 = vector.shape_cast %get3A_688 : vector<1x16xf32> to vector<16xf32>
        %get3A_690 = arith.index_cast %add3A_686 : i32 to index
        %get3A_691 = arith.constant 16 : index
        %get3A_692 = tpu.vector_load %arg7[%get3A_690, %get3A_691] {strides = array<i32>} : memref<200x128xf32, #tpu.memory_space<vmem>>, vector<1x16xf32>,
        %get3A_693 = vector.shape_cast %get3A_692 : vector<1x16xf32> to vector<16xf32>
        %get3A_694 = arith.index_cast %add3A_686 : i32 to index
        %get3A_695 = arith.constant 32 : index
        %get3A_696 = tpu.vector_load %arg7[%get3A_694, %get3A_695] {strides = array<i32>} : memref<200x128xf32, #tpu.memory_space<vmem>>, vector<1x16xf32>,
        %get3A_697 = vector.shape_cast %get3A_696 : vector<1x16xf32> to vector<16xf32>
        %get3A_698 = arith.index_cast %add3A_686 : i32 to index
        %get3A_699 = arith.constant 48 : index
        %get3A_700 = tpu.vector_load %arg7[%get3A_698, %get3A_699] {strides = array<i32>} : memref<200x128xf32, #tpu.memory_space<vmem>>, vector<1x16xf32>,
        %get3A_701 = vector.shape_cast %get3A_700 : vector<1x16xf32> to vector<16xf32>
        %get3A_702 = arith.index_cast %add3A_686 : i32 to index
        %get3A_703 = arith.constant 64 : index
        %get3A_704 = tpu.vector_load %arg7[%get3A_702, %get3A_703] {strides = array<i32>} : memref<200x128xf32, #tpu.memory_space<vmem>>, vector<1x16xf32>,
        %get3A_705 = vector.shape_cast %get3A_704 : vector<1x16xf32> to vector<16xf32>
        %get3A_706 = arith.index_cast %add3A_686 : i32 to index
        %get3A_707 = arith.constant 80 : index
        %get3A_708 = tpu.vector_load %arg7[%get3A_706, %get3A_707] {strides = array<i32>} : memref<200x128xf32, #tpu.memory_space<vmem>>, vector<1x16xf32>,
        %get3A_709 = vector.shape_cast %get3A_708 : vector<1x16xf32> to vector<16xf32>
        %get3A_710 = arith.index_cast %add3A_686 : i32 to index
        %get3A_711 = arith.constant 96 : index
        %get3A_712 = tpu.vector_load %arg7[%get3A_710, %get3A_711] {strides = array<i32>} : memref<200x128xf32, #tpu.memory_space<vmem>>, vector<1x16xf32>,
        %get3A_713 = vector.shape_cast %get3A_712 : vector<1x16xf32> to vector<16xf32>
        %get3A_714 = arith.index_cast %add3A_686 : i32 to index
        %get3A_715 = arith.constant 112 : index
        %get3A_716 = tpu.vector_load %arg7[%get3A_714, %get3A_715] {strides = array<i32>} : memref<200x128xf32, #tpu.memory_space<vmem>>, vector<1x16xf32>,
        %get3A_717 = vector.shape_cast %get3A_716 : vector<1x16xf32> to vector<16xf32>
        %add3A_718 = arith.constant 0 : i32
        %add3A_719 = arith.addi %add3A_718, %scan3A_684 : i32
        %get3A_720 = arith.index_cast %add3A_719 : i32 to index
        %get3A_721 = arith.constant 0 : index
        %get3A_722 = tpu.vector_load %arg9[%get3A_720, %get3A_721] {strides = array<i32>} : memref<64x128xf32, #tpu.memory_space<vmem>>, vector<1x16xf32>,
        %get3A_723 = vector.shape_cast %get3A_722 : vector<1x16xf32> to vector<16xf32>
        %get3A_724 = arith.index_cast %add3A_719 : i32 to index
        %get3A_725 = arith.constant 16 : index
        %get3A_726 = tpu.vector_load %arg9[%get3A_724, %get3A_725] {strides = array<i32>} : memref<64x128xf32, #tpu.memory_space<vmem>>, vector<1x16xf32>,
        %get3A_727 = vector.shape_cast %get3A_726 : vector<1x16xf32> to vector<16xf32>
        %get3A_728 = arith.index_cast %add3A_719 : i32 to index
        %get3A_729 = arith.constant 32 : index
        %get3A_730 = tpu.vector_load %arg9[%get3A_728, %get3A_729] {strides = array<i32>} : memref<64x128xf32, #tpu.memory_space<vmem>>, vector<1x16xf32>,
        %get3A_731 = vector.shape_cast %get3A_730 : vector<1x16xf32> to vector<16xf32>
        %get3A_732 = arith.index_cast %add3A_719 : i32 to index
        %get3A_733 = arith.constant 48 : index
        %get3A_734 = tpu.vector_load %arg9[%get3A_732, %get3A_733] {strides = array<i32>} : memref<64x128xf32, #tpu.memory_space<vmem>>, vector<1x16xf32>,
        %get3A_735 = vector.shape_cast %get3A_734 : vector<1x16xf32> to vector<16xf32>
        %get3A_736 = arith.index_cast %add3A_719 : i32 to index
        %get3A_737 = arith.constant 64 : index
        %get3A_738 = tpu.vector_load %arg9[%get3A_736, %get3A_737] {strides = array<i32>} : memref<64x128xf32, #tpu.memory_space<vmem>>, vector<1x16xf32>,
        %get3A_739 = vector.shape_cast %get3A_738 : vector<1x16xf32> to vector<16xf32>
        %get3A_740 = arith.index_cast %add3A_719 : i32 to index
        %get3A_741 = arith.constant 80 : index
        %get3A_742 = tpu.vector_load %arg9[%get3A_740, %get3A_741] {strides = array<i32>} : memref<64x128xf32, #tpu.memory_space<vmem>>, vector<1x16xf32>,
        %get3A_743 = vector.shape_cast %get3A_742 : vector<1x16xf32> to vector<16xf32>
        %get3A_744 = arith.index_cast %add3A_719 : i32 to index
        %get3A_745 = arith.constant 96 : index
        %get3A_746 = tpu.vector_load %arg9[%get3A_744, %get3A_745] {strides = array<i32>} : memref<64x128xf32, #tpu.memory_space<vmem>>, vector<1x16xf32>,
        %get3A_747 = vector.shape_cast %get3A_746 : vector<1x16xf32> to vector<16xf32>
        %get3A_748 = arith.index_cast %add3A_719 : i32 to index
        %get3A_749 = arith.constant 112 : index
        %get3A_750 = tpu.vector_load %arg9[%get3A_748, %get3A_749] {strides = array<i32>} : memref<64x128xf32, #tpu.memory_space<vmem>>, vector<1x16xf32>,
        %get3A_751 = vector.shape_cast %get3A_750 : vector<1x16xf32> to vector<16xf32>
        %add3A_752 = arith.addf %get3A_723, %get3A_689 : vector<16xf32>
        %swap3A = arith.index_cast %add3A_719 : i32 to index
        %swap3A_753 = arith.constant 0 : index
        %swap3A_754 = tpu.vector_load %arg11[%swap3A, %swap3A_753] {strides = array<i32>} : memref<64x128xf32, #tpu.memory_space<vmem>>, vector<1x16xf32>,
        %swap3A_755 = vector.shape_cast %swap3A_754 : vector<1x16xf32> to vector<16xf32>
        %swap3A_756 = vector.shape_cast %add3A_752 : vector<16xf32> to vector<1x16xf32>
        tpu.vector_store %arg11[%swap3A, %swap3A_753], %swap3A_756 {strides = array<i32>} : memref<64x128xf32, #tpu.memory_space<vmem>>, vector<1x16xf32>,
        %add3A_757 = arith.addf %get3A_727, %get3A_693 : vector<16xf32>
        %swap3A_758 = arith.index_cast %add3A_719 : i32 to index
        %swap3A_759 = arith.constant 16 : index
        %swap3A_760 = tpu.vector_load %arg11[%swap3A_758, %swap3A_759] {strides = array<i32>} : memref<64x128xf32, #tpu.memory_space<vmem>>, vector<1x16xf32>,
        %swap3A_761 = vector.shape_cast %swap3A_760 : vector<1x16xf32> to vector<16xf32>
        %swap3A_762 = vector.shape_cast %add3A_757 : vector<16xf32> to vector<1x16xf32>
        tpu.vector_store %arg11[%swap3A_758, %swap3A_759], %swap3A_762 {strides = array<i32>} : memref<64x128xf32, #tpu.memory_space<vmem>>, vector<1x16xf32>,
        %add3A_763 = arith.addf %get3A_731, %get3A_697 : vector<16xf32>
        %swap3A_764 = arith.index_cast %add3A_719 : i32 to index
        %swap3A_765 = arith.constant 32 : index
        %swap3A_766 = tpu.vector_load %arg11[%swap3A_764, %swap3A_765] {strides = array<i32>} : memref<64x128xf32, #tpu.memory_space<vmem>>, vector<1x16xf32>,
        %swap3A_767 = vector.shape_cast %swap3A_766 : vector<1x16xf32> to vector<16xf32>
        %swap3A_768 = vector.shape_cast %add3A_763 : vector<16xf32> to vector<1x16xf32>
        tpu.vector_store %arg11[%swap3A_764, %swap3A_765], %swap3A_768 {strides = array<i32>} : memref<64x128xf32, #tpu.memory_space<vmem>>, vector<1x16xf32>,
        %add3A_769 = arith.addf %get3A_735, %get3A_701 : vector<16xf32>
        %swap3A_770 = arith.index_cast %add3A_719 : i32 to index
        %swap3A_771 = arith.constant 48 : index
        %swap3A_772 = tpu.vector_load %arg11[%swap3A_770, %swap3A_771] {strides = array<i32>} : memref<64x128xf32, #tpu.memory_space<vmem>>, vector<1x16xf32>,
        %swap3A_773 = vector.shape_cast %swap3A_772 : vector<1x16xf32> to vector<16xf32>
        %swap3A_774 = vector.shape_cast %add3A_769 : vector<16xf32> to vector<1x16xf32>
        tpu.vector_store %arg11[%swap3A_770, %swap3A_771], %swap3A_774 {strides = array<i32>} : memref<64x128xf32, #tpu.memory_space<vmem>>, vector<1x16xf32>,
        %add3A_775 = arith.addf %get3A_739, %get3A_705 : vector<16xf32>
        %swap3A_776 = arith.index_cast %add3A_719 : i32 to index
        %swap3A_777 = arith.constant 64 : index
        %swap3A_778 = tpu.vector_load %arg11[%swap3A_776, %swap3A_777] {strides = array<i32>} : memref<64x128xf32, #tpu.memory_space<vmem>>, vector<1x16xf32>,
        %swap3A_779 = vector.shape_cast %swap3A_778 : vector<1x16xf32> to vector<16xf32>
        %swap3A_780 = vector.shape_cast %add3A_775 : vector<16xf32> to vector<1x16xf32>
        tpu.vector_store %arg11[%swap3A_776, %swap3A_777], %swap3A_780 {strides = array<i32>} : memref<64x128xf32, #tpu.memory_space<vmem>>, vector<1x16xf32>,
        %add3A_781 = arith.addf %get3A_743, %get3A_709 : vector<16xf32>
        %swap3A_782 = arith.index_cast %add3A_719 : i32 to index
        %swap3A_783 = arith.constant 80 : index
        %swap3A_784 = tpu.vector_load %arg11[%swap3A_782, %swap3A_783] {strides = array<i32>} : memref<64x128xf32, #tpu.memory_space<vmem>>, vector<1x16xf32>,
        %swap3A_785 = vector.shape_cast %swap3A_784 : vector<1x16xf32> to vector<16xf32>
        %swap3A_786 = vector.shape_cast %add3A_781 : vector<16xf32> to vector<1x16xf32>
        tpu.vector_store %arg11[%swap3A_782, %swap3A_783], %swap3A_786 {strides = array<i32>} : memref<64x128xf32, #tpu.memory_space<vmem>>, vector<1x16xf32>,
        %add3A_787 = arith.addf %get3A_747, %get3A_713 : vector<16xf32>
        %swap3A_788 = arith.index_cast %add3A_719 : i32 to index
        %swap3A_789 = arith.constant 96 : index
        %swap3A_790 = tpu.vector_load %arg11[%swap3A_788, %swap3A_789] {strides = array<i32>} : memref<64x128xf32, #tpu.memory_space<vmem>>, vector<1x16xf32>,
        %swap3A_791 = vector.shape_cast %swap3A_790 : vector<1x16xf32> to vector<16xf32>
        %swap3A_792 = vector.shape_cast %add3A_787 : vector<16xf32> to vector<1x16xf32>
        tpu.vector_store %arg11[%swap3A_788, %swap3A_789], %swap3A_792 {strides = array<i32>} : memref<64x128xf32, #tpu.memory_space<vmem>>, vector<1x16xf32>,
        %add3A_793 = arith.addf %get3A_751, %get3A_717 : vector<16xf32>
        %swap3A_794 = arith.index_cast %add3A_719 : i32 to index
        %swap3A_795 = arith.constant 112 : index
        %swap3A_796 = tpu.vector_load %arg11[%swap3A_794, %swap3A_795] {strides = array<i32>} : memref<64x128xf32, #tpu.memory_space<vmem>>, vector<1x16xf32>,
        %swap3A_797 = vector.shape_cast %swap3A_796 : vector<1x16xf32> to vector<16xf32>
        %swap3A_798 = vector.shape_cast %add3A_793 : vector<16xf32> to vector<1x16xf32>
        tpu.vector_store %arg11[%swap3A_794, %swap3A_795], %swap3A_798 {strides = array<i32>} : memref<64x128xf32, #tpu.memory_space<vmem>>, vector<1x16xf32>,
        %add3A_799 = arith.constant 8 : i32
        %add3A_800 = arith.addi %add3A_799, %scan3A_684 : i32
        %get3A_801 = arith.index_cast %add3A_800 : i32 to index
        %get3A_802 = arith.constant 0 : index
        %get3A_803 = tpu.vector_load %arg9[%get3A_801, %get3A_802] {strides = array<i32>} : memref<64x128xf32, #tpu.memory_space<vmem>>, vector<1x16xf32>,
        %get3A_804 = vector.shape_cast %get3A_803 : vector<1x16xf32> to vector<16xf32>
        %get3A_805 = arith.index_cast %add3A_800 : i32 to index
        %get3A_806 = arith.constant 16 : index
        %get3A_807 = tpu.vector_load %arg9[%get3A_805, %get3A_806] {strides = array<i32>} : memref<64x128xf32, #tpu.memory_space<vmem>>, vector<1x16xf32>,
        %get3A_808 = vector.shape_cast %get3A_807 : vector<1x16xf32> to vector<16xf32>
        %get3A_809 = arith.index_cast %add3A_800 : i32 to index
        %get3A_810 = arith.constant 32 : index
        %get3A_811 = tpu.vector_load %arg9[%get3A_809, %get3A_810] {strides = array<i32>} : memref<64x128xf32, #tpu.memory_space<vmem>>, vector<1x16xf32>,
        %get3A_812 = vector.shape_cast %get3A_811 : vector<1x16xf32> to vector<16xf32>
        %get3A_813 = arith.index_cast %add3A_800 : i32 to index
        %get3A_814 = arith.constant 48 : index
        %get3A_815 = tpu.vector_load %arg9[%get3A_813, %get3A_814] {strides = array<i32>} : memref<64x128xf32, #tpu.memory_space<vmem>>, vector<1x16xf32>,
        %get3A_816 = vector.shape_cast %get3A_815 : vector<1x16xf32> to vector<16xf32>
        %get3A_817 = arith.index_cast %add3A_800 : i32 to index
        %get3A_818 = arith.constant 64 : index
        %get3A_819 = tpu.vector_load %arg9[%get3A_817, %get3A_818] {strides = array<i32>} : memref<64x128xf32, #tpu.memory_space<vmem>>, vector<1x16xf32>,
        %get3A_820 = vector.shape_cast %get3A_819 : vector<1x16xf32> to vector<16xf32>
        %get3A_821 = arith.index_cast %add3A_800 : i32 to index
        %get3A_822 = arith.constant 80 : index
        %get3A_823 = tpu.vector_load %arg9[%get3A_821, %get3A_822] {strides = array<i32>} : memref<64x128xf32, #tpu.memory_space<vmem>>, vector<1x16xf32>,
        %get3A_824 = vector.shape_cast %get3A_823 : vector<1x16xf32> to vector<16xf32>
        %get3A_825 = arith.index_cast %add3A_800 : i32 to index
        %get3A_826 = arith.constant 96 : index
        %get3A_827 = tpu.vector_load %arg9[%get3A_825, %get3A_826] {strides = array<i32>} : memref<64x128xf32, #tpu.memory_space<vmem>>, vector<1x16xf32>,
        %get3A_828 = vector.shape_cast %get3A_827 : vector<1x16xf32> to vector<16xf32>
        %get3A_829 = arith.index_cast %add3A_800 : i32 to index
        %get3A_830 = arith.constant 112 : index
        %get3A_831 = tpu.vector_load %arg9[%get3A_829, %get3A_830] {strides = array<i32>} : memref<64x128xf32, #tpu.memory_space<vmem>>, vector<1x16xf32>,
        %get3A_832 = vector.shape_cast %get3A_831 : vector<1x16xf32> to vector<16xf32>
        %add3A_833 = arith.addf %get3A_804, %get3A_689 : vector<16xf32>
        %swap3A_834 = arith.index_cast %add3A_800 : i32 to index
        %swap3A_835 = arith.constant 0 : index
        %swap3A_836 = tpu.vector_load %arg11[%swap3A_834, %swap3A_835] {strides = array<i32>} : memref<64x128xf32, #tpu.memory_space<vmem>>, vector<1x16xf32>,
        %swap3A_837 = vector.shape_cast %swap3A_836 : vector<1x16xf32> to vector<16xf32>
        %swap3A_838 = vector.shape_cast %add3A_833 : vector<16xf32> to vector<1x16xf32>
        tpu.vector_store %arg11[%swap3A_834, %swap3A_835], %swap3A_838 {strides = array<i32>} : memref<64x128xf32, #tpu.memory_space<vmem>>, vector<1x16xf32>,
        %add3A_839 = arith.addf %get3A_808, %get3A_693 : vector<16xf32>
        %swap3A_840 = arith.index_cast %add3A_800 : i32 to index
        %swap3A_841 = arith.constant 16 : index
        %swap3A_842 = tpu.vector_load %arg11[%swap3A_840, %swap3A_841] {strides = array<i32>} : memref<64x128xf32, #tpu.memory_space<vmem>>, vector<1x16xf32>,
        %swap3A_843 = vector.shape_cast %swap3A_842 : vector<1x16xf32> to vector<16xf32>
        %swap3A_844 = vector.shape_cast %add3A_839 : vector<16xf32> to vector<1x16xf32>
        tpu.vector_store %arg11[%swap3A_840, %swap3A_841], %swap3A_844 {strides = array<i32>} : memref<64x128xf32, #tpu.memory_space<vmem>>, vector<1x16xf32>,
        %add3A_845 = arith.addf %get3A_812, %get3A_697 : vector<16xf32>
        %swap3A_846 = arith.index_cast %add3A_800 : i32 to index
        %swap3A_847 = arith.constant 32 : index
        %swap3A_848 = tpu.vector_load %arg11[%swap3A_846, %swap3A_847] {strides = array<i32>} : memref<64x128xf32, #tpu.memory_space<vmem>>, vector<1x16xf32>,
        %swap3A_849 = vector.shape_cast %swap3A_848 : vector<1x16xf32> to vector<16xf32>
        %swap3A_850 = vector.shape_cast %add3A_845 : vector<16xf32> to vector<1x16xf32>
        tpu.vector_store %arg11[%swap3A_846, %swap3A_847], %swap3A_850 {strides = array<i32>} : memref<64x128xf32, #tpu.memory_space<vmem>>, vector<1x16xf32>,
        %add3A_851 = arith.addf %get3A_816, %get3A_701 : vector<16xf32>
        %swap3A_852 = arith.index_cast %add3A_800 : i32 to index
        %swap3A_853 = arith.constant 48 : index
        %swap3A_854 = tpu.vector_load %arg11[%swap3A_852, %swap3A_853] {strides = array<i32>} : memref<64x128xf32, #tpu.memory_space<vmem>>, vector<1x16xf32>,
        %swap3A_855 = vector.shape_cast %swap3A_854 : vector<1x16xf32> to vector<16xf32>
        %swap3A_856 = vector.shape_cast %add3A_851 : vector<16xf32> to vector<1x16xf32>
        tpu.vector_store %arg11[%swap3A_852, %swap3A_853], %swap3A_856 {strides = array<i32>} : memref<64x128xf32, #tpu.memory_space<vmem>>, vector<1x16xf32>,
        %add3A_857 = arith.addf %get3A_820, %get3A_705 : vector<16xf32>
        %swap3A_858 = arith.index_cast %add3A_800 : i32 to index
        %swap3A_859 = arith.constant 64 : index
        %swap3A_860 = tpu.vector_load %arg11[%swap3A_858, %swap3A_859] {strides = array<i32>} : memref<64x128xf32, #tpu.memory_space<vmem>>, vector<1x16xf32>,
        %swap3A_861 = vector.shape_cast %swap3A_860 : vector<1x16xf32> to vector<16xf32>
        %swap3A_862 = vector.shape_cast %add3A_857 : vector<16xf32> to vector<1x16xf32>
        tpu.vector_store %arg11[%swap3A_858, %swap3A_859], %swap3A_862 {strides = array<i32>} : memref<64x128xf32, #tpu.memory_space<vmem>>, vector<1x16xf32>,
        %add3A_863 = arith.addf %get3A_824, %get3A_709 : vector<16xf32>
        %swap3A_864 = arith.index_cast %add3A_800 : i32 to index
        %swap3A_865 = arith.constant 80 : index
        %swap3A_866 = tpu.vector_load %arg11[%swap3A_864, %swap3A_865] {strides = array<i32>} : memref<64x128xf32, #tpu.memory_space<vmem>>, vector<1x16xf32>,
        %swap3A_867 = vector.shape_cast %swap3A_866 : vector<1x16xf32> to vector<16xf32>
        %swap3A_868 = vector.shape_cast %add3A_863 : vector<16xf32> to vector<1x16xf32>
        tpu.vector_store %arg11[%swap3A_864, %swap3A_865], %swap3A_868 {strides = array<i32>} : memref<64x128xf32, #tpu.memory_space<vmem>>, vector<1x16xf32>,
        %add3A_869 = arith.addf %get3A_828, %get3A_713 : vector<16xf32>
        %swap3A_870 = arith.index_cast %add3A_800 : i32 to index
        %swap3A_871 = arith.constant 96 : index
        %swap3A_872 = tpu.vector_load %arg11[%swap3A_870, %swap3A_871] {strides = array<i32>} : memref<64x128xf32, #tpu.memory_space<vmem>>, vector<1x16xf32>,
        %swap3A_873 = vector.shape_cast %swap3A_872 : vector<1x16xf32> to vector<16xf32>
        %swap3A_874 = vector.shape_cast %add3A_869 : vector<16xf32> to vector<1x16xf32>
        tpu.vector_store %arg11[%swap3A_870, %swap3A_871], %swap3A_874 {strides = array<i32>} : memref<64x128xf32, #tpu.memory_space<vmem>>, vector<1x16xf32>,
        %add3A_875 = arith.addf %get3A_832, %get3A_717 : vector<16xf32>
        %swap3A_876 = arith.index_cast %add3A_800 : i32 to index
        %swap3A_877 = arith.constant 112 : index
        %swap3A_878 = tpu.vector_load %arg11[%swap3A_876, %swap3A_877] {strides = array<i32>} : memref<64x128xf32, #tpu.memory_space<vmem>>, vector<1x16xf32>,
        %swap3A_879 = vector.shape_cast %swap3A_878 : vector<1x16xf32> to vector<16xf32>
        %swap3A_880 = vector.shape_cast %add3A_875 : vector<16xf32> to vector<1x16xf32>
        tpu.vector_store %arg11[%swap3A_876, %swap3A_877], %swap3A_880 {strides = array<i32>} : memref<64x128xf32, #tpu.memory_space<vmem>>, vector<1x16xf32>,
        %add3A_881 = arith.constant 16 : i32
        %add3A_882 = arith.addi %add3A_881, %scan3A_684 : i32
        %get3A_883 = arith.index_cast %add3A_882 : i32 to index
        %get3A_884 = arith.constant 0 : index
        %get3A_885 = tpu.vector_load %arg9[%get3A_883, %get3A_884] {strides = array<i32>} : memref<64x128xf32, #tpu.memory_space<vmem>>, vector<1x16xf32>,
        %get3A_886 = vector.shape_cast %get3A_885 : vector<1x16xf32> to vector<16xf32>
        %get3A_887 = arith.index_cast %add3A_882 : i32 to index
        %get3A_888 = arith.constant 16 : index
        %get3A_889 = tpu.vector_load %arg9[%get3A_887, %get3A_888] {strides = array<i32>} : memref<64x128xf32, #tpu.memory_space<vmem>>, vector<1x16xf32>,
        %get3A_890 = vector.shape_cast %get3A_889 : vector<1x16xf32> to vector<16xf32>
        %get3A_891 = arith.index_cast %add3A_882 : i32 to index
        %get3A_892 = arith.constant 32 : index
        %get3A_893 = tpu.vector_load %arg9[%get3A_891, %get3A_892] {strides = array<i32>} : memref<64x128xf32, #tpu.memory_space<vmem>>, vector<1x16xf32>,
        %get3A_894 = vector.shape_cast %get3A_893 : vector<1x16xf32> to vector<16xf32>
        %get3A_895 = arith.index_cast %add3A_882 : i32 to index
        %get3A_896 = arith.constant 48 : index
        %get3A_897 = tpu.vector_load %arg9[%get3A_895, %get3A_896] {strides = array<i32>} : memref<64x128xf32, #tpu.memory_space<vmem>>, vector<1x16xf32>,
        %get3A_898 = vector.shape_cast %get3A_897 : vector<1x16xf32> to vector<16xf32>
        %get3A_899 = arith.index_cast %add3A_882 : i32 to index
        %get3A_900 = arith.constant 64 : index
        %get3A_901 = tpu.vector_load %arg9[%get3A_899, %get3A_900] {strides = array<i32>} : memref<64x128xf32, #tpu.memory_space<vmem>>, vector<1x16xf32>,
        %get3A_902 = vector.shape_cast %get3A_901 : vector<1x16xf32> to vector<16xf32>
        %get3A_903 = arith.index_cast %add3A_882 : i32 to index
        %get3A_904 = arith.constant 80 : index
        %get3A_905 = tpu.vector_load %arg9[%get3A_903, %get3A_904] {strides = array<i32>} : memref<64x128xf32, #tpu.memory_space<vmem>>, vector<1x16xf32>,
        %get3A_906 = vector.shape_cast %get3A_905 : vector<1x16xf32> to vector<16xf32>
        %get3A_907 = arith.index_cast %add3A_882 : i32 to index
        %get3A_908 = arith.constant 96 : index
        %get3A_909 = tpu.vector_load %arg9[%get3A_907, %get3A_908] {strides = array<i32>} : memref<64x128xf32, #tpu.memory_space<vmem>>, vector<1x16xf32>,
        %get3A_910 = vector.shape_cast %get3A_909 : vector<1x16xf32> to vector<16xf32>
        %get3A_911 = arith.index_cast %add3A_882 : i32 to index
        %get3A_912 = arith.constant 112 : index
        %get3A_913 = tpu.vector_load %arg9[%get3A_911, %get3A_912] {strides = array<i32>} : memref<64x128xf32, #tpu.memory_space<vmem>>, vector<1x16xf32>,
        %get3A_914 = vector.shape_cast %get3A_913 : vector<1x16xf32> to vector<16xf32>
        %add3A_915 = arith.addf %get3A_886, %get3A_689 : vector<16xf32>
        %swap3A_916 = arith.index_cast %add3A_882 : i32 to index
        %swap3A_917 = arith.constant 0 : index
        %swap3A_918 = tpu.vector_load %arg11[%swap3A_916, %swap3A_917] {strides = array<i32>} : memref<64x128xf32, #tpu.memory_space<vmem>>, vector<1x16xf32>,
        %swap3A_919 = vector.shape_cast %swap3A_918 : vector<1x16xf32> to vector<16xf32>
        %swap3A_920 = vector.shape_cast %add3A_915 : vector<16xf32> to vector<1x16xf32>
        tpu.vector_store %arg11[%swap3A_916, %swap3A_917], %swap3A_920 {strides = array<i32>} : memref<64x128xf32, #tpu.memory_space<vmem>>, vector<1x16xf32>,
        %add3A_921 = arith.addf %get3A_890, %get3A_693 : vector<16xf32>
        %swap3A_922 = arith.index_cast %add3A_882 : i32 to index
        %swap3A_923 = arith.constant 16 : index
        %swap3A_924 = tpu.vector_load %arg11[%swap3A_922, %swap3A_923] {strides = array<i32>} : memref<64x128xf32, #tpu.memory_space<vmem>>, vector<1x16xf32>,
        %swap3A_925 = vector.shape_cast %swap3A_924 : vector<1x16xf32> to vector<16xf32>
        %swap3A_926 = vector.shape_cast %add3A_921 : vector<16xf32> to vector<1x16xf32>
        tpu.vector_store %arg11[%swap3A_922, %swap3A_923], %swap3A_926 {strides = array<i32>} : memref<64x128xf32, #tpu.memory_space<vmem>>, vector<1x16xf32>,
        %add3A_927 = arith.addf %get3A_894, %get3A_697 : vector<16xf32>
        %swap3A_928 = arith.index_cast %add3A_882 : i32 to index
        %swap3A_929 = arith.constant 32 : index
        %swap3A_930 = tpu.vector_load %arg11[%swap3A_928, %swap3A_929] {strides = array<i32>} : memref<64x128xf32, #tpu.memory_space<vmem>>, vector<1x16xf32>,
        %swap3A_931 = vector.shape_cast %swap3A_930 : vector<1x16xf32> to vector<16xf32>
        %swap3A_932 = vector.shape_cast %add3A_927 : vector<16xf32> to vector<1x16xf32>
        tpu.vector_store %arg11[%swap3A_928, %swap3A_929], %swap3A_932 {strides = array<i32>} : memref<64x128xf32, #tpu.memory_space<vmem>>, vector<1x16xf32>,
        %add3A_933 = arith.addf %get3A_898, %get3A_701 : vector<16xf32>
        %swap3A_934 = arith.index_cast %add3A_882 : i32 to index
        %swap3A_935 = arith.constant 48 : index
        %swap3A_936 = tpu.vector_load %arg11[%swap3A_934, %swap3A_935] {strides = array<i32>} : memref<64x128xf32, #tpu.memory_space<vmem>>, vector<1x16xf32>,
        %swap3A_937 = vector.shape_cast %swap3A_936 : vector<1x16xf32> to vector<16xf32>
        %swap3A_938 = vector.shape_cast %add3A_933 : vector<16xf32> to vector<1x16xf32>
        tpu.vector_store %arg11[%swap3A_934, %swap3A_935], %swap3A_938 {strides = array<i32>} : memref<64x128xf32, #tpu.memory_space<vmem>>, vector<1x16xf32>,
        %add3A_939 = arith.addf %get3A_902, %get3A_705 : vector<16xf32>
        %swap3A_940 = arith.index_cast %add3A_882 : i32 to index
        %swap3A_941 = arith.constant 64 : index
        %swap3A_942 = tpu.vector_load %arg11[%swap3A_940, %swap3A_941] {strides = array<i32>} : memref<64x128xf32, #tpu.memory_space<vmem>>, vector<1x16xf32>,
        %swap3A_943 = vector.shape_cast %swap3A_942 : vector<1x16xf32> to vector<16xf32>
        %swap3A_944 = vector.shape_cast %add3A_939 : vector<16xf32> to vector<1x16xf32>
        tpu.vector_store %arg11[%swap3A_940, %swap3A_941], %swap3A_944 {strides = array<i32>} : memref<64x128xf32, #tpu.memory_space<vmem>>, vector<1x16xf32>,
        %add3A_945 = arith.addf %get3A_906, %get3A_709 : vector<16xf32>
        %swap3A_946 = arith.index_cast %add3A_882 : i32 to index
        %swap3A_947 = arith.constant 80 : index
        %swap3A_948 = tpu.vector_load %arg11[%swap3A_946, %swap3A_947] {strides = array<i32>} : memref<64x128xf32, #tpu.memory_space<vmem>>, vector<1x16xf32>,
        %swap3A_949 = vector.shape_cast %swap3A_948 : vector<1x16xf32> to vector<16xf32>
        %swap3A_950 = vector.shape_cast %add3A_945 : vector<16xf32> to vector<1x16xf32>
        tpu.vector_store %arg11[%swap3A_946, %swap3A_947], %swap3A_950 {strides = array<i32>} : memref<64x128xf32, #tpu.memory_space<vmem>>, vector<1x16xf32>,
        %add3A_951 = arith.addf %get3A_910, %get3A_713 : vector<16xf32>
        %swap3A_952 = arith.index_cast %add3A_882 : i32 to index
        %swap3A_953 = arith.constant 96 : index
        %swap3A_954 = tpu.vector_load %arg11[%swap3A_952, %swap3A_953] {strides = array<i32>} : memref<64x128xf32, #tpu.memory_space<vmem>>, vector<1x16xf32>,
        %swap3A_955 = vector.shape_cast %swap3A_954 : vector<1x16xf32> to vector<16xf32>
        %swap3A_956 = vector.shape_cast %add3A_951 : vector<16xf32> to vector<1x16xf32>
        tpu.vector_store %arg11[%swap3A_952, %swap3A_953], %swap3A_956 {strides = array<i32>} : memref<64x128xf32, #tpu.memory_space<vmem>>, vector<1x16xf32>,
        %add3A_957 = arith.addf %get3A_914, %get3A_717 : vector<16xf32>
        %swap3A_958 = arith.index_cast %add3A_882 : i32 to index
        %swap3A_959 = arith.constant 112 : index
        %swap3A_960 = tpu.vector_load %arg11[%swap3A_958, %swap3A_959] {strides = array<i32>} : memref<64x128xf32, #tpu.memory_space<vmem>>, vector<1x16xf32>,
        %swap3A_961 = vector.shape_cast %swap3A_960 : vector<1x16xf32> to vector<16xf32>
        %swap3A_962 = vector.shape_cast %add3A_957 : vector<16xf32> to vector<1x16xf32>
        tpu.vector_store %arg11[%swap3A_958, %swap3A_959], %swap3A_962 {strides = array<i32>} : memref<64x128xf32, #tpu.memory_space<vmem>>, vector<1x16xf32>,
        %add3A_963 = arith.constant 24 : i32
        %add3A_964 = arith.addi %add3A_963, %scan3A_684 : i32
        %get3A_965 = arith.index_cast %add3A_964 : i32 to index
        %get3A_966 = arith.constant 0 : index
        %get3A_967 = tpu.vector_load %arg9[%get3A_965, %get3A_966] {strides = array<i32>} : memref<64x128xf32, #tpu.memory_space<vmem>>, vector<1x16xf32>,
        %get3A_968 = vector.shape_cast %get3A_967 : vector<1x16xf32> to vector<16xf32>
        %get3A_969 = arith.index_cast %add3A_964 : i32 to index
        %get3A_970 = arith.constant 16 : index
        %get3A_971 = tpu.vector_load %arg9[%get3A_969, %get3A_970] {strides = array<i32>} : memref<64x128xf32, #tpu.memory_space<vmem>>, vector<1x16xf32>,
        %get3A_972 = vector.shape_cast %get3A_971 : vector<1x16xf32> to vector<16xf32>
        %get3A_973 = arith.index_cast %add3A_964 : i32 to index
        %get3A_974 = arith.constant 32 : index
        %get3A_975 = tpu.vector_load %arg9[%get3A_973, %get3A_974] {strides = array<i32>} : memref<64x128xf32, #tpu.memory_space<vmem>>, vector<1x16xf32>,
        %get3A_976 = vector.shape_cast %get3A_975 : vector<1x16xf32> to vector<16xf32>
        %get3A_977 = arith.index_cast %add3A_964 : i32 to index
        %get3A_978 = arith.constant 48 : index
        %get3A_979 = tpu.vector_load %arg9[%get3A_977, %get3A_978] {strides = array<i32>} : memref<64x128xf32, #tpu.memory_space<vmem>>, vector<1x16xf32>,
        %get3A_980 = vector.shape_cast %get3A_979 : vector<1x16xf32> to vector<16xf32>
        %get3A_981 = arith.index_cast %add3A_964 : i32 to index
        %get3A_982 = arith.constant 64 : index
        %get3A_983 = tpu.vector_load %arg9[%get3A_981, %get3A_982] {strides = array<i32>} : memref<64x128xf32, #tpu.memory_space<vmem>>, vector<1x16xf32>,
        %get3A_984 = vector.shape_cast %get3A_983 : vector<1x16xf32> to vector<16xf32>
        %get3A_985 = arith.index_cast %add3A_964 : i32 to index
        %get3A_986 = arith.constant 80 : index
        %get3A_987 = tpu.vector_load %arg9[%get3A_985, %get3A_986] {strides = array<i32>} : memref<64x128xf32, #tpu.memory_space<vmem>>, vector<1x16xf32>,
        %get3A_988 = vector.shape_cast %get3A_987 : vector<1x16xf32> to vector<16xf32>
        %get3A_989 = arith.index_cast %add3A_964 : i32 to index
        %get3A_990 = arith.constant 96 : index
        %get3A_991 = tpu.vector_load %arg9[%get3A_989, %get3A_990] {strides = array<i32>} : memref<64x128xf32, #tpu.memory_space<vmem>>, vector<1x16xf32>,
        %get3A_992 = vector.shape_cast %get3A_991 : vector<1x16xf32> to vector<16xf32>
        %get3A_993 = arith.index_cast %add3A_964 : i32 to index
        %get3A_994 = arith.constant 112 : index
        %get3A_995 = tpu.vector_load %arg9[%get3A_993, %get3A_994] {strides = array<i32>} : memref<64x128xf32, #tpu.memory_space<vmem>>, vector<1x16xf32>,
        %get3A_996 = vector.shape_cast %get3A_995 : vector<1x16xf32> to vector<16xf32>
        %add3A_997 = arith.addf %get3A_968, %get3A_689 : vector<16xf32>
        %swap3A_998 = arith.index_cast %add3A_964 : i32 to index
        %swap3A_999 = arith.constant 0 : index
        %swap3A_1000 = tpu.vector_load %arg11[%swap3A_998, %swap3A_999] {strides = array<i32>} : memref<64x128xf32, #tpu.memory_space<vmem>>, vector<1x16xf32>,
        %swap3A_1001 = vector.shape_cast %swap3A_1000 : vector<1x16xf32> to vector<16xf32>
        %swap3A_1002 = vector.shape_cast %add3A_997 : vector<16xf32> to vector<1x16xf32>
        tpu.vector_store %arg11[%swap3A_998, %swap3A_999], %swap3A_1002 {strides = array<i32>} : memref<64x128xf32, #tpu.memory_space<vmem>>, vector<1x16xf32>,
        %add3A_1003 = arith.addf %get3A_972, %get3A_693 : vector<16xf32>
        %swap3A_1004 = arith.index_cast %add3A_964 : i32 to index
        %swap3A_1005 = arith.constant 16 : index
        %swap3A_1006 = tpu.vector_load %arg11[%swap3A_1004, %swap3A_1005] {strides = array<i32>} : memref<64x128xf32, #tpu.memory_space<vmem>>, vector<1x16xf32>,
        %swap3A_1007 = vector.shape_cast %swap3A_1006 : vector<1x16xf32> to vector<16xf32>
        %swap3A_1008 = vector.shape_cast %add3A_1003 : vector<16xf32> to vector<1x16xf32>
        tpu.vector_store %arg11[%swap3A_1004, %swap3A_1005], %swap3A_1008 {strides = array<i32>} : memref<64x128xf32, #tpu.memory_space<vmem>>, vector<1x16xf32>,
        %add3A_1009 = arith.addf %get3A_976, %get3A_697 : vector<16xf32>
        %swap3A_1010 = arith.index_cast %add3A_964 : i32 to index
        %swap3A_1011 = arith.constant 32 : index
        %swap3A_1012 = tpu.vector_load %arg11[%swap3A_1010, %swap3A_1011] {strides = array<i32>} : memref<64x128xf32, #tpu.memory_space<vmem>>, vector<1x16xf32>,
        %swap3A_1013 = vector.shape_cast %swap3A_1012 : vector<1x16xf32> to vector<16xf32>
        %swap3A_1014 = vector.shape_cast %add3A_1009 : vector<16xf32> to vector<1x16xf32>
        tpu.vector_store %arg11[%swap3A_1010, %swap3A_1011], %swap3A_1014 {strides = array<i32>} : memref<64x128xf32, #tpu.memory_space<vmem>>, vector<1x16xf32>,
        %add3A_1015 = arith.addf %get3A_980, %get3A_701 : vector<16xf32>
        %swap3A_1016 = arith.index_cast %add3A_964 : i32 to index
        %swap3A_1017 = arith.constant 48 : index
        %swap3A_1018 = tpu.vector_load %arg11[%swap3A_1016, %swap3A_1017] {strides = array<i32>} : memref<64x128xf32, #tpu.memory_space<vmem>>, vector<1x16xf32>,
        %swap3A_1019 = vector.shape_cast %swap3A_1018 : vector<1x16xf32> to vector<16xf32>
        %swap3A_1020 = vector.shape_cast %add3A_1015 : vector<16xf32> to vector<1x16xf32>
        tpu.vector_store %arg11[%swap3A_1016, %swap3A_1017], %swap3A_1020 {strides = array<i32>} : memref<64x128xf32, #tpu.memory_space<vmem>>, vector<1x16xf32>,
        %add3A_1021 = arith.addf %get3A_984, %get3A_705 : vector<16xf32>
        %swap3A_1022 = arith.index_cast %add3A_964 : i32 to index
        %swap3A_1023 = arith.constant 64 : index
        %swap3A_1024 = tpu.vector_load %arg11[%swap3A_1022, %swap3A_1023] {strides = array<i32>} : memref<64x128xf32, #tpu.memory_space<vmem>>, vector<1x16xf32>,
        %swap3A_1025 = vector.shape_cast %swap3A_1024 : vector<1x16xf32> to vector<16xf32>
        %swap3A_1026 = vector.shape_cast %add3A_1021 : vector<16xf32> to vector<1x16xf32>
        tpu.vector_store %arg11[%swap3A_1022, %swap3A_1023], %swap3A_1026 {strides = array<i32>} : memref<64x128xf32, #tpu.memory_space<vmem>>, vector<1x16xf32>,
        %add3A_1027 = arith.addf %get3A_988, %get3A_709 : vector<16xf32>
        %swap3A_1028 = arith.index_cast %add3A_964 : i32 to index
        %swap3A_1029 = arith.constant 80 : index
        %swap3A_1030 = tpu.vector_load %arg11[%swap3A_1028, %swap3A_1029] {strides = array<i32>} : memref<64x128xf32, #tpu.memory_space<vmem>>, vector<1x16xf32>,
        %swap3A_1031 = vector.shape_cast %swap3A_1030 : vector<1x16xf32> to vector<16xf32>
        %swap3A_1032 = vector.shape_cast %add3A_1027 : vector<16xf32> to vector<1x16xf32>
        tpu.vector_store %arg11[%swap3A_1028, %swap3A_1029], %swap3A_1032 {strides = array<i32>} : memref<64x128xf32, #tpu.memory_space<vmem>>, vector<1x16xf32>,
        %add3A_1033 = arith.addf %get3A_992, %get3A_713 : vector<16xf32>
        %swap3A_1034 = arith.index_cast %add3A_964 : i32 to index
        %swap3A_1035 = arith.constant 96 : index
        %swap3A_1036 = tpu.vector_load %arg11[%swap3A_1034, %swap3A_1035] {strides = array<i32>} : memref<64x128xf32, #tpu.memory_space<vmem>>, vector<1x16xf32>,
        %swap3A_1037 = vector.shape_cast %swap3A_1036 : vector<1x16xf32> to vector<16xf32>
        %swap3A_1038 = vector.shape_cast %add3A_1033 : vector<16xf32> to vector<1x16xf32>
        tpu.vector_store %arg11[%swap3A_1034, %swap3A_1035], %swap3A_1038 {strides = array<i32>} : memref<64x128xf32, #tpu.memory_space<vmem>>, vector<1x16xf32>,
        %add3A_1039 = arith.addf %get3A_996, %get3A_717 : vector<16xf32>
        %swap3A_1040 = arith.index_cast %add3A_964 : i32 to index
        %swap3A_1041 = arith.constant 112 : index
        %swap3A_1042 = tpu.vector_load %arg11[%swap3A_1040, %swap3A_1041] {strides = array<i32>} : memref<64x128xf32, #tpu.memory_space<vmem>>, vector<1x16xf32>,
        %swap3A_1043 = vector.shape_cast %swap3A_1042 : vector<1x16xf32> to vector<16xf32>
        %swap3A_1044 = vector.shape_cast %add3A_1039 : vector<16xf32> to vector<1x16xf32>
        tpu.vector_store %arg11[%swap3A_1040, %swap3A_1041], %swap3A_1044 {strides = array<i32>} : memref<64x128xf32, #tpu.memory_space<vmem>>, vector<1x16xf32>,
        %add3A_1045 = arith.constant 32 : i32
        %add3A_1046 = arith.addi %add3A_1045, %scan3A_684 : i32
        %get3A_1047 = arith.index_cast %add3A_1046 : i32 to index
        %get3A_1048 = arith.constant 0 : index
        %get3A_1049 = tpu.vector_load %arg9[%get3A_1047, %get3A_1048] {strides = array<i32>} : memref<64x128xf32, #tpu.memory_space<vmem>>, vector<1x16xf32>,
        %get3A_1050 = vector.shape_cast %get3A_1049 : vector<1x16xf32> to vector<16xf32>
        %get3A_1051 = arith.index_cast %add3A_1046 : i32 to index
        %get3A_1052 = arith.constant 16 : index
        %get3A_1053 = tpu.vector_load %arg9[%get3A_1051, %get3A_1052] {strides = array<i32>} : memref<64x128xf32, #tpu.memory_space<vmem>>, vector<1x16xf32>,
        %get3A_1054 = vector.shape_cast %get3A_1053 : vector<1x16xf32> to vector<16xf32>
        %get3A_1055 = arith.index_cast %add3A_1046 : i32 to index
        %get3A_1056 = arith.constant 32 : index
        %get3A_1057 = tpu.vector_load %arg9[%get3A_1055, %get3A_1056] {strides = array<i32>} : memref<64x128xf32, #tpu.memory_space<vmem>>, vector<1x16xf32>,
        %get3A_1058 = vector.shape_cast %get3A_1057 : vector<1x16xf32> to vector<16xf32>
        %get3A_1059 = arith.index_cast %add3A_1046 : i32 to index
        %get3A_1060 = arith.constant 48 : index
        %get3A_1061 = tpu.vector_load %arg9[%get3A_1059, %get3A_1060] {strides = array<i32>} : memref<64x128xf32, #tpu.memory_space<vmem>>, vector<1x16xf32>,
        %get3A_1062 = vector.shape_cast %get3A_1061 : vector<1x16xf32> to vector<16xf32>
        %get3A_1063 = arith.index_cast %add3A_1046 : i32 to index
        %get3A_1064 = arith.constant 64 : index
        %get3A_1065 = tpu.vector_load %arg9[%get3A_1063, %get3A_1064] {strides = array<i32>} : memref<64x128xf32, #tpu.memory_space<vmem>>, vector<1x16xf32>,
        %get3A_1066 = vector.shape_cast %get3A_1065 : vector<1x16xf32> to vector<16xf32>
        %get3A_1067 = arith.index_cast %add3A_1046 : i32 to index
        %get3A_1068 = arith.constant 80 : index
        %get3A_1069 = tpu.vector_load %arg9[%get3A_1067, %get3A_1068] {strides = array<i32>} : memref<64x128xf32, #tpu.memory_space<vmem>>, vector<1x16xf32>,
        %get3A_1070 = vector.shape_cast %get3A_1069 : vector<1x16xf32> to vector<16xf32>
        %get3A_1071 = arith.index_cast %add3A_1046 : i32 to index
        %get3A_1072 = arith.constant 96 : index
        %get3A_1073 = tpu.vector_load %arg9[%get3A_1071, %get3A_1072] {strides = array<i32>} : memref<64x128xf32, #tpu.memory_space<vmem>>, vector<1x16xf32>,
        %get3A_1074 = vector.shape_cast %get3A_1073 : vector<1x16xf32> to vector<16xf32>
        %get3A_1075 = arith.index_cast %add3A_1046 : i32 to index
        %get3A_1076 = arith.constant 112 : index
        %get3A_1077 = tpu.vector_load %arg9[%get3A_1075, %get3A_1076] {strides = array<i32>} : memref<64x128xf32, #tpu.memory_space<vmem>>, vector<1x16xf32>,
        %get3A_1078 = vector.shape_cast %get3A_1077 : vector<1x16xf32> to vector<16xf32>
        %add3A_1079 = arith.addf %get3A_1050, %get3A_689 : vector<16xf32>
        %swap3A_1080 = arith.index_cast %add3A_1046 : i32 to index
        %swap3A_1081 = arith.constant 0 : index
        %swap3A_1082 = tpu.vector_load %arg11[%swap3A_1080, %swap3A_1081] {strides = array<i32>} : memref<64x128xf32, #tpu.memory_space<vmem>>, vector<1x16xf32>,
        %swap3A_1083 = vector.shape_cast %swap3A_1082 : vector<1x16xf32> to vector<16xf32>
        %swap3A_1084 = vector.shape_cast %add3A_1079 : vector<16xf32> to vector<1x16xf32>
        tpu.vector_store %arg11[%swap3A_1080, %swap3A_1081], %swap3A_1084 {strides = array<i32>} : memref<64x128xf32, #tpu.memory_space<vmem>>, vector<1x16xf32>,
        %add3A_1085 = arith.addf %get3A_1054, %get3A_693 : vector<16xf32>
        %swap3A_1086 = arith.index_cast %add3A_1046 : i32 to index
        %swap3A_1087 = arith.constant 16 : index
        %swap3A_1088 = tpu.vector_load %arg11[%swap3A_1086, %swap3A_1087] {strides = array<i32>} : memref<64x128xf32, #tpu.memory_space<vmem>>, vector<1x16xf32>,
        %swap3A_1089 = vector.shape_cast %swap3A_1088 : vector<1x16xf32> to vector<16xf32>
        %swap3A_1090 = vector.shape_cast %add3A_1085 : vector<16xf32> to vector<1x16xf32>
        tpu.vector_store %arg11[%swap3A_1086, %swap3A_1087], %swap3A_1090 {strides = array<i32>} : memref<64x128xf32, #tpu.memory_space<vmem>>, vector<1x16xf32>,
        %add3A_1091 = arith.addf %get3A_1058, %get3A_697 : vector<16xf32>
        %swap3A_1092 = arith.index_cast %add3A_1046 : i32 to index
        %swap3A_1093 = arith.constant 32 : index
        %swap3A_1094 = tpu.vector_load %arg11[%swap3A_1092, %swap3A_1093] {strides = array<i32>} : memref<64x128xf32, #tpu.memory_space<vmem>>, vector<1x16xf32>,
        %swap3A_1095 = vector.shape_cast %swap3A_1094 : vector<1x16xf32> to vector<16xf32>
        %swap3A_1096 = vector.shape_cast %add3A_1091 : vector<16xf32> to vector<1x16xf32>
        tpu.vector_store %arg11[%swap3A_1092, %swap3A_1093], %swap3A_1096 {strides = array<i32>} : memref<64x128xf32, #tpu.memory_space<vmem>>, vector<1x16xf32>,
        %add3A_1097 = arith.addf %get3A_1062, %get3A_701 : vector<16xf32>
        %swap3A_1098 = arith.index_cast %add3A_1046 : i32 to index
        %swap3A_1099 = arith.constant 48 : index
        %swap3A_1100 = tpu.vector_load %arg11[%swap3A_1098, %swap3A_1099] {strides = array<i32>} : memref<64x128xf32, #tpu.memory_space<vmem>>, vector<1x16xf32>,
        %swap3A_1101 = vector.shape_cast %swap3A_1100 : vector<1x16xf32> to vector<16xf32>
        %swap3A_1102 = vector.shape_cast %add3A_1097 : vector<16xf32> to vector<1x16xf32>
        tpu.vector_store %arg11[%swap3A_1098, %swap3A_1099], %swap3A_1102 {strides = array<i32>} : memref<64x128xf32, #tpu.memory_space<vmem>>, vector<1x16xf32>,
        %add3A_1103 = arith.addf %get3A_1066, %get3A_705 : vector<16xf32>
        %swap3A_1104 = arith.index_cast %add3A_1046 : i32 to index
        %swap3A_1105 = arith.constant 64 : index
        %swap3A_1106 = tpu.vector_load %arg11[%swap3A_1104, %swap3A_1105] {strides = array<i32>} : memref<64x128xf32, #tpu.memory_space<vmem>>, vector<1x16xf32>,
        %swap3A_1107 = vector.shape_cast %swap3A_1106 : vector<1x16xf32> to vector<16xf32>
        %swap3A_1108 = vector.shape_cast %add3A_1103 : vector<16xf32> to vector<1x16xf32>
        tpu.vector_store %arg11[%swap3A_1104, %swap3A_1105], %swap3A_1108 {strides = array<i32>} : memref<64x128xf32, #tpu.memory_space<vmem>>, vector<1x16xf32>,
        %add3A_1109 = arith.addf %get3A_1070, %get3A_709 : vector<16xf32>
        %swap3A_1110 = arith.index_cast %add3A_1046 : i32 to index
        %swap3A_1111 = arith.constant 80 : index
        %swap3A_1112 = tpu.vector_load %arg11[%swap3A_1110, %swap3A_1111] {strides = array<i32>} : memref<64x128xf32, #tpu.memory_space<vmem>>, vector<1x16xf32>,
        %swap3A_1113 = vector.shape_cast %swap3A_1112 : vector<1x16xf32> to vector<16xf32>
        %swap3A_1114 = vector.shape_cast %add3A_1109 : vector<16xf32> to vector<1x16xf32>
        tpu.vector_store %arg11[%swap3A_1110, %swap3A_1111], %swap3A_1114 {strides = array<i32>} : memref<64x128xf32, #tpu.memory_space<vmem>>, vector<1x16xf32>,
        %add3A_1115 = arith.addf %get3A_1074, %get3A_713 : vector<16xf32>
        %swap3A_1116 = arith.index_cast %add3A_1046 : i32 to index
        %swap3A_1117 = arith.constant 96 : index
        %swap3A_1118 = tpu.vector_load %arg11[%swap3A_1116, %swap3A_1117] {strides = array<i32>} : memref<64x128xf32, #tpu.memory_space<vmem>>, vector<1x16xf32>,
        %swap3A_1119 = vector.shape_cast %swap3A_1118 : vector<1x16xf32> to vector<16xf32>
        %swap3A_1120 = vector.shape_cast %add3A_1115 : vector<16xf32> to vector<1x16xf32>
        tpu.vector_store %arg11[%swap3A_1116, %swap3A_1117], %swap3A_1120 {strides = array<i32>} : memref<64x128xf32, #tpu.memory_space<vmem>>, vector<1x16xf32>,
        %add3A_1121 = arith.addf %get3A_1078, %get3A_717 : vector<16xf32>
        %swap3A_1122 = arith.index_cast %add3A_1046 : i32 to index
        %swap3A_1123 = arith.constant 112 : index
        %swap3A_1124 = tpu.vector_load %arg11[%swap3A_1122, %swap3A_1123] {strides = array<i32>} : memref<64x128xf32, #tpu.memory_space<vmem>>, vector<1x16xf32>,
        %swap3A_1125 = vector.shape_cast %swap3A_1124 : vector<1x16xf32> to vector<16xf32>
        %swap3A_1126 = vector.shape_cast %add3A_1121 : vector<16xf32> to vector<1x16xf32>
        tpu.vector_store %arg11[%swap3A_1122, %swap3A_1123], %swap3A_1126 {strides = array<i32>} : memref<64x128xf32, #tpu.memory_space<vmem>>, vector<1x16xf32>,
        %add3A_1127 = arith.constant 40 : i32
        %add3A_1128 = arith.addi %add3A_1127, %scan3A_684 : i32
        %get3A_1129 = arith.index_cast %add3A_1128 : i32 to index
        %get3A_1130 = arith.constant 0 : index
        %get3A_1131 = tpu.vector_load %arg9[%get3A_1129, %get3A_1130] {strides = array<i32>} : memref<64x128xf32, #tpu.memory_space<vmem>>, vector<1x16xf32>,
        %get3A_1132 = vector.shape_cast %get3A_1131 : vector<1x16xf32> to vector<16xf32>
        %get3A_1133 = arith.index_cast %add3A_1128 : i32 to index
        %get3A_1134 = arith.constant 16 : index
        %get3A_1135 = tpu.vector_load %arg9[%get3A_1133, %get3A_1134] {strides = array<i32>} : memref<64x128xf32, #tpu.memory_space<vmem>>, vector<1x16xf32>,
        %get3A_1136 = vector.shape_cast %get3A_1135 : vector<1x16xf32> to vector<16xf32>
        %get3A_1137 = arith.index_cast %add3A_1128 : i32 to index
        %get3A_1138 = arith.constant 32 : index
        %get3A_1139 = tpu.vector_load %arg9[%get3A_1137, %get3A_1138] {strides = array<i32>} : memref<64x128xf32, #tpu.memory_space<vmem>>, vector<1x16xf32>,
        %get3A_1140 = vector.shape_cast %get3A_1139 : vector<1x16xf32> to vector<16xf32>
        %get3A_1141 = arith.index_cast %add3A_1128 : i32 to index
        %get3A_1142 = arith.constant 48 : index
        %get3A_1143 = tpu.vector_load %arg9[%get3A_1141, %get3A_1142] {strides = array<i32>} : memref<64x128xf32, #tpu.memory_space<vmem>>, vector<1x16xf32>,
        %get3A_1144 = vector.shape_cast %get3A_1143 : vector<1x16xf32> to vector<16xf32>
        %get3A_1145 = arith.index_cast %add3A_1128 : i32 to index
        %get3A_1146 = arith.constant 64 : index
        %get3A_1147 = tpu.vector_load %arg9[%get3A_1145, %get3A_1146] {strides = array<i32>} : memref<64x128xf32, #tpu.memory_space<vmem>>, vector<1x16xf32>,
        %get3A_1148 = vector.shape_cast %get3A_1147 : vector<1x16xf32> to vector<16xf32>
        %get3A_1149 = arith.index_cast %add3A_1128 : i32 to index
        %get3A_1150 = arith.constant 80 : index
        %get3A_1151 = tpu.vector_load %arg9[%get3A_1149, %get3A_1150] {strides = array<i32>} : memref<64x128xf32, #tpu.memory_space<vmem>>, vector<1x16xf32>,
        %get3A_1152 = vector.shape_cast %get3A_1151 : vector<1x16xf32> to vector<16xf32>
        %get3A_1153 = arith.index_cast %add3A_1128 : i32 to index
        %get3A_1154 = arith.constant 96 : index
        %get3A_1155 = tpu.vector_load %arg9[%get3A_1153, %get3A_1154] {strides = array<i32>} : memref<64x128xf32, #tpu.memory_space<vmem>>, vector<1x16xf32>,
        %get3A_1156 = vector.shape_cast %get3A_1155 : vector<1x16xf32> to vector<16xf32>
        %get3A_1157 = arith.index_cast %add3A_1128 : i32 to index
        %get3A_1158 = arith.constant 112 : index
        %get3A_1159 = tpu.vector_load %arg9[%get3A_1157, %get3A_1158] {strides = array<i32>} : memref<64x128xf32, #tpu.memory_space<vmem>>, vector<1x16xf32>,
        %get3A_1160 = vector.shape_cast %get3A_1159 : vector<1x16xf32> to vector<16xf32>
        %add3A_1161 = arith.addf %get3A_1132, %get3A_689 : vector<16xf32>
        %swap3A_1162 = arith.index_cast %add3A_1128 : i32 to index
        %swap3A_1163 = arith.constant 0 : index
        %swap3A_1164 = tpu.vector_load %arg11[%swap3A_1162, %swap3A_1163] {strides = array<i32>} : memref<64x128xf32, #tpu.memory_space<vmem>>, vector<1x16xf32>,
        %swap3A_1165 = vector.shape_cast %swap3A_1164 : vector<1x16xf32> to vector<16xf32>
        %swap3A_1166 = vector.shape_cast %add3A_1161 : vector<16xf32> to vector<1x16xf32>
        tpu.vector_store %arg11[%swap3A_1162, %swap3A_1163], %swap3A_1166 {strides = array<i32>} : memref<64x128xf32, #tpu.memory_space<vmem>>, vector<1x16xf32>,
        %add3A_1167 = arith.addf %get3A_1136, %get3A_693 : vector<16xf32>
        %swap3A_1168 = arith.index_cast %add3A_1128 : i32 to index
        %swap3A_1169 = arith.constant 16 : index
        %swap3A_1170 = tpu.vector_load %arg11[%swap3A_1168, %swap3A_1169] {strides = array<i32>} : memref<64x128xf32, #tpu.memory_space<vmem>>, vector<1x16xf32>,
        %swap3A_1171 = vector.shape_cast %swap3A_1170 : vector<1x16xf32> to vector<16xf32>
        %swap3A_1172 = vector.shape_cast %add3A_1167 : vector<16xf32> to vector<1x16xf32>
        tpu.vector_store %arg11[%swap3A_1168, %swap3A_1169], %swap3A_1172 {strides = array<i32>} : memref<64x128xf32, #tpu.memory_space<vmem>>, vector<1x16xf32>,
        %add3A_1173 = arith.addf %get3A_1140, %get3A_697 : vector<16xf32>
        %swap3A_1174 = arith.index_cast %add3A_1128 : i32 to index
        %swap3A_1175 = arith.constant 32 : index
        %swap3A_1176 = tpu.vector_load %arg11[%swap3A_1174, %swap3A_1175] {strides = array<i32>} : memref<64x128xf32, #tpu.memory_space<vmem>>, vector<1x16xf32>,
        %swap3A_1177 = vector.shape_cast %swap3A_1176 : vector<1x16xf32> to vector<16xf32>
        %swap3A_1178 = vector.shape_cast %add3A_1173 : vector<16xf32> to vector<1x16xf32>
        tpu.vector_store %arg11[%swap3A_1174, %swap3A_1175], %swap3A_1178 {strides = array<i32>} : memref<64x128xf32, #tpu.memory_space<vmem>>, vector<1x16xf32>,
        %add3A_1179 = arith.addf %get3A_1144, %get3A_701 : vector<16xf32>
        %swap3A_1180 = arith.index_cast %add3A_1128 : i32 to index
        %swap3A_1181 = arith.constant 48 : index
        %swap3A_1182 = tpu.vector_load %arg11[%swap3A_1180, %swap3A_1181] {strides = array<i32>} : memref<64x128xf32, #tpu.memory_space<vmem>>, vector<1x16xf32>,
        %swap3A_1183 = vector.shape_cast %swap3A_1182 : vector<1x16xf32> to vector<16xf32>
        %swap3A_1184 = vector.shape_cast %add3A_1179 : vector<16xf32> to vector<1x16xf32>
        tpu.vector_store %arg11[%swap3A_1180, %swap3A_1181], %swap3A_1184 {strides = array<i32>} : memref<64x128xf32, #tpu.memory_space<vmem>>, vector<1x16xf32>,
        %add3A_1185 = arith.addf %get3A_1148, %get3A_705 : vector<16xf32>
        %swap3A_1186 = arith.index_cast %add3A_1128 : i32 to index
        %swap3A_1187 = arith.constant 64 : index
        %swap3A_1188 = tpu.vector_load %arg11[%swap3A_1186, %swap3A_1187] {strides = array<i32>} : memref<64x128xf32, #tpu.memory_space<vmem>>, vector<1x16xf32>,
        %swap3A_1189 = vector.shape_cast %swap3A_1188 : vector<1x16xf32> to vector<16xf32>
        %swap3A_1190 = vector.shape_cast %add3A_1185 : vector<16xf32> to vector<1x16xf32>
        tpu.vector_store %arg11[%swap3A_1186, %swap3A_1187], %swap3A_1190 {strides = array<i32>} : memref<64x128xf32, #tpu.memory_space<vmem>>, vector<1x16xf32>,
        %add3A_1191 = arith.addf %get3A_1152, %get3A_709 : vector<16xf32>
        %swap3A_1192 = arith.index_cast %add3A_1128 : i32 to index
        %swap3A_1193 = arith.constant 80 : index
        %swap3A_1194 = tpu.vector_load %arg11[%swap3A_1192, %swap3A_1193] {strides = array<i32>} : memref<64x128xf32, #tpu.memory_space<vmem>>, vector<1x16xf32>,
        %swap3A_1195 = vector.shape_cast %swap3A_1194 : vector<1x16xf32> to vector<16xf32>
        %swap3A_1196 = vector.shape_cast %add3A_1191 : vector<16xf32> to vector<1x16xf32>
        tpu.vector_store %arg11[%swap3A_1192, %swap3A_1193], %swap3A_1196 {strides = array<i32>} : memref<64x128xf32, #tpu.memory_space<vmem>>, vector<1x16xf32>,
        %add3A_1197 = arith.addf %get3A_1156, %get3A_713 : vector<16xf32>
        %swap3A_1198 = arith.index_cast %add3A_1128 : i32 to index
        %swap3A_1199 = arith.constant 96 : index
        %swap3A_1200 = tpu.vector_load %arg11[%swap3A_1198, %swap3A_1199] {strides = array<i32>} : memref<64x128xf32, #tpu.memory_space<vmem>>, vector<1x16xf32>,
        %swap3A_1201 = vector.shape_cast %swap3A_1200 : vector<1x16xf32> to vector<16xf32>
        %swap3A_1202 = vector.shape_cast %add3A_1197 : vector<16xf32> to vector<1x16xf32>
        tpu.vector_store %arg11[%swap3A_1198, %swap3A_1199], %swap3A_1202 {strides = array<i32>} : memref<64x128xf32, #tpu.memory_space<vmem>>, vector<1x16xf32>,
        %add3A_1203 = arith.addf %get3A_1160, %get3A_717 : vector<16xf32>
        %swap3A_1204 = arith.index_cast %add3A_1128 : i32 to index
        %swap3A_1205 = arith.constant 112 : index
        %swap3A_1206 = tpu.vector_load %arg11[%swap3A_1204, %swap3A_1205] {strides = array<i32>} : memref<64x128xf32, #tpu.memory_space<vmem>>, vector<1x16xf32>,
        %swap3A_1207 = vector.shape_cast %swap3A_1206 : vector<1x16xf32> to vector<16xf32>
        %swap3A_1208 = vector.shape_cast %add3A_1203 : vector<16xf32> to vector<1x16xf32>
        tpu.vector_store %arg11[%swap3A_1204, %swap3A_1205], %swap3A_1208 {strides = array<i32>} : memref<64x128xf32, #tpu.memory_space<vmem>>, vector<1x16xf32>,
        %add3A_1209 = arith.constant 48 : i32
        %add3A_1210 = arith.addi %add3A_1209, %scan3A_684 : i32
        %get3A_1211 = arith.index_cast %add3A_1210 : i32 to index
        %get3A_1212 = arith.constant 0 : index
        %get3A_1213 = tpu.vector_load %arg9[%get3A_1211, %get3A_1212] {strides = array<i32>} : memref<64x128xf32, #tpu.memory_space<vmem>>, vector<1x16xf32>,
        %get3A_1214 = vector.shape_cast %get3A_1213 : vector<1x16xf32> to vector<16xf32>
        %get3A_1215 = arith.index_cast %add3A_1210 : i32 to index
        %get3A_1216 = arith.constant 16 : index
        %get3A_1217 = tpu.vector_load %arg9[%get3A_1215, %get3A_1216] {strides = array<i32>} : memref<64x128xf32, #tpu.memory_space<vmem>>, vector<1x16xf32>,
        %get3A_1218 = vector.shape_cast %get3A_1217 : vector<1x16xf32> to vector<16xf32>
        %get3A_1219 = arith.index_cast %add3A_1210 : i32 to index
        %get3A_1220 = arith.constant 32 : index
        %get3A_1221 = tpu.vector_load %arg9[%get3A_1219, %get3A_1220] {strides = array<i32>} : memref<64x128xf32, #tpu.memory_space<vmem>>, vector<1x16xf32>,
        %get3A_1222 = vector.shape_cast %get3A_1221 : vector<1x16xf32> to vector<16xf32>
        %get3A_1223 = arith.index_cast %add3A_1210 : i32 to index
        %get3A_1224 = arith.constant 48 : index
        %get3A_1225 = tpu.vector_load %arg9[%get3A_1223, %get3A_1224] {strides = array<i32>} : memref<64x128xf32, #tpu.memory_space<vmem>>, vector<1x16xf32>,
        %get3A_1226 = vector.shape_cast %get3A_1225 : vector<1x16xf32> to vector<16xf32>
        %get3A_1227 = arith.index_cast %add3A_1210 : i32 to index
        %get3A_1228 = arith.constant 64 : index
        %get3A_1229 = tpu.vector_load %arg9[%get3A_1227, %get3A_1228] {strides = array<i32>} : memref<64x128xf32, #tpu.memory_space<vmem>>, vector<1x16xf32>,
        %get3A_1230 = vector.shape_cast %get3A_1229 : vector<1x16xf32> to vector<16xf32>
        %get3A_1231 = arith.index_cast %add3A_1210 : i32 to index
        %get3A_1232 = arith.constant 80 : index
        %get3A_1233 = tpu.vector_load %arg9[%get3A_1231, %get3A_1232] {strides = array<i32>} : memref<64x128xf32, #tpu.memory_space<vmem>>, vector<1x16xf32>,
        %get3A_1234 = vector.shape_cast %get3A_1233 : vector<1x16xf32> to vector<16xf32>
        %get3A_1235 = arith.index_cast %add3A_1210 : i32 to index
        %get3A_1236 = arith.constant 96 : index
        %get3A_1237 = tpu.vector_load %arg9[%get3A_1235, %get3A_1236] {strides = array<i32>} : memref<64x128xf32, #tpu.memory_space<vmem>>, vector<1x16xf32>,
        %get3A_1238 = vector.shape_cast %get3A_1237 : vector<1x16xf32> to vector<16xf32>
        %get3A_1239 = arith.index_cast %add3A_1210 : i32 to index
        %get3A_1240 = arith.constant 112 : index
        %get3A_1241 = tpu.vector_load %arg9[%get3A_1239, %get3A_1240] {strides = array<i32>} : memref<64x128xf32, #tpu.memory_space<vmem>>, vector<1x16xf32>,
        %get3A_1242 = vector.shape_cast %get3A_1241 : vector<1x16xf32> to vector<16xf32>
        %add3A_1243 = arith.addf %get3A_1214, %get3A_689 : vector<16xf32>
        %swap3A_1244 = arith.index_cast %add3A_1210 : i32 to index
        %swap3A_1245 = arith.constant 0 : index
        %swap3A_1246 = tpu.vector_load %arg11[%swap3A_1244, %swap3A_1245] {strides = array<i32>} : memref<64x128xf32, #tpu.memory_space<vmem>>, vector<1x16xf32>,
        %swap3A_1247 = vector.shape_cast %swap3A_1246 : vector<1x16xf32> to vector<16xf32>
        %swap3A_1248 = vector.shape_cast %add3A_1243 : vector<16xf32> to vector<1x16xf32>
        tpu.vector_store %arg11[%swap3A_1244, %swap3A_1245], %swap3A_1248 {strides = array<i32>} : memref<64x128xf32, #tpu.memory_space<vmem>>, vector<1x16xf32>,
        %add3A_1249 = arith.addf %get3A_1218, %get3A_693 : vector<16xf32>
        %swap3A_1250 = arith.index_cast %add3A_1210 : i32 to index
        %swap3A_1251 = arith.constant 16 : index
        %swap3A_1252 = tpu.vector_load %arg11[%swap3A_1250, %swap3A_1251] {strides = array<i32>} : memref<64x128xf32, #tpu.memory_space<vmem>>, vector<1x16xf32>,
        %swap3A_1253 = vector.shape_cast %swap3A_1252 : vector<1x16xf32> to vector<16xf32>
        %swap3A_1254 = vector.shape_cast %add3A_1249 : vector<16xf32> to vector<1x16xf32>
        tpu.vector_store %arg11[%swap3A_1250, %swap3A_1251], %swap3A_1254 {strides = array<i32>} : memref<64x128xf32, #tpu.memory_space<vmem>>, vector<1x16xf32>,
        %add3A_1255 = arith.addf %get3A_1222, %get3A_697 : vector<16xf32>
        %swap3A_1256 = arith.index_cast %add3A_1210 : i32 to index
        %swap3A_1257 = arith.constant 32 : index
        %swap3A_1258 = tpu.vector_load %arg11[%swap3A_1256, %swap3A_1257] {strides = array<i32>} : memref<64x128xf32, #tpu.memory_space<vmem>>, vector<1x16xf32>,
        %swap3A_1259 = vector.shape_cast %swap3A_1258 : vector<1x16xf32> to vector<16xf32>
        %swap3A_1260 = vector.shape_cast %add3A_1255 : vector<16xf32> to vector<1x16xf32>
        tpu.vector_store %arg11[%swap3A_1256, %swap3A_1257], %swap3A_1260 {strides = array<i32>} : memref<64x128xf32, #tpu.memory_space<vmem>>, vector<1x16xf32>,
        %add3A_1261 = arith.addf %get3A_1226, %get3A_701 : vector<16xf32>
        %swap3A_1262 = arith.index_cast %add3A_1210 : i32 to index
        %swap3A_1263 = arith.constant 48 : index
        %swap3A_1264 = tpu.vector_load %arg11[%swap3A_1262, %swap3A_1263] {strides = array<i32>} : memref<64x128xf32, #tpu.memory_space<vmem>>, vector<1x16xf32>,
        %swap3A_1265 = vector.shape_cast %swap3A_1264 : vector<1x16xf32> to vector<16xf32>
        %swap3A_1266 = vector.shape_cast %add3A_1261 : vector<16xf32> to vector<1x16xf32>
        tpu.vector_store %arg11[%swap3A_1262, %swap3A_1263], %swap3A_1266 {strides = array<i32>} : memref<64x128xf32, #tpu.memory_space<vmem>>, vector<1x16xf32>,
        %add3A_1267 = arith.addf %get3A_1230, %get3A_705 : vector<16xf32>
        %swap3A_1268 = arith.index_cast %add3A_1210 : i32 to index
        %swap3A_1269 = arith.constant 64 : index
        %swap3A_1270 = tpu.vector_load %arg11[%swap3A_1268, %swap3A_1269] {strides = array<i32>} : memref<64x128xf32, #tpu.memory_space<vmem>>, vector<1x16xf32>,
        %swap3A_1271 = vector.shape_cast %swap3A_1270 : vector<1x16xf32> to vector<16xf32>
        %swap3A_1272 = vector.shape_cast %add3A_1267 : vector<16xf32> to vector<1x16xf32>
        tpu.vector_store %arg11[%swap3A_1268, %swap3A_1269], %swap3A_1272 {strides = array<i32>} : memref<64x128xf32, #tpu.memory_space<vmem>>, vector<1x16xf32>,
        %add3A_1273 = arith.addf %get3A_1234, %get3A_709 : vector<16xf32>
        %swap3A_1274 = arith.index_cast %add3A_1210 : i32 to index
        %swap3A_1275 = arith.constant 80 : index
        %swap3A_1276 = tpu.vector_load %arg11[%swap3A_1274, %swap3A_1275] {strides = array<i32>} : memref<64x128xf32, #tpu.memory_space<vmem>>, vector<1x16xf32>,
        %swap3A_1277 = vector.shape_cast %swap3A_1276 : vector<1x16xf32> to vector<16xf32>
        %swap3A_1278 = vector.shape_cast %add3A_1273 : vector<16xf32> to vector<1x16xf32>
        tpu.vector_store %arg11[%swap3A_1274, %swap3A_1275], %swap3A_1278 {strides = array<i32>} : memref<64x128xf32, #tpu.memory_space<vmem>>, vector<1x16xf32>,
        %add3A_1279 = arith.addf %get3A_1238, %get3A_713 : vector<16xf32>
        %swap3A_1280 = arith.index_cast %add3A_1210 : i32 to index
        %swap3A_1281 = arith.constant 96 : index
        %swap3A_1282 = tpu.vector_load %arg11[%swap3A_1280, %swap3A_1281] {strides = array<i32>} : memref<64x128xf32, #tpu.memory_space<vmem>>, vector<1x16xf32>,
        %swap3A_1283 = vector.shape_cast %swap3A_1282 : vector<1x16xf32> to vector<16xf32>
        %swap3A_1284 = vector.shape_cast %add3A_1279 : vector<16xf32> to vector<1x16xf32>
        tpu.vector_store %arg11[%swap3A_1280, %swap3A_1281], %swap3A_1284 {strides = array<i32>} : memref<64x128xf32, #tpu.memory_space<vmem>>, vector<1x16xf32>,
        %add3A_1285 = arith.addf %get3A_1242, %get3A_717 : vector<16xf32>
        %swap3A_1286 = arith.index_cast %add3A_1210 : i32 to index
        %swap3A_1287 = arith.constant 112 : index
        %swap3A_1288 = tpu.vector_load %arg11[%swap3A_1286, %swap3A_1287] {strides = array<i32>} : memref<64x128xf32, #tpu.memory_space<vmem>>, vector<1x16xf32>,
        %swap3A_1289 = vector.shape_cast %swap3A_1288 : vector<1x16xf32> to vector<16xf32>
        %swap3A_1290 = vector.shape_cast %add3A_1285 : vector<16xf32> to vector<1x16xf32>
        tpu.vector_store %arg11[%swap3A_1286, %swap3A_1287], %swap3A_1290 {strides = array<i32>} : memref<64x128xf32, #tpu.memory_space<vmem>>, vector<1x16xf32>,
        %add3A_1291 = arith.constant 56 : i32
        %add3A_1292 = arith.addi %add3A_1291, %scan3A_684 : i32
        %get3A_1293 = arith.index_cast %add3A_1292 : i32 to index
        %get3A_1294 = arith.constant 0 : index
        %get3A_1295 = tpu.vector_load %arg9[%get3A_1293, %get3A_1294] {strides = array<i32>} : memref<64x128xf32, #tpu.memory_space<vmem>>, vector<1x16xf32>,
        %get3A_1296 = vector.shape_cast %get3A_1295 : vector<1x16xf32> to vector<16xf32>
        %get3A_1297 = arith.index_cast %add3A_1292 : i32 to index
        %get3A_1298 = arith.constant 16 : index
        %get3A_1299 = tpu.vector_load %arg9[%get3A_1297, %get3A_1298] {strides = array<i32>} : memref<64x128xf32, #tpu.memory_space<vmem>>, vector<1x16xf32>,
        %get3A_1300 = vector.shape_cast %get3A_1299 : vector<1x16xf32> to vector<16xf32>
        %get3A_1301 = arith.index_cast %add3A_1292 : i32 to index
        %get3A_1302 = arith.constant 32 : index
        %get3A_1303 = tpu.vector_load %arg9[%get3A_1301, %get3A_1302] {strides = array<i32>} : memref<64x128xf32, #tpu.memory_space<vmem>>, vector<1x16xf32>,
        %get3A_1304 = vector.shape_cast %get3A_1303 : vector<1x16xf32> to vector<16xf32>
        %get3A_1305 = arith.index_cast %add3A_1292 : i32 to index
        %get3A_1306 = arith.constant 48 : index
        %get3A_1307 = tpu.vector_load %arg9[%get3A_1305, %get3A_1306] {strides = array<i32>} : memref<64x128xf32, #tpu.memory_space<vmem>>, vector<1x16xf32>,
        %get3A_1308 = vector.shape_cast %get3A_1307 : vector<1x16xf32> to vector<16xf32>
        %get3A_1309 = arith.index_cast %add3A_1292 : i32 to index
        %get3A_1310 = arith.constant 64 : index
        %get3A_1311 = tpu.vector_load %arg9[%get3A_1309, %get3A_1310] {strides = array<i32>} : memref<64x128xf32, #tpu.memory_space<vmem>>, vector<1x16xf32>,
        %get3A_1312 = vector.shape_cast %get3A_1311 : vector<1x16xf32> to vector<16xf32>
        %get3A_1313 = arith.index_cast %add3A_1292 : i32 to index
        %get3A_1314 = arith.constant 80 : index
        %get3A_1315 = tpu.vector_load %arg9[%get3A_1313, %get3A_1314] {strides = array<i32>} : memref<64x128xf32, #tpu.memory_space<vmem>>, vector<1x16xf32>,
        %get3A_1316 = vector.shape_cast %get3A_1315 : vector<1x16xf32> to vector<16xf32>
        %get3A_1317 = arith.index_cast %add3A_1292 : i32 to index
        %get3A_1318 = arith.constant 96 : index
        %get3A_1319 = tpu.vector_load %arg9[%get3A_1317, %get3A_1318] {strides = array<i32>} : memref<64x128xf32, #tpu.memory_space<vmem>>, vector<1x16xf32>,
        %get3A_1320 = vector.shape_cast %get3A_1319 : vector<1x16xf32> to vector<16xf32>
        %get3A_1321 = arith.index_cast %add3A_1292 : i32 to index
        %get3A_1322 = arith.constant 112 : index
        %get3A_1323 = tpu.vector_load %arg9[%get3A_1321, %get3A_1322] {strides = array<i32>} : memref<64x128xf32, #tpu.memory_space<vmem>>, vector<1x16xf32>,
        %get3A_1324 = vector.shape_cast %get3A_1323 : vector<1x16xf32> to vector<16xf32>
        %add3A_1325 = arith.addf %get3A_1296, %get3A_689 : vector<16xf32>
        %swap3A_1326 = arith.index_cast %add3A_1292 : i32 to index
        %swap3A_1327 = arith.constant 0 : index
        %swap3A_1328 = tpu.vector_load %arg11[%swap3A_1326, %swap3A_1327] {strides = array<i32>} : memref<64x128xf32, #tpu.memory_space<vmem>>, vector<1x16xf32>,
        %swap3A_1329 = vector.shape_cast %swap3A_1328 : vector<1x16xf32> to vector<16xf32>
        %swap3A_1330 = vector.shape_cast %add3A_1325 : vector<16xf32> to vector<1x16xf32>
        tpu.vector_store %arg11[%swap3A_1326, %swap3A_1327], %swap3A_1330 {strides = array<i32>} : memref<64x128xf32, #tpu.memory_space<vmem>>, vector<1x16xf32>,
        %add3A_1331 = arith.addf %get3A_1300, %get3A_693 : vector<16xf32>
        %swap3A_1332 = arith.index_cast %add3A_1292 : i32 to index
        %swap3A_1333 = arith.constant 16 : index
        %swap3A_1334 = tpu.vector_load %arg11[%swap3A_1332, %swap3A_1333] {strides = array<i32>} : memref<64x128xf32, #tpu.memory_space<vmem>>, vector<1x16xf32>,
        %swap3A_1335 = vector.shape_cast %swap3A_1334 : vector<1x16xf32> to vector<16xf32>
        %swap3A_1336 = vector.shape_cast %add3A_1331 : vector<16xf32> to vector<1x16xf32>
        tpu.vector_store %arg11[%swap3A_1332, %swap3A_1333], %swap3A_1336 {strides = array<i32>} : memref<64x128xf32, #tpu.memory_space<vmem>>, vector<1x16xf32>,
        %add3A_1337 = arith.addf %get3A_1304, %get3A_697 : vector<16xf32>
        %swap3A_1338 = arith.index_cast %add3A_1292 : i32 to index
        %swap3A_1339 = arith.constant 32 : index
        %swap3A_1340 = tpu.vector_load %arg11[%swap3A_1338, %swap3A_1339] {strides = array<i32>} : memref<64x128xf32, #tpu.memory_space<vmem>>, vector<1x16xf32>,
        %swap3A_1341 = vector.shape_cast %swap3A_1340 : vector<1x16xf32> to vector<16xf32>
        %swap3A_1342 = vector.shape_cast %add3A_1337 : vector<16xf32> to vector<1x16xf32>
        tpu.vector_store %arg11[%swap3A_1338, %swap3A_1339], %swap3A_1342 {strides = array<i32>} : memref<64x128xf32, #tpu.memory_space<vmem>>, vector<1x16xf32>,
        %add3A_1343 = arith.addf %get3A_1308, %get3A_701 : vector<16xf32>
        %swap3A_1344 = arith.index_cast %add3A_1292 : i32 to index
        %swap3A_1345 = arith.constant 48 : index
        %swap3A_1346 = tpu.vector_load %arg11[%swap3A_1344, %swap3A_1345] {strides = array<i32>} : memref<64x128xf32, #tpu.memory_space<vmem>>, vector<1x16xf32>,
        %swap3A_1347 = vector.shape_cast %swap3A_1346 : vector<1x16xf32> to vector<16xf32>
        %swap3A_1348 = vector.shape_cast %add3A_1343 : vector<16xf32> to vector<1x16xf32>
        tpu.vector_store %arg11[%swap3A_1344, %swap3A_1345], %swap3A_1348 {strides = array<i32>} : memref<64x128xf32, #tpu.memory_space<vmem>>, vector<1x16xf32>,
        %add3A_1349 = arith.addf %get3A_1312, %get3A_705 : vector<16xf32>
        %swap3A_1350 = arith.index_cast %add3A_1292 : i32 to index
        %swap3A_1351 = arith.constant 64 : index
        %swap3A_1352 = tpu.vector_load %arg11[%swap3A_1350, %swap3A_1351] {strides = array<i32>} : memref<64x128xf32, #tpu.memory_space<vmem>>, vector<1x16xf32>,
        %swap3A_1353 = vector.shape_cast %swap3A_1352 : vector<1x16xf32> to vector<16xf32>
        %swap3A_1354 = vector.shape_cast %add3A_1349 : vector<16xf32> to vector<1x16xf32>
        tpu.vector_store %arg11[%swap3A_1350, %swap3A_1351], %swap3A_1354 {strides = array<i32>} : memref<64x128xf32, #tpu.memory_space<vmem>>, vector<1x16xf32>,
        %add3A_1355 = arith.addf %get3A_1316, %get3A_709 : vector<16xf32>
        %swap3A_1356 = arith.index_cast %add3A_1292 : i32 to index
        %swap3A_1357 = arith.constant 80 : index
        %swap3A_1358 = tpu.vector_load %arg11[%swap3A_1356, %swap3A_1357] {strides = array<i32>} : memref<64x128xf32, #tpu.memory_space<vmem>>, vector<1x16xf32>,
        %swap3A_1359 = vector.shape_cast %swap3A_1358 : vector<1x16xf32> to vector<16xf32>
        %swap3A_1360 = vector.shape_cast %add3A_1355 : vector<16xf32> to vector<1x16xf32>
        tpu.vector_store %arg11[%swap3A_1356, %swap3A_1357], %swap3A_1360 {strides = array<i32>} : memref<64x128xf32, #tpu.memory_space<vmem>>, vector<1x16xf32>,
        %add3A_1361 = arith.addf %get3A_1320, %get3A_713 : vector<16xf32>
        %swap3A_1362 = arith.index_cast %add3A_1292 : i32 to index
        %swap3A_1363 = arith.constant 96 : index
        %swap3A_1364 = tpu.vector_load %arg11[%swap3A_1362, %swap3A_1363] {strides = array<i32>} : memref<64x128xf32, #tpu.memory_space<vmem>>, vector<1x16xf32>,
        %swap3A_1365 = vector.shape_cast %swap3A_1364 : vector<1x16xf32> to vector<16xf32>
        %swap3A_1366 = vector.shape_cast %add3A_1361 : vector<16xf32> to vector<1x16xf32>
        tpu.vector_store %arg11[%swap3A_1362, %swap3A_1363], %swap3A_1366 {strides = array<i32>} : memref<64x128xf32, #tpu.memory_space<vmem>>, vector<1x16xf32>,
        %add3A_1367 = arith.addf %get3A_1324, %get3A_717 : vector<16xf32>
        %swap3A_1368 = arith.index_cast %add3A_1292 : i32 to index
        %swap3A_1369 = arith.constant 112 : index
        %swap3A_1370 = tpu.vector_load %arg11[%swap3A_1368, %swap3A_1369] {strides = array<i32>} : memref<64x128xf32, #tpu.memory_space<vmem>>, vector<1x16xf32>,
        %swap3A_1371 = vector.shape_cast %swap3A_1370 : vector<1x16xf32> to vector<16xf32>
        %swap3A_1372 = vector.shape_cast %add3A_1367 : vector<16xf32> to vector<1x16xf32>
        tpu.vector_store %arg11[%swap3A_1368, %swap3A_1369], %swap3A_1372 {strides = array<i32>} : memref<64x128xf32, #tpu.memory_space<vmem>>, vector<1x16xf32>,
        %scan3A_1373 = arith.constant 0 : i32
        %scan3A_1374 = arith.constant 1 : i32
        %scan3A_1375 = arith.addi %scan3A_684, %scan3A_1374 : i32
        %add3A_1376 = arith.addi %mul3A_310, %scan3A_1375 : i32
        %get3A_1377 = arith.index_cast %add3A_1376 : i32 to index
        %get3A_1378 = arith.constant 0 : index
        %get3A_1379 = tpu.vector_load %arg7[%get3A_1377, %get3A_1378] {strides = array<i32>} : memref<200x128xf32, #tpu.memory_space<vmem>>, vector<1x16xf32>,
        %get3A_1380 = vector.shape_cast %get3A_1379 : vector<1x16xf32> to vector<16xf32>
        %get3A_1381 = arith.index_cast %add3A_1376 : i32 to index
        %get3A_1382 = arith.constant 16 : index
        %get3A_1383 = tpu.vector_load %arg7[%get3A_1381, %get3A_1382] {strides = array<i32>} : memref<200x128xf32, #tpu.memory_space<vmem>>, vector<1x16xf32>,
        %get3A_1384 = vector.shape_cast %get3A_1383 : vector<1x16xf32> to vector<16xf32>
        %get3A_1385 = arith.index_cast %add3A_1376 : i32 to index
        %get3A_1386 = arith.constant 32 : index
        %get3A_1387 = tpu.vector_load %arg7[%get3A_1385, %get3A_1386] {strides = array<i32>} : memref<200x128xf32, #tpu.memory_space<vmem>>, vector<1x16xf32>,
        %get3A_1388 = vector.shape_cast %get3A_1387 : vector<1x16xf32> to vector<16xf32>
        %get3A_1389 = arith.index_cast %add3A_1376 : i32 to index
        %get3A_1390 = arith.constant 48 : index
        %get3A_1391 = tpu.vector_load %arg7[%get3A_1389, %get3A_1390] {strides = array<i32>} : memref<200x128xf32, #tpu.memory_space<vmem>>, vector<1x16xf32>,
        %get3A_1392 = vector.shape_cast %get3A_1391 : vector<1x16xf32> to vector<16xf32>
        %get3A_1393 = arith.index_cast %add3A_1376 : i32 to index
        %get3A_1394 = arith.constant 64 : index
        %get3A_1395 = tpu.vector_load %arg7[%get3A_1393, %get3A_1394] {strides = array<i32>} : memref<200x128xf32, #tpu.memory_space<vmem>>, vector<1x16xf32>,
        %get3A_1396 = vector.shape_cast %get3A_1395 : vector<1x16xf32> to vector<16xf32>
        %get3A_1397 = arith.index_cast %add3A_1376 : i32 to index
        %get3A_1398 = arith.constant 80 : index
        %get3A_1399 = tpu.vector_load %arg7[%get3A_1397, %get3A_1398] {strides = array<i32>} : memref<200x128xf32, #tpu.memory_space<vmem>>, vector<1x16xf32>,
        %get3A_1400 = vector.shape_cast %get3A_1399 : vector<1x16xf32> to vector<16xf32>
        %get3A_1401 = arith.index_cast %add3A_1376 : i32 to index
        %get3A_1402 = arith.constant 96 : index
        %get3A_1403 = tpu.vector_load %arg7[%get3A_1401, %get3A_1402] {strides = array<i32>} : memref<200x128xf32, #tpu.memory_space<vmem>>, vector<1x16xf32>,
        %get3A_1404 = vector.shape_cast %get3A_1403 : vector<1x16xf32> to vector<16xf32>
        %get3A_1405 = arith.index_cast %add3A_1376 : i32 to index
        %get3A_1406 = arith.constant 112 : index
        %get3A_1407 = tpu.vector_load %arg7[%get3A_1405, %get3A_1406] {strides = array<i32>} : memref<200x128xf32, #tpu.memory_space<vmem>>, vector<1x16xf32>,
        %get3A_1408 = vector.shape_cast %get3A_1407 : vector<1x16xf32> to vector<16xf32>
        %add3A_1409 = arith.constant 0 : i32
        %add3A_1410 = arith.addi %add3A_1409, %scan3A_1375 : i32
        %get3A_1411 = arith.index_cast %add3A_1410 : i32 to index
        %get3A_1412 = arith.constant 0 : index
        %get3A_1413 = tpu.vector_load %arg9[%get3A_1411, %get3A_1412] {strides = array<i32>} : memref<64x128xf32, #tpu.memory_space<vmem>>, vector<1x16xf32>,
        %get3A_1414 = vector.shape_cast %get3A_1413 : vector<1x16xf32> to vector<16xf32>
        %get3A_1415 = arith.index_cast %add3A_1410 : i32 to index
        %get3A_1416 = arith.constant 16 : index
        %get3A_1417 = tpu.vector_load %arg9[%get3A_1415, %get3A_1416] {strides = array<i32>} : memref<64x128xf32, #tpu.memory_space<vmem>>, vector<1x16xf32>,
        %get3A_1418 = vector.shape_cast %get3A_1417 : vector<1x16xf32> to vector<16xf32>
        %get3A_1419 = arith.index_cast %add3A_1410 : i32 to index
        %get3A_1420 = arith.constant 32 : index
        %get3A_1421 = tpu.vector_load %arg9[%get3A_1419, %get3A_1420] {strides = array<i32>} : memref<64x128xf32, #tpu.memory_space<vmem>>, vector<1x16xf32>,
        %get3A_1422 = vector.shape_cast %get3A_1421 : vector<1x16xf32> to vector<16xf32>
        %get3A_1423 = arith.index_cast %add3A_1410 : i32 to index
        %get3A_1424 = arith.constant 48 : index
        %get3A_1425 = tpu.vector_load %arg9[%get3A_1423, %get3A_1424] {strides = array<i32>} : memref<64x128xf32, #tpu.memory_space<vmem>>, vector<1x16xf32>,
        %get3A_1426 = vector.shape_cast %get3A_1425 : vector<1x16xf32> to vector<16xf32>
        %get3A_1427 = arith.index_cast %add3A_1410 : i32 to index
        %get3A_1428 = arith.constant 64 : index
        %get3A_1429 = tpu.vector_load %arg9[%get3A_1427, %get3A_1428] {strides = array<i32>} : memref<64x128xf32, #tpu.memory_space<vmem>>, vector<1x16xf32>,
        %get3A_1430 = vector.shape_cast %get3A_1429 : vector<1x16xf32> to vector<16xf32>
        %get3A_1431 = arith.index_cast %add3A_1410 : i32 to index
        %get3A_1432 = arith.constant 80 : index
        %get3A_1433 = tpu.vector_load %arg9[%get3A_1431, %get3A_1432] {strides = array<i32>} : memref<64x128xf32, #tpu.memory_space<vmem>>, vector<1x16xf32>,
        %get3A_1434 = vector.shape_cast %get3A_1433 : vector<1x16xf32> to vector<16xf32>
        %get3A_1435 = arith.index_cast %add3A_1410 : i32 to index
        %get3A_1436 = arith.constant 96 : index
        %get3A_1437 = tpu.vector_load %arg9[%get3A_1435, %get3A_1436] {strides = array<i32>} : memref<64x128xf32, #tpu.memory_space<vmem>>, vector<1x16xf32>,
        %get3A_1438 = vector.shape_cast %get3A_1437 : vector<1x16xf32> to vector<16xf32>
        %get3A_1439 = arith.index_cast %add3A_1410 : i32 to index
        %get3A_1440 = arith.constant 112 : index
        %get3A_1441 = tpu.vector_load %arg9[%get3A_1439, %get3A_1440] {strides = array<i32>} : memref<64x128xf32, #tpu.memory_space<vmem>>, vector<1x16xf32>,
        %get3A_1442 = vector.shape_cast %get3A_1441 : vector<1x16xf32> to vector<16xf32>
        %add3A_1443 = arith.addf %get3A_1414, %get3A_1380 : vector<16xf32>
        %swap3A_1444 = arith.index_cast %add3A_1410 : i32 to index
        %swap3A_1445 = arith.constant 0 : index
        %swap3A_1446 = tpu.vector_load %arg11[%swap3A_1444, %swap3A_1445] {strides = array<i32>} : memref<64x128xf32, #tpu.memory_space<vmem>>, vector<1x16xf32>,
        %swap3A_1447 = vector.shape_cast %swap3A_1446 : vector<1x16xf32> to vector<16xf32>
        %swap3A_1448 = vector.shape_cast %add3A_1443 : vector<16xf32> to vector<1x16xf32>
        tpu.vector_store %arg11[%swap3A_1444, %swap3A_1445], %swap3A_1448 {strides = array<i32>} : memref<64x128xf32, #tpu.memory_space<vmem>>, vector<1x16xf32>,
        %add3A_1449 = arith.addf %get3A_1418, %get3A_1384 : vector<16xf32>
        %swap3A_1450 = arith.index_cast %add3A_1410 : i32 to index
        %swap3A_1451 = arith.constant 16 : index
        %swap3A_1452 = tpu.vector_load %arg11[%swap3A_1450, %swap3A_1451] {strides = array<i32>} : memref<64x128xf32, #tpu.memory_space<vmem>>, vector<1x16xf32>,
        %swap3A_1453 = vector.shape_cast %swap3A_1452 : vector<1x16xf32> to vector<16xf32>
        %swap3A_1454 = vector.shape_cast %add3A_1449 : vector<16xf32> to vector<1x16xf32>
        tpu.vector_store %arg11[%swap3A_1450, %swap3A_1451], %swap3A_1454 {strides = array<i32>} : memref<64x128xf32, #tpu.memory_space<vmem>>, vector<1x16xf32>,
        %add3A_1455 = arith.addf %get3A_1422, %get3A_1388 : vector<16xf32>
        %swap3A_1456 = arith.index_cast %add3A_1410 : i32 to index
        %swap3A_1457 = arith.constant 32 : index
        %swap3A_1458 = tpu.vector_load %arg11[%swap3A_1456, %swap3A_1457] {strides = array<i32>} : memref<64x128xf32, #tpu.memory_space<vmem>>, vector<1x16xf32>,
        %swap3A_1459 = vector.shape_cast %swap3A_1458 : vector<1x16xf32> to vector<16xf32>
        %swap3A_1460 = vector.shape_cast %add3A_1455 : vector<16xf32> to vector<1x16xf32>
        tpu.vector_store %arg11[%swap3A_1456, %swap3A_1457], %swap3A_1460 {strides = array<i32>} : memref<64x128xf32, #tpu.memory_space<vmem>>, vector<1x16xf32>,
        %add3A_1461 = arith.addf %get3A_1426, %get3A_1392 : vector<16xf32>
        %swap3A_1462 = arith.index_cast %add3A_1410 : i32 to index
        %swap3A_1463 = arith.constant 48 : index
        %swap3A_1464 = tpu.vector_load %arg11[%swap3A_1462, %swap3A_1463] {strides = array<i32>} : memref<64x128xf32, #tpu.memory_space<vmem>>, vector<1x16xf32>,
        %swap3A_1465 = vector.shape_cast %swap3A_1464 : vector<1x16xf32> to vector<16xf32>
        %swap3A_1466 = vector.shape_cast %add3A_1461 : vector<16xf32> to vector<1x16xf32>
        tpu.vector_store %arg11[%swap3A_1462, %swap3A_1463], %swap3A_1466 {strides = array<i32>} : memref<64x128xf32, #tpu.memory_space<vmem>>, vector<1x16xf32>,
        %add3A_1467 = arith.addf %get3A_1430, %get3A_1396 : vector<16xf32>
        %swap3A_1468 = arith.index_cast %add3A_1410 : i32 to index
        %swap3A_1469 = arith.constant 64 : index
        %swap3A_1470 = tpu.vector_load %arg11[%swap3A_1468, %swap3A_1469] {strides = array<i32>} : memref<64x128xf32, #tpu.memory_space<vmem>>, vector<1x16xf32>,
        %swap3A_1471 = vector.shape_cast %swap3A_1470 : vector<1x16xf32> to vector<16xf32>
        %swap3A_1472 = vector.shape_cast %add3A_1467 : vector<16xf32> to vector<1x16xf32>
        tpu.vector_store %arg11[%swap3A_1468, %swap3A_1469], %swap3A_1472 {strides = array<i32>} : memref<64x128xf32, #tpu.memory_space<vmem>>, vector<1x16xf32>,
        %add3A_1473 = arith.addf %get3A_1434, %get3A_1400 : vector<16xf32>
        %swap3A_1474 = arith.index_cast %add3A_1410 : i32 to index
        %swap3A_1475 = arith.constant 80 : index
        %swap3A_1476 = tpu.vector_load %arg11[%swap3A_1474, %swap3A_1475] {strides = array<i32>} : memref<64x128xf32, #tpu.memory_space<vmem>>, vector<1x16xf32>,
        %swap3A_1477 = vector.shape_cast %swap3A_1476 : vector<1x16xf32> to vector<16xf32>
        %swap3A_1478 = vector.shape_cast %add3A_1473 : vector<16xf32> to vector<1x16xf32>
        tpu.vector_store %arg11[%swap3A_1474, %swap3A_1475], %swap3A_1478 {strides = array<i32>} : memref<64x128xf32, #tpu.memory_space<vmem>>, vector<1x16xf32>,
        %add3A_1479 = arith.addf %get3A_1438, %get3A_1404 : vector<16xf32>
        %swap3A_1480 = arith.index_cast %add3A_1410 : i32 to index
        %swap3A_1481 = arith.constant 96 : index
        %swap3A_1482 = tpu.vector_load %arg11[%swap3A_1480, %swap3A_1481] {strides = array<i32>} : memref<64x128xf32, #tpu.memory_space<vmem>>, vector<1x16xf32>,
        %swap3A_1483 = vector.shape_cast %swap3A_1482 : vector<1x16xf32> to vector<16xf32>
        %swap3A_1484 = vector.shape_cast %add3A_1479 : vector<16xf32> to vector<1x16xf32>
        tpu.vector_store %arg11[%swap3A_1480, %swap3A_1481], %swap3A_1484 {strides = array<i32>} : memref<64x128xf32, #tpu.memory_space<vmem>>, vector<1x16xf32>,
        %add3A_1485 = arith.addf %get3A_1442, %get3A_1408 : vector<16xf32>
        %swap3A_1486 = arith.index_cast %add3A_1410 : i32 to index
        %swap3A_1487 = arith.constant 112 : index
        %swap3A_1488 = tpu.vector_load %arg11[%swap3A_1486, %swap3A_1487] {strides = array<i32>} : memref<64x128xf32, #tpu.memory_space<vmem>>, vector<1x16xf32>,
        %swap3A_1489 = vector.shape_cast %swap3A_1488 : vector<1x16xf32> to vector<16xf32>
        %swap3A_1490 = vector.shape_cast %add3A_1485 : vector<16xf32> to vector<1x16xf32>
        tpu.vector_store %arg11[%swap3A_1486, %swap3A_1487], %swap3A_1490 {strides = array<i32>} : memref<64x128xf32, #tpu.memory_space<vmem>>, vector<1x16xf32>,
        %add3A_1491 = arith.constant 8 : i32
        %add3A_1492 = arith.addi %add3A_1491, %scan3A_1375 : i32
        %get3A_1493 = arith.index_cast %add3A_1492 : i32 to index
        %get3A_1494 = arith.constant 0 : index
        %get3A_1495 = tpu.vector_load %arg9[%get3A_1493, %get3A_1494] {strides = array<i32>} : memref<64x128xf32, #tpu.memory_space<vmem>>, vector<1x16xf32>,
        %get3A_1496 = vector.shape_cast %get3A_1495 : vector<1x16xf32> to vector<16xf32>
        %get3A_1497 = arith.index_cast %add3A_1492 : i32 to index
        %get3A_1498 = arith.constant 16 : index
        %get3A_1499 = tpu.vector_load %arg9[%get3A_1497, %get3A_1498] {strides = array<i32>} : memref<64x128xf32, #tpu.memory_space<vmem>>, vector<1x16xf32>,
        %get3A_1500 = vector.shape_cast %get3A_1499 : vector<1x16xf32> to vector<16xf32>
        %get3A_1501 = arith.index_cast %add3A_1492 : i32 to index
        %get3A_1502 = arith.constant 32 : index
        %get3A_1503 = tpu.vector_load %arg9[%get3A_1501, %get3A_1502] {strides = array<i32>} : memref<64x128xf32, #tpu.memory_space<vmem>>, vector<1x16xf32>,
        %get3A_1504 = vector.shape_cast %get3A_1503 : vector<1x16xf32> to vector<16xf32>
        %get3A_1505 = arith.index_cast %add3A_1492 : i32 to index
        %get3A_1506 = arith.constant 48 : index
        %get3A_1507 = tpu.vector_load %arg9[%get3A_1505, %get3A_1506] {strides = array<i32>} : memref<64x128xf32, #tpu.memory_space<vmem>>, vector<1x16xf32>,
        %get3A_1508 = vector.shape_cast %get3A_1507 : vector<1x16xf32> to vector<16xf32>
        %get3A_1509 = arith.index_cast %add3A_1492 : i32 to index
        %get3A_1510 = arith.constant 64 : index
        %get3A_1511 = tpu.vector_load %arg9[%get3A_1509, %get3A_1510] {strides = array<i32>} : memref<64x128xf32, #tpu.memory_space<vmem>>, vector<1x16xf32>,
        %get3A_1512 = vector.shape_cast %get3A_1511 : vector<1x16xf32> to vector<16xf32>
        %get3A_1513 = arith.index_cast %add3A_1492 : i32 to index
        %get3A_1514 = arith.constant 80 : index
        %get3A_1515 = tpu.vector_load %arg9[%get3A_1513, %get3A_1514] {strides = array<i32>} : memref<64x128xf32, #tpu.memory_space<vmem>>, vector<1x16xf32>,
        %get3A_1516 = vector.shape_cast %get3A_1515 : vector<1x16xf32> to vector<16xf32>
        %get3A_1517 = arith.index_cast %add3A_1492 : i32 to index
        %get3A_1518 = arith.constant 96 : index
        %get3A_1519 = tpu.vector_load %arg9[%get3A_1517, %get3A_1518] {strides = array<i32>} : memref<64x128xf32, #tpu.memory_space<vmem>>, vector<1x16xf32>,
        %get3A_1520 = vector.shape_cast %get3A_1519 : vector<1x16xf32> to vector<16xf32>
        %get3A_1521 = arith.index_cast %add3A_1492 : i32 to index
        %get3A_1522 = arith.constant 112 : index
        %get3A_1523 = tpu.vector_load %arg9[%get3A_1521, %get3A_1522] {strides = array<i32>} : memref<64x128xf32, #tpu.memory_space<vmem>>, vector<1x16xf32>,
        %get3A_1524 = vector.shape_cast %get3A_1523 : vector<1x16xf32> to vector<16xf32>
        %add3A_1525 = arith.addf %get3A_1496, %get3A_1380 : vector<16xf32>
        %swap3A_1526 = arith.index_cast %add3A_1492 : i32 to index
        %swap3A_1527 = arith.constant 0 : index
        %swap3A_1528 = tpu.vector_load %arg11[%swap3A_1526, %swap3A_1527] {strides = array<i32>} : memref<64x128xf32, #tpu.memory_space<vmem>>, vector<1x16xf32>,
        %swap3A_1529 = vector.shape_cast %swap3A_1528 : vector<1x16xf32> to vector<16xf32>
        %swap3A_1530 = vector.shape_cast %add3A_1525 : vector<16xf32> to vector<1x16xf32>
        tpu.vector_store %arg11[%swap3A_1526, %swap3A_1527], %swap3A_1530 {strides = array<i32>} : memref<64x128xf32, #tpu.memory_space<vmem>>, vector<1x16xf32>,
        %add3A_1531 = arith.addf %get3A_1500, %get3A_1384 : vector<16xf32>
        %swap3A_1532 = arith.index_cast %add3A_1492 : i32 to index
        %swap3A_1533 = arith.constant 16 : index
        %swap3A_1534 = tpu.vector_load %arg11[%swap3A_1532, %swap3A_1533] {strides = array<i32>} : memref<64x128xf32, #tpu.memory_space<vmem>>, vector<1x16xf32>,
        %swap3A_1535 = vector.shape_cast %swap3A_1534 : vector<1x16xf32> to vector<16xf32>
        %swap3A_1536 = vector.shape_cast %add3A_1531 : vector<16xf32> to vector<1x16xf32>
        tpu.vector_store %arg11[%swap3A_1532, %swap3A_1533], %swap3A_1536 {strides = array<i32>} : memref<64x128xf32, #tpu.memory_space<vmem>>, vector<1x16xf32>,
        %add3A_1537 = arith.addf %get3A_1504, %get3A_1388 : vector<16xf32>
        %swap3A_1538 = arith.index_cast %add3A_1492 : i32 to index
        %swap3A_1539 = arith.constant 32 : index
        %swap3A_1540 = tpu.vector_load %arg11[%swap3A_1538, %swap3A_1539] {strides = array<i32>} : memref<64x128xf32, #tpu.memory_space<vmem>>, vector<1x16xf32>,
        %swap3A_1541 = vector.shape_cast %swap3A_1540 : vector<1x16xf32> to vector<16xf32>
        %swap3A_1542 = vector.shape_cast %add3A_1537 : vector<16xf32> to vector<1x16xf32>
        tpu.vector_store %arg11[%swap3A_1538, %swap3A_1539], %swap3A_1542 {strides = array<i32>} : memref<64x128xf32, #tpu.memory_space<vmem>>, vector<1x16xf32>,
        %add3A_1543 = arith.addf %get3A_1508, %get3A_1392 : vector<16xf32>
        %swap3A_1544 = arith.index_cast %add3A_1492 : i32 to index
        %swap3A_1545 = arith.constant 48 : index
        %swap3A_1546 = tpu.vector_load %arg11[%swap3A_1544, %swap3A_1545] {strides = array<i32>} : memref<64x128xf32, #tpu.memory_space<vmem>>, vector<1x16xf32>,
        %swap3A_1547 = vector.shape_cast %swap3A_1546 : vector<1x16xf32> to vector<16xf32>
        %swap3A_1548 = vector.shape_cast %add3A_1543 : vector<16xf32> to vector<1x16xf32>
        tpu.vector_store %arg11[%swap3A_1544, %swap3A_1545], %swap3A_1548 {strides = array<i32>} : memref<64x128xf32, #tpu.memory_space<vmem>>, vector<1x16xf32>,
        %add3A_1549 = arith.addf %get3A_1512, %get3A_1396 : vector<16xf32>
        %swap3A_1550 = arith.index_cast %add3A_1492 : i32 to index
        %swap3A_1551 = arith.constant 64 : index
        %swap3A_1552 = tpu.vector_load %arg11[%swap3A_1550, %swap3A_1551] {strides = array<i32>} : memref<64x128xf32, #tpu.memory_space<vmem>>, vector<1x16xf32>,
        %swap3A_1553 = vector.shape_cast %swap3A_1552 : vector<1x16xf32> to vector<16xf32>
        %swap3A_1554 = vector.shape_cast %add3A_1549 : vector<16xf32> to vector<1x16xf32>
        tpu.vector_store %arg11[%swap3A_1550, %swap3A_1551], %swap3A_1554 {strides = array<i32>} : memref<64x128xf32, #tpu.memory_space<vmem>>, vector<1x16xf32>,
        %add3A_1555 = arith.addf %get3A_1516, %get3A_1400 : vector<16xf32>
        %swap3A_1556 = arith.index_cast %add3A_1492 : i32 to index
        %swap3A_1557 = arith.constant 80 : index
        %swap3A_1558 = tpu.vector_load %arg11[%swap3A_1556, %swap3A_1557] {strides = array<i32>} : memref<64x128xf32, #tpu.memory_space<vmem>>, vector<1x16xf32>,
        %swap3A_1559 = vector.shape_cast %swap3A_1558 : vector<1x16xf32> to vector<16xf32>
        %swap3A_1560 = vector.shape_cast %add3A_1555 : vector<16xf32> to vector<1x16xf32>
        tpu.vector_store %arg11[%swap3A_1556, %swap3A_1557], %swap3A_1560 {strides = array<i32>} : memref<64x128xf32, #tpu.memory_space<vmem>>, vector<1x16xf32>,
        %add3A_1561 = arith.addf %get3A_1520, %get3A_1404 : vector<16xf32>
        %swap3A_1562 = arith.index_cast %add3A_1492 : i32 to index
        %swap3A_1563 = arith.constant 96 : index
        %swap3A_1564 = tpu.vector_load %arg11[%swap3A_1562, %swap3A_1563] {strides = array<i32>} : memref<64x128xf32, #tpu.memory_space<vmem>>, vector<1x16xf32>,
        %swap3A_1565 = vector.shape_cast %swap3A_1564 : vector<1x16xf32> to vector<16xf32>
        %swap3A_1566 = vector.shape_cast %add3A_1561 : vector<16xf32> to vector<1x16xf32>
        tpu.vector_store %arg11[%swap3A_1562, %swap3A_1563], %swap3A_1566 {strides = array<i32>} : memref<64x128xf32, #tpu.memory_space<vmem>>, vector<1x16xf32>,
        %add3A_1567 = arith.addf %get3A_1524, %get3A_1408 : vector<16xf32>
        %swap3A_1568 = arith.index_cast %add3A_1492 : i32 to index
        %swap3A_1569 = arith.constant 112 : index
        %swap3A_1570 = tpu.vector_load %arg11[%swap3A_1568, %swap3A_1569] {strides = array<i32>} : memref<64x128xf32, #tpu.memory_space<vmem>>, vector<1x16xf32>,
        %swap3A_1571 = vector.shape_cast %swap3A_1570 : vector<1x16xf32> to vector<16xf32>
        %swap3A_1572 = vector.shape_cast %add3A_1567 : vector<16xf32> to vector<1x16xf32>
        tpu.vector_store %arg11[%swap3A_1568, %swap3A_1569], %swap3A_1572 {strides = array<i32>} : memref<64x128xf32, #tpu.memory_space<vmem>>, vector<1x16xf32>,
        %add3A_1573 = arith.constant 16 : i32
        %add3A_1574 = arith.addi %add3A_1573, %scan3A_1375 : i32
        %get3A_1575 = arith.index_cast %add3A_1574 : i32 to index
        %get3A_1576 = arith.constant 0 : index
        %get3A_1577 = tpu.vector_load %arg9[%get3A_1575, %get3A_1576] {strides = array<i32>} : memref<64x128xf32, #tpu.memory_space<vmem>>, vector<1x16xf32>,
        %get3A_1578 = vector.shape_cast %get3A_1577 : vector<1x16xf32> to vector<16xf32>
        %get3A_1579 = arith.index_cast %add3A_1574 : i32 to index
        %get3A_1580 = arith.constant 16 : index
        %get3A_1581 = tpu.vector_load %arg9[%get3A_1579, %get3A_1580] {strides = array<i32>} : memref<64x128xf32, #tpu.memory_space<vmem>>, vector<1x16xf32>,
        %get3A_1582 = vector.shape_cast %get3A_1581 : vector<1x16xf32> to vector<16xf32>
        %get3A_1583 = arith.index_cast %add3A_1574 : i32 to index
        %get3A_1584 = arith.constant 32 : index
        %get3A_1585 = tpu.vector_load %arg9[%get3A_1583, %get3A_1584] {strides = array<i32>} : memref<64x128xf32, #tpu.memory_space<vmem>>, vector<1x16xf32>,
        %get3A_1586 = vector.shape_cast %get3A_1585 : vector<1x16xf32> to vector<16xf32>
        %get3A_1587 = arith.index_cast %add3A_1574 : i32 to index
        %get3A_1588 = arith.constant 48 : index
        %get3A_1589 = tpu.vector_load %arg9[%get3A_1587, %get3A_1588] {strides = array<i32>} : memref<64x128xf32, #tpu.memory_space<vmem>>, vector<1x16xf32>,
        %get3A_1590 = vector.shape_cast %get3A_1589 : vector<1x16xf32> to vector<16xf32>
        %get3A_1591 = arith.index_cast %add3A_1574 : i32 to index
        %get3A_1592 = arith.constant 64 : index
        %get3A_1593 = tpu.vector_load %arg9[%get3A_1591, %get3A_1592] {strides = array<i32>} : memref<64x128xf32, #tpu.memory_space<vmem>>, vector<1x16xf32>,
        %get3A_1594 = vector.shape_cast %get3A_1593 : vector<1x16xf32> to vector<16xf32>
        %get3A_1595 = arith.index_cast %add3A_1574 : i32 to index
        %get3A_1596 = arith.constant 80 : index
        %get3A_1597 = tpu.vector_load %arg9[%get3A_1595, %get3A_1596] {strides = array<i32>} : memref<64x128xf32, #tpu.memory_space<vmem>>, vector<1x16xf32>,
        %get3A_1598 = vector.shape_cast %get3A_1597 : vector<1x16xf32> to vector<16xf32>
        %get3A_1599 = arith.index_cast %add3A_1574 : i32 to index
        %get3A_1600 = arith.constant 96 : index
        %get3A_1601 = tpu.vector_load %arg9[%get3A_1599, %get3A_1600] {strides = array<i32>} : memref<64x128xf32, #tpu.memory_space<vmem>>, vector<1x16xf32>,
        %get3A_1602 = vector.shape_cast %get3A_1601 : vector<1x16xf32> to vector<16xf32>
        %get3A_1603 = arith.index_cast %add3A_1574 : i32 to index
        %get3A_1604 = arith.constant 112 : index
        %get3A_1605 = tpu.vector_load %arg9[%get3A_1603, %get3A_1604] {strides = array<i32>} : memref<64x128xf32, #tpu.memory_space<vmem>>, vector<1x16xf32>,
        %get3A_1606 = vector.shape_cast %get3A_1605 : vector<1x16xf32> to vector<16xf32>
        %add3A_1607 = arith.addf %get3A_1578, %get3A_1380 : vector<16xf32>
        %swap3A_1608 = arith.index_cast %add3A_1574 : i32 to index
        %swap3A_1609 = arith.constant 0 : index
        %swap3A_1610 = tpu.vector_load %arg11[%swap3A_1608, %swap3A_1609] {strides = array<i32>} : memref<64x128xf32, #tpu.memory_space<vmem>>, vector<1x16xf32>,
        %swap3A_1611 = vector.shape_cast %swap3A_1610 : vector<1x16xf32> to vector<16xf32>
        %swap3A_1612 = vector.shape_cast %add3A_1607 : vector<16xf32> to vector<1x16xf32>
        tpu.vector_store %arg11[%swap3A_1608, %swap3A_1609], %swap3A_1612 {strides = array<i32>} : memref<64x128xf32, #tpu.memory_space<vmem>>, vector<1x16xf32>,
        %add3A_1613 = arith.addf %get3A_1582, %get3A_1384 : vector<16xf32>
        %swap3A_1614 = arith.index_cast %add3A_1574 : i32 to index
        %swap3A_1615 = arith.constant 16 : index
        %swap3A_1616 = tpu.vector_load %arg11[%swap3A_1614, %swap3A_1615] {strides = array<i32>} : memref<64x128xf32, #tpu.memory_space<vmem>>, vector<1x16xf32>,
        %swap3A_1617 = vector.shape_cast %swap3A_1616 : vector<1x16xf32> to vector<16xf32>
        %swap3A_1618 = vector.shape_cast %add3A_1613 : vector<16xf32> to vector<1x16xf32>
        tpu.vector_store %arg11[%swap3A_1614, %swap3A_1615], %swap3A_1618 {strides = array<i32>} : memref<64x128xf32, #tpu.memory_space<vmem>>, vector<1x16xf32>,
        %add3A_1619 = arith.addf %get3A_1586, %get3A_1388 : vector<16xf32>
        %swap3A_1620 = arith.index_cast %add3A_1574 : i32 to index
        %swap3A_1621 = arith.constant 32 : index
        %swap3A_1622 = tpu.vector_load %arg11[%swap3A_1620, %swap3A_1621] {strides = array<i32>} : memref<64x128xf32, #tpu.memory_space<vmem>>, vector<1x16xf32>,
        %swap3A_1623 = vector.shape_cast %swap3A_1622 : vector<1x16xf32> to vector<16xf32>
        %swap3A_1624 = vector.shape_cast %add3A_1619 : vector<16xf32> to vector<1x16xf32>
        tpu.vector_store %arg11[%swap3A_1620, %swap3A_1621], %swap3A_1624 {strides = array<i32>} : memref<64x128xf32, #tpu.memory_space<vmem>>, vector<1x16xf32>,
        %add3A_1625 = arith.addf %get3A_1590, %get3A_1392 : vector<16xf32>
        %swap3A_1626 = arith.index_cast %add3A_1574 : i32 to index
        %swap3A_1627 = arith.constant 48 : index
        %swap3A_1628 = tpu.vector_load %arg11[%swap3A_1626, %swap3A_1627] {strides = array<i32>} : memref<64x128xf32, #tpu.memory_space<vmem>>, vector<1x16xf32>,
        %swap3A_1629 = vector.shape_cast %swap3A_1628 : vector<1x16xf32> to vector<16xf32>
        %swap3A_1630 = vector.shape_cast %add3A_1625 : vector<16xf32> to vector<1x16xf32>
        tpu.vector_store %arg11[%swap3A_1626, %swap3A_1627], %swap3A_1630 {strides = array<i32>} : memref<64x128xf32, #tpu.memory_space<vmem>>, vector<1x16xf32>,
        %add3A_1631 = arith.addf %get3A_1594, %get3A_1396 : vector<16xf32>
        %swap3A_1632 = arith.index_cast %add3A_1574 : i32 to index
        %swap3A_1633 = arith.constant 64 : index
        %swap3A_1634 = tpu.vector_load %arg11[%swap3A_1632, %swap3A_1633] {strides = array<i32>} : memref<64x128xf32, #tpu.memory_space<vmem>>, vector<1x16xf32>,
        %swap3A_1635 = vector.shape_cast %swap3A_1634 : vector<1x16xf32> to vector<16xf32>
        %swap3A_1636 = vector.shape_cast %add3A_1631 : vector<16xf32> to vector<1x16xf32>
        tpu.vector_store %arg11[%swap3A_1632, %swap3A_1633], %swap3A_1636 {strides = array<i32>} : memref<64x128xf32, #tpu.memory_space<vmem>>, vector<1x16xf32>,
        %add3A_1637 = arith.addf %get3A_1598, %get3A_1400 : vector<16xf32>
        %swap3A_1638 = arith.index_cast %add3A_1574 : i32 to index
        %swap3A_1639 = arith.constant 80 : index
        %swap3A_1640 = tpu.vector_load %arg11[%swap3A_1638, %swap3A_1639] {strides = array<i32>} : memref<64x128xf32, #tpu.memory_space<vmem>>, vector<1x16xf32>,
        %swap3A_1641 = vector.shape_cast %swap3A_1640 : vector<1x16xf32> to vector<16xf32>
        %swap3A_1642 = vector.shape_cast %add3A_1637 : vector<16xf32> to vector<1x16xf32>
        tpu.vector_store %arg11[%swap3A_1638, %swap3A_1639], %swap3A_1642 {strides = array<i32>} : memref<64x128xf32, #tpu.memory_space<vmem>>, vector<1x16xf32>,
        %add3A_1643 = arith.addf %get3A_1602, %get3A_1404 : vector<16xf32>
        %swap3A_1644 = arith.index_cast %add3A_1574 : i32 to index
        %swap3A_1645 = arith.constant 96 : index
        %swap3A_1646 = tpu.vector_load %arg11[%swap3A_1644, %swap3A_1645] {strides = array<i32>} : memref<64x128xf32, #tpu.memory_space<vmem>>, vector<1x16xf32>,
        %swap3A_1647 = vector.shape_cast %swap3A_1646 : vector<1x16xf32> to vector<16xf32>
        %swap3A_1648 = vector.shape_cast %add3A_1643 : vector<16xf32> to vector<1x16xf32>
        tpu.vector_store %arg11[%swap3A_1644, %swap3A_1645], %swap3A_1648 {strides = array<i32>} : memref<64x128xf32, #tpu.memory_space<vmem>>, vector<1x16xf32>,
        %add3A_1649 = arith.addf %get3A_1606, %get3A_1408 : vector<16xf32>
        %swap3A_1650 = arith.index_cast %add3A_1574 : i32 to index
        %swap3A_1651 = arith.constant 112 : index
        %swap3A_1652 = tpu.vector_load %arg11[%swap3A_1650, %swap3A_1651] {strides = array<i32>} : memref<64x128xf32, #tpu.memory_space<vmem>>, vector<1x16xf32>,
        %swap3A_1653 = vector.shape_cast %swap3A_1652 : vector<1x16xf32> to vector<16xf32>
        %swap3A_1654 = vector.shape_cast %add3A_1649 : vector<16xf32> to vector<1x16xf32>
        tpu.vector_store %arg11[%swap3A_1650, %swap3A_1651], %swap3A_1654 {strides = array<i32>} : memref<64x128xf32, #tpu.memory_space<vmem>>, vector<1x16xf32>,
        %add3A_1655 = arith.constant 24 : i32
        %add3A_1656 = arith.addi %add3A_1655, %scan3A_1375 : i32
        %get3A_1657 = arith.index_cast %add3A_1656 : i32 to index
        %get3A_1658 = arith.constant 0 : index
        %get3A_1659 = tpu.vector_load %arg9[%get3A_1657, %get3A_1658] {strides = array<i32>} : memref<64x128xf32, #tpu.memory_space<vmem>>, vector<1x16xf32>,
        %get3A_1660 = vector.shape_cast %get3A_1659 : vector<1x16xf32> to vector<16xf32>
        %get3A_1661 = arith.index_cast %add3A_1656 : i32 to index
        %get3A_1662 = arith.constant 16 : index
        %get3A_1663 = tpu.vector_load %arg9[%get3A_1661, %get3A_1662] {strides = array<i32>} : memref<64x128xf32, #tpu.memory_space<vmem>>, vector<1x16xf32>,
        %get3A_1664 = vector.shape_cast %get3A_1663 : vector<1x16xf32> to vector<16xf32>
        %get3A_1665 = arith.index_cast %add3A_1656 : i32 to index
        %get3A_1666 = arith.constant 32 : index
        %get3A_1667 = tpu.vector_load %arg9[%get3A_1665, %get3A_1666] {strides = array<i32>} : memref<64x128xf32, #tpu.memory_space<vmem>>, vector<1x16xf32>,
        %get3A_1668 = vector.shape_cast %get3A_1667 : vector<1x16xf32> to vector<16xf32>
        %get3A_1669 = arith.index_cast %add3A_1656 : i32 to index
        %get3A_1670 = arith.constant 48 : index
        %get3A_1671 = tpu.vector_load %arg9[%get3A_1669, %get3A_1670] {strides = array<i32>} : memref<64x128xf32, #tpu.memory_space<vmem>>, vector<1x16xf32>,
        %get3A_1672 = vector.shape_cast %get3A_1671 : vector<1x16xf32> to vector<16xf32>
        %get3A_1673 = arith.index_cast %add3A_1656 : i32 to index
        %get3A_1674 = arith.constant 64 : index
        %get3A_1675 = tpu.vector_load %arg9[%get3A_1673, %get3A_1674] {strides = array<i32>} : memref<64x128xf32, #tpu.memory_space<vmem>>, vector<1x16xf32>,
        %get3A_1676 = vector.shape_cast %get3A_1675 : vector<1x16xf32> to vector<16xf32>
        %get3A_1677 = arith.index_cast %add3A_1656 : i32 to index
        %get3A_1678 = arith.constant 80 : index
        %get3A_1679 = tpu.vector_load %arg9[%get3A_1677, %get3A_1678] {strides = array<i32>} : memref<64x128xf32, #tpu.memory_space<vmem>>, vector<1x16xf32>,
        %get3A_1680 = vector.shape_cast %get3A_1679 : vector<1x16xf32> to vector<16xf32>
        %get3A_1681 = arith.index_cast %add3A_1656 : i32 to index
        %get3A_1682 = arith.constant 96 : index
        %get3A_1683 = tpu.vector_load %arg9[%get3A_1681, %get3A_1682] {strides = array<i32>} : memref<64x128xf32, #tpu.memory_space<vmem>>, vector<1x16xf32>,
        %get3A_1684 = vector.shape_cast %get3A_1683 : vector<1x16xf32> to vector<16xf32>
        %get3A_1685 = arith.index_cast %add3A_1656 : i32 to index
        %get3A_1686 = arith.constant 112 : index
        %get3A_1687 = tpu.vector_load %arg9[%get3A_1685, %get3A_1686] {strides = array<i32>} : memref<64x128xf32, #tpu.memory_space<vmem>>, vector<1x16xf32>,
        %get3A_1688 = vector.shape_cast %get3A_1687 : vector<1x16xf32> to vector<16xf32>
        %add3A_1689 = arith.addf %get3A_1660, %get3A_1380 : vector<16xf32>
        %swap3A_1690 = arith.index_cast %add3A_1656 : i32 to index
        %swap3A_1691 = arith.constant 0 : index
        %swap3A_1692 = tpu.vector_load %arg11[%swap3A_1690, %swap3A_1691] {strides = array<i32>} : memref<64x128xf32, #tpu.memory_space<vmem>>, vector<1x16xf32>,
        %swap3A_1693 = vector.shape_cast %swap3A_1692 : vector<1x16xf32> to vector<16xf32>
        %swap3A_1694 = vector.shape_cast %add3A_1689 : vector<16xf32> to vector<1x16xf32>
        tpu.vector_store %arg11[%swap3A_1690, %swap3A_1691], %swap3A_1694 {strides = array<i32>} : memref<64x128xf32, #tpu.memory_space<vmem>>, vector<1x16xf32>,
        %add3A_1695 = arith.addf %get3A_1664, %get3A_1384 : vector<16xf32>
        %swap3A_1696 = arith.index_cast %add3A_1656 : i32 to index
        %swap3A_1697 = arith.constant 16 : index
        %swap3A_1698 = tpu.vector_load %arg11[%swap3A_1696, %swap3A_1697] {strides = array<i32>} : memref<64x128xf32, #tpu.memory_space<vmem>>, vector<1x16xf32>,
        %swap3A_1699 = vector.shape_cast %swap3A_1698 : vector<1x16xf32> to vector<16xf32>
        %swap3A_1700 = vector.shape_cast %add3A_1695 : vector<16xf32> to vector<1x16xf32>
        tpu.vector_store %arg11[%swap3A_1696, %swap3A_1697], %swap3A_1700 {strides = array<i32>} : memref<64x128xf32, #tpu.memory_space<vmem>>, vector<1x16xf32>,
        %add3A_1701 = arith.addf %get3A_1668, %get3A_1388 : vector<16xf32>
        %swap3A_1702 = arith.index_cast %add3A_1656 : i32 to index
        %swap3A_1703 = arith.constant 32 : index
        %swap3A_1704 = tpu.vector_load %arg11[%swap3A_1702, %swap3A_1703] {strides = array<i32>} : memref<64x128xf32, #tpu.memory_space<vmem>>, vector<1x16xf32>,
        %swap3A_1705 = vector.shape_cast %swap3A_1704 : vector<1x16xf32> to vector<16xf32>
        %swap3A_1706 = vector.shape_cast %add3A_1701 : vector<16xf32> to vector<1x16xf32>
        tpu.vector_store %arg11[%swap3A_1702, %swap3A_1703], %swap3A_1706 {strides = array<i32>} : memref<64x128xf32, #tpu.memory_space<vmem>>, vector<1x16xf32>,
        %add3A_1707 = arith.addf %get3A_1672, %get3A_1392 : vector<16xf32>
        %swap3A_1708 = arith.index_cast %add3A_1656 : i32 to index
        %swap3A_1709 = arith.constant 48 : index
        %swap3A_1710 = tpu.vector_load %arg11[%swap3A_1708, %swap3A_1709] {strides = array<i32>} : memref<64x128xf32, #tpu.memory_space<vmem>>, vector<1x16xf32>,
        %swap3A_1711 = vector.shape_cast %swap3A_1710 : vector<1x16xf32> to vector<16xf32>
        %swap3A_1712 = vector.shape_cast %add3A_1707 : vector<16xf32> to vector<1x16xf32>
        tpu.vector_store %arg11[%swap3A_1708, %swap3A_1709], %swap3A_1712 {strides = array<i32>} : memref<64x128xf32, #tpu.memory_space<vmem>>, vector<1x16xf32>,
        %add3A_1713 = arith.addf %get3A_1676, %get3A_1396 : vector<16xf32>
        %swap3A_1714 = arith.index_cast %add3A_1656 : i32 to index
        %swap3A_1715 = arith.constant 64 : index
        %swap3A_1716 = tpu.vector_load %arg11[%swap3A_1714, %swap3A_1715] {strides = array<i32>} : memref<64x128xf32, #tpu.memory_space<vmem>>, vector<1x16xf32>,
        %swap3A_1717 = vector.shape_cast %swap3A_1716 : vector<1x16xf32> to vector<16xf32>
        %swap3A_1718 = vector.shape_cast %add3A_1713 : vector<16xf32> to vector<1x16xf32>
        tpu.vector_store %arg11[%swap3A_1714, %swap3A_1715], %swap3A_1718 {strides = array<i32>} : memref<64x128xf32, #tpu.memory_space<vmem>>, vector<1x16xf32>,
        %add3A_1719 = arith.addf %get3A_1680, %get3A_1400 : vector<16xf32>
        %swap3A_1720 = arith.index_cast %add3A_1656 : i32 to index
        %swap3A_1721 = arith.constant 80 : index
        %swap3A_1722 = tpu.vector_load %arg11[%swap3A_1720, %swap3A_1721] {strides = array<i32>} : memref<64x128xf32, #tpu.memory_space<vmem>>, vector<1x16xf32>,
        %swap3A_1723 = vector.shape_cast %swap3A_1722 : vector<1x16xf32> to vector<16xf32>
        %swap3A_1724 = vector.shape_cast %add3A_1719 : vector<16xf32> to vector<1x16xf32>
        tpu.vector_store %arg11[%swap3A_1720, %swap3A_1721], %swap3A_1724 {strides = array<i32>} : memref<64x128xf32, #tpu.memory_space<vmem>>, vector<1x16xf32>,
        %add3A_1725 = arith.addf %get3A_1684, %get3A_1404 : vector<16xf32>
        %swap3A_1726 = arith.index_cast %add3A_1656 : i32 to index
        %swap3A_1727 = arith.constant 96 : index
        %swap3A_1728 = tpu.vector_load %arg11[%swap3A_1726, %swap3A_1727] {strides = array<i32>} : memref<64x128xf32, #tpu.memory_space<vmem>>, vector<1x16xf32>,
        %swap3A_1729 = vector.shape_cast %swap3A_1728 : vector<1x16xf32> to vector<16xf32>
        %swap3A_1730 = vector.shape_cast %add3A_1725 : vector<16xf32> to vector<1x16xf32>
        tpu.vector_store %arg11[%swap3A_1726, %swap3A_1727], %swap3A_1730 {strides = array<i32>} : memref<64x128xf32, #tpu.memory_space<vmem>>, vector<1x16xf32>,
        %add3A_1731 = arith.addf %get3A_1688, %get3A_1408 : vector<16xf32>
        %swap3A_1732 = arith.index_cast %add3A_1656 : i32 to index
        %swap3A_1733 = arith.constant 112 : index
        %swap3A_1734 = tpu.vector_load %arg11[%swap3A_1732, %swap3A_1733] {strides = array<i32>} : memref<64x128xf32, #tpu.memory_space<vmem>>, vector<1x16xf32>,
        %swap3A_1735 = vector.shape_cast %swap3A_1734 : vector<1x16xf32> to vector<16xf32>
        %swap3A_1736 = vector.shape_cast %add3A_1731 : vector<16xf32> to vector<1x16xf32>
        tpu.vector_store %arg11[%swap3A_1732, %swap3A_1733], %swap3A_1736 {strides = array<i32>} : memref<64x128xf32, #tpu.memory_space<vmem>>, vector<1x16xf32>,
        %add3A_1737 = arith.constant 32 : i32
        %add3A_1738 = arith.addi %add3A_1737, %scan3A_1375 : i32
        %get3A_1739 = arith.index_cast %add3A_1738 : i32 to index
        %get3A_1740 = arith.constant 0 : index
        %get3A_1741 = tpu.vector_load %arg9[%get3A_1739, %get3A_1740] {strides = array<i32>} : memref<64x128xf32, #tpu.memory_space<vmem>>, vector<1x16xf32>,
        %get3A_1742 = vector.shape_cast %get3A_1741 : vector<1x16xf32> to vector<16xf32>
        %get3A_1743 = arith.index_cast %add3A_1738 : i32 to index
        %get3A_1744 = arith.constant 16 : index
        %get3A_1745 = tpu.vector_load %arg9[%get3A_1743, %get3A_1744] {strides = array<i32>} : memref<64x128xf32, #tpu.memory_space<vmem>>, vector<1x16xf32>,
        %get3A_1746 = vector.shape_cast %get3A_1745 : vector<1x16xf32> to vector<16xf32>
        %get3A_1747 = arith.index_cast %add3A_1738 : i32 to index
        %get3A_1748 = arith.constant 32 : index
        %get3A_1749 = tpu.vector_load %arg9[%get3A_1747, %get3A_1748] {strides = array<i32>} : memref<64x128xf32, #tpu.memory_space<vmem>>, vector<1x16xf32>,
        %get3A_1750 = vector.shape_cast %get3A_1749 : vector<1x16xf32> to vector<16xf32>
        %get3A_1751 = arith.index_cast %add3A_1738 : i32 to index
        %get3A_1752 = arith.constant 48 : index
        %get3A_1753 = tpu.vector_load %arg9[%get3A_1751, %get3A_1752] {strides = array<i32>} : memref<64x128xf32, #tpu.memory_space<vmem>>, vector<1x16xf32>,
        %get3A_1754 = vector.shape_cast %get3A_1753 : vector<1x16xf32> to vector<16xf32>
        %get3A_1755 = arith.index_cast %add3A_1738 : i32 to index
        %get3A_1756 = arith.constant 64 : index
        %get3A_1757 = tpu.vector_load %arg9[%get3A_1755, %get3A_1756] {strides = array<i32>} : memref<64x128xf32, #tpu.memory_space<vmem>>, vector<1x16xf32>,
        %get3A_1758 = vector.shape_cast %get3A_1757 : vector<1x16xf32> to vector<16xf32>
        %get3A_1759 = arith.index_cast %add3A_1738 : i32 to index
        %get3A_1760 = arith.constant 80 : index
        %get3A_1761 = tpu.vector_load %arg9[%get3A_1759, %get3A_1760] {strides = array<i32>} : memref<64x128xf32, #tpu.memory_space<vmem>>, vector<1x16xf32>,
        %get3A_1762 = vector.shape_cast %get3A_1761 : vector<1x16xf32> to vector<16xf32>
        %get3A_1763 = arith.index_cast %add3A_1738 : i32 to index
        %get3A_1764 = arith.constant 96 : index
        %get3A_1765 = tpu.vector_load %arg9[%get3A_1763, %get3A_1764] {strides = array<i32>} : memref<64x128xf32, #tpu.memory_space<vmem>>, vector<1x16xf32>,
        %get3A_1766 = vector.shape_cast %get3A_1765 : vector<1x16xf32> to vector<16xf32>
        %get3A_1767 = arith.index_cast %add3A_1738 : i32 to index
        %get3A_1768 = arith.constant 112 : index
        %get3A_1769 = tpu.vector_load %arg9[%get3A_1767, %get3A_1768] {strides = array<i32>} : memref<64x128xf32, #tpu.memory_space<vmem>>, vector<1x16xf32>,
        %get3A_1770 = vector.shape_cast %get3A_1769 : vector<1x16xf32> to vector<16xf32>
        %add3A_1771 = arith.addf %get3A_1742, %get3A_1380 : vector<16xf32>
        %swap3A_1772 = arith.index_cast %add3A_1738 : i32 to index
        %swap3A_1773 = arith.constant 0 : index
        %swap3A_1774 = tpu.vector_load %arg11[%swap3A_1772, %swap3A_1773] {strides = array<i32>} : memref<64x128xf32, #tpu.memory_space<vmem>>, vector<1x16xf32>,
        %swap3A_1775 = vector.shape_cast %swap3A_1774 : vector<1x16xf32> to vector<16xf32>
        %swap3A_1776 = vector.shape_cast %add3A_1771 : vector<16xf32> to vector<1x16xf32>
        tpu.vector_store %arg11[%swap3A_1772, %swap3A_1773], %swap3A_1776 {strides = array<i32>} : memref<64x128xf32, #tpu.memory_space<vmem>>, vector<1x16xf32>,
        %add3A_1777 = arith.addf %get3A_1746, %get3A_1384 : vector<16xf32>
        %swap3A_1778 = arith.index_cast %add3A_1738 : i32 to index
        %swap3A_1779 = arith.constant 16 : index
        %swap3A_1780 = tpu.vector_load %arg11[%swap3A_1778, %swap3A_1779] {strides = array<i32>} : memref<64x128xf32, #tpu.memory_space<vmem>>, vector<1x16xf32>,
        %swap3A_1781 = vector.shape_cast %swap3A_1780 : vector<1x16xf32> to vector<16xf32>
        %swap3A_1782 = vector.shape_cast %add3A_1777 : vector<16xf32> to vector<1x16xf32>
        tpu.vector_store %arg11[%swap3A_1778, %swap3A_1779], %swap3A_1782 {strides = array<i32>} : memref<64x128xf32, #tpu.memory_space<vmem>>, vector<1x16xf32>,
        %add3A_1783 = arith.addf %get3A_1750, %get3A_1388 : vector<16xf32>
        %swap3A_1784 = arith.index_cast %add3A_1738 : i32 to index
        %swap3A_1785 = arith.constant 32 : index
        %swap3A_1786 = tpu.vector_load %arg11[%swap3A_1784, %swap3A_1785] {strides = array<i32>} : memref<64x128xf32, #tpu.memory_space<vmem>>, vector<1x16xf32>,
        %swap3A_1787 = vector.shape_cast %swap3A_1786 : vector<1x16xf32> to vector<16xf32>
        %swap3A_1788 = vector.shape_cast %add3A_1783 : vector<16xf32> to vector<1x16xf32>
        tpu.vector_store %arg11[%swap3A_1784, %swap3A_1785], %swap3A_1788 {strides = array<i32>} : memref<64x128xf32, #tpu.memory_space<vmem>>, vector<1x16xf32>,
        %add3A_1789 = arith.addf %get3A_1754, %get3A_1392 : vector<16xf32>
        %swap3A_1790 = arith.index_cast %add3A_1738 : i32 to index
        %swap3A_1791 = arith.constant 48 : index
        %swap3A_1792 = tpu.vector_load %arg11[%swap3A_1790, %swap3A_1791] {strides = array<i32>} : memref<64x128xf32, #tpu.memory_space<vmem>>, vector<1x16xf32>,
        %swap3A_1793 = vector.shape_cast %swap3A_1792 : vector<1x16xf32> to vector<16xf32>
        %swap3A_1794 = vector.shape_cast %add3A_1789 : vector<16xf32> to vector<1x16xf32>
        tpu.vector_store %arg11[%swap3A_1790, %swap3A_1791], %swap3A_1794 {strides = array<i32>} : memref<64x128xf32, #tpu.memory_space<vmem>>, vector<1x16xf32>,
        %add3A_1795 = arith.addf %get3A_1758, %get3A_1396 : vector<16xf32>
        %swap3A_1796 = arith.index_cast %add3A_1738 : i32 to index
        %swap3A_1797 = arith.constant 64 : index
        %swap3A_1798 = tpu.vector_load %arg11[%swap3A_1796, %swap3A_1797] {strides = array<i32>} : memref<64x128xf32, #tpu.memory_space<vmem>>, vector<1x16xf32>,
        %swap3A_1799 = vector.shape_cast %swap3A_1798 : vector<1x16xf32> to vector<16xf32>
        %swap3A_1800 = vector.shape_cast %add3A_1795 : vector<16xf32> to vector<1x16xf32>
        tpu.vector_store %arg11[%swap3A_1796, %swap3A_1797], %swap3A_1800 {strides = array<i32>} : memref<64x128xf32, #tpu.memory_space<vmem>>, vector<1x16xf32>,
        %add3A_1801 = arith.addf %get3A_1762, %get3A_1400 : vector<16xf32>
        %swap3A_1802 = arith.index_cast %add3A_1738 : i32 to index
        %swap3A_1803 = arith.constant 80 : index
        %swap3A_1804 = tpu.vector_load %arg11[%swap3A_1802, %swap3A_1803] {strides = array<i32>} : memref<64x128xf32, #tpu.memory_space<vmem>>, vector<1x16xf32>,
        %swap3A_1805 = vector.shape_cast %swap3A_1804 : vector<1x16xf32> to vector<16xf32>
        %swap3A_1806 = vector.shape_cast %add3A_1801 : vector<16xf32> to vector<1x16xf32>
        tpu.vector_store %arg11[%swap3A_1802, %swap3A_1803], %swap3A_1806 {strides = array<i32>} : memref<64x128xf32, #tpu.memory_space<vmem>>, vector<1x16xf32>,
        %add3A_1807 = arith.addf %get3A_1766, %get3A_1404 : vector<16xf32>
        %swap3A_1808 = arith.index_cast %add3A_1738 : i32 to index
        %swap3A_1809 = arith.constant 96 : index
        %swap3A_1810 = tpu.vector_load %arg11[%swap3A_1808, %swap3A_1809] {strides = array<i32>} : memref<64x128xf32, #tpu.memory_space<vmem>>, vector<1x16xf32>,
        %swap3A_1811 = vector.shape_cast %swap3A_1810 : vector<1x16xf32> to vector<16xf32>
        %swap3A_1812 = vector.shape_cast %add3A_1807 : vector<16xf32> to vector<1x16xf32>
        tpu.vector_store %arg11[%swap3A_1808, %swap3A_1809], %swap3A_1812 {strides = array<i32>} : memref<64x128xf32, #tpu.memory_space<vmem>>, vector<1x16xf32>,
        %add3A_1813 = arith.addf %get3A_1770, %get3A_1408 : vector<16xf32>
        %swap3A_1814 = arith.index_cast %add3A_1738 : i32 to index
        %swap3A_1815 = arith.constant 112 : index
        %swap3A_1816 = tpu.vector_load %arg11[%swap3A_1814, %swap3A_1815] {strides = array<i32>} : memref<64x128xf32, #tpu.memory_space<vmem>>, vector<1x16xf32>,
        %swap3A_1817 = vector.shape_cast %swap3A_1816 : vector<1x16xf32> to vector<16xf32>
        %swap3A_1818 = vector.shape_cast %add3A_1813 : vector<16xf32> to vector<1x16xf32>
        tpu.vector_store %arg11[%swap3A_1814, %swap3A_1815], %swap3A_1818 {strides = array<i32>} : memref<64x128xf32, #tpu.memory_space<vmem>>, vector<1x16xf32>,
        %add3A_1819 = arith.constant 40 : i32
        %add3A_1820 = arith.addi %add3A_1819, %scan3A_1375 : i32
        %get3A_1821 = arith.index_cast %add3A_1820 : i32 to index
        %get3A_1822 = arith.constant 0 : index
        %get3A_1823 = tpu.vector_load %arg9[%get3A_1821, %get3A_1822] {strides = array<i32>} : memref<64x128xf32, #tpu.memory_space<vmem>>, vector<1x16xf32>,
        %get3A_1824 = vector.shape_cast %get3A_1823 : vector<1x16xf32> to vector<16xf32>
        %get3A_1825 = arith.index_cast %add3A_1820 : i32 to index
        %get3A_1826 = arith.constant 16 : index
        %get3A_1827 = tpu.vector_load %arg9[%get3A_1825, %get3A_1826] {strides = array<i32>} : memref<64x128xf32, #tpu.memory_space<vmem>>, vector<1x16xf32>,
        %get3A_1828 = vector.shape_cast %get3A_1827 : vector<1x16xf32> to vector<16xf32>
        %get3A_1829 = arith.index_cast %add3A_1820 : i32 to index
        %get3A_1830 = arith.constant 32 : index
        %get3A_1831 = tpu.vector_load %arg9[%get3A_1829, %get3A_1830] {strides = array<i32>} : memref<64x128xf32, #tpu.memory_space<vmem>>, vector<1x16xf32>,
        %get3A_1832 = vector.shape_cast %get3A_1831 : vector<1x16xf32> to vector<16xf32>
        %get3A_1833 = arith.index_cast %add3A_1820 : i32 to index
        %get3A_1834 = arith.constant 48 : index
        %get3A_1835 = tpu.vector_load %arg9[%get3A_1833, %get3A_1834] {strides = array<i32>} : memref<64x128xf32, #tpu.memory_space<vmem>>, vector<1x16xf32>,
        %get3A_1836 = vector.shape_cast %get3A_1835 : vector<1x16xf32> to vector<16xf32>
        %get3A_1837 = arith.index_cast %add3A_1820 : i32 to index
        %get3A_1838 = arith.constant 64 : index
        %get3A_1839 = tpu.vector_load %arg9[%get3A_1837, %get3A_1838] {strides = array<i32>} : memref<64x128xf32, #tpu.memory_space<vmem>>, vector<1x16xf32>,
        %get3A_1840 = vector.shape_cast %get3A_1839 : vector<1x16xf32> to vector<16xf32>
        %get3A_1841 = arith.index_cast %add3A_1820 : i32 to index
        %get3A_1842 = arith.constant 80 : index
        %get3A_1843 = tpu.vector_load %arg9[%get3A_1841, %get3A_1842] {strides = array<i32>} : memref<64x128xf32, #tpu.memory_space<vmem>>, vector<1x16xf32>,
        %get3A_1844 = vector.shape_cast %get3A_1843 : vector<1x16xf32> to vector<16xf32>
        %get3A_1845 = arith.index_cast %add3A_1820 : i32 to index
        %get3A_1846 = arith.constant 96 : index
        %get3A_1847 = tpu.vector_load %arg9[%get3A_1845, %get3A_1846] {strides = array<i32>} : memref<64x128xf32, #tpu.memory_space<vmem>>, vector<1x16xf32>,
        %get3A_1848 = vector.shape_cast %get3A_1847 : vector<1x16xf32> to vector<16xf32>
        %get3A_1849 = arith.index_cast %add3A_1820 : i32 to index
        %get3A_1850 = arith.constant 112 : index
        %get3A_1851 = tpu.vector_load %arg9[%get3A_1849, %get3A_1850] {strides = array<i32>} : memref<64x128xf32, #tpu.memory_space<vmem>>, vector<1x16xf32>,
        %get3A_1852 = vector.shape_cast %get3A_1851 : vector<1x16xf32> to vector<16xf32>
        %add3A_1853 = arith.addf %get3A_1824, %get3A_1380 : vector<16xf32>
        %swap3A_1854 = arith.index_cast %add3A_1820 : i32 to index
        %swap3A_1855 = arith.constant 0 : index
        %swap3A_1856 = tpu.vector_load %arg11[%swap3A_1854, %swap3A_1855] {strides = array<i32>} : memref<64x128xf32, #tpu.memory_space<vmem>>, vector<1x16xf32>,
        %swap3A_1857 = vector.shape_cast %swap3A_1856 : vector<1x16xf32> to vector<16xf32>
        %swap3A_1858 = vector.shape_cast %add3A_1853 : vector<16xf32> to vector<1x16xf32>
        tpu.vector_store %arg11[%swap3A_1854, %swap3A_1855], %swap3A_1858 {strides = array<i32>} : memref<64x128xf32, #tpu.memory_space<vmem>>, vector<1x16xf32>,
        %add3A_1859 = arith.addf %get3A_1828, %get3A_1384 : vector<16xf32>
        %swap3A_1860 = arith.index_cast %add3A_1820 : i32 to index
        %swap3A_1861 = arith.constant 16 : index
        %swap3A_1862 = tpu.vector_load %arg11[%swap3A_1860, %swap3A_1861] {strides = array<i32>} : memref<64x128xf32, #tpu.memory_space<vmem>>, vector<1x16xf32>,
        %swap3A_1863 = vector.shape_cast %swap3A_1862 : vector<1x16xf32> to vector<16xf32>
        %swap3A_1864 = vector.shape_cast %add3A_1859 : vector<16xf32> to vector<1x16xf32>
        tpu.vector_store %arg11[%swap3A_1860, %swap3A_1861], %swap3A_1864 {strides = array<i32>} : memref<64x128xf32, #tpu.memory_space<vmem>>, vector<1x16xf32>,
        %add3A_1865 = arith.addf %get3A_1832, %get3A_1388 : vector<16xf32>
        %swap3A_1866 = arith.index_cast %add3A_1820 : i32 to index
        %swap3A_1867 = arith.constant 32 : index
        %swap3A_1868 = tpu.vector_load %arg11[%swap3A_1866, %swap3A_1867] {strides = array<i32>} : memref<64x128xf32, #tpu.memory_space<vmem>>, vector<1x16xf32>,
        %swap3A_1869 = vector.shape_cast %swap3A_1868 : vector<1x16xf32> to vector<16xf32>
        %swap3A_1870 = vector.shape_cast %add3A_1865 : vector<16xf32> to vector<1x16xf32>
        tpu.vector_store %arg11[%swap3A_1866, %swap3A_1867], %swap3A_1870 {strides = array<i32>} : memref<64x128xf32, #tpu.memory_space<vmem>>, vector<1x16xf32>,
        %add3A_1871 = arith.addf %get3A_1836, %get3A_1392 : vector<16xf32>
        %swap3A_1872 = arith.index_cast %add3A_1820 : i32 to index
        %swap3A_1873 = arith.constant 48 : index
        %swap3A_1874 = tpu.vector_load %arg11[%swap3A_1872, %swap3A_1873] {strides = array<i32>} : memref<64x128xf32, #tpu.memory_space<vmem>>, vector<1x16xf32>,
        %swap3A_1875 = vector.shape_cast %swap3A_1874 : vector<1x16xf32> to vector<16xf32>
        %swap3A_1876 = vector.shape_cast %add3A_1871 : vector<16xf32> to vector<1x16xf32>
        tpu.vector_store %arg11[%swap3A_1872, %swap3A_1873], %swap3A_1876 {strides = array<i32>} : memref<64x128xf32, #tpu.memory_space<vmem>>, vector<1x16xf32>,
        %add3A_1877 = arith.addf %get3A_1840, %get3A_1396 : vector<16xf32>
        %swap3A_1878 = arith.index_cast %add3A_1820 : i32 to index
        %swap3A_1879 = arith.constant 64 : index
        %swap3A_1880 = tpu.vector_load %arg11[%swap3A_1878, %swap3A_1879] {strides = array<i32>} : memref<64x128xf32, #tpu.memory_space<vmem>>, vector<1x16xf32>,
        %swap3A_1881 = vector.shape_cast %swap3A_1880 : vector<1x16xf32> to vector<16xf32>
        %swap3A_1882 = vector.shape_cast %add3A_1877 : vector<16xf32> to vector<1x16xf32>
        tpu.vector_store %arg11[%swap3A_1878, %swap3A_1879], %swap3A_1882 {strides = array<i32>} : memref<64x128xf32, #tpu.memory_space<vmem>>, vector<1x16xf32>,
        %add3A_1883 = arith.addf %get3A_1844, %get3A_1400 : vector<16xf32>
        %swap3A_1884 = arith.index_cast %add3A_1820 : i32 to index
        %swap3A_1885 = arith.constant 80 : index
        %swap3A_1886 = tpu.vector_load %arg11[%swap3A_1884, %swap3A_1885] {strides = array<i32>} : memref<64x128xf32, #tpu.memory_space<vmem>>, vector<1x16xf32>,
        %swap3A_1887 = vector.shape_cast %swap3A_1886 : vector<1x16xf32> to vector<16xf32>
        %swap3A_1888 = vector.shape_cast %add3A_1883 : vector<16xf32> to vector<1x16xf32>
        tpu.vector_store %arg11[%swap3A_1884, %swap3A_1885], %swap3A_1888 {strides = array<i32>} : memref<64x128xf32, #tpu.memory_space<vmem>>, vector<1x16xf32>,
        %add3A_1889 = arith.addf %get3A_1848, %get3A_1404 : vector<16xf32>
        %swap3A_1890 = arith.index_cast %add3A_1820 : i32 to index
        %swap3A_1891 = arith.constant 96 : index
        %swap3A_1892 = tpu.vector_load %arg11[%swap3A_1890, %swap3A_1891] {strides = array<i32>} : memref<64x128xf32, #tpu.memory_space<vmem>>, vector<1x16xf32>,
        %swap3A_1893 = vector.shape_cast %swap3A_1892 : vector<1x16xf32> to vector<16xf32>
        %swap3A_1894 = vector.shape_cast %add3A_1889 : vector<16xf32> to vector<1x16xf32>
        tpu.vector_store %arg11[%swap3A_1890, %swap3A_1891], %swap3A_1894 {strides = array<i32>} : memref<64x128xf32, #tpu.memory_space<vmem>>, vector<1x16xf32>,
        %add3A_1895 = arith.addf %get3A_1852, %get3A_1408 : vector<16xf32>
        %swap3A_1896 = arith.index_cast %add3A_1820 : i32 to index
        %swap3A_1897 = arith.constant 112 : index
        %swap3A_1898 = tpu.vector_load %arg11[%swap3A_1896, %swap3A_1897] {strides = array<i32>} : memref<64x128xf32, #tpu.memory_space<vmem>>, vector<1x16xf32>,
        %swap3A_1899 = vector.shape_cast %swap3A_1898 : vector<1x16xf32> to vector<16xf32>
        %swap3A_1900 = vector.shape_cast %add3A_1895 : vector<16xf32> to vector<1x16xf32>
        tpu.vector_store %arg11[%swap3A_1896, %swap3A_1897], %swap3A_1900 {strides = array<i32>} : memref<64x128xf32, #tpu.memory_space<vmem>>, vector<1x16xf32>,
        %add3A_1901 = arith.constant 48 : i32
        %add3A_1902 = arith.addi %add3A_1901, %scan3A_1375 : i32
        %get3A_1903 = arith.index_cast %add3A_1902 : i32 to index
        %get3A_1904 = arith.constant 0 : index
        %get3A_1905 = tpu.vector_load %arg9[%get3A_1903, %get3A_1904] {strides = array<i32>} : memref<64x128xf32, #tpu.memory_space<vmem>>, vector<1x16xf32>,
        %get3A_1906 = vector.shape_cast %get3A_1905 : vector<1x16xf32> to vector<16xf32>
        %get3A_1907 = arith.index_cast %add3A_1902 : i32 to index
        %get3A_1908 = arith.constant 16 : index
        %get3A_1909 = tpu.vector_load %arg9[%get3A_1907, %get3A_1908] {strides = array<i32>} : memref<64x128xf32, #tpu.memory_space<vmem>>, vector<1x16xf32>,
        %get3A_1910 = vector.shape_cast %get3A_1909 : vector<1x16xf32> to vector<16xf32>
        %get3A_1911 = arith.index_cast %add3A_1902 : i32 to index
        %get3A_1912 = arith.constant 32 : index
        %get3A_1913 = tpu.vector_load %arg9[%get3A_1911, %get3A_1912] {strides = array<i32>} : memref<64x128xf32, #tpu.memory_space<vmem>>, vector<1x16xf32>,
        %get3A_1914 = vector.shape_cast %get3A_1913 : vector<1x16xf32> to vector<16xf32>
        %get3A_1915 = arith.index_cast %add3A_1902 : i32 to index
        %get3A_1916 = arith.constant 48 : index
        %get3A_1917 = tpu.vector_load %arg9[%get3A_1915, %get3A_1916] {strides = array<i32>} : memref<64x128xf32, #tpu.memory_space<vmem>>, vector<1x16xf32>,
        %get3A_1918 = vector.shape_cast %get3A_1917 : vector<1x16xf32> to vector<16xf32>
        %get3A_1919 = arith.index_cast %add3A_1902 : i32 to index
        %get3A_1920 = arith.constant 64 : index
        %get3A_1921 = tpu.vector_load %arg9[%get3A_1919, %get3A_1920] {strides = array<i32>} : memref<64x128xf32, #tpu.memory_space<vmem>>, vector<1x16xf32>,
        %get3A_1922 = vector.shape_cast %get3A_1921 : vector<1x16xf32> to vector<16xf32>
        %get3A_1923 = arith.index_cast %add3A_1902 : i32 to index
        %get3A_1924 = arith.constant 80 : index
        %get3A_1925 = tpu.vector_load %arg9[%get3A_1923, %get3A_1924] {strides = array<i32>} : memref<64x128xf32, #tpu.memory_space<vmem>>, vector<1x16xf32>,
        %get3A_1926 = vector.shape_cast %get3A_1925 : vector<1x16xf32> to vector<16xf32>
        %get3A_1927 = arith.index_cast %add3A_1902 : i32 to index
        %get3A_1928 = arith.constant 96 : index
        %get3A_1929 = tpu.vector_load %arg9[%get3A_1927, %get3A_1928] {strides = array<i32>} : memref<64x128xf32, #tpu.memory_space<vmem>>, vector<1x16xf32>,
        %get3A_1930 = vector.shape_cast %get3A_1929 : vector<1x16xf32> to vector<16xf32>
        %get3A_1931 = arith.index_cast %add3A_1902 : i32 to index
        %get3A_1932 = arith.constant 112 : index
        %get3A_1933 = tpu.vector_load %arg9[%get3A_1931, %get3A_1932] {strides = array<i32>} : memref<64x128xf32, #tpu.memory_space<vmem>>, vector<1x16xf32>,
        %get3A_1934 = vector.shape_cast %get3A_1933 : vector<1x16xf32> to vector<16xf32>
        %add3A_1935 = arith.addf %get3A_1906, %get3A_1380 : vector<16xf32>
        %swap3A_1936 = arith.index_cast %add3A_1902 : i32 to index
        %swap3A_1937 = arith.constant 0 : index
        %swap3A_1938 = tpu.vector_load %arg11[%swap3A_1936, %swap3A_1937] {strides = array<i32>} : memref<64x128xf32, #tpu.memory_space<vmem>>, vector<1x16xf32>,
        %swap3A_1939 = vector.shape_cast %swap3A_1938 : vector<1x16xf32> to vector<16xf32>
        %swap3A_1940 = vector.shape_cast %add3A_1935 : vector<16xf32> to vector<1x16xf32>
        tpu.vector_store %arg11[%swap3A_1936, %swap3A_1937], %swap3A_1940 {strides = array<i32>} : memref<64x128xf32, #tpu.memory_space<vmem>>, vector<1x16xf32>,
        %add3A_1941 = arith.addf %get3A_1910, %get3A_1384 : vector<16xf32>
        %swap3A_1942 = arith.index_cast %add3A_1902 : i32 to index
        %swap3A_1943 = arith.constant 16 : index
        %swap3A_1944 = tpu.vector_load %arg11[%swap3A_1942, %swap3A_1943] {strides = array<i32>} : memref<64x128xf32, #tpu.memory_space<vmem>>, vector<1x16xf32>,
        %swap3A_1945 = vector.shape_cast %swap3A_1944 : vector<1x16xf32> to vector<16xf32>
        %swap3A_1946 = vector.shape_cast %add3A_1941 : vector<16xf32> to vector<1x16xf32>
        tpu.vector_store %arg11[%swap3A_1942, %swap3A_1943], %swap3A_1946 {strides = array<i32>} : memref<64x128xf32, #tpu.memory_space<vmem>>, vector<1x16xf32>,
        %add3A_1947 = arith.addf %get3A_1914, %get3A_1388 : vector<16xf32>
        %swap3A_1948 = arith.index_cast %add3A_1902 : i32 to index
        %swap3A_1949 = arith.constant 32 : index
        %swap3A_1950 = tpu.vector_load %arg11[%swap3A_1948, %swap3A_1949] {strides = array<i32>} : memref<64x128xf32, #tpu.memory_space<vmem>>, vector<1x16xf32>,
        %swap3A_1951 = vector.shape_cast %swap3A_1950 : vector<1x16xf32> to vector<16xf32>
        %swap3A_1952 = vector.shape_cast %add3A_1947 : vector<16xf32> to vector<1x16xf32>
        tpu.vector_store %arg11[%swap3A_1948, %swap3A_1949], %swap3A_1952 {strides = array<i32>} : memref<64x128xf32, #tpu.memory_space<vmem>>, vector<1x16xf32>,
        %add3A_1953 = arith.addf %get3A_1918, %get3A_1392 : vector<16xf32>
        %swap3A_1954 = arith.index_cast %add3A_1902 : i32 to index
        %swap3A_1955 = arith.constant 48 : index
        %swap3A_1956 = tpu.vector_load %arg11[%swap3A_1954, %swap3A_1955] {strides = array<i32>} : memref<64x128xf32, #tpu.memory_space<vmem>>, vector<1x16xf32>,
        %swap3A_1957 = vector.shape_cast %swap3A_1956 : vector<1x16xf32> to vector<16xf32>
        %swap3A_1958 = vector.shape_cast %add3A_1953 : vector<16xf32> to vector<1x16xf32>
        tpu.vector_store %arg11[%swap3A_1954, %swap3A_1955], %swap3A_1958 {strides = array<i32>} : memref<64x128xf32, #tpu.memory_space<vmem>>, vector<1x16xf32>,
        %add3A_1959 = arith.addf %get3A_1922, %get3A_1396 : vector<16xf32>
        %swap3A_1960 = arith.index_cast %add3A_1902 : i32 to index
        %swap3A_1961 = arith.constant 64 : index
        %swap3A_1962 = tpu.vector_load %arg11[%swap3A_1960, %swap3A_1961] {strides = array<i32>} : memref<64x128xf32, #tpu.memory_space<vmem>>, vector<1x16xf32>,
        %swap3A_1963 = vector.shape_cast %swap3A_1962 : vector<1x16xf32> to vector<16xf32>
        %swap3A_1964 = vector.shape_cast %add3A_1959 : vector<16xf32> to vector<1x16xf32>
        tpu.vector_store %arg11[%swap3A_1960, %swap3A_1961], %swap3A_1964 {strides = array<i32>} : memref<64x128xf32, #tpu.memory_space<vmem>>, vector<1x16xf32>,
        %add3A_1965 = arith.addf %get3A_1926, %get3A_1400 : vector<16xf32>
        %swap3A_1966 = arith.index_cast %add3A_1902 : i32 to index
        %swap3A_1967 = arith.constant 80 : index
        %swap3A_1968 = tpu.vector_load %arg11[%swap3A_1966, %swap3A_1967] {strides = array<i32>} : memref<64x128xf32, #tpu.memory_space<vmem>>, vector<1x16xf32>,
        %swap3A_1969 = vector.shape_cast %swap3A_1968 : vector<1x16xf32> to vector<16xf32>
        %swap3A_1970 = vector.shape_cast %add3A_1965 : vector<16xf32> to vector<1x16xf32>
        tpu.vector_store %arg11[%swap3A_1966, %swap3A_1967], %swap3A_1970 {strides = array<i32>} : memref<64x128xf32, #tpu.memory_space<vmem>>, vector<1x16xf32>,
        %add3A_1971 = arith.addf %get3A_1930, %get3A_1404 : vector<16xf32>
        %swap3A_1972 = arith.index_cast %add3A_1902 : i32 to index
        %swap3A_1973 = arith.constant 96 : index
        %swap3A_1974 = tpu.vector_load %arg11[%swap3A_1972, %swap3A_1973] {strides = array<i32>} : memref<64x128xf32, #tpu.memory_space<vmem>>, vector<1x16xf32>,
        %swap3A_1975 = vector.shape_cast %swap3A_1974 : vector<1x16xf32> to vector<16xf32>
        %swap3A_1976 = vector.shape_cast %add3A_1971 : vector<16xf32> to vector<1x16xf32>
        tpu.vector_store %arg11[%swap3A_1972, %swap3A_1973], %swap3A_1976 {strides = array<i32>} : memref<64x128xf32, #tpu.memory_space<vmem>>, vector<1x16xf32>,
        %add3A_1977 = arith.addf %get3A_1934, %get3A_1408 : vector<16xf32>
        %swap3A_1978 = arith.index_cast %add3A_1902 : i32 to index
        %swap3A_1979 = arith.constant 112 : index
        %swap3A_1980 = tpu.vector_load %arg11[%swap3A_1978, %swap3A_1979] {strides = array<i32>} : memref<64x128xf32, #tpu.memory_space<vmem>>, vector<1x16xf32>,
        %swap3A_1981 = vector.shape_cast %swap3A_1980 : vector<1x16xf32> to vector<16xf32>
        %swap3A_1982 = vector.shape_cast %add3A_1977 : vector<16xf32> to vector<1x16xf32>
        tpu.vector_store %arg11[%swap3A_1978, %swap3A_1979], %swap3A_1982 {strides = array<i32>} : memref<64x128xf32, #tpu.memory_space<vmem>>, vector<1x16xf32>,
        %add3A_1983 = arith.constant 56 : i32
        %add3A_1984 = arith.addi %add3A_1983, %scan3A_1375 : i32
        %get3A_1985 = arith.index_cast %add3A_1984 : i32 to index
        %get3A_1986 = arith.constant 0 : index
        %get3A_1987 = tpu.vector_load %arg9[%get3A_1985, %get3A_1986] {strides = array<i32>} : memref<64x128xf32, #tpu.memory_space<vmem>>, vector<1x16xf32>,
        %get3A_1988 = vector.shape_cast %get3A_1987 : vector<1x16xf32> to vector<16xf32>
        %get3A_1989 = arith.index_cast %add3A_1984 : i32 to index
        %get3A_1990 = arith.constant 16 : index
        %get3A_1991 = tpu.vector_load %arg9[%get3A_1989, %get3A_1990] {strides = array<i32>} : memref<64x128xf32, #tpu.memory_space<vmem>>, vector<1x16xf32>,
        %get3A_1992 = vector.shape_cast %get3A_1991 : vector<1x16xf32> to vector<16xf32>
        %get3A_1993 = arith.index_cast %add3A_1984 : i32 to index
        %get3A_1994 = arith.constant 32 : index
        %get3A_1995 = tpu.vector_load %arg9[%get3A_1993, %get3A_1994] {strides = array<i32>} : memref<64x128xf32, #tpu.memory_space<vmem>>, vector<1x16xf32>,
        %get3A_1996 = vector.shape_cast %get3A_1995 : vector<1x16xf32> to vector<16xf32>
        %get3A_1997 = arith.index_cast %add3A_1984 : i32 to index
        %get3A_1998 = arith.constant 48 : index
        %get3A_1999 = tpu.vector_load %arg9[%get3A_1997, %get3A_1998] {strides = array<i32>} : memref<64x128xf32, #tpu.memory_space<vmem>>, vector<1x16xf32>,
        %get3A_2000 = vector.shape_cast %get3A_1999 : vector<1x16xf32> to vector<16xf32>
        %get3A_2001 = arith.index_cast %add3A_1984 : i32 to index
        %get3A_2002 = arith.constant 64 : index
        %get3A_2003 = tpu.vector_load %arg9[%get3A_2001, %get3A_2002] {strides = array<i32>} : memref<64x128xf32, #tpu.memory_space<vmem>>, vector<1x16xf32>,
        %get3A_2004 = vector.shape_cast %get3A_2003 : vector<1x16xf32> to vector<16xf32>
        %get3A_2005 = arith.index_cast %add3A_1984 : i32 to index
        %get3A_2006 = arith.constant 80 : index
        %get3A_2007 = tpu.vector_load %arg9[%get3A_2005, %get3A_2006] {strides = array<i32>} : memref<64x128xf32, #tpu.memory_space<vmem>>, vector<1x16xf32>,
        %get3A_2008 = vector.shape_cast %get3A_2007 : vector<1x16xf32> to vector<16xf32>
        %get3A_2009 = arith.index_cast %add3A_1984 : i32 to index
        %get3A_2010 = arith.constant 96 : index
        %get3A_2011 = tpu.vector_load %arg9[%get3A_2009, %get3A_2010] {strides = array<i32>} : memref<64x128xf32, #tpu.memory_space<vmem>>, vector<1x16xf32>,
        %get3A_2012 = vector.shape_cast %get3A_2011 : vector<1x16xf32> to vector<16xf32>
        %get3A_2013 = arith.index_cast %add3A_1984 : i32 to index
        %get3A_2014 = arith.constant 112 : index
        %get3A_2015 = tpu.vector_load %arg9[%get3A_2013, %get3A_2014] {strides = array<i32>} : memref<64x128xf32, #tpu.memory_space<vmem>>, vector<1x16xf32>,
        %get3A_2016 = vector.shape_cast %get3A_2015 : vector<1x16xf32> to vector<16xf32>
        %add3A_2017 = arith.addf %get3A_1988, %get3A_1380 : vector<16xf32>
        %swap3A_2018 = arith.index_cast %add3A_1984 : i32 to index
        %swap3A_2019 = arith.constant 0 : index
        %swap3A_2020 = tpu.vector_load %arg11[%swap3A_2018, %swap3A_2019] {strides = array<i32>} : memref<64x128xf32, #tpu.memory_space<vmem>>, vector<1x16xf32>,
        %swap3A_2021 = vector.shape_cast %swap3A_2020 : vector<1x16xf32> to vector<16xf32>
        %swap3A_2022 = vector.shape_cast %add3A_2017 : vector<16xf32> to vector<1x16xf32>
        tpu.vector_store %arg11[%swap3A_2018, %swap3A_2019], %swap3A_2022 {strides = array<i32>} : memref<64x128xf32, #tpu.memory_space<vmem>>, vector<1x16xf32>,
        %add3A_2023 = arith.addf %get3A_1992, %get3A_1384 : vector<16xf32>
        %swap3A_2024 = arith.index_cast %add3A_1984 : i32 to index
        %swap3A_2025 = arith.constant 16 : index
        %swap3A_2026 = tpu.vector_load %arg11[%swap3A_2024, %swap3A_2025] {strides = array<i32>} : memref<64x128xf32, #tpu.memory_space<vmem>>, vector<1x16xf32>,
        %swap3A_2027 = vector.shape_cast %swap3A_2026 : vector<1x16xf32> to vector<16xf32>
        %swap3A_2028 = vector.shape_cast %add3A_2023 : vector<16xf32> to vector<1x16xf32>
        tpu.vector_store %arg11[%swap3A_2024, %swap3A_2025], %swap3A_2028 {strides = array<i32>} : memref<64x128xf32, #tpu.memory_space<vmem>>, vector<1x16xf32>,
        %add3A_2029 = arith.addf %get3A_1996, %get3A_1388 : vector<16xf32>
        %swap3A_2030 = arith.index_cast %add3A_1984 : i32 to index
        %swap3A_2031 = arith.constant 32 : index
        %swap3A_2032 = tpu.vector_load %arg11[%swap3A_2030, %swap3A_2031] {strides = array<i32>} : memref<64x128xf32, #tpu.memory_space<vmem>>, vector<1x16xf32>,
        %swap3A_2033 = vector.shape_cast %swap3A_2032 : vector<1x16xf32> to vector<16xf32>
        %swap3A_2034 = vector.shape_cast %add3A_2029 : vector<16xf32> to vector<1x16xf32>
        tpu.vector_store %arg11[%swap3A_2030, %swap3A_2031], %swap3A_2034 {strides = array<i32>} : memref<64x128xf32, #tpu.memory_space<vmem>>, vector<1x16xf32>,
        %add3A_2035 = arith.addf %get3A_2000, %get3A_1392 : vector<16xf32>
        %swap3A_2036 = arith.index_cast %add3A_1984 : i32 to index
        %swap3A_2037 = arith.constant 48 : index
        %swap3A_2038 = tpu.vector_load %arg11[%swap3A_2036, %swap3A_2037] {strides = array<i32>} : memref<64x128xf32, #tpu.memory_space<vmem>>, vector<1x16xf32>,
        %swap3A_2039 = vector.shape_cast %swap3A_2038 : vector<1x16xf32> to vector<16xf32>
        %swap3A_2040 = vector.shape_cast %add3A_2035 : vector<16xf32> to vector<1x16xf32>
        tpu.vector_store %arg11[%swap3A_2036, %swap3A_2037], %swap3A_2040 {strides = array<i32>} : memref<64x128xf32, #tpu.memory_space<vmem>>, vector<1x16xf32>,
        %add3A_2041 = arith.addf %get3A_2004, %get3A_1396 : vector<16xf32>
        %swap3A_2042 = arith.index_cast %add3A_1984 : i32 to index
        %swap3A_2043 = arith.constant 64 : index
        %swap3A_2044 = tpu.vector_load %arg11[%swap3A_2042, %swap3A_2043] {strides = array<i32>} : memref<64x128xf32, #tpu.memory_space<vmem>>, vector<1x16xf32>,
        %swap3A_2045 = vector.shape_cast %swap3A_2044 : vector<1x16xf32> to vector<16xf32>
        %swap3A_2046 = vector.shape_cast %add3A_2041 : vector<16xf32> to vector<1x16xf32>
        tpu.vector_store %arg11[%swap3A_2042, %swap3A_2043], %swap3A_2046 {strides = array<i32>} : memref<64x128xf32, #tpu.memory_space<vmem>>, vector<1x16xf32>,
        %add3A_2047 = arith.addf %get3A_2008, %get3A_1400 : vector<16xf32>
        %swap3A_2048 = arith.index_cast %add3A_1984 : i32 to index
        %swap3A_2049 = arith.constant 80 : index
        %swap3A_2050 = tpu.vector_load %arg11[%swap3A_2048, %swap3A_2049] {strides = array<i32>} : memref<64x128xf32, #tpu.memory_space<vmem>>, vector<1x16xf32>,
        %swap3A_2051 = vector.shape_cast %swap3A_2050 : vector<1x16xf32> to vector<16xf32>
        %swap3A_2052 = vector.shape_cast %add3A_2047 : vector<16xf32> to vector<1x16xf32>
        tpu.vector_store %arg11[%swap3A_2048, %swap3A_2049], %swap3A_2052 {strides = array<i32>} : memref<64x128xf32, #tpu.memory_space<vmem>>, vector<1x16xf32>,
        %add3A_2053 = arith.addf %get3A_2012, %get3A_1404 : vector<16xf32>
        %swap3A_2054 = arith.index_cast %add3A_1984 : i32 to index
        %swap3A_2055 = arith.constant 96 : index
        %swap3A_2056 = tpu.vector_load %arg11[%swap3A_2054, %swap3A_2055] {strides = array<i32>} : memref<64x128xf32, #tpu.memory_space<vmem>>, vector<1x16xf32>,
        %swap3A_2057 = vector.shape_cast %swap3A_2056 : vector<1x16xf32> to vector<16xf32>
        %swap3A_2058 = vector.shape_cast %add3A_2053 : vector<16xf32> to vector<1x16xf32>
        tpu.vector_store %arg11[%swap3A_2054, %swap3A_2055], %swap3A_2058 {strides = array<i32>} : memref<64x128xf32, #tpu.memory_space<vmem>>, vector<1x16xf32>,
        %add3A_2059 = arith.addf %get3A_2016, %get3A_1408 : vector<16xf32>
        %swap3A_2060 = arith.index_cast %add3A_1984 : i32 to index
        %swap3A_2061 = arith.constant 112 : index
        %swap3A_2062 = tpu.vector_load %arg11[%swap3A_2060, %swap3A_2061] {strides = array<i32>} : memref<64x128xf32, #tpu.memory_space<vmem>>, vector<1x16xf32>,
        %swap3A_2063 = vector.shape_cast %swap3A_2062 : vector<1x16xf32> to vector<16xf32>
        %swap3A_2064 = vector.shape_cast %add3A_2059 : vector<16xf32> to vector<1x16xf32>
        tpu.vector_store %arg11[%swap3A_2060, %swap3A_2061], %swap3A_2064 {strides = array<i32>} : memref<64x128xf32, #tpu.memory_space<vmem>>, vector<1x16xf32>,
        %scan3A_2065 = arith.constant 0 : i32
        scf.yield %scan3A_2065 : i32
      }
      %scan3A_317 = arith.constant 8 : i32
      %lt3A = arith.constant 49 : i32
      %lt3A_318 = arith.cmpi slt, %scan3A_287, %lt3A : i32
      %convert_element_type3A_319 = arith.extui %lt3A_318 : i1 to i32
      %cond3A_320 = arith.constant 0 : i32
      %cond3A_321 = arith.cmpi ne, %convert_element_type3A_319, %cond3A_320 : i32
      scf.if %cond3A_321 {
        %add3A_684 = arith.constant 2 : i32
        %add3A_685 = arith.addi %add3A_292, %add3A_684 : i32
        %div3A_686 = arith.constant 25 : i32
        %div3A_687 = arith.divsi %add3A_685, %div3A_686 : i32
        %rem3A_688 = arith.constant 25 : i32
        %rem3A_689 = arith.remsi %add3A_685, %rem3A_688 : i32
        %mul3A_690 = arith.constant 8 : i32
        %mul3A_691 = arith.muli %div3A_687, %mul3A_690 : i32
        %add3A_692 = arith.constant 0 : i32
        %add3A_693 = arith.addi %mul3A_691, %add3A_692 : i32
        %mul3A_694 = arith.constant 200 : i32
        %mul3A_695 = arith.muli %add3A_693, %mul3A_694 : i32
        %mul3A_696 = arith.constant 8 : i32
        %mul3A_697 = arith.muli %rem3A_689, %mul3A_696 : i32
        %add3A_698 = arith.addi %mul3A_695, %mul3A_697 : i32
        %dma_start3A_699 = arith.constant 0 : i32
        %dma_start3A_700 = arith.constant 0 : i32
        %dma_start3A_701 = tpu.memref_slice %arg9[%dma_start3A_699, %dma_start3A_700] : memref<64x128xf32, #tpu.memory_space<vmem>> -> memref<8x128xf32, #tpu.memory_space<vmem>>
        %dma_start3A_702 = tpu.memref_slice %arg6[%add3A_698] : memref<6400xi32, #tpu.memory_space<vmem>> -> memref<8xi32, #tpu.memory_space<vmem>>
        %dma_start3A_703 = arith.constant 0 : i32
        %dma_start3A_704 = arith.constant 0 : i32
        %dma_start3A_705 = tpu.memref_slice %arg3[%dma_start3A_703, %dma_start3A_704] : memref<100000x128xf32, #tpu.memory_space<hbm>> -> memref<100000x128xf32, #tpu.memory_space<hbm>>
        tpu.enqueue_indirect_dma source(%dma_start3A_705 : memref<100000x128xf32, #tpu.memory_space<hbm>>) target(%dma_start3A_701 : memref<8x128xf32, #tpu.memory_space<vmem>>) offsets(%dma_start3A_702 : memref<8xi32, #tpu.memory_space<vmem>>) semaphore(%arg13 : memref<!tpu.dma_semaphore, #tpu.memory_space<semaphore_mem>>)
        %mul3A_706 = arith.constant 8 : i32
        %mul3A_707 = arith.muli %div3A_687, %mul3A_706 : i32
        %add3A_708 = arith.constant 1 : i32
        %add3A_709 = arith.addi %mul3A_707, %add3A_708 : i32
        %mul3A_710 = arith.constant 200 : i32
        %mul3A_711 = arith.muli %add3A_709, %mul3A_710 : i32
        %mul3A_712 = arith.constant 8 : i32
        %mul3A_713 = arith.muli %rem3A_689, %mul3A_712 : i32
        %add3A_714 = arith.addi %mul3A_711, %mul3A_713 : i32
        %dma_start3A_715 = arith.constant 8 : i32
        %dma_start3A_716 = arith.constant 0 : i32
        %dma_start3A_717 = tpu.memref_slice %arg9[%dma_start3A_715, %dma_start3A_716] : memref<64x128xf32, #tpu.memory_space<vmem>> -> memref<8x128xf32, #tpu.memory_space<vmem>>
        %dma_start3A_718 = tpu.memref_slice %arg6[%add3A_714] : memref<6400xi32, #tpu.memory_space<vmem>> -> memref<8xi32, #tpu.memory_space<vmem>>
        %dma_start3A_719 = arith.constant 0 : i32
        %dma_start3A_720 = arith.constant 0 : i32
        %dma_start3A_721 = tpu.memref_slice %arg3[%dma_start3A_719, %dma_start3A_720] : memref<100000x128xf32, #tpu.memory_space<hbm>> -> memref<100000x128xf32, #tpu.memory_space<hbm>>
        tpu.enqueue_indirect_dma source(%dma_start3A_721 : memref<100000x128xf32, #tpu.memory_space<hbm>>) target(%dma_start3A_717 : memref<8x128xf32, #tpu.memory_space<vmem>>) offsets(%dma_start3A_718 : memref<8xi32, #tpu.memory_space<vmem>>) semaphore(%arg13 : memref<!tpu.dma_semaphore, #tpu.memory_space<semaphore_mem>>)
        %mul3A_722 = arith.constant 8 : i32
        %mul3A_723 = arith.muli %div3A_687, %mul3A_722 : i32
        %add3A_724 = arith.constant 2 : i32
        %add3A_725 = arith.addi %mul3A_723, %add3A_724 : i32
        %mul3A_726 = arith.constant 200 : i32
        %mul3A_727 = arith.muli %add3A_725, %mul3A_726 : i32
        %mul3A_728 = arith.constant 8 : i32
        %mul3A_729 = arith.muli %rem3A_689, %mul3A_728 : i32
        %add3A_730 = arith.addi %mul3A_727, %mul3A_729 : i32
        %dma_start3A_731 = arith.constant 16 : i32
        %dma_start3A_732 = arith.constant 0 : i32
        %dma_start3A_733 = tpu.memref_slice %arg9[%dma_start3A_731, %dma_start3A_732] : memref<64x128xf32, #tpu.memory_space<vmem>> -> memref<8x128xf32, #tpu.memory_space<vmem>>
        %dma_start3A_734 = tpu.memref_slice %arg6[%add3A_730] : memref<6400xi32, #tpu.memory_space<vmem>> -> memref<8xi32, #tpu.memory_space<vmem>>
        %dma_start3A_735 = arith.constant 0 : i32
        %dma_start3A_736 = arith.constant 0 : i32
        %dma_start3A_737 = tpu.memref_slice %arg3[%dma_start3A_735, %dma_start3A_736] : memref<100000x128xf32, #tpu.memory_space<hbm>> -> memref<100000x128xf32, #tpu.memory_space<hbm>>
        tpu.enqueue_indirect_dma source(%dma_start3A_737 : memref<100000x128xf32, #tpu.memory_space<hbm>>) target(%dma_start3A_733 : memref<8x128xf32, #tpu.memory_space<vmem>>) offsets(%dma_start3A_734 : memref<8xi32, #tpu.memory_space<vmem>>) semaphore(%arg13 : memref<!tpu.dma_semaphore, #tpu.memory_space<semaphore_mem>>)
        %mul3A_738 = arith.constant 8 : i32
        %mul3A_739 = arith.muli %div3A_687, %mul3A_738 : i32
        %add3A_740 = arith.constant 3 : i32
        %add3A_741 = arith.addi %mul3A_739, %add3A_740 : i32
        %mul3A_742 = arith.constant 200 : i32
        %mul3A_743 = arith.muli %add3A_741, %mul3A_742 : i32
        %mul3A_744 = arith.constant 8 : i32
        %mul3A_745 = arith.muli %rem3A_689, %mul3A_744 : i32
        %add3A_746 = arith.addi %mul3A_743, %mul3A_745 : i32
        %dma_start3A_747 = arith.constant 24 : i32
        %dma_start3A_748 = arith.constant 0 : i32
        %dma_start3A_749 = tpu.memref_slice %arg9[%dma_start3A_747, %dma_start3A_748] : memref<64x128xf32, #tpu.memory_space<vmem>> -> memref<8x128xf32, #tpu.memory_space<vmem>>
        %dma_start3A_750 = tpu.memref_slice %arg6[%add3A_746] : memref<6400xi32, #tpu.memory_space<vmem>> -> memref<8xi32, #tpu.memory_space<vmem>>
        %dma_start3A_751 = arith.constant 0 : i32
        %dma_start3A_752 = arith.constant 0 : i32
        %dma_start3A_753 = tpu.memref_slice %arg3[%dma_start3A_751, %dma_start3A_752] : memref<100000x128xf32, #tpu.memory_space<hbm>> -> memref<100000x128xf32, #tpu.memory_space<hbm>>
        tpu.enqueue_indirect_dma source(%dma_start3A_753 : memref<100000x128xf32, #tpu.memory_space<hbm>>) target(%dma_start3A_749 : memref<8x128xf32, #tpu.memory_space<vmem>>) offsets(%dma_start3A_750 : memref<8xi32, #tpu.memory_space<vmem>>) semaphore(%arg13 : memref<!tpu.dma_semaphore, #tpu.memory_space<semaphore_mem>>)
        %mul3A_754 = arith.constant 8 : i32
        %mul3A_755 = arith.muli %div3A_687, %mul3A_754 : i32
        %add3A_756 = arith.constant 4 : i32
        %add3A_757 = arith.addi %mul3A_755, %add3A_756 : i32
        %mul3A_758 = arith.constant 200 : i32
        %mul3A_759 = arith.muli %add3A_757, %mul3A_758 : i32
        %mul3A_760 = arith.constant 8 : i32
        %mul3A_761 = arith.muli %rem3A_689, %mul3A_760 : i32
        %add3A_762 = arith.addi %mul3A_759, %mul3A_761 : i32
        %dma_start3A_763 = arith.constant 32 : i32
        %dma_start3A_764 = arith.constant 0 : i32
        %dma_start3A_765 = tpu.memref_slice %arg9[%dma_start3A_763, %dma_start3A_764] : memref<64x128xf32, #tpu.memory_space<vmem>> -> memref<8x128xf32, #tpu.memory_space<vmem>>
        %dma_start3A_766 = tpu.memref_slice %arg6[%add3A_762] : memref<6400xi32, #tpu.memory_space<vmem>> -> memref<8xi32, #tpu.memory_space<vmem>>
        %dma_start3A_767 = arith.constant 0 : i32
        %dma_start3A_768 = arith.constant 0 : i32
        %dma_start3A_769 = tpu.memref_slice %arg3[%dma_start3A_767, %dma_start3A_768] : memref<100000x128xf32, #tpu.memory_space<hbm>> -> memref<100000x128xf32, #tpu.memory_space<hbm>>
        tpu.enqueue_indirect_dma source(%dma_start3A_769 : memref<100000x128xf32, #tpu.memory_space<hbm>>) target(%dma_start3A_765 : memref<8x128xf32, #tpu.memory_space<vmem>>) offsets(%dma_start3A_766 : memref<8xi32, #tpu.memory_space<vmem>>) semaphore(%arg13 : memref<!tpu.dma_semaphore, #tpu.memory_space<semaphore_mem>>)
        %mul3A_770 = arith.constant 8 : i32
        %mul3A_771 = arith.muli %div3A_687, %mul3A_770 : i32
        %add3A_772 = arith.constant 5 : i32
        %add3A_773 = arith.addi %mul3A_771, %add3A_772 : i32
        %mul3A_774 = arith.constant 200 : i32
        %mul3A_775 = arith.muli %add3A_773, %mul3A_774 : i32
        %mul3A_776 = arith.constant 8 : i32
        %mul3A_777 = arith.muli %rem3A_689, %mul3A_776 : i32
        %add3A_778 = arith.addi %mul3A_775, %mul3A_777 : i32
        %dma_start3A_779 = arith.constant 40 : i32
        %dma_start3A_780 = arith.constant 0 : i32
        %dma_start3A_781 = tpu.memref_slice %arg9[%dma_start3A_779, %dma_start3A_780] : memref<64x128xf32, #tpu.memory_space<vmem>> -> memref<8x128xf32, #tpu.memory_space<vmem>>
        %dma_start3A_782 = tpu.memref_slice %arg6[%add3A_778] : memref<6400xi32, #tpu.memory_space<vmem>> -> memref<8xi32, #tpu.memory_space<vmem>>
        %dma_start3A_783 = arith.constant 0 : i32
        %dma_start3A_784 = arith.constant 0 : i32
        %dma_start3A_785 = tpu.memref_slice %arg3[%dma_start3A_783, %dma_start3A_784] : memref<100000x128xf32, #tpu.memory_space<hbm>> -> memref<100000x128xf32, #tpu.memory_space<hbm>>
        tpu.enqueue_indirect_dma source(%dma_start3A_785 : memref<100000x128xf32, #tpu.memory_space<hbm>>) target(%dma_start3A_781 : memref<8x128xf32, #tpu.memory_space<vmem>>) offsets(%dma_start3A_782 : memref<8xi32, #tpu.memory_space<vmem>>) semaphore(%arg13 : memref<!tpu.dma_semaphore, #tpu.memory_space<semaphore_mem>>)
        %mul3A_786 = arith.constant 8 : i32
        %mul3A_787 = arith.muli %div3A_687, %mul3A_786 : i32
        %add3A_788 = arith.constant 6 : i32
        %add3A_789 = arith.addi %mul3A_787, %add3A_788 : i32
        %mul3A_790 = arith.constant 200 : i32
        %mul3A_791 = arith.muli %add3A_789, %mul3A_790 : i32
        %mul3A_792 = arith.constant 8 : i32
        %mul3A_793 = arith.muli %rem3A_689, %mul3A_792 : i32
        %add3A_794 = arith.addi %mul3A_791, %mul3A_793 : i32
        %dma_start3A_795 = arith.constant 48 : i32
        %dma_start3A_796 = arith.constant 0 : i32
        %dma_start3A_797 = tpu.memref_slice %arg9[%dma_start3A_795, %dma_start3A_796] : memref<64x128xf32, #tpu.memory_space<vmem>> -> memref<8x128xf32, #tpu.memory_space<vmem>>
        %dma_start3A_798 = tpu.memref_slice %arg6[%add3A_794] : memref<6400xi32, #tpu.memory_space<vmem>> -> memref<8xi32, #tpu.memory_space<vmem>>
        %dma_start3A_799 = arith.constant 0 : i32
        %dma_start3A_800 = arith.constant 0 : i32
        %dma_start3A_801 = tpu.memref_slice %arg3[%dma_start3A_799, %dma_start3A_800] : memref<100000x128xf32, #tpu.memory_space<hbm>> -> memref<100000x128xf32, #tpu.memory_space<hbm>>
        tpu.enqueue_indirect_dma source(%dma_start3A_801 : memref<100000x128xf32, #tpu.memory_space<hbm>>) target(%dma_start3A_797 : memref<8x128xf32, #tpu.memory_space<vmem>>) offsets(%dma_start3A_798 : memref<8xi32, #tpu.memory_space<vmem>>) semaphore(%arg13 : memref<!tpu.dma_semaphore, #tpu.memory_space<semaphore_mem>>)
        %mul3A_802 = arith.constant 8 : i32
        %mul3A_803 = arith.muli %div3A_687, %mul3A_802 : i32
        %add3A_804 = arith.constant 7 : i32
        %add3A_805 = arith.addi %mul3A_803, %add3A_804 : i32
        %mul3A_806 = arith.constant 200 : i32
        %mul3A_807 = arith.muli %add3A_805, %mul3A_806 : i32
        %mul3A_808 = arith.constant 8 : i32
        %mul3A_809 = arith.muli %rem3A_689, %mul3A_808 : i32
        %add3A_810 = arith.addi %mul3A_807, %mul3A_809 : i32
        %dma_start3A_811 = arith.constant 56 : i32
        %dma_start3A_812 = arith.constant 0 : i32
        %dma_start3A_813 = tpu.memref_slice %arg9[%dma_start3A_811, %dma_start3A_812] : memref<64x128xf32, #tpu.memory_space<vmem>> -> memref<8x128xf32, #tpu.memory_space<vmem>>
        %dma_start3A_814 = tpu.memref_slice %arg6[%add3A_810] : memref<6400xi32, #tpu.memory_space<vmem>> -> memref<8xi32, #tpu.memory_space<vmem>>
        %dma_start3A_815 = arith.constant 0 : i32
        %dma_start3A_816 = arith.constant 0 : i32
        %dma_start3A_817 = tpu.memref_slice %arg3[%dma_start3A_815, %dma_start3A_816] : memref<100000x128xf32, #tpu.memory_space<hbm>> -> memref<100000x128xf32, #tpu.memory_space<hbm>>
        tpu.enqueue_indirect_dma source(%dma_start3A_817 : memref<100000x128xf32, #tpu.memory_space<hbm>>) target(%dma_start3A_813 : memref<8x128xf32, #tpu.memory_space<vmem>>) offsets(%dma_start3A_814 : memref<8xi32, #tpu.memory_space<vmem>>) semaphore(%arg13 : memref<!tpu.dma_semaphore, #tpu.memory_space<semaphore_mem>>)
      } else {
      }
      %div3A_322 = arith.constant 25 : i32
      %div3A_323 = arith.divsi %add3A_292, %div3A_322 : i32
      %rem3A_324 = arith.constant 25 : i32
      %rem3A_325 = arith.remsi %add3A_292, %rem3A_324 : i32
      %mul3A_326 = arith.constant 8 : i32
      %mul3A_327 = arith.muli %div3A_323, %mul3A_326 : i32
      %add3A_328 = arith.constant 0 : i32
      %add3A_329 = arith.addi %mul3A_327, %add3A_328 : i32
      %mul3A_330 = arith.constant 200 : i32
      %mul3A_331 = arith.muli %add3A_329, %mul3A_330 : i32
      %mul3A_332 = arith.constant 8 : i32
      %mul3A_333 = arith.muli %rem3A_325, %mul3A_332 : i32
      %add3A_334 = arith.addi %mul3A_331, %mul3A_333 : i32
      %add3A_335 = arith.addi %mul3A_2, %add3A_334 : i32
      %dma_start3A_336 = arith.constant 0 : i32
      %dma_start3A_337 = arith.constant 0 : i32
      %dma_start3A_338 = tpu.memref_slice %arg11[%dma_start3A_336, %dma_start3A_337] : memref<64x128xf32, #tpu.memory_space<vmem>> -> memref<8x128xf32, #tpu.memory_space<vmem>>
      %dma_start3A_339 = arith.constant 0 : i32
      %dma_start3A_340 = tpu.memref_slice %arg5[%add3A_335, %dma_start3A_339] : memref<204800x128xf32, #tpu.memory_space<hbm>> -> memref<8x128xf32, #tpu.memory_space<hbm>>
      %dma_start3A_341 = arith.constant 0 : i32
      %dma_start3A_342 = tpu.memref_slice %arg5[%add3A_335, %dma_start3A_341] : memref<204800x128xf32, #tpu.memory_space<hbm>> -> memref<8x128xf32, #tpu.memory_space<hbm>>
      %dma_start3A_343 = arith.constant 0 : i32
      %dma_start3A_344 = arith.constant 0 : i32
      %dma_start3A_345 = tpu.memref_slice %arg11[%dma_start3A_343, %dma_start3A_344] : memref<64x128xf32, #tpu.memory_space<vmem>> -> memref<8x128xf32, #tpu.memory_space<vmem>>
      tpu.enqueue_dma source(%dma_start3A_345 : memref<8x128xf32, #tpu.memory_space<vmem>>) target(%dma_start3A_342 : memref<8x128xf32, #tpu.memory_space<hbm>>) target_semaphore(%arg15 : memref<!tpu.dma_semaphore, #tpu.memory_space<semaphore_mem>>)
      %mul3A_346 = arith.constant 8 : i32
      %mul3A_347 = arith.muli %div3A_323, %mul3A_346 : i32
      %add3A_348 = arith.constant 1 : i32
      %add3A_349 = arith.addi %mul3A_347, %add3A_348 : i32
      %mul3A_350 = arith.constant 200 : i32
      %mul3A_351 = arith.muli %add3A_349, %mul3A_350 : i32
      %mul3A_352 = arith.constant 8 : i32
      %mul3A_353 = arith.muli %rem3A_325, %mul3A_352 : i32
      %add3A_354 = arith.addi %mul3A_351, %mul3A_353 : i32
      %add3A_355 = arith.addi %mul3A_2, %add3A_354 : i32
      %dma_start3A_356 = arith.constant 8 : i32
      %dma_start3A_357 = arith.constant 0 : i32
      %dma_start3A_358 = tpu.memref_slice %arg11[%dma_start3A_356, %dma_start3A_357] : memref<64x128xf32, #tpu.memory_space<vmem>> -> memref<8x128xf32, #tpu.memory_space<vmem>>
      %dma_start3A_359 = arith.constant 0 : i32
      %dma_start3A_360 = tpu.memref_slice %arg5[%add3A_355, %dma_start3A_359] : memref<204800x128xf32, #tpu.memory_space<hbm>> -> memref<8x128xf32, #tpu.memory_space<hbm>>
      %dma_start3A_361 = arith.constant 0 : i32
      %dma_start3A_362 = tpu.memref_slice %arg5[%add3A_355, %dma_start3A_361] : memref<204800x128xf32, #tpu.memory_space<hbm>> -> memref<8x128xf32, #tpu.memory_space<hbm>>
      %dma_start3A_363 = arith.constant 8 : i32
      %dma_start3A_364 = arith.constant 0 : i32
      %dma_start3A_365 = tpu.memref_slice %arg11[%dma_start3A_363, %dma_start3A_364] : memref<64x128xf32, #tpu.memory_space<vmem>> -> memref<8x128xf32, #tpu.memory_space<vmem>>
      tpu.enqueue_dma source(%dma_start3A_365 : memref<8x128xf32, #tpu.memory_space<vmem>>) target(%dma_start3A_362 : memref<8x128xf32, #tpu.memory_space<hbm>>) target_semaphore(%arg15 : memref<!tpu.dma_semaphore, #tpu.memory_space<semaphore_mem>>)
      %mul3A_366 = arith.constant 8 : i32
      %mul3A_367 = arith.muli %div3A_323, %mul3A_366 : i32
      %add3A_368 = arith.constant 2 : i32
      %add3A_369 = arith.addi %mul3A_367, %add3A_368 : i32
      %mul3A_370 = arith.constant 200 : i32
      %mul3A_371 = arith.muli %add3A_369, %mul3A_370 : i32
      %mul3A_372 = arith.constant 8 : i32
      %mul3A_373 = arith.muli %rem3A_325, %mul3A_372 : i32
      %add3A_374 = arith.addi %mul3A_371, %mul3A_373 : i32
      %add3A_375 = arith.addi %mul3A_2, %add3A_374 : i32
      %dma_start3A_376 = arith.constant 16 : i32
      %dma_start3A_377 = arith.constant 0 : i32
      %dma_start3A_378 = tpu.memref_slice %arg11[%dma_start3A_376, %dma_start3A_377] : memref<64x128xf32, #tpu.memory_space<vmem>> -> memref<8x128xf32, #tpu.memory_space<vmem>>
      %dma_start3A_379 = arith.constant 0 : i32
      %dma_start3A_380 = tpu.memref_slice %arg5[%add3A_375, %dma_start3A_379] : memref<204800x128xf32, #tpu.memory_space<hbm>> -> memref<8x128xf32, #tpu.memory_space<hbm>>
      %dma_start3A_381 = arith.constant 0 : i32
      %dma_start3A_382 = tpu.memref_slice %arg5[%add3A_375, %dma_start3A_381] : memref<204800x128xf32, #tpu.memory_space<hbm>> -> memref<8x128xf32, #tpu.memory_space<hbm>>
      %dma_start3A_383 = arith.constant 16 : i32
      %dma_start3A_384 = arith.constant 0 : i32
      %dma_start3A_385 = tpu.memref_slice %arg11[%dma_start3A_383, %dma_start3A_384] : memref<64x128xf32, #tpu.memory_space<vmem>> -> memref<8x128xf32, #tpu.memory_space<vmem>>
      tpu.enqueue_dma source(%dma_start3A_385 : memref<8x128xf32, #tpu.memory_space<vmem>>) target(%dma_start3A_382 : memref<8x128xf32, #tpu.memory_space<hbm>>) target_semaphore(%arg15 : memref<!tpu.dma_semaphore, #tpu.memory_space<semaphore_mem>>)
      %mul3A_386 = arith.constant 8 : i32
      %mul3A_387 = arith.muli %div3A_323, %mul3A_386 : i32
      %add3A_388 = arith.constant 3 : i32
      %add3A_389 = arith.addi %mul3A_387, %add3A_388 : i32
      %mul3A_390 = arith.constant 200 : i32
      %mul3A_391 = arith.muli %add3A_389, %mul3A_390 : i32
      %mul3A_392 = arith.constant 8 : i32
      %mul3A_393 = arith.muli %rem3A_325, %mul3A_392 : i32
      %add3A_394 = arith.addi %mul3A_391, %mul3A_393 : i32
      %add3A_395 = arith.addi %mul3A_2, %add3A_394 : i32
      %dma_start3A_396 = arith.constant 24 : i32
      %dma_start3A_397 = arith.constant 0 : i32
      %dma_start3A_398 = tpu.memref_slice %arg11[%dma_start3A_396, %dma_start3A_397] : memref<64x128xf32, #tpu.memory_space<vmem>> -> memref<8x128xf32, #tpu.memory_space<vmem>>
      %dma_start3A_399 = arith.constant 0 : i32
      %dma_start3A_400 = tpu.memref_slice %arg5[%add3A_395, %dma_start3A_399] : memref<204800x128xf32, #tpu.memory_space<hbm>> -> memref<8x128xf32, #tpu.memory_space<hbm>>
      %dma_start3A_401 = arith.constant 0 : i32
      %dma_start3A_402 = tpu.memref_slice %arg5[%add3A_395, %dma_start3A_401] : memref<204800x128xf32, #tpu.memory_space<hbm>> -> memref<8x128xf32, #tpu.memory_space<hbm>>
      %dma_start3A_403 = arith.constant 24 : i32
      %dma_start3A_404 = arith.constant 0 : i32
      %dma_start3A_405 = tpu.memref_slice %arg11[%dma_start3A_403, %dma_start3A_404] : memref<64x128xf32, #tpu.memory_space<vmem>> -> memref<8x128xf32, #tpu.memory_space<vmem>>
      tpu.enqueue_dma source(%dma_start3A_405 : memref<8x128xf32, #tpu.memory_space<vmem>>) target(%dma_start3A_402 : memref<8x128xf32, #tpu.memory_space<hbm>>) target_semaphore(%arg15 : memref<!tpu.dma_semaphore, #tpu.memory_space<semaphore_mem>>)
      %mul3A_406 = arith.constant 8 : i32
      %mul3A_407 = arith.muli %div3A_323, %mul3A_406 : i32
      %add3A_408 = arith.constant 4 : i32
      %add3A_409 = arith.addi %mul3A_407, %add3A_408 : i32
      %mul3A_410 = arith.constant 200 : i32
      %mul3A_411 = arith.muli %add3A_409, %mul3A_410 : i32
      %mul3A_412 = arith.constant 8 : i32
      %mul3A_413 = arith.muli %rem3A_325, %mul3A_412 : i32
      %add3A_414 = arith.addi %mul3A_411, %mul3A_413 : i32
      %add3A_415 = arith.addi %mul3A_2, %add3A_414 : i32
      %dma_start3A_416 = arith.constant 32 : i32
      %dma_start3A_417 = arith.constant 0 : i32
      %dma_start3A_418 = tpu.memref_slice %arg11[%dma_start3A_416, %dma_start3A_417] : memref<64x128xf32, #tpu.memory_space<vmem>> -> memref<8x128xf32, #tpu.memory_space<vmem>>
      %dma_start3A_419 = arith.constant 0 : i32
      %dma_start3A_420 = tpu.memref_slice %arg5[%add3A_415, %dma_start3A_419] : memref<204800x128xf32, #tpu.memory_space<hbm>> -> memref<8x128xf32, #tpu.memory_space<hbm>>
      %dma_start3A_421 = arith.constant 0 : i32
      %dma_start3A_422 = tpu.memref_slice %arg5[%add3A_415, %dma_start3A_421] : memref<204800x128xf32, #tpu.memory_space<hbm>> -> memref<8x128xf32, #tpu.memory_space<hbm>>
      %dma_start3A_423 = arith.constant 32 : i32
      %dma_start3A_424 = arith.constant 0 : i32
      %dma_start3A_425 = tpu.memref_slice %arg11[%dma_start3A_423, %dma_start3A_424] : memref<64x128xf32, #tpu.memory_space<vmem>> -> memref<8x128xf32, #tpu.memory_space<vmem>>
      tpu.enqueue_dma source(%dma_start3A_425 : memref<8x128xf32, #tpu.memory_space<vmem>>) target(%dma_start3A_422 : memref<8x128xf32, #tpu.memory_space<hbm>>) target_semaphore(%arg15 : memref<!tpu.dma_semaphore, #tpu.memory_space<semaphore_mem>>)
      %mul3A_426 = arith.constant 8 : i32
      %mul3A_427 = arith.muli %div3A_323, %mul3A_426 : i32
      %add3A_428 = arith.constant 5 : i32
      %add3A_429 = arith.addi %mul3A_427, %add3A_428 : i32
      %mul3A_430 = arith.constant 200 : i32
      %mul3A_431 = arith.muli %add3A_429, %mul3A_430 : i32
      %mul3A_432 = arith.constant 8 : i32
      %mul3A_433 = arith.muli %rem3A_325, %mul3A_432 : i32
      %add3A_434 = arith.addi %mul3A_431, %mul3A_433 : i32
      %add3A_435 = arith.addi %mul3A_2, %add3A_434 : i32
      %dma_start3A_436 = arith.constant 40 : i32
      %dma_start3A_437 = arith.constant 0 : i32
      %dma_start3A_438 = tpu.memref_slice %arg11[%dma_start3A_436, %dma_start3A_437] : memref<64x128xf32, #tpu.memory_space<vmem>> -> memref<8x128xf32, #tpu.memory_space<vmem>>
      %dma_start3A_439 = arith.constant 0 : i32
      %dma_start3A_440 = tpu.memref_slice %arg5[%add3A_435, %dma_start3A_439] : memref<204800x128xf32, #tpu.memory_space<hbm>> -> memref<8x128xf32, #tpu.memory_space<hbm>>
      %dma_start3A_441 = arith.constant 0 : i32
      %dma_start3A_442 = tpu.memref_slice %arg5[%add3A_435, %dma_start3A_441] : memref<204800x128xf32, #tpu.memory_space<hbm>> -> memref<8x128xf32, #tpu.memory_space<hbm>>
      %dma_start3A_443 = arith.constant 40 : i32
      %dma_start3A_444 = arith.constant 0 : i32
      %dma_start3A_445 = tpu.memref_slice %arg11[%dma_start3A_443, %dma_start3A_444] : memref<64x128xf32, #tpu.memory_space<vmem>> -> memref<8x128xf32, #tpu.memory_space<vmem>>
      tpu.enqueue_dma source(%dma_start3A_445 : memref<8x128xf32, #tpu.memory_space<vmem>>) target(%dma_start3A_442 : memref<8x128xf32, #tpu.memory_space<hbm>>) target_semaphore(%arg15 : memref<!tpu.dma_semaphore, #tpu.memory_space<semaphore_mem>>)
      %mul3A_446 = arith.constant 8 : i32
      %mul3A_447 = arith.muli %div3A_323, %mul3A_446 : i32
      %add3A_448 = arith.constant 6 : i32
      %add3A_449 = arith.addi %mul3A_447, %add3A_448 : i32
      %mul3A_450 = arith.constant 200 : i32
      %mul3A_451 = arith.muli %add3A_449, %mul3A_450 : i32
      %mul3A_452 = arith.constant 8 : i32
      %mul3A_453 = arith.muli %rem3A_325, %mul3A_452 : i32
      %add3A_454 = arith.addi %mul3A_451, %mul3A_453 : i32
      %add3A_455 = arith.addi %mul3A_2, %add3A_454 : i32
      %dma_start3A_456 = arith.constant 48 : i32
      %dma_start3A_457 = arith.constant 0 : i32
      %dma_start3A_458 = tpu.memref_slice %arg11[%dma_start3A_456, %dma_start3A_457] : memref<64x128xf32, #tpu.memory_space<vmem>> -> memref<8x128xf32, #tpu.memory_space<vmem>>
      %dma_start3A_459 = arith.constant 0 : i32
      %dma_start3A_460 = tpu.memref_slice %arg5[%add3A_455, %dma_start3A_459] : memref<204800x128xf32, #tpu.memory_space<hbm>> -> memref<8x128xf32, #tpu.memory_space<hbm>>
      %dma_start3A_461 = arith.constant 0 : i32
      %dma_start3A_462 = tpu.memref_slice %arg5[%add3A_455, %dma_start3A_461] : memref<204800x128xf32, #tpu.memory_space<hbm>> -> memref<8x128xf32, #tpu.memory_space<hbm>>
      %dma_start3A_463 = arith.constant 48 : i32
      %dma_start3A_464 = arith.constant 0 : i32
      %dma_start3A_465 = tpu.memref_slice %arg11[%dma_start3A_463, %dma_start3A_464] : memref<64x128xf32, #tpu.memory_space<vmem>> -> memref<8x128xf32, #tpu.memory_space<vmem>>
      tpu.enqueue_dma source(%dma_start3A_465 : memref<8x128xf32, #tpu.memory_space<vmem>>) target(%dma_start3A_462 : memref<8x128xf32, #tpu.memory_space<hbm>>) target_semaphore(%arg15 : memref<!tpu.dma_semaphore, #tpu.memory_space<semaphore_mem>>)
      %mul3A_466 = arith.constant 8 : i32
      %mul3A_467 = arith.muli %div3A_323, %mul3A_466 : i32
      %add3A_468 = arith.constant 7 : i32
      %add3A_469 = arith.addi %mul3A_467, %add3A_468 : i32
      %mul3A_470 = arith.constant 200 : i32
      %mul3A_471 = arith.muli %add3A_469, %mul3A_470 : i32
      %mul3A_472 = arith.constant 8 : i32
      %mul3A_473 = arith.muli %rem3A_325, %mul3A_472 : i32
      %add3A_474 = arith.addi %mul3A_471, %mul3A_473 : i32
      %add3A_475 = arith.addi %mul3A_2, %add3A_474 : i32
      %dma_start3A_476 = arith.constant 56 : i32
      %dma_start3A_477 = arith.constant 0 : i32
      %dma_start3A_478 = tpu.memref_slice %arg11[%dma_start3A_476, %dma_start3A_477] : memref<64x128xf32, #tpu.memory_space<vmem>> -> memref<8x128xf32, #tpu.memory_space<vmem>>
      %dma_start3A_479 = arith.constant 0 : i32
      %dma_start3A_480 = tpu.memref_slice %arg5[%add3A_475, %dma_start3A_479] : memref<204800x128xf32, #tpu.memory_space<hbm>> -> memref<8x128xf32, #tpu.memory_space<hbm>>
      %dma_start3A_481 = arith.constant 0 : i32
      %dma_start3A_482 = tpu.memref_slice %arg5[%add3A_475, %dma_start3A_481] : memref<204800x128xf32, #tpu.memory_space<hbm>> -> memref<8x128xf32, #tpu.memory_space<hbm>>
      %dma_start3A_483 = arith.constant 56 : i32
      %dma_start3A_484 = arith.constant 0 : i32
      %dma_start3A_485 = tpu.memref_slice %arg11[%dma_start3A_483, %dma_start3A_484] : memref<64x128xf32, #tpu.memory_space<vmem>> -> memref<8x128xf32, #tpu.memory_space<vmem>>
      tpu.enqueue_dma source(%dma_start3A_485 : memref<8x128xf32, #tpu.memory_space<vmem>>) target(%dma_start3A_482 : memref<8x128xf32, #tpu.memory_space<hbm>>) target_semaphore(%arg15 : memref<!tpu.dma_semaphore, #tpu.memory_space<semaphore_mem>>)
      %mul3A_486 = arith.constant 2 : i32
      %mul3A_487 = arith.muli %scan3A_287, %mul3A_486 : i32
      %add3A_488 = arith.constant 1 : i32
      %add3A_489 = arith.addi %mul3A_487, %add3A_488 : i32
      %ge3A_490 = arith.constant 1 : i32
      %ge3A_491 = arith.cmpi sge, %scan3A_287, %ge3A_490 : i32
      %convert_element_type3A_492 = arith.extui %ge3A_491 : i1 to i32
      %cond3A_493 = arith.constant 0 : i32
      %cond3A_494 = arith.cmpi ne, %convert_element_type3A_492, %cond3A_493 : i32
      scf.if %cond3A_494 {
        %dma_wait3A_684 = arith.constant 0 : i32
        %dma_wait3A_685 = tpu.memref_slice %arg5[%mul3A_2, %dma_wait3A_684] : memref<204800x128xf32, #tpu.memory_space<hbm>> -> memref<64x128xf32, #tpu.memory_space<hbm>>
        %dma_wait3A_686 = arith.constant 0 : i32
        %dma_wait3A_687 = tpu.memref_slice %arg5[%mul3A_2, %dma_wait3A_686] : memref<204800x128xf32, #tpu.memory_space<hbm>> -> memref<64x128xf32, #tpu.memory_space<hbm>>
        tpu.wait_dma2 semaphore(%arg16 : memref<!tpu.dma_semaphore, #tpu.memory_space<semaphore_mem>>) src(%arg12 : memref<64x128xf32, #tpu.memory_space<vmem>>) dst(%dma_wait3A_687 : memref<64x128xf32, #tpu.memory_space<hbm>>)
      } else {
      }
      %dma_wait3A_495 = arith.constant 0 : i32
      %dma_wait3A_496 = arith.constant 0 : i32
      %dma_wait3A_497 = tpu.memref_slice %arg3[%dma_wait3A_495, %dma_wait3A_496] : memref<100000x128xf32, #tpu.memory_space<hbm>> -> memref<64x128xf32, #tpu.memory_space<hbm>>
      %dma_wait3A_498 = arith.constant 0 : i32
      %dma_wait3A_499 = arith.constant 0 : i32
      %dma_wait3A_500 = tpu.memref_slice %arg3[%dma_wait3A_498, %dma_wait3A_499] : memref<100000x128xf32, #tpu.memory_space<hbm>> -> memref<64x128xf32, #tpu.memory_space<hbm>>
      tpu.wait_dma2 semaphore(%arg14 : memref<!tpu.dma_semaphore, #tpu.memory_space<semaphore_mem>>) src(%dma_wait3A_500 : memref<64x128xf32, #tpu.memory_space<hbm>>) dst(%arg10 : memref<64x128xf32, #tpu.memory_space<vmem>>)
      %div3A_501 = arith.constant 25 : i32
      %div3A_502 = arith.divsi %add3A_489, %div3A_501 : i32
      %rem3A_503 = arith.constant 25 : i32
      %rem3A_504 = arith.remsi %add3A_489, %rem3A_503 : i32
      %mul3A_505 = arith.constant 8 : i32
      %mul3A_506 = arith.muli %rem3A_504, %mul3A_505 : i32
      %scan3A_507 = arith.constant 0 : i32
      %scan3A_508 = arith.constant 0 : i32
      %scan3A_509 = arith.constant 8 : i32
      %scan3A_510 = arith.addi %scan3A_508, %scan3A_509 : i32
      %scan3A_511 = arith.constant 2 : i32
      %scan3A_512 = scf.for %scan3A_684 = %scan3A_508 to %scan3A_510 step %scan3A_511 iter_args(%scan3A_685 = %scan3A_507) -> (i32)  : i32 {
        %add3A_686 = arith.addi %mul3A_506, %scan3A_684 : i32
        %get3A = arith.index_cast %add3A_686 : i32 to index
        %get3A_687 = arith.constant 0 : index
        %get3A_688 = tpu.vector_load %arg7[%get3A, %get3A_687] {strides = array<i32>} : memref<200x128xf32, #tpu.memory_space<vmem>>, vector<1x16xf32>,
        %get3A_689 = vector.shape_cast %get3A_688 : vector<1x16xf32> to vector<16xf32>
        %get3A_690 = arith.index_cast %add3A_686 : i32 to index
        %get3A_691 = arith.constant 16 : index
        %get3A_692 = tpu.vector_load %arg7[%get3A_690, %get3A_691] {strides = array<i32>} : memref<200x128xf32, #tpu.memory_space<vmem>>, vector<1x16xf32>,
        %get3A_693 = vector.shape_cast %get3A_692 : vector<1x16xf32> to vector<16xf32>
        %get3A_694 = arith.index_cast %add3A_686 : i32 to index
        %get3A_695 = arith.constant 32 : index
        %get3A_696 = tpu.vector_load %arg7[%get3A_694, %get3A_695] {strides = array<i32>} : memref<200x128xf32, #tpu.memory_space<vmem>>, vector<1x16xf32>,
        %get3A_697 = vector.shape_cast %get3A_696 : vector<1x16xf32> to vector<16xf32>
        %get3A_698 = arith.index_cast %add3A_686 : i32 to index
        %get3A_699 = arith.constant 48 : index
        %get3A_700 = tpu.vector_load %arg7[%get3A_698, %get3A_699] {strides = array<i32>} : memref<200x128xf32, #tpu.memory_space<vmem>>, vector<1x16xf32>,
        %get3A_701 = vector.shape_cast %get3A_700 : vector<1x16xf32> to vector<16xf32>
        %get3A_702 = arith.index_cast %add3A_686 : i32 to index
        %get3A_703 = arith.constant 64 : index
        %get3A_704 = tpu.vector_load %arg7[%get3A_702, %get3A_703] {strides = array<i32>} : memref<200x128xf32, #tpu.memory_space<vmem>>, vector<1x16xf32>,
        %get3A_705 = vector.shape_cast %get3A_704 : vector<1x16xf32> to vector<16xf32>
        %get3A_706 = arith.index_cast %add3A_686 : i32 to index
        %get3A_707 = arith.constant 80 : index
        %get3A_708 = tpu.vector_load %arg7[%get3A_706, %get3A_707] {strides = array<i32>} : memref<200x128xf32, #tpu.memory_space<vmem>>, vector<1x16xf32>,
        %get3A_709 = vector.shape_cast %get3A_708 : vector<1x16xf32> to vector<16xf32>
        %get3A_710 = arith.index_cast %add3A_686 : i32 to index
        %get3A_711 = arith.constant 96 : index
        %get3A_712 = tpu.vector_load %arg7[%get3A_710, %get3A_711] {strides = array<i32>} : memref<200x128xf32, #tpu.memory_space<vmem>>, vector<1x16xf32>,
        %get3A_713 = vector.shape_cast %get3A_712 : vector<1x16xf32> to vector<16xf32>
        %get3A_714 = arith.index_cast %add3A_686 : i32 to index
        %get3A_715 = arith.constant 112 : index
        %get3A_716 = tpu.vector_load %arg7[%get3A_714, %get3A_715] {strides = array<i32>} : memref<200x128xf32, #tpu.memory_space<vmem>>, vector<1x16xf32>,
        %get3A_717 = vector.shape_cast %get3A_716 : vector<1x16xf32> to vector<16xf32>
        %add3A_718 = arith.constant 0 : i32
        %add3A_719 = arith.addi %add3A_718, %scan3A_684 : i32
        %get3A_720 = arith.index_cast %add3A_719 : i32 to index
        %get3A_721 = arith.constant 0 : index
        %get3A_722 = tpu.vector_load %arg10[%get3A_720, %get3A_721] {strides = array<i32>} : memref<64x128xf32, #tpu.memory_space<vmem>>, vector<1x16xf32>,
        %get3A_723 = vector.shape_cast %get3A_722 : vector<1x16xf32> to vector<16xf32>
        %get3A_724 = arith.index_cast %add3A_719 : i32 to index
        %get3A_725 = arith.constant 16 : index
        %get3A_726 = tpu.vector_load %arg10[%get3A_724, %get3A_725] {strides = array<i32>} : memref<64x128xf32, #tpu.memory_space<vmem>>, vector<1x16xf32>,
        %get3A_727 = vector.shape_cast %get3A_726 : vector<1x16xf32> to vector<16xf32>
        %get3A_728 = arith.index_cast %add3A_719 : i32 to index
        %get3A_729 = arith.constant 32 : index
        %get3A_730 = tpu.vector_load %arg10[%get3A_728, %get3A_729] {strides = array<i32>} : memref<64x128xf32, #tpu.memory_space<vmem>>, vector<1x16xf32>,
        %get3A_731 = vector.shape_cast %get3A_730 : vector<1x16xf32> to vector<16xf32>
        %get3A_732 = arith.index_cast %add3A_719 : i32 to index
        %get3A_733 = arith.constant 48 : index
        %get3A_734 = tpu.vector_load %arg10[%get3A_732, %get3A_733] {strides = array<i32>} : memref<64x128xf32, #tpu.memory_space<vmem>>, vector<1x16xf32>,
        %get3A_735 = vector.shape_cast %get3A_734 : vector<1x16xf32> to vector<16xf32>
        %get3A_736 = arith.index_cast %add3A_719 : i32 to index
        %get3A_737 = arith.constant 64 : index
        %get3A_738 = tpu.vector_load %arg10[%get3A_736, %get3A_737] {strides = array<i32>} : memref<64x128xf32, #tpu.memory_space<vmem>>, vector<1x16xf32>,
        %get3A_739 = vector.shape_cast %get3A_738 : vector<1x16xf32> to vector<16xf32>
        %get3A_740 = arith.index_cast %add3A_719 : i32 to index
        %get3A_741 = arith.constant 80 : index
        %get3A_742 = tpu.vector_load %arg10[%get3A_740, %get3A_741] {strides = array<i32>} : memref<64x128xf32, #tpu.memory_space<vmem>>, vector<1x16xf32>,
        %get3A_743 = vector.shape_cast %get3A_742 : vector<1x16xf32> to vector<16xf32>
        %get3A_744 = arith.index_cast %add3A_719 : i32 to index
        %get3A_745 = arith.constant 96 : index
        %get3A_746 = tpu.vector_load %arg10[%get3A_744, %get3A_745] {strides = array<i32>} : memref<64x128xf32, #tpu.memory_space<vmem>>, vector<1x16xf32>,
        %get3A_747 = vector.shape_cast %get3A_746 : vector<1x16xf32> to vector<16xf32>
        %get3A_748 = arith.index_cast %add3A_719 : i32 to index
        %get3A_749 = arith.constant 112 : index
        %get3A_750 = tpu.vector_load %arg10[%get3A_748, %get3A_749] {strides = array<i32>} : memref<64x128xf32, #tpu.memory_space<vmem>>, vector<1x16xf32>,
        %get3A_751 = vector.shape_cast %get3A_750 : vector<1x16xf32> to vector<16xf32>
        %add3A_752 = arith.addf %get3A_723, %get3A_689 : vector<16xf32>
        %swap3A = arith.index_cast %add3A_719 : i32 to index
        %swap3A_753 = arith.constant 0 : index
        %swap3A_754 = tpu.vector_load %arg12[%swap3A, %swap3A_753] {strides = array<i32>} : memref<64x128xf32, #tpu.memory_space<vmem>>, vector<1x16xf32>,
        %swap3A_755 = vector.shape_cast %swap3A_754 : vector<1x16xf32> to vector<16xf32>
        %swap3A_756 = vector.shape_cast %add3A_752 : vector<16xf32> to vector<1x16xf32>
        tpu.vector_store %arg12[%swap3A, %swap3A_753], %swap3A_756 {strides = array<i32>} : memref<64x128xf32, #tpu.memory_space<vmem>>, vector<1x16xf32>,
        %add3A_757 = arith.addf %get3A_727, %get3A_693 : vector<16xf32>
        %swap3A_758 = arith.index_cast %add3A_719 : i32 to index
        %swap3A_759 = arith.constant 16 : index
        %swap3A_760 = tpu.vector_load %arg12[%swap3A_758, %swap3A_759] {strides = array<i32>} : memref<64x128xf32, #tpu.memory_space<vmem>>, vector<1x16xf32>,
        %swap3A_761 = vector.shape_cast %swap3A_760 : vector<1x16xf32> to vector<16xf32>
        %swap3A_762 = vector.shape_cast %add3A_757 : vector<16xf32> to vector<1x16xf32>
        tpu.vector_store %arg12[%swap3A_758, %swap3A_759], %swap3A_762 {strides = array<i32>} : memref<64x128xf32, #tpu.memory_space<vmem>>, vector<1x16xf32>,
        %add3A_763 = arith.addf %get3A_731, %get3A_697 : vector<16xf32>
        %swap3A_764 = arith.index_cast %add3A_719 : i32 to index
        %swap3A_765 = arith.constant 32 : index
        %swap3A_766 = tpu.vector_load %arg12[%swap3A_764, %swap3A_765] {strides = array<i32>} : memref<64x128xf32, #tpu.memory_space<vmem>>, vector<1x16xf32>,
        %swap3A_767 = vector.shape_cast %swap3A_766 : vector<1x16xf32> to vector<16xf32>
        %swap3A_768 = vector.shape_cast %add3A_763 : vector<16xf32> to vector<1x16xf32>
        tpu.vector_store %arg12[%swap3A_764, %swap3A_765], %swap3A_768 {strides = array<i32>} : memref<64x128xf32, #tpu.memory_space<vmem>>, vector<1x16xf32>,
        %add3A_769 = arith.addf %get3A_735, %get3A_701 : vector<16xf32>
        %swap3A_770 = arith.index_cast %add3A_719 : i32 to index
        %swap3A_771 = arith.constant 48 : index
        %swap3A_772 = tpu.vector_load %arg12[%swap3A_770, %swap3A_771] {strides = array<i32>} : memref<64x128xf32, #tpu.memory_space<vmem>>, vector<1x16xf32>,
        %swap3A_773 = vector.shape_cast %swap3A_772 : vector<1x16xf32> to vector<16xf32>
        %swap3A_774 = vector.shape_cast %add3A_769 : vector<16xf32> to vector<1x16xf32>
        tpu.vector_store %arg12[%swap3A_770, %swap3A_771], %swap3A_774 {strides = array<i32>} : memref<64x128xf32, #tpu.memory_space<vmem>>, vector<1x16xf32>,
        %add3A_775 = arith.addf %get3A_739, %get3A_705 : vector<16xf32>
        %swap3A_776 = arith.index_cast %add3A_719 : i32 to index
        %swap3A_777 = arith.constant 64 : index
        %swap3A_778 = tpu.vector_load %arg12[%swap3A_776, %swap3A_777] {strides = array<i32>} : memref<64x128xf32, #tpu.memory_space<vmem>>, vector<1x16xf32>,
        %swap3A_779 = vector.shape_cast %swap3A_778 : vector<1x16xf32> to vector<16xf32>
        %swap3A_780 = vector.shape_cast %add3A_775 : vector<16xf32> to vector<1x16xf32>
        tpu.vector_store %arg12[%swap3A_776, %swap3A_777], %swap3A_780 {strides = array<i32>} : memref<64x128xf32, #tpu.memory_space<vmem>>, vector<1x16xf32>,
        %add3A_781 = arith.addf %get3A_743, %get3A_709 : vector<16xf32>
        %swap3A_782 = arith.index_cast %add3A_719 : i32 to index
        %swap3A_783 = arith.constant 80 : index
        %swap3A_784 = tpu.vector_load %arg12[%swap3A_782, %swap3A_783] {strides = array<i32>} : memref<64x128xf32, #tpu.memory_space<vmem>>, vector<1x16xf32>,
        %swap3A_785 = vector.shape_cast %swap3A_784 : vector<1x16xf32> to vector<16xf32>
        %swap3A_786 = vector.shape_cast %add3A_781 : vector<16xf32> to vector<1x16xf32>
        tpu.vector_store %arg12[%swap3A_782, %swap3A_783], %swap3A_786 {strides = array<i32>} : memref<64x128xf32, #tpu.memory_space<vmem>>, vector<1x16xf32>,
        %add3A_787 = arith.addf %get3A_747, %get3A_713 : vector<16xf32>
        %swap3A_788 = arith.index_cast %add3A_719 : i32 to index
        %swap3A_789 = arith.constant 96 : index
        %swap3A_790 = tpu.vector_load %arg12[%swap3A_788, %swap3A_789] {strides = array<i32>} : memref<64x128xf32, #tpu.memory_space<vmem>>, vector<1x16xf32>,
        %swap3A_791 = vector.shape_cast %swap3A_790 : vector<1x16xf32> to vector<16xf32>
        %swap3A_792 = vector.shape_cast %add3A_787 : vector<16xf32> to vector<1x16xf32>
        tpu.vector_store %arg12[%swap3A_788, %swap3A_789], %swap3A_792 {strides = array<i32>} : memref<64x128xf32, #tpu.memory_space<vmem>>, vector<1x16xf32>,
        %add3A_793 = arith.addf %get3A_751, %get3A_717 : vector<16xf32>
        %swap3A_794 = arith.index_cast %add3A_719 : i32 to index
        %swap3A_795 = arith.constant 112 : index
        %swap3A_796 = tpu.vector_load %arg12[%swap3A_794, %swap3A_795] {strides = array<i32>} : memref<64x128xf32, #tpu.memory_space<vmem>>, vector<1x16xf32>,
        %swap3A_797 = vector.shape_cast %swap3A_796 : vector<1x16xf32> to vector<16xf32>
        %swap3A_798 = vector.shape_cast %add3A_793 : vector<16xf32> to vector<1x16xf32>
        tpu.vector_store %arg12[%swap3A_794, %swap3A_795], %swap3A_798 {strides = array<i32>} : memref<64x128xf32, #tpu.memory_space<vmem>>, vector<1x16xf32>,
        %add3A_799 = arith.constant 8 : i32
        %add3A_800 = arith.addi %add3A_799, %scan3A_684 : i32
        %get3A_801 = arith.index_cast %add3A_800 : i32 to index
        %get3A_802 = arith.constant 0 : index
        %get3A_803 = tpu.vector_load %arg10[%get3A_801, %get3A_802] {strides = array<i32>} : memref<64x128xf32, #tpu.memory_space<vmem>>, vector<1x16xf32>,
        %get3A_804 = vector.shape_cast %get3A_803 : vector<1x16xf32> to vector<16xf32>
        %get3A_805 = arith.index_cast %add3A_800 : i32 to index
        %get3A_806 = arith.constant 16 : index
        %get3A_807 = tpu.vector_load %arg10[%get3A_805, %get3A_806] {strides = array<i32>} : memref<64x128xf32, #tpu.memory_space<vmem>>, vector<1x16xf32>,
        %get3A_808 = vector.shape_cast %get3A_807 : vector<1x16xf32> to vector<16xf32>
        %get3A_809 = arith.index_cast %add3A_800 : i32 to index
        %get3A_810 = arith.constant 32 : index
        %get3A_811 = tpu.vector_load %arg10[%get3A_809, %get3A_810] {strides = array<i32>} : memref<64x128xf32, #tpu.memory_space<vmem>>, vector<1x16xf32>,
        %get3A_812 = vector.shape_cast %get3A_811 : vector<1x16xf32> to vector<16xf32>
        %get3A_813 = arith.index_cast %add3A_800 : i32 to index
        %get3A_814 = arith.constant 48 : index
        %get3A_815 = tpu.vector_load %arg10[%get3A_813, %get3A_814] {strides = array<i32>} : memref<64x128xf32, #tpu.memory_space<vmem>>, vector<1x16xf32>,
        %get3A_816 = vector.shape_cast %get3A_815 : vector<1x16xf32> to vector<16xf32>
        %get3A_817 = arith.index_cast %add3A_800 : i32 to index
        %get3A_818 = arith.constant 64 : index
        %get3A_819 = tpu.vector_load %arg10[%get3A_817, %get3A_818] {strides = array<i32>} : memref<64x128xf32, #tpu.memory_space<vmem>>, vector<1x16xf32>,
        %get3A_820 = vector.shape_cast %get3A_819 : vector<1x16xf32> to vector<16xf32>
        %get3A_821 = arith.index_cast %add3A_800 : i32 to index
        %get3A_822 = arith.constant 80 : index
        %get3A_823 = tpu.vector_load %arg10[%get3A_821, %get3A_822] {strides = array<i32>} : memref<64x128xf32, #tpu.memory_space<vmem>>, vector<1x16xf32>,
        %get3A_824 = vector.shape_cast %get3A_823 : vector<1x16xf32> to vector<16xf32>
        %get3A_825 = arith.index_cast %add3A_800 : i32 to index
        %get3A_826 = arith.constant 96 : index
        %get3A_827 = tpu.vector_load %arg10[%get3A_825, %get3A_826] {strides = array<i32>} : memref<64x128xf32, #tpu.memory_space<vmem>>, vector<1x16xf32>,
        %get3A_828 = vector.shape_cast %get3A_827 : vector<1x16xf32> to vector<16xf32>
        %get3A_829 = arith.index_cast %add3A_800 : i32 to index
        %get3A_830 = arith.constant 112 : index
        %get3A_831 = tpu.vector_load %arg10[%get3A_829, %get3A_830] {strides = array<i32>} : memref<64x128xf32, #tpu.memory_space<vmem>>, vector<1x16xf32>,
        %get3A_832 = vector.shape_cast %get3A_831 : vector<1x16xf32> to vector<16xf32>
        %add3A_833 = arith.addf %get3A_804, %get3A_689 : vector<16xf32>
        %swap3A_834 = arith.index_cast %add3A_800 : i32 to index
        %swap3A_835 = arith.constant 0 : index
        %swap3A_836 = tpu.vector_load %arg12[%swap3A_834, %swap3A_835] {strides = array<i32>} : memref<64x128xf32, #tpu.memory_space<vmem>>, vector<1x16xf32>,
        %swap3A_837 = vector.shape_cast %swap3A_836 : vector<1x16xf32> to vector<16xf32>
        %swap3A_838 = vector.shape_cast %add3A_833 : vector<16xf32> to vector<1x16xf32>
        tpu.vector_store %arg12[%swap3A_834, %swap3A_835], %swap3A_838 {strides = array<i32>} : memref<64x128xf32, #tpu.memory_space<vmem>>, vector<1x16xf32>,
        %add3A_839 = arith.addf %get3A_808, %get3A_693 : vector<16xf32>
        %swap3A_840 = arith.index_cast %add3A_800 : i32 to index
        %swap3A_841 = arith.constant 16 : index
        %swap3A_842 = tpu.vector_load %arg12[%swap3A_840, %swap3A_841] {strides = array<i32>} : memref<64x128xf32, #tpu.memory_space<vmem>>, vector<1x16xf32>,
        %swap3A_843 = vector.shape_cast %swap3A_842 : vector<1x16xf32> to vector<16xf32>
        %swap3A_844 = vector.shape_cast %add3A_839 : vector<16xf32> to vector<1x16xf32>
        tpu.vector_store %arg12[%swap3A_840, %swap3A_841], %swap3A_844 {strides = array<i32>} : memref<64x128xf32, #tpu.memory_space<vmem>>, vector<1x16xf32>,
        %add3A_845 = arith.addf %get3A_812, %get3A_697 : vector<16xf32>
        %swap3A_846 = arith.index_cast %add3A_800 : i32 to index
        %swap3A_847 = arith.constant 32 : index
        %swap3A_848 = tpu.vector_load %arg12[%swap3A_846, %swap3A_847] {strides = array<i32>} : memref<64x128xf32, #tpu.memory_space<vmem>>, vector<1x16xf32>,
        %swap3A_849 = vector.shape_cast %swap3A_848 : vector<1x16xf32> to vector<16xf32>
        %swap3A_850 = vector.shape_cast %add3A_845 : vector<16xf32> to vector<1x16xf32>
        tpu.vector_store %arg12[%swap3A_846, %swap3A_847], %swap3A_850 {strides = array<i32>} : memref<64x128xf32, #tpu.memory_space<vmem>>, vector<1x16xf32>,
        %add3A_851 = arith.addf %get3A_816, %get3A_701 : vector<16xf32>
        %swap3A_852 = arith.index_cast %add3A_800 : i32 to index
        %swap3A_853 = arith.constant 48 : index
        %swap3A_854 = tpu.vector_load %arg12[%swap3A_852, %swap3A_853] {strides = array<i32>} : memref<64x128xf32, #tpu.memory_space<vmem>>, vector<1x16xf32>,
        %swap3A_855 = vector.shape_cast %swap3A_854 : vector<1x16xf32> to vector<16xf32>
        %swap3A_856 = vector.shape_cast %add3A_851 : vector<16xf32> to vector<1x16xf32>
        tpu.vector_store %arg12[%swap3A_852, %swap3A_853], %swap3A_856 {strides = array<i32>} : memref<64x128xf32, #tpu.memory_space<vmem>>, vector<1x16xf32>,
        %add3A_857 = arith.addf %get3A_820, %get3A_705 : vector<16xf32>
        %swap3A_858 = arith.index_cast %add3A_800 : i32 to index
        %swap3A_859 = arith.constant 64 : index
        %swap3A_860 = tpu.vector_load %arg12[%swap3A_858, %swap3A_859] {strides = array<i32>} : memref<64x128xf32, #tpu.memory_space<vmem>>, vector<1x16xf32>,
        %swap3A_861 = vector.shape_cast %swap3A_860 : vector<1x16xf32> to vector<16xf32>
        %swap3A_862 = vector.shape_cast %add3A_857 : vector<16xf32> to vector<1x16xf32>
        tpu.vector_store %arg12[%swap3A_858, %swap3A_859], %swap3A_862 {strides = array<i32>} : memref<64x128xf32, #tpu.memory_space<vmem>>, vector<1x16xf32>,
        %add3A_863 = arith.addf %get3A_824, %get3A_709 : vector<16xf32>
        %swap3A_864 = arith.index_cast %add3A_800 : i32 to index
        %swap3A_865 = arith.constant 80 : index
        %swap3A_866 = tpu.vector_load %arg12[%swap3A_864, %swap3A_865] {strides = array<i32>} : memref<64x128xf32, #tpu.memory_space<vmem>>, vector<1x16xf32>,
        %swap3A_867 = vector.shape_cast %swap3A_866 : vector<1x16xf32> to vector<16xf32>
        %swap3A_868 = vector.shape_cast %add3A_863 : vector<16xf32> to vector<1x16xf32>
        tpu.vector_store %arg12[%swap3A_864, %swap3A_865], %swap3A_868 {strides = array<i32>} : memref<64x128xf32, #tpu.memory_space<vmem>>, vector<1x16xf32>,
        %add3A_869 = arith.addf %get3A_828, %get3A_713 : vector<16xf32>
        %swap3A_870 = arith.index_cast %add3A_800 : i32 to index
        %swap3A_871 = arith.constant 96 : index
        %swap3A_872 = tpu.vector_load %arg12[%swap3A_870, %swap3A_871] {strides = array<i32>} : memref<64x128xf32, #tpu.memory_space<vmem>>, vector<1x16xf32>,
        %swap3A_873 = vector.shape_cast %swap3A_872 : vector<1x16xf32> to vector<16xf32>
        %swap3A_874 = vector.shape_cast %add3A_869 : vector<16xf32> to vector<1x16xf32>
        tpu.vector_store %arg12[%swap3A_870, %swap3A_871], %swap3A_874 {strides = array<i32>} : memref<64x128xf32, #tpu.memory_space<vmem>>, vector<1x16xf32>,
        %add3A_875 = arith.addf %get3A_832, %get3A_717 : vector<16xf32>
        %swap3A_876 = arith.index_cast %add3A_800 : i32 to index
        %swap3A_877 = arith.constant 112 : index
        %swap3A_878 = tpu.vector_load %arg12[%swap3A_876, %swap3A_877] {strides = array<i32>} : memref<64x128xf32, #tpu.memory_space<vmem>>, vector<1x16xf32>,
        %swap3A_879 = vector.shape_cast %swap3A_878 : vector<1x16xf32> to vector<16xf32>
        %swap3A_880 = vector.shape_cast %add3A_875 : vector<16xf32> to vector<1x16xf32>
        tpu.vector_store %arg12[%swap3A_876, %swap3A_877], %swap3A_880 {strides = array<i32>} : memref<64x128xf32, #tpu.memory_space<vmem>>, vector<1x16xf32>,
        %add3A_881 = arith.constant 16 : i32
        %add3A_882 = arith.addi %add3A_881, %scan3A_684 : i32
        %get3A_883 = arith.index_cast %add3A_882 : i32 to index
        %get3A_884 = arith.constant 0 : index
        %get3A_885 = tpu.vector_load %arg10[%get3A_883, %get3A_884] {strides = array<i32>} : memref<64x128xf32, #tpu.memory_space<vmem>>, vector<1x16xf32>,
        %get3A_886 = vector.shape_cast %get3A_885 : vector<1x16xf32> to vector<16xf32>
        %get3A_887 = arith.index_cast %add3A_882 : i32 to index
        %get3A_888 = arith.constant 16 : index
        %get3A_889 = tpu.vector_load %arg10[%get3A_887, %get3A_888] {strides = array<i32>} : memref<64x128xf32, #tpu.memory_space<vmem>>, vector<1x16xf32>,
        %get3A_890 = vector.shape_cast %get3A_889 : vector<1x16xf32> to vector<16xf32>
        %get3A_891 = arith.index_cast %add3A_882 : i32 to index
        %get3A_892 = arith.constant 32 : index
        %get3A_893 = tpu.vector_load %arg10[%get3A_891, %get3A_892] {strides = array<i32>} : memref<64x128xf32, #tpu.memory_space<vmem>>, vector<1x16xf32>,
        %get3A_894 = vector.shape_cast %get3A_893 : vector<1x16xf32> to vector<16xf32>
        %get3A_895 = arith.index_cast %add3A_882 : i32 to index
        %get3A_896 = arith.constant 48 : index
        %get3A_897 = tpu.vector_load %arg10[%get3A_895, %get3A_896] {strides = array<i32>} : memref<64x128xf32, #tpu.memory_space<vmem>>, vector<1x16xf32>,
        %get3A_898 = vector.shape_cast %get3A_897 : vector<1x16xf32> to vector<16xf32>
        %get3A_899 = arith.index_cast %add3A_882 : i32 to index
        %get3A_900 = arith.constant 64 : index
        %get3A_901 = tpu.vector_load %arg10[%get3A_899, %get3A_900] {strides = array<i32>} : memref<64x128xf32, #tpu.memory_space<vmem>>, vector<1x16xf32>,
        %get3A_902 = vector.shape_cast %get3A_901 : vector<1x16xf32> to vector<16xf32>
        %get3A_903 = arith.index_cast %add3A_882 : i32 to index
        %get3A_904 = arith.constant 80 : index
        %get3A_905 = tpu.vector_load %arg10[%get3A_903, %get3A_904] {strides = array<i32>} : memref<64x128xf32, #tpu.memory_space<vmem>>, vector<1x16xf32>,
        %get3A_906 = vector.shape_cast %get3A_905 : vector<1x16xf32> to vector<16xf32>
        %get3A_907 = arith.index_cast %add3A_882 : i32 to index
        %get3A_908 = arith.constant 96 : index
        %get3A_909 = tpu.vector_load %arg10[%get3A_907, %get3A_908] {strides = array<i32>} : memref<64x128xf32, #tpu.memory_space<vmem>>, vector<1x16xf32>,
        %get3A_910 = vector.shape_cast %get3A_909 : vector<1x16xf32> to vector<16xf32>
        %get3A_911 = arith.index_cast %add3A_882 : i32 to index
        %get3A_912 = arith.constant 112 : index
        %get3A_913 = tpu.vector_load %arg10[%get3A_911, %get3A_912] {strides = array<i32>} : memref<64x128xf32, #tpu.memory_space<vmem>>, vector<1x16xf32>,
        %get3A_914 = vector.shape_cast %get3A_913 : vector<1x16xf32> to vector<16xf32>
        %add3A_915 = arith.addf %get3A_886, %get3A_689 : vector<16xf32>
        %swap3A_916 = arith.index_cast %add3A_882 : i32 to index
        %swap3A_917 = arith.constant 0 : index
        %swap3A_918 = tpu.vector_load %arg12[%swap3A_916, %swap3A_917] {strides = array<i32>} : memref<64x128xf32, #tpu.memory_space<vmem>>, vector<1x16xf32>,
        %swap3A_919 = vector.shape_cast %swap3A_918 : vector<1x16xf32> to vector<16xf32>
        %swap3A_920 = vector.shape_cast %add3A_915 : vector<16xf32> to vector<1x16xf32>
        tpu.vector_store %arg12[%swap3A_916, %swap3A_917], %swap3A_920 {strides = array<i32>} : memref<64x128xf32, #tpu.memory_space<vmem>>, vector<1x16xf32>,
        %add3A_921 = arith.addf %get3A_890, %get3A_693 : vector<16xf32>
        %swap3A_922 = arith.index_cast %add3A_882 : i32 to index
        %swap3A_923 = arith.constant 16 : index
        %swap3A_924 = tpu.vector_load %arg12[%swap3A_922, %swap3A_923] {strides = array<i32>} : memref<64x128xf32, #tpu.memory_space<vmem>>, vector<1x16xf32>,
        %swap3A_925 = vector.shape_cast %swap3A_924 : vector<1x16xf32> to vector<16xf32>
        %swap3A_926 = vector.shape_cast %add3A_921 : vector<16xf32> to vector<1x16xf32>
        tpu.vector_store %arg12[%swap3A_922, %swap3A_923], %swap3A_926 {strides = array<i32>} : memref<64x128xf32, #tpu.memory_space<vmem>>, vector<1x16xf32>,
        %add3A_927 = arith.addf %get3A_894, %get3A_697 : vector<16xf32>
        %swap3A_928 = arith.index_cast %add3A_882 : i32 to index
        %swap3A_929 = arith.constant 32 : index
        %swap3A_930 = tpu.vector_load %arg12[%swap3A_928, %swap3A_929] {strides = array<i32>} : memref<64x128xf32, #tpu.memory_space<vmem>>, vector<1x16xf32>,
        %swap3A_931 = vector.shape_cast %swap3A_930 : vector<1x16xf32> to vector<16xf32>
        %swap3A_932 = vector.shape_cast %add3A_927 : vector<16xf32> to vector<1x16xf32>
        tpu.vector_store %arg12[%swap3A_928, %swap3A_929], %swap3A_932 {strides = array<i32>} : memref<64x128xf32, #tpu.memory_space<vmem>>, vector<1x16xf32>,
        %add3A_933 = arith.addf %get3A_898, %get3A_701 : vector<16xf32>
        %swap3A_934 = arith.index_cast %add3A_882 : i32 to index
        %swap3A_935 = arith.constant 48 : index
        %swap3A_936 = tpu.vector_load %arg12[%swap3A_934, %swap3A_935] {strides = array<i32>} : memref<64x128xf32, #tpu.memory_space<vmem>>, vector<1x16xf32>,
        %swap3A_937 = vector.shape_cast %swap3A_936 : vector<1x16xf32> to vector<16xf32>
        %swap3A_938 = vector.shape_cast %add3A_933 : vector<16xf32> to vector<1x16xf32>
        tpu.vector_store %arg12[%swap3A_934, %swap3A_935], %swap3A_938 {strides = array<i32>} : memref<64x128xf32, #tpu.memory_space<vmem>>, vector<1x16xf32>,
        %add3A_939 = arith.addf %get3A_902, %get3A_705 : vector<16xf32>
        %swap3A_940 = arith.index_cast %add3A_882 : i32 to index
        %swap3A_941 = arith.constant 64 : index
        %swap3A_942 = tpu.vector_load %arg12[%swap3A_940, %swap3A_941] {strides = array<i32>} : memref<64x128xf32, #tpu.memory_space<vmem>>, vector<1x16xf32>,
        %swap3A_943 = vector.shape_cast %swap3A_942 : vector<1x16xf32> to vector<16xf32>
        %swap3A_944 = vector.shape_cast %add3A_939 : vector<16xf32> to vector<1x16xf32>
        tpu.vector_store %arg12[%swap3A_940, %swap3A_941], %swap3A_944 {strides = array<i32>} : memref<64x128xf32, #tpu.memory_space<vmem>>, vector<1x16xf32>,
        %add3A_945 = arith.addf %get3A_906, %get3A_709 : vector<16xf32>
        %swap3A_946 = arith.index_cast %add3A_882 : i32 to index
        %swap3A_947 = arith.constant 80 : index
        %swap3A_948 = tpu.vector_load %arg12[%swap3A_946, %swap3A_947] {strides = array<i32>} : memref<64x128xf32, #tpu.memory_space<vmem>>, vector<1x16xf32>,
        %swap3A_949 = vector.shape_cast %swap3A_948 : vector<1x16xf32> to vector<16xf32>
        %swap3A_950 = vector.shape_cast %add3A_945 : vector<16xf32> to vector<1x16xf32>
        tpu.vector_store %arg12[%swap3A_946, %swap3A_947], %swap3A_950 {strides = array<i32>} : memref<64x128xf32, #tpu.memory_space<vmem>>, vector<1x16xf32>,
        %add3A_951 = arith.addf %get3A_910, %get3A_713 : vector<16xf32>
        %swap3A_952 = arith.index_cast %add3A_882 : i32 to index
        %swap3A_953 = arith.constant 96 : index
        %swap3A_954 = tpu.vector_load %arg12[%swap3A_952, %swap3A_953] {strides = array<i32>} : memref<64x128xf32, #tpu.memory_space<vmem>>, vector<1x16xf32>,
        %swap3A_955 = vector.shape_cast %swap3A_954 : vector<1x16xf32> to vector<16xf32>
        %swap3A_956 = vector.shape_cast %add3A_951 : vector<16xf32> to vector<1x16xf32>
        tpu.vector_store %arg12[%swap3A_952, %swap3A_953], %swap3A_956 {strides = array<i32>} : memref<64x128xf32, #tpu.memory_space<vmem>>, vector<1x16xf32>,
        %add3A_957 = arith.addf %get3A_914, %get3A_717 : vector<16xf32>
        %swap3A_958 = arith.index_cast %add3A_882 : i32 to index
        %swap3A_959 = arith.constant 112 : index
        %swap3A_960 = tpu.vector_load %arg12[%swap3A_958, %swap3A_959] {strides = array<i32>} : memref<64x128xf32, #tpu.memory_space<vmem>>, vector<1x16xf32>,
        %swap3A_961 = vector.shape_cast %swap3A_960 : vector<1x16xf32> to vector<16xf32>
        %swap3A_962 = vector.shape_cast %add3A_957 : vector<16xf32> to vector<1x16xf32>
        tpu.vector_store %arg12[%swap3A_958, %swap3A_959], %swap3A_962 {strides = array<i32>} : memref<64x128xf32, #tpu.memory_space<vmem>>, vector<1x16xf32>,
        %add3A_963 = arith.constant 24 : i32
        %add3A_964 = arith.addi %add3A_963, %scan3A_684 : i32
        %get3A_965 = arith.index_cast %add3A_964 : i32 to index
        %get3A_966 = arith.constant 0 : index
        %get3A_967 = tpu.vector_load %arg10[%get3A_965, %get3A_966] {strides = array<i32>} : memref<64x128xf32, #tpu.memory_space<vmem>>, vector<1x16xf32>,
        %get3A_968 = vector.shape_cast %get3A_967 : vector<1x16xf32> to vector<16xf32>
        %get3A_969 = arith.index_cast %add3A_964 : i32 to index
        %get3A_970 = arith.constant 16 : index
        %get3A_971 = tpu.vector_load %arg10[%get3A_969, %get3A_970] {strides = array<i32>} : memref<64x128xf32, #tpu.memory_space<vmem>>, vector<1x16xf32>,
        %get3A_972 = vector.shape_cast %get3A_971 : vector<1x16xf32> to vector<16xf32>
        %get3A_973 = arith.index_cast %add3A_964 : i32 to index
        %get3A_974 = arith.constant 32 : index
        %get3A_975 = tpu.vector_load %arg10[%get3A_973, %get3A_974] {strides = array<i32>} : memref<64x128xf32, #tpu.memory_space<vmem>>, vector<1x16xf32>,
        %get3A_976 = vector.shape_cast %get3A_975 : vector<1x16xf32> to vector<16xf32>
        %get3A_977 = arith.index_cast %add3A_964 : i32 to index
        %get3A_978 = arith.constant 48 : index
        %get3A_979 = tpu.vector_load %arg10[%get3A_977, %get3A_978] {strides = array<i32>} : memref<64x128xf32, #tpu.memory_space<vmem>>, vector<1x16xf32>,
        %get3A_980 = vector.shape_cast %get3A_979 : vector<1x16xf32> to vector<16xf32>
        %get3A_981 = arith.index_cast %add3A_964 : i32 to index
        %get3A_982 = arith.constant 64 : index
        %get3A_983 = tpu.vector_load %arg10[%get3A_981, %get3A_982] {strides = array<i32>} : memref<64x128xf32, #tpu.memory_space<vmem>>, vector<1x16xf32>,
        %get3A_984 = vector.shape_cast %get3A_983 : vector<1x16xf32> to vector<16xf32>
        %get3A_985 = arith.index_cast %add3A_964 : i32 to index
        %get3A_986 = arith.constant 80 : index
        %get3A_987 = tpu.vector_load %arg10[%get3A_985, %get3A_986] {strides = array<i32>} : memref<64x128xf32, #tpu.memory_space<vmem>>, vector<1x16xf32>,
        %get3A_988 = vector.shape_cast %get3A_987 : vector<1x16xf32> to vector<16xf32>
        %get3A_989 = arith.index_cast %add3A_964 : i32 to index
        %get3A_990 = arith.constant 96 : index
        %get3A_991 = tpu.vector_load %arg10[%get3A_989, %get3A_990] {strides = array<i32>} : memref<64x128xf32, #tpu.memory_space<vmem>>, vector<1x16xf32>,
        %get3A_992 = vector.shape_cast %get3A_991 : vector<1x16xf32> to vector<16xf32>
        %get3A_993 = arith.index_cast %add3A_964 : i32 to index
        %get3A_994 = arith.constant 112 : index
        %get3A_995 = tpu.vector_load %arg10[%get3A_993, %get3A_994] {strides = array<i32>} : memref<64x128xf32, #tpu.memory_space<vmem>>, vector<1x16xf32>,
        %get3A_996 = vector.shape_cast %get3A_995 : vector<1x16xf32> to vector<16xf32>
        %add3A_997 = arith.addf %get3A_968, %get3A_689 : vector<16xf32>
        %swap3A_998 = arith.index_cast %add3A_964 : i32 to index
        %swap3A_999 = arith.constant 0 : index
        %swap3A_1000 = tpu.vector_load %arg12[%swap3A_998, %swap3A_999] {strides = array<i32>} : memref<64x128xf32, #tpu.memory_space<vmem>>, vector<1x16xf32>,
        %swap3A_1001 = vector.shape_cast %swap3A_1000 : vector<1x16xf32> to vector<16xf32>
        %swap3A_1002 = vector.shape_cast %add3A_997 : vector<16xf32> to vector<1x16xf32>
        tpu.vector_store %arg12[%swap3A_998, %swap3A_999], %swap3A_1002 {strides = array<i32>} : memref<64x128xf32, #tpu.memory_space<vmem>>, vector<1x16xf32>,
        %add3A_1003 = arith.addf %get3A_972, %get3A_693 : vector<16xf32>
        %swap3A_1004 = arith.index_cast %add3A_964 : i32 to index
        %swap3A_1005 = arith.constant 16 : index
        %swap3A_1006 = tpu.vector_load %arg12[%swap3A_1004, %swap3A_1005] {strides = array<i32>} : memref<64x128xf32, #tpu.memory_space<vmem>>, vector<1x16xf32>,
        %swap3A_1007 = vector.shape_cast %swap3A_1006 : vector<1x16xf32> to vector<16xf32>
        %swap3A_1008 = vector.shape_cast %add3A_1003 : vector<16xf32> to vector<1x16xf32>
        tpu.vector_store %arg12[%swap3A_1004, %swap3A_1005], %swap3A_1008 {strides = array<i32>} : memref<64x128xf32, #tpu.memory_space<vmem>>, vector<1x16xf32>,
        %add3A_1009 = arith.addf %get3A_976, %get3A_697 : vector<16xf32>
        %swap3A_1010 = arith.index_cast %add3A_964 : i32 to index
        %swap3A_1011 = arith.constant 32 : index
        %swap3A_1012 = tpu.vector_load %arg12[%swap3A_1010, %swap3A_1011] {strides = array<i32>} : memref<64x128xf32, #tpu.memory_space<vmem>>, vector<1x16xf32>,
        %swap3A_1013 = vector.shape_cast %swap3A_1012 : vector<1x16xf32> to vector<16xf32>
        %swap3A_1014 = vector.shape_cast %add3A_1009 : vector<16xf32> to vector<1x16xf32>
        tpu.vector_store %arg12[%swap3A_1010, %swap3A_1011], %swap3A_1014 {strides = array<i32>} : memref<64x128xf32, #tpu.memory_space<vmem>>, vector<1x16xf32>,
        %add3A_1015 = arith.addf %get3A_980, %get3A_701 : vector<16xf32>
        %swap3A_1016 = arith.index_cast %add3A_964 : i32 to index
        %swap3A_1017 = arith.constant 48 : index
        %swap3A_1018 = tpu.vector_load %arg12[%swap3A_1016, %swap3A_1017] {strides = array<i32>} : memref<64x128xf32, #tpu.memory_space<vmem>>, vector<1x16xf32>,
        %swap3A_1019 = vector.shape_cast %swap3A_1018 : vector<1x16xf32> to vector<16xf32>
        %swap3A_1020 = vector.shape_cast %add3A_1015 : vector<16xf32> to vector<1x16xf32>
        tpu.vector_store %arg12[%swap3A_1016, %swap3A_1017], %swap3A_1020 {strides = array<i32>} : memref<64x128xf32, #tpu.memory_space<vmem>>, vector<1x16xf32>,
        %add3A_1021 = arith.addf %get3A_984, %get3A_705 : vector<16xf32>
        %swap3A_1022 = arith.index_cast %add3A_964 : i32 to index
        %swap3A_1023 = arith.constant 64 : index
        %swap3A_1024 = tpu.vector_load %arg12[%swap3A_1022, %swap3A_1023] {strides = array<i32>} : memref<64x128xf32, #tpu.memory_space<vmem>>, vector<1x16xf32>,
        %swap3A_1025 = vector.shape_cast %swap3A_1024 : vector<1x16xf32> to vector<16xf32>
        %swap3A_1026 = vector.shape_cast %add3A_1021 : vector<16xf32> to vector<1x16xf32>
        tpu.vector_store %arg12[%swap3A_1022, %swap3A_1023], %swap3A_1026 {strides = array<i32>} : memref<64x128xf32, #tpu.memory_space<vmem>>, vector<1x16xf32>,
        %add3A_1027 = arith.addf %get3A_988, %get3A_709 : vector<16xf32>
        %swap3A_1028 = arith.index_cast %add3A_964 : i32 to index
        %swap3A_1029 = arith.constant 80 : index
        %swap3A_1030 = tpu.vector_load %arg12[%swap3A_1028, %swap3A_1029] {strides = array<i32>} : memref<64x128xf32, #tpu.memory_space<vmem>>, vector<1x16xf32>,
        %swap3A_1031 = vector.shape_cast %swap3A_1030 : vector<1x16xf32> to vector<16xf32>
        %swap3A_1032 = vector.shape_cast %add3A_1027 : vector<16xf32> to vector<1x16xf32>
        tpu.vector_store %arg12[%swap3A_1028, %swap3A_1029], %swap3A_1032 {strides = array<i32>} : memref<64x128xf32, #tpu.memory_space<vmem>>, vector<1x16xf32>,
        %add3A_1033 = arith.addf %get3A_992, %get3A_713 : vector<16xf32>
        %swap3A_1034 = arith.index_cast %add3A_964 : i32 to index
        %swap3A_1035 = arith.constant 96 : index
        %swap3A_1036 = tpu.vector_load %arg12[%swap3A_1034, %swap3A_1035] {strides = array<i32>} : memref<64x128xf32, #tpu.memory_space<vmem>>, vector<1x16xf32>,
        %swap3A_1037 = vector.shape_cast %swap3A_1036 : vector<1x16xf32> to vector<16xf32>
        %swap3A_1038 = vector.shape_cast %add3A_1033 : vector<16xf32> to vector<1x16xf32>
        tpu.vector_store %arg12[%swap3A_1034, %swap3A_1035], %swap3A_1038 {strides = array<i32>} : memref<64x128xf32, #tpu.memory_space<vmem>>, vector<1x16xf32>,
        %add3A_1039 = arith.addf %get3A_996, %get3A_717 : vector<16xf32>
        %swap3A_1040 = arith.index_cast %add3A_964 : i32 to index
        %swap3A_1041 = arith.constant 112 : index
        %swap3A_1042 = tpu.vector_load %arg12[%swap3A_1040, %swap3A_1041] {strides = array<i32>} : memref<64x128xf32, #tpu.memory_space<vmem>>, vector<1x16xf32>,
        %swap3A_1043 = vector.shape_cast %swap3A_1042 : vector<1x16xf32> to vector<16xf32>
        %swap3A_1044 = vector.shape_cast %add3A_1039 : vector<16xf32> to vector<1x16xf32>
        tpu.vector_store %arg12[%swap3A_1040, %swap3A_1041], %swap3A_1044 {strides = array<i32>} : memref<64x128xf32, #tpu.memory_space<vmem>>, vector<1x16xf32>,
        %add3A_1045 = arith.constant 32 : i32
        %add3A_1046 = arith.addi %add3A_1045, %scan3A_684 : i32
        %get3A_1047 = arith.index_cast %add3A_1046 : i32 to index
        %get3A_1048 = arith.constant 0 : index
        %get3A_1049 = tpu.vector_load %arg10[%get3A_1047, %get3A_1048] {strides = array<i32>} : memref<64x128xf32, #tpu.memory_space<vmem>>, vector<1x16xf32>,
        %get3A_1050 = vector.shape_cast %get3A_1049 : vector<1x16xf32> to vector<16xf32>
        %get3A_1051 = arith.index_cast %add3A_1046 : i32 to index
        %get3A_1052 = arith.constant 16 : index
        %get3A_1053 = tpu.vector_load %arg10[%get3A_1051, %get3A_1052] {strides = array<i32>} : memref<64x128xf32, #tpu.memory_space<vmem>>, vector<1x16xf32>,
        %get3A_1054 = vector.shape_cast %get3A_1053 : vector<1x16xf32> to vector<16xf32>
        %get3A_1055 = arith.index_cast %add3A_1046 : i32 to index
        %get3A_1056 = arith.constant 32 : index
        %get3A_1057 = tpu.vector_load %arg10[%get3A_1055, %get3A_1056] {strides = array<i32>} : memref<64x128xf32, #tpu.memory_space<vmem>>, vector<1x16xf32>,
        %get3A_1058 = vector.shape_cast %get3A_1057 : vector<1x16xf32> to vector<16xf32>
        %get3A_1059 = arith.index_cast %add3A_1046 : i32 to index
        %get3A_1060 = arith.constant 48 : index
        %get3A_1061 = tpu.vector_load %arg10[%get3A_1059, %get3A_1060] {strides = array<i32>} : memref<64x128xf32, #tpu.memory_space<vmem>>, vector<1x16xf32>,
        %get3A_1062 = vector.shape_cast %get3A_1061 : vector<1x16xf32> to vector<16xf32>
        %get3A_1063 = arith.index_cast %add3A_1046 : i32 to index
        %get3A_1064 = arith.constant 64 : index
        %get3A_1065 = tpu.vector_load %arg10[%get3A_1063, %get3A_1064] {strides = array<i32>} : memref<64x128xf32, #tpu.memory_space<vmem>>, vector<1x16xf32>,
        %get3A_1066 = vector.shape_cast %get3A_1065 : vector<1x16xf32> to vector<16xf32>
        %get3A_1067 = arith.index_cast %add3A_1046 : i32 to index
        %get3A_1068 = arith.constant 80 : index
        %get3A_1069 = tpu.vector_load %arg10[%get3A_1067, %get3A_1068] {strides = array<i32>} : memref<64x128xf32, #tpu.memory_space<vmem>>, vector<1x16xf32>,
        %get3A_1070 = vector.shape_cast %get3A_1069 : vector<1x16xf32> to vector<16xf32>
        %get3A_1071 = arith.index_cast %add3A_1046 : i32 to index
        %get3A_1072 = arith.constant 96 : index
        %get3A_1073 = tpu.vector_load %arg10[%get3A_1071, %get3A_1072] {strides = array<i32>} : memref<64x128xf32, #tpu.memory_space<vmem>>, vector<1x16xf32>,
        %get3A_1074 = vector.shape_cast %get3A_1073 : vector<1x16xf32> to vector<16xf32>
        %get3A_1075 = arith.index_cast %add3A_1046 : i32 to index
        %get3A_1076 = arith.constant 112 : index
        %get3A_1077 = tpu.vector_load %arg10[%get3A_1075, %get3A_1076] {strides = array<i32>} : memref<64x128xf32, #tpu.memory_space<vmem>>, vector<1x16xf32>,
        %get3A_1078 = vector.shape_cast %get3A_1077 : vector<1x16xf32> to vector<16xf32>
        %add3A_1079 = arith.addf %get3A_1050, %get3A_689 : vector<16xf32>
        %swap3A_1080 = arith.index_cast %add3A_1046 : i32 to index
        %swap3A_1081 = arith.constant 0 : index
        %swap3A_1082 = tpu.vector_load %arg12[%swap3A_1080, %swap3A_1081] {strides = array<i32>} : memref<64x128xf32, #tpu.memory_space<vmem>>, vector<1x16xf32>,
        %swap3A_1083 = vector.shape_cast %swap3A_1082 : vector<1x16xf32> to vector<16xf32>
        %swap3A_1084 = vector.shape_cast %add3A_1079 : vector<16xf32> to vector<1x16xf32>
        tpu.vector_store %arg12[%swap3A_1080, %swap3A_1081], %swap3A_1084 {strides = array<i32>} : memref<64x128xf32, #tpu.memory_space<vmem>>, vector<1x16xf32>,
        %add3A_1085 = arith.addf %get3A_1054, %get3A_693 : vector<16xf32>
        %swap3A_1086 = arith.index_cast %add3A_1046 : i32 to index
        %swap3A_1087 = arith.constant 16 : index
        %swap3A_1088 = tpu.vector_load %arg12[%swap3A_1086, %swap3A_1087] {strides = array<i32>} : memref<64x128xf32, #tpu.memory_space<vmem>>, vector<1x16xf32>,
        %swap3A_1089 = vector.shape_cast %swap3A_1088 : vector<1x16xf32> to vector<16xf32>
        %swap3A_1090 = vector.shape_cast %add3A_1085 : vector<16xf32> to vector<1x16xf32>
        tpu.vector_store %arg12[%swap3A_1086, %swap3A_1087], %swap3A_1090 {strides = array<i32>} : memref<64x128xf32, #tpu.memory_space<vmem>>, vector<1x16xf32>,
        %add3A_1091 = arith.addf %get3A_1058, %get3A_697 : vector<16xf32>
        %swap3A_1092 = arith.index_cast %add3A_1046 : i32 to index
        %swap3A_1093 = arith.constant 32 : index
        %swap3A_1094 = tpu.vector_load %arg12[%swap3A_1092, %swap3A_1093] {strides = array<i32>} : memref<64x128xf32, #tpu.memory_space<vmem>>, vector<1x16xf32>,
        %swap3A_1095 = vector.shape_cast %swap3A_1094 : vector<1x16xf32> to vector<16xf32>
        %swap3A_1096 = vector.shape_cast %add3A_1091 : vector<16xf32> to vector<1x16xf32>
        tpu.vector_store %arg12[%swap3A_1092, %swap3A_1093], %swap3A_1096 {strides = array<i32>} : memref<64x128xf32, #tpu.memory_space<vmem>>, vector<1x16xf32>,
        %add3A_1097 = arith.addf %get3A_1062, %get3A_701 : vector<16xf32>
        %swap3A_1098 = arith.index_cast %add3A_1046 : i32 to index
        %swap3A_1099 = arith.constant 48 : index
        %swap3A_1100 = tpu.vector_load %arg12[%swap3A_1098, %swap3A_1099] {strides = array<i32>} : memref<64x128xf32, #tpu.memory_space<vmem>>, vector<1x16xf32>,
        %swap3A_1101 = vector.shape_cast %swap3A_1100 : vector<1x16xf32> to vector<16xf32>
        %swap3A_1102 = vector.shape_cast %add3A_1097 : vector<16xf32> to vector<1x16xf32>
        tpu.vector_store %arg12[%swap3A_1098, %swap3A_1099], %swap3A_1102 {strides = array<i32>} : memref<64x128xf32, #tpu.memory_space<vmem>>, vector<1x16xf32>,
        %add3A_1103 = arith.addf %get3A_1066, %get3A_705 : vector<16xf32>
        %swap3A_1104 = arith.index_cast %add3A_1046 : i32 to index
        %swap3A_1105 = arith.constant 64 : index
        %swap3A_1106 = tpu.vector_load %arg12[%swap3A_1104, %swap3A_1105] {strides = array<i32>} : memref<64x128xf32, #tpu.memory_space<vmem>>, vector<1x16xf32>,
        %swap3A_1107 = vector.shape_cast %swap3A_1106 : vector<1x16xf32> to vector<16xf32>
        %swap3A_1108 = vector.shape_cast %add3A_1103 : vector<16xf32> to vector<1x16xf32>
        tpu.vector_store %arg12[%swap3A_1104, %swap3A_1105], %swap3A_1108 {strides = array<i32>} : memref<64x128xf32, #tpu.memory_space<vmem>>, vector<1x16xf32>,
        %add3A_1109 = arith.addf %get3A_1070, %get3A_709 : vector<16xf32>
        %swap3A_1110 = arith.index_cast %add3A_1046 : i32 to index
        %swap3A_1111 = arith.constant 80 : index
        %swap3A_1112 = tpu.vector_load %arg12[%swap3A_1110, %swap3A_1111] {strides = array<i32>} : memref<64x128xf32, #tpu.memory_space<vmem>>, vector<1x16xf32>,
        %swap3A_1113 = vector.shape_cast %swap3A_1112 : vector<1x16xf32> to vector<16xf32>
        %swap3A_1114 = vector.shape_cast %add3A_1109 : vector<16xf32> to vector<1x16xf32>
        tpu.vector_store %arg12[%swap3A_1110, %swap3A_1111], %swap3A_1114 {strides = array<i32>} : memref<64x128xf32, #tpu.memory_space<vmem>>, vector<1x16xf32>,
        %add3A_1115 = arith.addf %get3A_1074, %get3A_713 : vector<16xf32>
        %swap3A_1116 = arith.index_cast %add3A_1046 : i32 to index
        %swap3A_1117 = arith.constant 96 : index
        %swap3A_1118 = tpu.vector_load %arg12[%swap3A_1116, %swap3A_1117] {strides = array<i32>} : memref<64x128xf32, #tpu.memory_space<vmem>>, vector<1x16xf32>,
        %swap3A_1119 = vector.shape_cast %swap3A_1118 : vector<1x16xf32> to vector<16xf32>
        %swap3A_1120 = vector.shape_cast %add3A_1115 : vector<16xf32> to vector<1x16xf32>
        tpu.vector_store %arg12[%swap3A_1116, %swap3A_1117], %swap3A_1120 {strides = array<i32>} : memref<64x128xf32, #tpu.memory_space<vmem>>, vector<1x16xf32>,
        %add3A_1121 = arith.addf %get3A_1078, %get3A_717 : vector<16xf32>
        %swap3A_1122 = arith.index_cast %add3A_1046 : i32 to index
        %swap3A_1123 = arith.constant 112 : index
        %swap3A_1124 = tpu.vector_load %arg12[%swap3A_1122, %swap3A_1123] {strides = array<i32>} : memref<64x128xf32, #tpu.memory_space<vmem>>, vector<1x16xf32>,
        %swap3A_1125 = vector.shape_cast %swap3A_1124 : vector<1x16xf32> to vector<16xf32>
        %swap3A_1126 = vector.shape_cast %add3A_1121 : vector<16xf32> to vector<1x16xf32>
        tpu.vector_store %arg12[%swap3A_1122, %swap3A_1123], %swap3A_1126 {strides = array<i32>} : memref<64x128xf32, #tpu.memory_space<vmem>>, vector<1x16xf32>,
        %add3A_1127 = arith.constant 40 : i32
        %add3A_1128 = arith.addi %add3A_1127, %scan3A_684 : i32
        %get3A_1129 = arith.index_cast %add3A_1128 : i32 to index
        %get3A_1130 = arith.constant 0 : index
        %get3A_1131 = tpu.vector_load %arg10[%get3A_1129, %get3A_1130] {strides = array<i32>} : memref<64x128xf32, #tpu.memory_space<vmem>>, vector<1x16xf32>,
        %get3A_1132 = vector.shape_cast %get3A_1131 : vector<1x16xf32> to vector<16xf32>
        %get3A_1133 = arith.index_cast %add3A_1128 : i32 to index
        %get3A_1134 = arith.constant 16 : index
        %get3A_1135 = tpu.vector_load %arg10[%get3A_1133, %get3A_1134] {strides = array<i32>} : memref<64x128xf32, #tpu.memory_space<vmem>>, vector<1x16xf32>,
        %get3A_1136 = vector.shape_cast %get3A_1135 : vector<1x16xf32> to vector<16xf32>
        %get3A_1137 = arith.index_cast %add3A_1128 : i32 to index
        %get3A_1138 = arith.constant 32 : index
        %get3A_1139 = tpu.vector_load %arg10[%get3A_1137, %get3A_1138] {strides = array<i32>} : memref<64x128xf32, #tpu.memory_space<vmem>>, vector<1x16xf32>,
        %get3A_1140 = vector.shape_cast %get3A_1139 : vector<1x16xf32> to vector<16xf32>
        %get3A_1141 = arith.index_cast %add3A_1128 : i32 to index
        %get3A_1142 = arith.constant 48 : index
        %get3A_1143 = tpu.vector_load %arg10[%get3A_1141, %get3A_1142] {strides = array<i32>} : memref<64x128xf32, #tpu.memory_space<vmem>>, vector<1x16xf32>,
        %get3A_1144 = vector.shape_cast %get3A_1143 : vector<1x16xf32> to vector<16xf32>
        %get3A_1145 = arith.index_cast %add3A_1128 : i32 to index
        %get3A_1146 = arith.constant 64 : index
        %get3A_1147 = tpu.vector_load %arg10[%get3A_1145, %get3A_1146] {strides = array<i32>} : memref<64x128xf32, #tpu.memory_space<vmem>>, vector<1x16xf32>,
        %get3A_1148 = vector.shape_cast %get3A_1147 : vector<1x16xf32> to vector<16xf32>
        %get3A_1149 = arith.index_cast %add3A_1128 : i32 to index
        %get3A_1150 = arith.constant 80 : index
        %get3A_1151 = tpu.vector_load %arg10[%get3A_1149, %get3A_1150] {strides = array<i32>} : memref<64x128xf32, #tpu.memory_space<vmem>>, vector<1x16xf32>,
        %get3A_1152 = vector.shape_cast %get3A_1151 : vector<1x16xf32> to vector<16xf32>
        %get3A_1153 = arith.index_cast %add3A_1128 : i32 to index
        %get3A_1154 = arith.constant 96 : index
        %get3A_1155 = tpu.vector_load %arg10[%get3A_1153, %get3A_1154] {strides = array<i32>} : memref<64x128xf32, #tpu.memory_space<vmem>>, vector<1x16xf32>,
        %get3A_1156 = vector.shape_cast %get3A_1155 : vector<1x16xf32> to vector<16xf32>
        %get3A_1157 = arith.index_cast %add3A_1128 : i32 to index
        %get3A_1158 = arith.constant 112 : index
        %get3A_1159 = tpu.vector_load %arg10[%get3A_1157, %get3A_1158] {strides = array<i32>} : memref<64x128xf32, #tpu.memory_space<vmem>>, vector<1x16xf32>,
        %get3A_1160 = vector.shape_cast %get3A_1159 : vector<1x16xf32> to vector<16xf32>
        %add3A_1161 = arith.addf %get3A_1132, %get3A_689 : vector<16xf32>
        %swap3A_1162 = arith.index_cast %add3A_1128 : i32 to index
        %swap3A_1163 = arith.constant 0 : index
        %swap3A_1164 = tpu.vector_load %arg12[%swap3A_1162, %swap3A_1163] {strides = array<i32>} : memref<64x128xf32, #tpu.memory_space<vmem>>, vector<1x16xf32>,
        %swap3A_1165 = vector.shape_cast %swap3A_1164 : vector<1x16xf32> to vector<16xf32>
        %swap3A_1166 = vector.shape_cast %add3A_1161 : vector<16xf32> to vector<1x16xf32>
        tpu.vector_store %arg12[%swap3A_1162, %swap3A_1163], %swap3A_1166 {strides = array<i32>} : memref<64x128xf32, #tpu.memory_space<vmem>>, vector<1x16xf32>,
        %add3A_1167 = arith.addf %get3A_1136, %get3A_693 : vector<16xf32>
        %swap3A_1168 = arith.index_cast %add3A_1128 : i32 to index
        %swap3A_1169 = arith.constant 16 : index
        %swap3A_1170 = tpu.vector_load %arg12[%swap3A_1168, %swap3A_1169] {strides = array<i32>} : memref<64x128xf32, #tpu.memory_space<vmem>>, vector<1x16xf32>,
        %swap3A_1171 = vector.shape_cast %swap3A_1170 : vector<1x16xf32> to vector<16xf32>
        %swap3A_1172 = vector.shape_cast %add3A_1167 : vector<16xf32> to vector<1x16xf32>
        tpu.vector_store %arg12[%swap3A_1168, %swap3A_1169], %swap3A_1172 {strides = array<i32>} : memref<64x128xf32, #tpu.memory_space<vmem>>, vector<1x16xf32>,
        %add3A_1173 = arith.addf %get3A_1140, %get3A_697 : vector<16xf32>
        %swap3A_1174 = arith.index_cast %add3A_1128 : i32 to index
        %swap3A_1175 = arith.constant 32 : index
        %swap3A_1176 = tpu.vector_load %arg12[%swap3A_1174, %swap3A_1175] {strides = array<i32>} : memref<64x128xf32, #tpu.memory_space<vmem>>, vector<1x16xf32>,
        %swap3A_1177 = vector.shape_cast %swap3A_1176 : vector<1x16xf32> to vector<16xf32>
        %swap3A_1178 = vector.shape_cast %add3A_1173 : vector<16xf32> to vector<1x16xf32>
        tpu.vector_store %arg12[%swap3A_1174, %swap3A_1175], %swap3A_1178 {strides = array<i32>} : memref<64x128xf32, #tpu.memory_space<vmem>>, vector<1x16xf32>,
        %add3A_1179 = arith.addf %get3A_1144, %get3A_701 : vector<16xf32>
        %swap3A_1180 = arith.index_cast %add3A_1128 : i32 to index
        %swap3A_1181 = arith.constant 48 : index
        %swap3A_1182 = tpu.vector_load %arg12[%swap3A_1180, %swap3A_1181] {strides = array<i32>} : memref<64x128xf32, #tpu.memory_space<vmem>>, vector<1x16xf32>,
        %swap3A_1183 = vector.shape_cast %swap3A_1182 : vector<1x16xf32> to vector<16xf32>
        %swap3A_1184 = vector.shape_cast %add3A_1179 : vector<16xf32> to vector<1x16xf32>
        tpu.vector_store %arg12[%swap3A_1180, %swap3A_1181], %swap3A_1184 {strides = array<i32>} : memref<64x128xf32, #tpu.memory_space<vmem>>, vector<1x16xf32>,
        %add3A_1185 = arith.addf %get3A_1148, %get3A_705 : vector<16xf32>
        %swap3A_1186 = arith.index_cast %add3A_1128 : i32 to index
        %swap3A_1187 = arith.constant 64 : index
        %swap3A_1188 = tpu.vector_load %arg12[%swap3A_1186, %swap3A_1187] {strides = array<i32>} : memref<64x128xf32, #tpu.memory_space<vmem>>, vector<1x16xf32>,
        %swap3A_1189 = vector.shape_cast %swap3A_1188 : vector<1x16xf32> to vector<16xf32>
        %swap3A_1190 = vector.shape_cast %add3A_1185 : vector<16xf32> to vector<1x16xf32>
        tpu.vector_store %arg12[%swap3A_1186, %swap3A_1187], %swap3A_1190 {strides = array<i32>} : memref<64x128xf32, #tpu.memory_space<vmem>>, vector<1x16xf32>,
        %add3A_1191 = arith.addf %get3A_1152, %get3A_709 : vector<16xf32>
        %swap3A_1192 = arith.index_cast %add3A_1128 : i32 to index
        %swap3A_1193 = arith.constant 80 : index
        %swap3A_1194 = tpu.vector_load %arg12[%swap3A_1192, %swap3A_1193] {strides = array<i32>} : memref<64x128xf32, #tpu.memory_space<vmem>>, vector<1x16xf32>,
        %swap3A_1195 = vector.shape_cast %swap3A_1194 : vector<1x16xf32> to vector<16xf32>
        %swap3A_1196 = vector.shape_cast %add3A_1191 : vector<16xf32> to vector<1x16xf32>
        tpu.vector_store %arg12[%swap3A_1192, %swap3A_1193], %swap3A_1196 {strides = array<i32>} : memref<64x128xf32, #tpu.memory_space<vmem>>, vector<1x16xf32>,
        %add3A_1197 = arith.addf %get3A_1156, %get3A_713 : vector<16xf32>
        %swap3A_1198 = arith.index_cast %add3A_1128 : i32 to index
        %swap3A_1199 = arith.constant 96 : index
        %swap3A_1200 = tpu.vector_load %arg12[%swap3A_1198, %swap3A_1199] {strides = array<i32>} : memref<64x128xf32, #tpu.memory_space<vmem>>, vector<1x16xf32>,
        %swap3A_1201 = vector.shape_cast %swap3A_1200 : vector<1x16xf32> to vector<16xf32>
        %swap3A_1202 = vector.shape_cast %add3A_1197 : vector<16xf32> to vector<1x16xf32>
        tpu.vector_store %arg12[%swap3A_1198, %swap3A_1199], %swap3A_1202 {strides = array<i32>} : memref<64x128xf32, #tpu.memory_space<vmem>>, vector<1x16xf32>,
        %add3A_1203 = arith.addf %get3A_1160, %get3A_717 : vector<16xf32>
        %swap3A_1204 = arith.index_cast %add3A_1128 : i32 to index
        %swap3A_1205 = arith.constant 112 : index
        %swap3A_1206 = tpu.vector_load %arg12[%swap3A_1204, %swap3A_1205] {strides = array<i32>} : memref<64x128xf32, #tpu.memory_space<vmem>>, vector<1x16xf32>,
        %swap3A_1207 = vector.shape_cast %swap3A_1206 : vector<1x16xf32> to vector<16xf32>
        %swap3A_1208 = vector.shape_cast %add3A_1203 : vector<16xf32> to vector<1x16xf32>
        tpu.vector_store %arg12[%swap3A_1204, %swap3A_1205], %swap3A_1208 {strides = array<i32>} : memref<64x128xf32, #tpu.memory_space<vmem>>, vector<1x16xf32>,
        %add3A_1209 = arith.constant 48 : i32
        %add3A_1210 = arith.addi %add3A_1209, %scan3A_684 : i32
        %get3A_1211 = arith.index_cast %add3A_1210 : i32 to index
        %get3A_1212 = arith.constant 0 : index
        %get3A_1213 = tpu.vector_load %arg10[%get3A_1211, %get3A_1212] {strides = array<i32>} : memref<64x128xf32, #tpu.memory_space<vmem>>, vector<1x16xf32>,
        %get3A_1214 = vector.shape_cast %get3A_1213 : vector<1x16xf32> to vector<16xf32>
        %get3A_1215 = arith.index_cast %add3A_1210 : i32 to index
        %get3A_1216 = arith.constant 16 : index
        %get3A_1217 = tpu.vector_load %arg10[%get3A_1215, %get3A_1216] {strides = array<i32>} : memref<64x128xf32, #tpu.memory_space<vmem>>, vector<1x16xf32>,
        %get3A_1218 = vector.shape_cast %get3A_1217 : vector<1x16xf32> to vector<16xf32>
        %get3A_1219 = arith.index_cast %add3A_1210 : i32 to index
        %get3A_1220 = arith.constant 32 : index
        %get3A_1221 = tpu.vector_load %arg10[%get3A_1219, %get3A_1220] {strides = array<i32>} : memref<64x128xf32, #tpu.memory_space<vmem>>, vector<1x16xf32>,
        %get3A_1222 = vector.shape_cast %get3A_1221 : vector<1x16xf32> to vector<16xf32>
        %get3A_1223 = arith.index_cast %add3A_1210 : i32 to index
        %get3A_1224 = arith.constant 48 : index
        %get3A_1225 = tpu.vector_load %arg10[%get3A_1223, %get3A_1224] {strides = array<i32>} : memref<64x128xf32, #tpu.memory_space<vmem>>, vector<1x16xf32>,
        %get3A_1226 = vector.shape_cast %get3A_1225 : vector<1x16xf32> to vector<16xf32>
        %get3A_1227 = arith.index_cast %add3A_1210 : i32 to index
        %get3A_1228 = arith.constant 64 : index
        %get3A_1229 = tpu.vector_load %arg10[%get3A_1227, %get3A_1228] {strides = array<i32>} : memref<64x128xf32, #tpu.memory_space<vmem>>, vector<1x16xf32>,
        %get3A_1230 = vector.shape_cast %get3A_1229 : vector<1x16xf32> to vector<16xf32>
        %get3A_1231 = arith.index_cast %add3A_1210 : i32 to index
        %get3A_1232 = arith.constant 80 : index
        %get3A_1233 = tpu.vector_load %arg10[%get3A_1231, %get3A_1232] {strides = array<i32>} : memref<64x128xf32, #tpu.memory_space<vmem>>, vector<1x16xf32>,
        %get3A_1234 = vector.shape_cast %get3A_1233 : vector<1x16xf32> to vector<16xf32>
        %get3A_1235 = arith.index_cast %add3A_1210 : i32 to index
        %get3A_1236 = arith.constant 96 : index
        %get3A_1237 = tpu.vector_load %arg10[%get3A_1235, %get3A_1236] {strides = array<i32>} : memref<64x128xf32, #tpu.memory_space<vmem>>, vector<1x16xf32>,
        %get3A_1238 = vector.shape_cast %get3A_1237 : vector<1x16xf32> to vector<16xf32>
        %get3A_1239 = arith.index_cast %add3A_1210 : i32 to index
        %get3A_1240 = arith.constant 112 : index
        %get3A_1241 = tpu.vector_load %arg10[%get3A_1239, %get3A_1240] {strides = array<i32>} : memref<64x128xf32, #tpu.memory_space<vmem>>, vector<1x16xf32>,
        %get3A_1242 = vector.shape_cast %get3A_1241 : vector<1x16xf32> to vector<16xf32>
        %add3A_1243 = arith.addf %get3A_1214, %get3A_689 : vector<16xf32>
        %swap3A_1244 = arith.index_cast %add3A_1210 : i32 to index
        %swap3A_1245 = arith.constant 0 : index
        %swap3A_1246 = tpu.vector_load %arg12[%swap3A_1244, %swap3A_1245] {strides = array<i32>} : memref<64x128xf32, #tpu.memory_space<vmem>>, vector<1x16xf32>,
        %swap3A_1247 = vector.shape_cast %swap3A_1246 : vector<1x16xf32> to vector<16xf32>
        %swap3A_1248 = vector.shape_cast %add3A_1243 : vector<16xf32> to vector<1x16xf32>
        tpu.vector_store %arg12[%swap3A_1244, %swap3A_1245], %swap3A_1248 {strides = array<i32>} : memref<64x128xf32, #tpu.memory_space<vmem>>, vector<1x16xf32>,
        %add3A_1249 = arith.addf %get3A_1218, %get3A_693 : vector<16xf32>
        %swap3A_1250 = arith.index_cast %add3A_1210 : i32 to index
        %swap3A_1251 = arith.constant 16 : index
        %swap3A_1252 = tpu.vector_load %arg12[%swap3A_1250, %swap3A_1251] {strides = array<i32>} : memref<64x128xf32, #tpu.memory_space<vmem>>, vector<1x16xf32>,
        %swap3A_1253 = vector.shape_cast %swap3A_1252 : vector<1x16xf32> to vector<16xf32>
        %swap3A_1254 = vector.shape_cast %add3A_1249 : vector<16xf32> to vector<1x16xf32>
        tpu.vector_store %arg12[%swap3A_1250, %swap3A_1251], %swap3A_1254 {strides = array<i32>} : memref<64x128xf32, #tpu.memory_space<vmem>>, vector<1x16xf32>,
        %add3A_1255 = arith.addf %get3A_1222, %get3A_697 : vector<16xf32>
        %swap3A_1256 = arith.index_cast %add3A_1210 : i32 to index
        %swap3A_1257 = arith.constant 32 : index
        %swap3A_1258 = tpu.vector_load %arg12[%swap3A_1256, %swap3A_1257] {strides = array<i32>} : memref<64x128xf32, #tpu.memory_space<vmem>>, vector<1x16xf32>,
        %swap3A_1259 = vector.shape_cast %swap3A_1258 : vector<1x16xf32> to vector<16xf32>
        %swap3A_1260 = vector.shape_cast %add3A_1255 : vector<16xf32> to vector<1x16xf32>
        tpu.vector_store %arg12[%swap3A_1256, %swap3A_1257], %swap3A_1260 {strides = array<i32>} : memref<64x128xf32, #tpu.memory_space<vmem>>, vector<1x16xf32>,
        %add3A_1261 = arith.addf %get3A_1226, %get3A_701 : vector<16xf32>
        %swap3A_1262 = arith.index_cast %add3A_1210 : i32 to index
        %swap3A_1263 = arith.constant 48 : index
        %swap3A_1264 = tpu.vector_load %arg12[%swap3A_1262, %swap3A_1263] {strides = array<i32>} : memref<64x128xf32, #tpu.memory_space<vmem>>, vector<1x16xf32>,
        %swap3A_1265 = vector.shape_cast %swap3A_1264 : vector<1x16xf32> to vector<16xf32>
        %swap3A_1266 = vector.shape_cast %add3A_1261 : vector<16xf32> to vector<1x16xf32>
        tpu.vector_store %arg12[%swap3A_1262, %swap3A_1263], %swap3A_1266 {strides = array<i32>} : memref<64x128xf32, #tpu.memory_space<vmem>>, vector<1x16xf32>,
        %add3A_1267 = arith.addf %get3A_1230, %get3A_705 : vector<16xf32>
        %swap3A_1268 = arith.index_cast %add3A_1210 : i32 to index
        %swap3A_1269 = arith.constant 64 : index
        %swap3A_1270 = tpu.vector_load %arg12[%swap3A_1268, %swap3A_1269] {strides = array<i32>} : memref<64x128xf32, #tpu.memory_space<vmem>>, vector<1x16xf32>,
        %swap3A_1271 = vector.shape_cast %swap3A_1270 : vector<1x16xf32> to vector<16xf32>
        %swap3A_1272 = vector.shape_cast %add3A_1267 : vector<16xf32> to vector<1x16xf32>
        tpu.vector_store %arg12[%swap3A_1268, %swap3A_1269], %swap3A_1272 {strides = array<i32>} : memref<64x128xf32, #tpu.memory_space<vmem>>, vector<1x16xf32>,
        %add3A_1273 = arith.addf %get3A_1234, %get3A_709 : vector<16xf32>
        %swap3A_1274 = arith.index_cast %add3A_1210 : i32 to index
        %swap3A_1275 = arith.constant 80 : index
        %swap3A_1276 = tpu.vector_load %arg12[%swap3A_1274, %swap3A_1275] {strides = array<i32>} : memref<64x128xf32, #tpu.memory_space<vmem>>, vector<1x16xf32>,
        %swap3A_1277 = vector.shape_cast %swap3A_1276 : vector<1x16xf32> to vector<16xf32>
        %swap3A_1278 = vector.shape_cast %add3A_1273 : vector<16xf32> to vector<1x16xf32>
        tpu.vector_store %arg12[%swap3A_1274, %swap3A_1275], %swap3A_1278 {strides = array<i32>} : memref<64x128xf32, #tpu.memory_space<vmem>>, vector<1x16xf32>,
        %add3A_1279 = arith.addf %get3A_1238, %get3A_713 : vector<16xf32>
        %swap3A_1280 = arith.index_cast %add3A_1210 : i32 to index
        %swap3A_1281 = arith.constant 96 : index
        %swap3A_1282 = tpu.vector_load %arg12[%swap3A_1280, %swap3A_1281] {strides = array<i32>} : memref<64x128xf32, #tpu.memory_space<vmem>>, vector<1x16xf32>,
        %swap3A_1283 = vector.shape_cast %swap3A_1282 : vector<1x16xf32> to vector<16xf32>
        %swap3A_1284 = vector.shape_cast %add3A_1279 : vector<16xf32> to vector<1x16xf32>
        tpu.vector_store %arg12[%swap3A_1280, %swap3A_1281], %swap3A_1284 {strides = array<i32>} : memref<64x128xf32, #tpu.memory_space<vmem>>, vector<1x16xf32>,
        %add3A_1285 = arith.addf %get3A_1242, %get3A_717 : vector<16xf32>
        %swap3A_1286 = arith.index_cast %add3A_1210 : i32 to index
        %swap3A_1287 = arith.constant 112 : index
        %swap3A_1288 = tpu.vector_load %arg12[%swap3A_1286, %swap3A_1287] {strides = array<i32>} : memref<64x128xf32, #tpu.memory_space<vmem>>, vector<1x16xf32>,
        %swap3A_1289 = vector.shape_cast %swap3A_1288 : vector<1x16xf32> to vector<16xf32>
        %swap3A_1290 = vector.shape_cast %add3A_1285 : vector<16xf32> to vector<1x16xf32>
        tpu.vector_store %arg12[%swap3A_1286, %swap3A_1287], %swap3A_1290 {strides = array<i32>} : memref<64x128xf32, #tpu.memory_space<vmem>>, vector<1x16xf32>,
        %add3A_1291 = arith.constant 56 : i32
        %add3A_1292 = arith.addi %add3A_1291, %scan3A_684 : i32
        %get3A_1293 = arith.index_cast %add3A_1292 : i32 to index
        %get3A_1294 = arith.constant 0 : index
        %get3A_1295 = tpu.vector_load %arg10[%get3A_1293, %get3A_1294] {strides = array<i32>} : memref<64x128xf32, #tpu.memory_space<vmem>>, vector<1x16xf32>,
        %get3A_1296 = vector.shape_cast %get3A_1295 : vector<1x16xf32> to vector<16xf32>
        %get3A_1297 = arith.index_cast %add3A_1292 : i32 to index
        %get3A_1298 = arith.constant 16 : index
        %get3A_1299 = tpu.vector_load %arg10[%get3A_1297, %get3A_1298] {strides = array<i32>} : memref<64x128xf32, #tpu.memory_space<vmem>>, vector<1x16xf32>,
        %get3A_1300 = vector.shape_cast %get3A_1299 : vector<1x16xf32> to vector<16xf32>
        %get3A_1301 = arith.index_cast %add3A_1292 : i32 to index
        %get3A_1302 = arith.constant 32 : index
        %get3A_1303 = tpu.vector_load %arg10[%get3A_1301, %get3A_1302] {strides = array<i32>} : memref<64x128xf32, #tpu.memory_space<vmem>>, vector<1x16xf32>,
        %get3A_1304 = vector.shape_cast %get3A_1303 : vector<1x16xf32> to vector<16xf32>
        %get3A_1305 = arith.index_cast %add3A_1292 : i32 to index
        %get3A_1306 = arith.constant 48 : index
        %get3A_1307 = tpu.vector_load %arg10[%get3A_1305, %get3A_1306] {strides = array<i32>} : memref<64x128xf32, #tpu.memory_space<vmem>>, vector<1x16xf32>,
        %get3A_1308 = vector.shape_cast %get3A_1307 : vector<1x16xf32> to vector<16xf32>
        %get3A_1309 = arith.index_cast %add3A_1292 : i32 to index
        %get3A_1310 = arith.constant 64 : index
        %get3A_1311 = tpu.vector_load %arg10[%get3A_1309, %get3A_1310] {strides = array<i32>} : memref<64x128xf32, #tpu.memory_space<vmem>>, vector<1x16xf32>,
        %get3A_1312 = vector.shape_cast %get3A_1311 : vector<1x16xf32> to vector<16xf32>
        %get3A_1313 = arith.index_cast %add3A_1292 : i32 to index
        %get3A_1314 = arith.constant 80 : index
        %get3A_1315 = tpu.vector_load %arg10[%get3A_1313, %get3A_1314] {strides = array<i32>} : memref<64x128xf32, #tpu.memory_space<vmem>>, vector<1x16xf32>,
        %get3A_1316 = vector.shape_cast %get3A_1315 : vector<1x16xf32> to vector<16xf32>
        %get3A_1317 = arith.index_cast %add3A_1292 : i32 to index
        %get3A_1318 = arith.constant 96 : index
        %get3A_1319 = tpu.vector_load %arg10[%get3A_1317, %get3A_1318] {strides = array<i32>} : memref<64x128xf32, #tpu.memory_space<vmem>>, vector<1x16xf32>,
        %get3A_1320 = vector.shape_cast %get3A_1319 : vector<1x16xf32> to vector<16xf32>
        %get3A_1321 = arith.index_cast %add3A_1292 : i32 to index
        %get3A_1322 = arith.constant 112 : index
        %get3A_1323 = tpu.vector_load %arg10[%get3A_1321, %get3A_1322] {strides = array<i32>} : memref<64x128xf32, #tpu.memory_space<vmem>>, vector<1x16xf32>,
        %get3A_1324 = vector.shape_cast %get3A_1323 : vector<1x16xf32> to vector<16xf32>
        %add3A_1325 = arith.addf %get3A_1296, %get3A_689 : vector<16xf32>
        %swap3A_1326 = arith.index_cast %add3A_1292 : i32 to index
        %swap3A_1327 = arith.constant 0 : index
        %swap3A_1328 = tpu.vector_load %arg12[%swap3A_1326, %swap3A_1327] {strides = array<i32>} : memref<64x128xf32, #tpu.memory_space<vmem>>, vector<1x16xf32>,
        %swap3A_1329 = vector.shape_cast %swap3A_1328 : vector<1x16xf32> to vector<16xf32>
        %swap3A_1330 = vector.shape_cast %add3A_1325 : vector<16xf32> to vector<1x16xf32>
        tpu.vector_store %arg12[%swap3A_1326, %swap3A_1327], %swap3A_1330 {strides = array<i32>} : memref<64x128xf32, #tpu.memory_space<vmem>>, vector<1x16xf32>,
        %add3A_1331 = arith.addf %get3A_1300, %get3A_693 : vector<16xf32>
        %swap3A_1332 = arith.index_cast %add3A_1292 : i32 to index
        %swap3A_1333 = arith.constant 16 : index
        %swap3A_1334 = tpu.vector_load %arg12[%swap3A_1332, %swap3A_1333] {strides = array<i32>} : memref<64x128xf32, #tpu.memory_space<vmem>>, vector<1x16xf32>,
        %swap3A_1335 = vector.shape_cast %swap3A_1334 : vector<1x16xf32> to vector<16xf32>
        %swap3A_1336 = vector.shape_cast %add3A_1331 : vector<16xf32> to vector<1x16xf32>
        tpu.vector_store %arg12[%swap3A_1332, %swap3A_1333], %swap3A_1336 {strides = array<i32>} : memref<64x128xf32, #tpu.memory_space<vmem>>, vector<1x16xf32>,
        %add3A_1337 = arith.addf %get3A_1304, %get3A_697 : vector<16xf32>
        %swap3A_1338 = arith.index_cast %add3A_1292 : i32 to index
        %swap3A_1339 = arith.constant 32 : index
        %swap3A_1340 = tpu.vector_load %arg12[%swap3A_1338, %swap3A_1339] {strides = array<i32>} : memref<64x128xf32, #tpu.memory_space<vmem>>, vector<1x16xf32>,
        %swap3A_1341 = vector.shape_cast %swap3A_1340 : vector<1x16xf32> to vector<16xf32>
        %swap3A_1342 = vector.shape_cast %add3A_1337 : vector<16xf32> to vector<1x16xf32>
        tpu.vector_store %arg12[%swap3A_1338, %swap3A_1339], %swap3A_1342 {strides = array<i32>} : memref<64x128xf32, #tpu.memory_space<vmem>>, vector<1x16xf32>,
        %add3A_1343 = arith.addf %get3A_1308, %get3A_701 : vector<16xf32>
        %swap3A_1344 = arith.index_cast %add3A_1292 : i32 to index
        %swap3A_1345 = arith.constant 48 : index
        %swap3A_1346 = tpu.vector_load %arg12[%swap3A_1344, %swap3A_1345] {strides = array<i32>} : memref<64x128xf32, #tpu.memory_space<vmem>>, vector<1x16xf32>,
        %swap3A_1347 = vector.shape_cast %swap3A_1346 : vector<1x16xf32> to vector<16xf32>
        %swap3A_1348 = vector.shape_cast %add3A_1343 : vector<16xf32> to vector<1x16xf32>
        tpu.vector_store %arg12[%swap3A_1344, %swap3A_1345], %swap3A_1348 {strides = array<i32>} : memref<64x128xf32, #tpu.memory_space<vmem>>, vector<1x16xf32>,
        %add3A_1349 = arith.addf %get3A_1312, %get3A_705 : vector<16xf32>
        %swap3A_1350 = arith.index_cast %add3A_1292 : i32 to index
        %swap3A_1351 = arith.constant 64 : index
        %swap3A_1352 = tpu.vector_load %arg12[%swap3A_1350, %swap3A_1351] {strides = array<i32>} : memref<64x128xf32, #tpu.memory_space<vmem>>, vector<1x16xf32>,
        %swap3A_1353 = vector.shape_cast %swap3A_1352 : vector<1x16xf32> to vector<16xf32>
        %swap3A_1354 = vector.shape_cast %add3A_1349 : vector<16xf32> to vector<1x16xf32>
        tpu.vector_store %arg12[%swap3A_1350, %swap3A_1351], %swap3A_1354 {strides = array<i32>} : memref<64x128xf32, #tpu.memory_space<vmem>>, vector<1x16xf32>,
        %add3A_1355 = arith.addf %get3A_1316, %get3A_709 : vector<16xf32>
        %swap3A_1356 = arith.index_cast %add3A_1292 : i32 to index
        %swap3A_1357 = arith.constant 80 : index
        %swap3A_1358 = tpu.vector_load %arg12[%swap3A_1356, %swap3A_1357] {strides = array<i32>} : memref<64x128xf32, #tpu.memory_space<vmem>>, vector<1x16xf32>,
        %swap3A_1359 = vector.shape_cast %swap3A_1358 : vector<1x16xf32> to vector<16xf32>
        %swap3A_1360 = vector.shape_cast %add3A_1355 : vector<16xf32> to vector<1x16xf32>
        tpu.vector_store %arg12[%swap3A_1356, %swap3A_1357], %swap3A_1360 {strides = array<i32>} : memref<64x128xf32, #tpu.memory_space<vmem>>, vector<1x16xf32>,
        %add3A_1361 = arith.addf %get3A_1320, %get3A_713 : vector<16xf32>
        %swap3A_1362 = arith.index_cast %add3A_1292 : i32 to index
        %swap3A_1363 = arith.constant 96 : index
        %swap3A_1364 = tpu.vector_load %arg12[%swap3A_1362, %swap3A_1363] {strides = array<i32>} : memref<64x128xf32, #tpu.memory_space<vmem>>, vector<1x16xf32>,
        %swap3A_1365 = vector.shape_cast %swap3A_1364 : vector<1x16xf32> to vector<16xf32>
        %swap3A_1366 = vector.shape_cast %add3A_1361 : vector<16xf32> to vector<1x16xf32>
        tpu.vector_store %arg12[%swap3A_1362, %swap3A_1363], %swap3A_1366 {strides = array<i32>} : memref<64x128xf32, #tpu.memory_space<vmem>>, vector<1x16xf32>,
        %add3A_1367 = arith.addf %get3A_1324, %get3A_717 : vector<16xf32>
        %swap3A_1368 = arith.index_cast %add3A_1292 : i32 to index
        %swap3A_1369 = arith.constant 112 : index
        %swap3A_1370 = tpu.vector_load %arg12[%swap3A_1368, %swap3A_1369] {strides = array<i32>} : memref<64x128xf32, #tpu.memory_space<vmem>>, vector<1x16xf32>,
        %swap3A_1371 = vector.shape_cast %swap3A_1370 : vector<1x16xf32> to vector<16xf32>
        %swap3A_1372 = vector.shape_cast %add3A_1367 : vector<16xf32> to vector<1x16xf32>
        tpu.vector_store %arg12[%swap3A_1368, %swap3A_1369], %swap3A_1372 {strides = array<i32>} : memref<64x128xf32, #tpu.memory_space<vmem>>, vector<1x16xf32>,
        %scan3A_1373 = arith.constant 0 : i32
        %scan3A_1374 = arith.constant 1 : i32
        %scan3A_1375 = arith.addi %scan3A_684, %scan3A_1374 : i32
        %add3A_1376 = arith.addi %mul3A_506, %scan3A_1375 : i32
        %get3A_1377 = arith.index_cast %add3A_1376 : i32 to index
        %get3A_1378 = arith.constant 0 : index
        %get3A_1379 = tpu.vector_load %arg7[%get3A_1377, %get3A_1378] {strides = array<i32>} : memref<200x128xf32, #tpu.memory_space<vmem>>, vector<1x16xf32>,
        %get3A_1380 = vector.shape_cast %get3A_1379 : vector<1x16xf32> to vector<16xf32>
        %get3A_1381 = arith.index_cast %add3A_1376 : i32 to index
        %get3A_1382 = arith.constant 16 : index
        %get3A_1383 = tpu.vector_load %arg7[%get3A_1381, %get3A_1382] {strides = array<i32>} : memref<200x128xf32, #tpu.memory_space<vmem>>, vector<1x16xf32>,
        %get3A_1384 = vector.shape_cast %get3A_1383 : vector<1x16xf32> to vector<16xf32>
        %get3A_1385 = arith.index_cast %add3A_1376 : i32 to index
        %get3A_1386 = arith.constant 32 : index
        %get3A_1387 = tpu.vector_load %arg7[%get3A_1385, %get3A_1386] {strides = array<i32>} : memref<200x128xf32, #tpu.memory_space<vmem>>, vector<1x16xf32>,
        %get3A_1388 = vector.shape_cast %get3A_1387 : vector<1x16xf32> to vector<16xf32>
        %get3A_1389 = arith.index_cast %add3A_1376 : i32 to index
        %get3A_1390 = arith.constant 48 : index
        %get3A_1391 = tpu.vector_load %arg7[%get3A_1389, %get3A_1390] {strides = array<i32>} : memref<200x128xf32, #tpu.memory_space<vmem>>, vector<1x16xf32>,
        %get3A_1392 = vector.shape_cast %get3A_1391 : vector<1x16xf32> to vector<16xf32>
        %get3A_1393 = arith.index_cast %add3A_1376 : i32 to index
        %get3A_1394 = arith.constant 64 : index
        %get3A_1395 = tpu.vector_load %arg7[%get3A_1393, %get3A_1394] {strides = array<i32>} : memref<200x128xf32, #tpu.memory_space<vmem>>, vector<1x16xf32>,
        %get3A_1396 = vector.shape_cast %get3A_1395 : vector<1x16xf32> to vector<16xf32>
        %get3A_1397 = arith.index_cast %add3A_1376 : i32 to index
        %get3A_1398 = arith.constant 80 : index
        %get3A_1399 = tpu.vector_load %arg7[%get3A_1397, %get3A_1398] {strides = array<i32>} : memref<200x128xf32, #tpu.memory_space<vmem>>, vector<1x16xf32>,
        %get3A_1400 = vector.shape_cast %get3A_1399 : vector<1x16xf32> to vector<16xf32>
        %get3A_1401 = arith.index_cast %add3A_1376 : i32 to index
        %get3A_1402 = arith.constant 96 : index
        %get3A_1403 = tpu.vector_load %arg7[%get3A_1401, %get3A_1402] {strides = array<i32>} : memref<200x128xf32, #tpu.memory_space<vmem>>, vector<1x16xf32>,
        %get3A_1404 = vector.shape_cast %get3A_1403 : vector<1x16xf32> to vector<16xf32>
        %get3A_1405 = arith.index_cast %add3A_1376 : i32 to index
        %get3A_1406 = arith.constant 112 : index
        %get3A_1407 = tpu.vector_load %arg7[%get3A_1405, %get3A_1406] {strides = array<i32>} : memref<200x128xf32, #tpu.memory_space<vmem>>, vector<1x16xf32>,
        %get3A_1408 = vector.shape_cast %get3A_1407 : vector<1x16xf32> to vector<16xf32>
        %add3A_1409 = arith.constant 0 : i32
        %add3A_1410 = arith.addi %add3A_1409, %scan3A_1375 : i32
        %get3A_1411 = arith.index_cast %add3A_1410 : i32 to index
        %get3A_1412 = arith.constant 0 : index
        %get3A_1413 = tpu.vector_load %arg10[%get3A_1411, %get3A_1412] {strides = array<i32>} : memref<64x128xf32, #tpu.memory_space<vmem>>, vector<1x16xf32>,
        %get3A_1414 = vector.shape_cast %get3A_1413 : vector<1x16xf32> to vector<16xf32>
        %get3A_1415 = arith.index_cast %add3A_1410 : i32 to index
        %get3A_1416 = arith.constant 16 : index
        %get3A_1417 = tpu.vector_load %arg10[%get3A_1415, %get3A_1416] {strides = array<i32>} : memref<64x128xf32, #tpu.memory_space<vmem>>, vector<1x16xf32>,
        %get3A_1418 = vector.shape_cast %get3A_1417 : vector<1x16xf32> to vector<16xf32>
        %get3A_1419 = arith.index_cast %add3A_1410 : i32 to index
        %get3A_1420 = arith.constant 32 : index
        %get3A_1421 = tpu.vector_load %arg10[%get3A_1419, %get3A_1420] {strides = array<i32>} : memref<64x128xf32, #tpu.memory_space<vmem>>, vector<1x16xf32>,
        %get3A_1422 = vector.shape_cast %get3A_1421 : vector<1x16xf32> to vector<16xf32>
        %get3A_1423 = arith.index_cast %add3A_1410 : i32 to index
        %get3A_1424 = arith.constant 48 : index
        %get3A_1425 = tpu.vector_load %arg10[%get3A_1423, %get3A_1424] {strides = array<i32>} : memref<64x128xf32, #tpu.memory_space<vmem>>, vector<1x16xf32>,
        %get3A_1426 = vector.shape_cast %get3A_1425 : vector<1x16xf32> to vector<16xf32>
        %get3A_1427 = arith.index_cast %add3A_1410 : i32 to index
        %get3A_1428 = arith.constant 64 : index
        %get3A_1429 = tpu.vector_load %arg10[%get3A_1427, %get3A_1428] {strides = array<i32>} : memref<64x128xf32, #tpu.memory_space<vmem>>, vector<1x16xf32>,
        %get3A_1430 = vector.shape_cast %get3A_1429 : vector<1x16xf32> to vector<16xf32>
        %get3A_1431 = arith.index_cast %add3A_1410 : i32 to index
        %get3A_1432 = arith.constant 80 : index
        %get3A_1433 = tpu.vector_load %arg10[%get3A_1431, %get3A_1432] {strides = array<i32>} : memref<64x128xf32, #tpu.memory_space<vmem>>, vector<1x16xf32>,
        %get3A_1434 = vector.shape_cast %get3A_1433 : vector<1x16xf32> to vector<16xf32>
        %get3A_1435 = arith.index_cast %add3A_1410 : i32 to index
        %get3A_1436 = arith.constant 96 : index
        %get3A_1437 = tpu.vector_load %arg10[%get3A_1435, %get3A_1436] {strides = array<i32>} : memref<64x128xf32, #tpu.memory_space<vmem>>, vector<1x16xf32>,
        %get3A_1438 = vector.shape_cast %get3A_1437 : vector<1x16xf32> to vector<16xf32>
        %get3A_1439 = arith.index_cast %add3A_1410 : i32 to index
        %get3A_1440 = arith.constant 112 : index
        %get3A_1441 = tpu.vector_load %arg10[%get3A_1439, %get3A_1440] {strides = array<i32>} : memref<64x128xf32, #tpu.memory_space<vmem>>, vector<1x16xf32>,
        %get3A_1442 = vector.shape_cast %get3A_1441 : vector<1x16xf32> to vector<16xf32>
        %add3A_1443 = arith.addf %get3A_1414, %get3A_1380 : vector<16xf32>
        %swap3A_1444 = arith.index_cast %add3A_1410 : i32 to index
        %swap3A_1445 = arith.constant 0 : index
        %swap3A_1446 = tpu.vector_load %arg12[%swap3A_1444, %swap3A_1445] {strides = array<i32>} : memref<64x128xf32, #tpu.memory_space<vmem>>, vector<1x16xf32>,
        %swap3A_1447 = vector.shape_cast %swap3A_1446 : vector<1x16xf32> to vector<16xf32>
        %swap3A_1448 = vector.shape_cast %add3A_1443 : vector<16xf32> to vector<1x16xf32>
        tpu.vector_store %arg12[%swap3A_1444, %swap3A_1445], %swap3A_1448 {strides = array<i32>} : memref<64x128xf32, #tpu.memory_space<vmem>>, vector<1x16xf32>,
        %add3A_1449 = arith.addf %get3A_1418, %get3A_1384 : vector<16xf32>
        %swap3A_1450 = arith.index_cast %add3A_1410 : i32 to index
        %swap3A_1451 = arith.constant 16 : index
        %swap3A_1452 = tpu.vector_load %arg12[%swap3A_1450, %swap3A_1451] {strides = array<i32>} : memref<64x128xf32, #tpu.memory_space<vmem>>, vector<1x16xf32>,
        %swap3A_1453 = vector.shape_cast %swap3A_1452 : vector<1x16xf32> to vector<16xf32>
        %swap3A_1454 = vector.shape_cast %add3A_1449 : vector<16xf32> to vector<1x16xf32>
        tpu.vector_store %arg12[%swap3A_1450, %swap3A_1451], %swap3A_1454 {strides = array<i32>} : memref<64x128xf32, #tpu.memory_space<vmem>>, vector<1x16xf32>,
        %add3A_1455 = arith.addf %get3A_1422, %get3A_1388 : vector<16xf32>
        %swap3A_1456 = arith.index_cast %add3A_1410 : i32 to index
        %swap3A_1457 = arith.constant 32 : index
        %swap3A_1458 = tpu.vector_load %arg12[%swap3A_1456, %swap3A_1457] {strides = array<i32>} : memref<64x128xf32, #tpu.memory_space<vmem>>, vector<1x16xf32>,
        %swap3A_1459 = vector.shape_cast %swap3A_1458 : vector<1x16xf32> to vector<16xf32>
        %swap3A_1460 = vector.shape_cast %add3A_1455 : vector<16xf32> to vector<1x16xf32>
        tpu.vector_store %arg12[%swap3A_1456, %swap3A_1457], %swap3A_1460 {strides = array<i32>} : memref<64x128xf32, #tpu.memory_space<vmem>>, vector<1x16xf32>,
        %add3A_1461 = arith.addf %get3A_1426, %get3A_1392 : vector<16xf32>
        %swap3A_1462 = arith.index_cast %add3A_1410 : i32 to index
        %swap3A_1463 = arith.constant 48 : index
        %swap3A_1464 = tpu.vector_load %arg12[%swap3A_1462, %swap3A_1463] {strides = array<i32>} : memref<64x128xf32, #tpu.memory_space<vmem>>, vector<1x16xf32>,
        %swap3A_1465 = vector.shape_cast %swap3A_1464 : vector<1x16xf32> to vector<16xf32>
        %swap3A_1466 = vector.shape_cast %add3A_1461 : vector<16xf32> to vector<1x16xf32>
        tpu.vector_store %arg12[%swap3A_1462, %swap3A_1463], %swap3A_1466 {strides = array<i32>} : memref<64x128xf32, #tpu.memory_space<vmem>>, vector<1x16xf32>,
        %add3A_1467 = arith.addf %get3A_1430, %get3A_1396 : vector<16xf32>
        %swap3A_1468 = arith.index_cast %add3A_1410 : i32 to index
        %swap3A_1469 = arith.constant 64 : index
        %swap3A_1470 = tpu.vector_load %arg12[%swap3A_1468, %swap3A_1469] {strides = array<i32>} : memref<64x128xf32, #tpu.memory_space<vmem>>, vector<1x16xf32>,
        %swap3A_1471 = vector.shape_cast %swap3A_1470 : vector<1x16xf32> to vector<16xf32>
        %swap3A_1472 = vector.shape_cast %add3A_1467 : vector<16xf32> to vector<1x16xf32>
        tpu.vector_store %arg12[%swap3A_1468, %swap3A_1469], %swap3A_1472 {strides = array<i32>} : memref<64x128xf32, #tpu.memory_space<vmem>>, vector<1x16xf32>,
        %add3A_1473 = arith.addf %get3A_1434, %get3A_1400 : vector<16xf32>
        %swap3A_1474 = arith.index_cast %add3A_1410 : i32 to index
        %swap3A_1475 = arith.constant 80 : index
        %swap3A_1476 = tpu.vector_load %arg12[%swap3A_1474, %swap3A_1475] {strides = array<i32>} : memref<64x128xf32, #tpu.memory_space<vmem>>, vector<1x16xf32>,
        %swap3A_1477 = vector.shape_cast %swap3A_1476 : vector<1x16xf32> to vector<16xf32>
        %swap3A_1478 = vector.shape_cast %add3A_1473 : vector<16xf32> to vector<1x16xf32>
        tpu.vector_store %arg12[%swap3A_1474, %swap3A_1475], %swap3A_1478 {strides = array<i32>} : memref<64x128xf32, #tpu.memory_space<vmem>>, vector<1x16xf32>,
        %add3A_1479 = arith.addf %get3A_1438, %get3A_1404 : vector<16xf32>
        %swap3A_1480 = arith.index_cast %add3A_1410 : i32 to index
        %swap3A_1481 = arith.constant 96 : index
        %swap3A_1482 = tpu.vector_load %arg12[%swap3A_1480, %swap3A_1481] {strides = array<i32>} : memref<64x128xf32, #tpu.memory_space<vmem>>, vector<1x16xf32>,
        %swap3A_1483 = vector.shape_cast %swap3A_1482 : vector<1x16xf32> to vector<16xf32>
        %swap3A_1484 = vector.shape_cast %add3A_1479 : vector<16xf32> to vector<1x16xf32>
        tpu.vector_store %arg12[%swap3A_1480, %swap3A_1481], %swap3A_1484 {strides = array<i32>} : memref<64x128xf32, #tpu.memory_space<vmem>>, vector<1x16xf32>,
        %add3A_1485 = arith.addf %get3A_1442, %get3A_1408 : vector<16xf32>
        %swap3A_1486 = arith.index_cast %add3A_1410 : i32 to index
        %swap3A_1487 = arith.constant 112 : index
        %swap3A_1488 = tpu.vector_load %arg12[%swap3A_1486, %swap3A_1487] {strides = array<i32>} : memref<64x128xf32, #tpu.memory_space<vmem>>, vector<1x16xf32>,
        %swap3A_1489 = vector.shape_cast %swap3A_1488 : vector<1x16xf32> to vector<16xf32>
        %swap3A_1490 = vector.shape_cast %add3A_1485 : vector<16xf32> to vector<1x16xf32>
        tpu.vector_store %arg12[%swap3A_1486, %swap3A_1487], %swap3A_1490 {strides = array<i32>} : memref<64x128xf32, #tpu.memory_space<vmem>>, vector<1x16xf32>,
        %add3A_1491 = arith.constant 8 : i32
        %add3A_1492 = arith.addi %add3A_1491, %scan3A_1375 : i32
        %get3A_1493 = arith.index_cast %add3A_1492 : i32 to index
        %get3A_1494 = arith.constant 0 : index
        %get3A_1495 = tpu.vector_load %arg10[%get3A_1493, %get3A_1494] {strides = array<i32>} : memref<64x128xf32, #tpu.memory_space<vmem>>, vector<1x16xf32>,
        %get3A_1496 = vector.shape_cast %get3A_1495 : vector<1x16xf32> to vector<16xf32>
        %get3A_1497 = arith.index_cast %add3A_1492 : i32 to index
        %get3A_1498 = arith.constant 16 : index
        %get3A_1499 = tpu.vector_load %arg10[%get3A_1497, %get3A_1498] {strides = array<i32>} : memref<64x128xf32, #tpu.memory_space<vmem>>, vector<1x16xf32>,
        %get3A_1500 = vector.shape_cast %get3A_1499 : vector<1x16xf32> to vector<16xf32>
        %get3A_1501 = arith.index_cast %add3A_1492 : i32 to index
        %get3A_1502 = arith.constant 32 : index
        %get3A_1503 = tpu.vector_load %arg10[%get3A_1501, %get3A_1502] {strides = array<i32>} : memref<64x128xf32, #tpu.memory_space<vmem>>, vector<1x16xf32>,
        %get3A_1504 = vector.shape_cast %get3A_1503 : vector<1x16xf32> to vector<16xf32>
        %get3A_1505 = arith.index_cast %add3A_1492 : i32 to index
        %get3A_1506 = arith.constant 48 : index
        %get3A_1507 = tpu.vector_load %arg10[%get3A_1505, %get3A_1506] {strides = array<i32>} : memref<64x128xf32, #tpu.memory_space<vmem>>, vector<1x16xf32>,
        %get3A_1508 = vector.shape_cast %get3A_1507 : vector<1x16xf32> to vector<16xf32>
        %get3A_1509 = arith.index_cast %add3A_1492 : i32 to index
        %get3A_1510 = arith.constant 64 : index
        %get3A_1511 = tpu.vector_load %arg10[%get3A_1509, %get3A_1510] {strides = array<i32>} : memref<64x128xf32, #tpu.memory_space<vmem>>, vector<1x16xf32>,
        %get3A_1512 = vector.shape_cast %get3A_1511 : vector<1x16xf32> to vector<16xf32>
        %get3A_1513 = arith.index_cast %add3A_1492 : i32 to index
        %get3A_1514 = arith.constant 80 : index
        %get3A_1515 = tpu.vector_load %arg10[%get3A_1513, %get3A_1514] {strides = array<i32>} : memref<64x128xf32, #tpu.memory_space<vmem>>, vector<1x16xf32>,
        %get3A_1516 = vector.shape_cast %get3A_1515 : vector<1x16xf32> to vector<16xf32>
        %get3A_1517 = arith.index_cast %add3A_1492 : i32 to index
        %get3A_1518 = arith.constant 96 : index
        %get3A_1519 = tpu.vector_load %arg10[%get3A_1517, %get3A_1518] {strides = array<i32>} : memref<64x128xf32, #tpu.memory_space<vmem>>, vector<1x16xf32>,
        %get3A_1520 = vector.shape_cast %get3A_1519 : vector<1x16xf32> to vector<16xf32>
        %get3A_1521 = arith.index_cast %add3A_1492 : i32 to index
        %get3A_1522 = arith.constant 112 : index
        %get3A_1523 = tpu.vector_load %arg10[%get3A_1521, %get3A_1522] {strides = array<i32>} : memref<64x128xf32, #tpu.memory_space<vmem>>, vector<1x16xf32>,
        %get3A_1524 = vector.shape_cast %get3A_1523 : vector<1x16xf32> to vector<16xf32>
        %add3A_1525 = arith.addf %get3A_1496, %get3A_1380 : vector<16xf32>
        %swap3A_1526 = arith.index_cast %add3A_1492 : i32 to index
        %swap3A_1527 = arith.constant 0 : index
        %swap3A_1528 = tpu.vector_load %arg12[%swap3A_1526, %swap3A_1527] {strides = array<i32>} : memref<64x128xf32, #tpu.memory_space<vmem>>, vector<1x16xf32>,
        %swap3A_1529 = vector.shape_cast %swap3A_1528 : vector<1x16xf32> to vector<16xf32>
        %swap3A_1530 = vector.shape_cast %add3A_1525 : vector<16xf32> to vector<1x16xf32>
        tpu.vector_store %arg12[%swap3A_1526, %swap3A_1527], %swap3A_1530 {strides = array<i32>} : memref<64x128xf32, #tpu.memory_space<vmem>>, vector<1x16xf32>,
        %add3A_1531 = arith.addf %get3A_1500, %get3A_1384 : vector<16xf32>
        %swap3A_1532 = arith.index_cast %add3A_1492 : i32 to index
        %swap3A_1533 = arith.constant 16 : index
        %swap3A_1534 = tpu.vector_load %arg12[%swap3A_1532, %swap3A_1533] {strides = array<i32>} : memref<64x128xf32, #tpu.memory_space<vmem>>, vector<1x16xf32>,
        %swap3A_1535 = vector.shape_cast %swap3A_1534 : vector<1x16xf32> to vector<16xf32>
        %swap3A_1536 = vector.shape_cast %add3A_1531 : vector<16xf32> to vector<1x16xf32>
        tpu.vector_store %arg12[%swap3A_1532, %swap3A_1533], %swap3A_1536 {strides = array<i32>} : memref<64x128xf32, #tpu.memory_space<vmem>>, vector<1x16xf32>,
        %add3A_1537 = arith.addf %get3A_1504, %get3A_1388 : vector<16xf32>
        %swap3A_1538 = arith.index_cast %add3A_1492 : i32 to index
        %swap3A_1539 = arith.constant 32 : index
        %swap3A_1540 = tpu.vector_load %arg12[%swap3A_1538, %swap3A_1539] {strides = array<i32>} : memref<64x128xf32, #tpu.memory_space<vmem>>, vector<1x16xf32>,
        %swap3A_1541 = vector.shape_cast %swap3A_1540 : vector<1x16xf32> to vector<16xf32>
        %swap3A_1542 = vector.shape_cast %add3A_1537 : vector<16xf32> to vector<1x16xf32>
        tpu.vector_store %arg12[%swap3A_1538, %swap3A_1539], %swap3A_1542 {strides = array<i32>} : memref<64x128xf32, #tpu.memory_space<vmem>>, vector<1x16xf32>,
        %add3A_1543 = arith.addf %get3A_1508, %get3A_1392 : vector<16xf32>
        %swap3A_1544 = arith.index_cast %add3A_1492 : i32 to index
        %swap3A_1545 = arith.constant 48 : index
        %swap3A_1546 = tpu.vector_load %arg12[%swap3A_1544, %swap3A_1545] {strides = array<i32>} : memref<64x128xf32, #tpu.memory_space<vmem>>, vector<1x16xf32>,
        %swap3A_1547 = vector.shape_cast %swap3A_1546 : vector<1x16xf32> to vector<16xf32>
        %swap3A_1548 = vector.shape_cast %add3A_1543 : vector<16xf32> to vector<1x16xf32>
        tpu.vector_store %arg12[%swap3A_1544, %swap3A_1545], %swap3A_1548 {strides = array<i32>} : memref<64x128xf32, #tpu.memory_space<vmem>>, vector<1x16xf32>,
        %add3A_1549 = arith.addf %get3A_1512, %get3A_1396 : vector<16xf32>
        %swap3A_1550 = arith.index_cast %add3A_1492 : i32 to index
        %swap3A_1551 = arith.constant 64 : index
        %swap3A_1552 = tpu.vector_load %arg12[%swap3A_1550, %swap3A_1551] {strides = array<i32>} : memref<64x128xf32, #tpu.memory_space<vmem>>, vector<1x16xf32>,
        %swap3A_1553 = vector.shape_cast %swap3A_1552 : vector<1x16xf32> to vector<16xf32>
        %swap3A_1554 = vector.shape_cast %add3A_1549 : vector<16xf32> to vector<1x16xf32>
        tpu.vector_store %arg12[%swap3A_1550, %swap3A_1551], %swap3A_1554 {strides = array<i32>} : memref<64x128xf32, #tpu.memory_space<vmem>>, vector<1x16xf32>,
        %add3A_1555 = arith.addf %get3A_1516, %get3A_1400 : vector<16xf32>
        %swap3A_1556 = arith.index_cast %add3A_1492 : i32 to index
        %swap3A_1557 = arith.constant 80 : index
        %swap3A_1558 = tpu.vector_load %arg12[%swap3A_1556, %swap3A_1557] {strides = array<i32>} : memref<64x128xf32, #tpu.memory_space<vmem>>, vector<1x16xf32>,
        %swap3A_1559 = vector.shape_cast %swap3A_1558 : vector<1x16xf32> to vector<16xf32>
        %swap3A_1560 = vector.shape_cast %add3A_1555 : vector<16xf32> to vector<1x16xf32>
        tpu.vector_store %arg12[%swap3A_1556, %swap3A_1557], %swap3A_1560 {strides = array<i32>} : memref<64x128xf32, #tpu.memory_space<vmem>>, vector<1x16xf32>,
        %add3A_1561 = arith.addf %get3A_1520, %get3A_1404 : vector<16xf32>
        %swap3A_1562 = arith.index_cast %add3A_1492 : i32 to index
        %swap3A_1563 = arith.constant 96 : index
        %swap3A_1564 = tpu.vector_load %arg12[%swap3A_1562, %swap3A_1563] {strides = array<i32>} : memref<64x128xf32, #tpu.memory_space<vmem>>, vector<1x16xf32>,
        %swap3A_1565 = vector.shape_cast %swap3A_1564 : vector<1x16xf32> to vector<16xf32>
        %swap3A_1566 = vector.shape_cast %add3A_1561 : vector<16xf32> to vector<1x16xf32>
        tpu.vector_store %arg12[%swap3A_1562, %swap3A_1563], %swap3A_1566 {strides = array<i32>} : memref<64x128xf32, #tpu.memory_space<vmem>>, vector<1x16xf32>,
        %add3A_1567 = arith.addf %get3A_1524, %get3A_1408 : vector<16xf32>
        %swap3A_1568 = arith.index_cast %add3A_1492 : i32 to index
        %swap3A_1569 = arith.constant 112 : index
        %swap3A_1570 = tpu.vector_load %arg12[%swap3A_1568, %swap3A_1569] {strides = array<i32>} : memref<64x128xf32, #tpu.memory_space<vmem>>, vector<1x16xf32>,
        %swap3A_1571 = vector.shape_cast %swap3A_1570 : vector<1x16xf32> to vector<16xf32>
        %swap3A_1572 = vector.shape_cast %add3A_1567 : vector<16xf32> to vector<1x16xf32>
        tpu.vector_store %arg12[%swap3A_1568, %swap3A_1569], %swap3A_1572 {strides = array<i32>} : memref<64x128xf32, #tpu.memory_space<vmem>>, vector<1x16xf32>,
        %add3A_1573 = arith.constant 16 : i32
        %add3A_1574 = arith.addi %add3A_1573, %scan3A_1375 : i32
        %get3A_1575 = arith.index_cast %add3A_1574 : i32 to index
        %get3A_1576 = arith.constant 0 : index
        %get3A_1577 = tpu.vector_load %arg10[%get3A_1575, %get3A_1576] {strides = array<i32>} : memref<64x128xf32, #tpu.memory_space<vmem>>, vector<1x16xf32>,
        %get3A_1578 = vector.shape_cast %get3A_1577 : vector<1x16xf32> to vector<16xf32>
        %get3A_1579 = arith.index_cast %add3A_1574 : i32 to index
        %get3A_1580 = arith.constant 16 : index
        %get3A_1581 = tpu.vector_load %arg10[%get3A_1579, %get3A_1580] {strides = array<i32>} : memref<64x128xf32, #tpu.memory_space<vmem>>, vector<1x16xf32>,
        %get3A_1582 = vector.shape_cast %get3A_1581 : vector<1x16xf32> to vector<16xf32>
        %get3A_1583 = arith.index_cast %add3A_1574 : i32 to index
        %get3A_1584 = arith.constant 32 : index
        %get3A_1585 = tpu.vector_load %arg10[%get3A_1583, %get3A_1584] {strides = array<i32>} : memref<64x128xf32, #tpu.memory_space<vmem>>, vector<1x16xf32>,
        %get3A_1586 = vector.shape_cast %get3A_1585 : vector<1x16xf32> to vector<16xf32>
        %get3A_1587 = arith.index_cast %add3A_1574 : i32 to index
        %get3A_1588 = arith.constant 48 : index
        %get3A_1589 = tpu.vector_load %arg10[%get3A_1587, %get3A_1588] {strides = array<i32>} : memref<64x128xf32, #tpu.memory_space<vmem>>, vector<1x16xf32>,
        %get3A_1590 = vector.shape_cast %get3A_1589 : vector<1x16xf32> to vector<16xf32>
        %get3A_1591 = arith.index_cast %add3A_1574 : i32 to index
        %get3A_1592 = arith.constant 64 : index
        %get3A_1593 = tpu.vector_load %arg10[%get3A_1591, %get3A_1592] {strides = array<i32>} : memref<64x128xf32, #tpu.memory_space<vmem>>, vector<1x16xf32>,
        %get3A_1594 = vector.shape_cast %get3A_1593 : vector<1x16xf32> to vector<16xf32>
        %get3A_1595 = arith.index_cast %add3A_1574 : i32 to index
        %get3A_1596 = arith.constant 80 : index
        %get3A_1597 = tpu.vector_load %arg10[%get3A_1595, %get3A_1596] {strides = array<i32>} : memref<64x128xf32, #tpu.memory_space<vmem>>, vector<1x16xf32>,
        %get3A_1598 = vector.shape_cast %get3A_1597 : vector<1x16xf32> to vector<16xf32>
        %get3A_1599 = arith.index_cast %add3A_1574 : i32 to index
        %get3A_1600 = arith.constant 96 : index
        %get3A_1601 = tpu.vector_load %arg10[%get3A_1599, %get3A_1600] {strides = array<i32>} : memref<64x128xf32, #tpu.memory_space<vmem>>, vector<1x16xf32>,
        %get3A_1602 = vector.shape_cast %get3A_1601 : vector<1x16xf32> to vector<16xf32>
        %get3A_1603 = arith.index_cast %add3A_1574 : i32 to index
        %get3A_1604 = arith.constant 112 : index
        %get3A_1605 = tpu.vector_load %arg10[%get3A_1603, %get3A_1604] {strides = array<i32>} : memref<64x128xf32, #tpu.memory_space<vmem>>, vector<1x16xf32>,
        %get3A_1606 = vector.shape_cast %get3A_1605 : vector<1x16xf32> to vector<16xf32>
        %add3A_1607 = arith.addf %get3A_1578, %get3A_1380 : vector<16xf32>
        %swap3A_1608 = arith.index_cast %add3A_1574 : i32 to index
        %swap3A_1609 = arith.constant 0 : index
        %swap3A_1610 = tpu.vector_load %arg12[%swap3A_1608, %swap3A_1609] {strides = array<i32>} : memref<64x128xf32, #tpu.memory_space<vmem>>, vector<1x16xf32>,
        %swap3A_1611 = vector.shape_cast %swap3A_1610 : vector<1x16xf32> to vector<16xf32>
        %swap3A_1612 = vector.shape_cast %add3A_1607 : vector<16xf32> to vector<1x16xf32>
        tpu.vector_store %arg12[%swap3A_1608, %swap3A_1609], %swap3A_1612 {strides = array<i32>} : memref<64x128xf32, #tpu.memory_space<vmem>>, vector<1x16xf32>,
        %add3A_1613 = arith.addf %get3A_1582, %get3A_1384 : vector<16xf32>
        %swap3A_1614 = arith.index_cast %add3A_1574 : i32 to index
        %swap3A_1615 = arith.constant 16 : index
        %swap3A_1616 = tpu.vector_load %arg12[%swap3A_1614, %swap3A_1615] {strides = array<i32>} : memref<64x128xf32, #tpu.memory_space<vmem>>, vector<1x16xf32>,
        %swap3A_1617 = vector.shape_cast %swap3A_1616 : vector<1x16xf32> to vector<16xf32>
        %swap3A_1618 = vector.shape_cast %add3A_1613 : vector<16xf32> to vector<1x16xf32>
        tpu.vector_store %arg12[%swap3A_1614, %swap3A_1615], %swap3A_1618 {strides = array<i32>} : memref<64x128xf32, #tpu.memory_space<vmem>>, vector<1x16xf32>,
        %add3A_1619 = arith.addf %get3A_1586, %get3A_1388 : vector<16xf32>
        %swap3A_1620 = arith.index_cast %add3A_1574 : i32 to index
        %swap3A_1621 = arith.constant 32 : index
        %swap3A_1622 = tpu.vector_load %arg12[%swap3A_1620, %swap3A_1621] {strides = array<i32>} : memref<64x128xf32, #tpu.memory_space<vmem>>, vector<1x16xf32>,
        %swap3A_1623 = vector.shape_cast %swap3A_1622 : vector<1x16xf32> to vector<16xf32>
        %swap3A_1624 = vector.shape_cast %add3A_1619 : vector<16xf32> to vector<1x16xf32>
        tpu.vector_store %arg12[%swap3A_1620, %swap3A_1621], %swap3A_1624 {strides = array<i32>} : memref<64x128xf32, #tpu.memory_space<vmem>>, vector<1x16xf32>,
        %add3A_1625 = arith.addf %get3A_1590, %get3A_1392 : vector<16xf32>
        %swap3A_1626 = arith.index_cast %add3A_1574 : i32 to index
        %swap3A_1627 = arith.constant 48 : index
        %swap3A_1628 = tpu.vector_load %arg12[%swap3A_1626, %swap3A_1627] {strides = array<i32>} : memref<64x128xf32, #tpu.memory_space<vmem>>, vector<1x16xf32>,
        %swap3A_1629 = vector.shape_cast %swap3A_1628 : vector<1x16xf32> to vector<16xf32>
        %swap3A_1630 = vector.shape_cast %add3A_1625 : vector<16xf32> to vector<1x16xf32>
        tpu.vector_store %arg12[%swap3A_1626, %swap3A_1627], %swap3A_1630 {strides = array<i32>} : memref<64x128xf32, #tpu.memory_space<vmem>>, vector<1x16xf32>,
        %add3A_1631 = arith.addf %get3A_1594, %get3A_1396 : vector<16xf32>
        %swap3A_1632 = arith.index_cast %add3A_1574 : i32 to index
        %swap3A_1633 = arith.constant 64 : index
        %swap3A_1634 = tpu.vector_load %arg12[%swap3A_1632, %swap3A_1633] {strides = array<i32>} : memref<64x128xf32, #tpu.memory_space<vmem>>, vector<1x16xf32>,
        %swap3A_1635 = vector.shape_cast %swap3A_1634 : vector<1x16xf32> to vector<16xf32>
        %swap3A_1636 = vector.shape_cast %add3A_1631 : vector<16xf32> to vector<1x16xf32>
        tpu.vector_store %arg12[%swap3A_1632, %swap3A_1633], %swap3A_1636 {strides = array<i32>} : memref<64x128xf32, #tpu.memory_space<vmem>>, vector<1x16xf32>,
        %add3A_1637 = arith.addf %get3A_1598, %get3A_1400 : vector<16xf32>
        %swap3A_1638 = arith.index_cast %add3A_1574 : i32 to index
        %swap3A_1639 = arith.constant 80 : index
        %swap3A_1640 = tpu.vector_load %arg12[%swap3A_1638, %swap3A_1639] {strides = array<i32>} : memref<64x128xf32, #tpu.memory_space<vmem>>, vector<1x16xf32>,
        %swap3A_1641 = vector.shape_cast %swap3A_1640 : vector<1x16xf32> to vector<16xf32>
        %swap3A_1642 = vector.shape_cast %add3A_1637 : vector<16xf32> to vector<1x16xf32>
        tpu.vector_store %arg12[%swap3A_1638, %swap3A_1639], %swap3A_1642 {strides = array<i32>} : memref<64x128xf32, #tpu.memory_space<vmem>>, vector<1x16xf32>,
        %add3A_1643 = arith.addf %get3A_1602, %get3A_1404 : vector<16xf32>
        %swap3A_1644 = arith.index_cast %add3A_1574 : i32 to index
        %swap3A_1645 = arith.constant 96 : index
        %swap3A_1646 = tpu.vector_load %arg12[%swap3A_1644, %swap3A_1645] {strides = array<i32>} : memref<64x128xf32, #tpu.memory_space<vmem>>, vector<1x16xf32>,
        %swap3A_1647 = vector.shape_cast %swap3A_1646 : vector<1x16xf32> to vector<16xf32>
        %swap3A_1648 = vector.shape_cast %add3A_1643 : vector<16xf32> to vector<1x16xf32>
        tpu.vector_store %arg12[%swap3A_1644, %swap3A_1645], %swap3A_1648 {strides = array<i32>} : memref<64x128xf32, #tpu.memory_space<vmem>>, vector<1x16xf32>,
        %add3A_1649 = arith.addf %get3A_1606, %get3A_1408 : vector<16xf32>
        %swap3A_1650 = arith.index_cast %add3A_1574 : i32 to index
        %swap3A_1651 = arith.constant 112 : index
        %swap3A_1652 = tpu.vector_load %arg12[%swap3A_1650, %swap3A_1651] {strides = array<i32>} : memref<64x128xf32, #tpu.memory_space<vmem>>, vector<1x16xf32>,
        %swap3A_1653 = vector.shape_cast %swap3A_1652 : vector<1x16xf32> to vector<16xf32>
        %swap3A_1654 = vector.shape_cast %add3A_1649 : vector<16xf32> to vector<1x16xf32>
        tpu.vector_store %arg12[%swap3A_1650, %swap3A_1651], %swap3A_1654 {strides = array<i32>} : memref<64x128xf32, #tpu.memory_space<vmem>>, vector<1x16xf32>,
        %add3A_1655 = arith.constant 24 : i32
        %add3A_1656 = arith.addi %add3A_1655, %scan3A_1375 : i32
        %get3A_1657 = arith.index_cast %add3A_1656 : i32 to index
        %get3A_1658 = arith.constant 0 : index
        %get3A_1659 = tpu.vector_load %arg10[%get3A_1657, %get3A_1658] {strides = array<i32>} : memref<64x128xf32, #tpu.memory_space<vmem>>, vector<1x16xf32>,
        %get3A_1660 = vector.shape_cast %get3A_1659 : vector<1x16xf32> to vector<16xf32>
        %get3A_1661 = arith.index_cast %add3A_1656 : i32 to index
        %get3A_1662 = arith.constant 16 : index
        %get3A_1663 = tpu.vector_load %arg10[%get3A_1661, %get3A_1662] {strides = array<i32>} : memref<64x128xf32, #tpu.memory_space<vmem>>, vector<1x16xf32>,
        %get3A_1664 = vector.shape_cast %get3A_1663 : vector<1x16xf32> to vector<16xf32>
        %get3A_1665 = arith.index_cast %add3A_1656 : i32 to index
        %get3A_1666 = arith.constant 32 : index
        %get3A_1667 = tpu.vector_load %arg10[%get3A_1665, %get3A_1666] {strides = array<i32>} : memref<64x128xf32, #tpu.memory_space<vmem>>, vector<1x16xf32>,
        %get3A_1668 = vector.shape_cast %get3A_1667 : vector<1x16xf32> to vector<16xf32>
        %get3A_1669 = arith.index_cast %add3A_1656 : i32 to index
        %get3A_1670 = arith.constant 48 : index
        %get3A_1671 = tpu.vector_load %arg10[%get3A_1669, %get3A_1670] {strides = array<i32>} : memref<64x128xf32, #tpu.memory_space<vmem>>, vector<1x16xf32>,
        %get3A_1672 = vector.shape_cast %get3A_1671 : vector<1x16xf32> to vector<16xf32>
        %get3A_1673 = arith.index_cast %add3A_1656 : i32 to index
        %get3A_1674 = arith.constant 64 : index
        %get3A_1675 = tpu.vector_load %arg10[%get3A_1673, %get3A_1674] {strides = array<i32>} : memref<64x128xf32, #tpu.memory_space<vmem>>, vector<1x16xf32>,
        %get3A_1676 = vector.shape_cast %get3A_1675 : vector<1x16xf32> to vector<16xf32>
        %get3A_1677 = arith.index_cast %add3A_1656 : i32 to index
        %get3A_1678 = arith.constant 80 : index
        %get3A_1679 = tpu.vector_load %arg10[%get3A_1677, %get3A_1678] {strides = array<i32>} : memref<64x128xf32, #tpu.memory_space<vmem>>, vector<1x16xf32>,
        %get3A_1680 = vector.shape_cast %get3A_1679 : vector<1x16xf32> to vector<16xf32>
        %get3A_1681 = arith.index_cast %add3A_1656 : i32 to index
        %get3A_1682 = arith.constant 96 : index
        %get3A_1683 = tpu.vector_load %arg10[%get3A_1681, %get3A_1682] {strides = array<i32>} : memref<64x128xf32, #tpu.memory_space<vmem>>, vector<1x16xf32>,
        %get3A_1684 = vector.shape_cast %get3A_1683 : vector<1x16xf32> to vector<16xf32>
        %get3A_1685 = arith.index_cast %add3A_1656 : i32 to index
        %get3A_1686 = arith.constant 112 : index
        %get3A_1687 = tpu.vector_load %arg10[%get3A_1685, %get3A_1686] {strides = array<i32>} : memref<64x128xf32, #tpu.memory_space<vmem>>, vector<1x16xf32>,
        %get3A_1688 = vector.shape_cast %get3A_1687 : vector<1x16xf32> to vector<16xf32>
        %add3A_1689 = arith.addf %get3A_1660, %get3A_1380 : vector<16xf32>
        %swap3A_1690 = arith.index_cast %add3A_1656 : i32 to index
        %swap3A_1691 = arith.constant 0 : index
        %swap3A_1692 = tpu.vector_load %arg12[%swap3A_1690, %swap3A_1691] {strides = array<i32>} : memref<64x128xf32, #tpu.memory_space<vmem>>, vector<1x16xf32>,
        %swap3A_1693 = vector.shape_cast %swap3A_1692 : vector<1x16xf32> to vector<16xf32>
        %swap3A_1694 = vector.shape_cast %add3A_1689 : vector<16xf32> to vector<1x16xf32>
        tpu.vector_store %arg12[%swap3A_1690, %swap3A_1691], %swap3A_1694 {strides = array<i32>} : memref<64x128xf32, #tpu.memory_space<vmem>>, vector<1x16xf32>,
        %add3A_1695 = arith.addf %get3A_1664, %get3A_1384 : vector<16xf32>
        %swap3A_1696 = arith.index_cast %add3A_1656 : i32 to index
        %swap3A_1697 = arith.constant 16 : index
        %swap3A_1698 = tpu.vector_load %arg12[%swap3A_1696, %swap3A_1697] {strides = array<i32>} : memref<64x128xf32, #tpu.memory_space<vmem>>, vector<1x16xf32>,
        %swap3A_1699 = vector.shape_cast %swap3A_1698 : vector<1x16xf32> to vector<16xf32>
        %swap3A_1700 = vector.shape_cast %add3A_1695 : vector<16xf32> to vector<1x16xf32>
        tpu.vector_store %arg12[%swap3A_1696, %swap3A_1697], %swap3A_1700 {strides = array<i32>} : memref<64x128xf32, #tpu.memory_space<vmem>>, vector<1x16xf32>,
        %add3A_1701 = arith.addf %get3A_1668, %get3A_1388 : vector<16xf32>
        %swap3A_1702 = arith.index_cast %add3A_1656 : i32 to index
        %swap3A_1703 = arith.constant 32 : index
        %swap3A_1704 = tpu.vector_load %arg12[%swap3A_1702, %swap3A_1703] {strides = array<i32>} : memref<64x128xf32, #tpu.memory_space<vmem>>, vector<1x16xf32>,
        %swap3A_1705 = vector.shape_cast %swap3A_1704 : vector<1x16xf32> to vector<16xf32>
        %swap3A_1706 = vector.shape_cast %add3A_1701 : vector<16xf32> to vector<1x16xf32>
        tpu.vector_store %arg12[%swap3A_1702, %swap3A_1703], %swap3A_1706 {strides = array<i32>} : memref<64x128xf32, #tpu.memory_space<vmem>>, vector<1x16xf32>,
        %add3A_1707 = arith.addf %get3A_1672, %get3A_1392 : vector<16xf32>
        %swap3A_1708 = arith.index_cast %add3A_1656 : i32 to index
        %swap3A_1709 = arith.constant 48 : index
        %swap3A_1710 = tpu.vector_load %arg12[%swap3A_1708, %swap3A_1709] {strides = array<i32>} : memref<64x128xf32, #tpu.memory_space<vmem>>, vector<1x16xf32>,
        %swap3A_1711 = vector.shape_cast %swap3A_1710 : vector<1x16xf32> to vector<16xf32>
        %swap3A_1712 = vector.shape_cast %add3A_1707 : vector<16xf32> to vector<1x16xf32>
        tpu.vector_store %arg12[%swap3A_1708, %swap3A_1709], %swap3A_1712 {strides = array<i32>} : memref<64x128xf32, #tpu.memory_space<vmem>>, vector<1x16xf32>,
        %add3A_1713 = arith.addf %get3A_1676, %get3A_1396 : vector<16xf32>
        %swap3A_1714 = arith.index_cast %add3A_1656 : i32 to index
        %swap3A_1715 = arith.constant 64 : index
        %swap3A_1716 = tpu.vector_load %arg12[%swap3A_1714, %swap3A_1715] {strides = array<i32>} : memref<64x128xf32, #tpu.memory_space<vmem>>, vector<1x16xf32>,
        %swap3A_1717 = vector.shape_cast %swap3A_1716 : vector<1x16xf32> to vector<16xf32>
        %swap3A_1718 = vector.shape_cast %add3A_1713 : vector<16xf32> to vector<1x16xf32>
        tpu.vector_store %arg12[%swap3A_1714, %swap3A_1715], %swap3A_1718 {strides = array<i32>} : memref<64x128xf32, #tpu.memory_space<vmem>>, vector<1x16xf32>,
        %add3A_1719 = arith.addf %get3A_1680, %get3A_1400 : vector<16xf32>
        %swap3A_1720 = arith.index_cast %add3A_1656 : i32 to index
        %swap3A_1721 = arith.constant 80 : index
        %swap3A_1722 = tpu.vector_load %arg12[%swap3A_1720, %swap3A_1721] {strides = array<i32>} : memref<64x128xf32, #tpu.memory_space<vmem>>, vector<1x16xf32>,
        %swap3A_1723 = vector.shape_cast %swap3A_1722 : vector<1x16xf32> to vector<16xf32>
        %swap3A_1724 = vector.shape_cast %add3A_1719 : vector<16xf32> to vector<1x16xf32>
        tpu.vector_store %arg12[%swap3A_1720, %swap3A_1721], %swap3A_1724 {strides = array<i32>} : memref<64x128xf32, #tpu.memory_space<vmem>>, vector<1x16xf32>,
        %add3A_1725 = arith.addf %get3A_1684, %get3A_1404 : vector<16xf32>
        %swap3A_1726 = arith.index_cast %add3A_1656 : i32 to index
        %swap3A_1727 = arith.constant 96 : index
        %swap3A_1728 = tpu.vector_load %arg12[%swap3A_1726, %swap3A_1727] {strides = array<i32>} : memref<64x128xf32, #tpu.memory_space<vmem>>, vector<1x16xf32>,
        %swap3A_1729 = vector.shape_cast %swap3A_1728 : vector<1x16xf32> to vector<16xf32>
        %swap3A_1730 = vector.shape_cast %add3A_1725 : vector<16xf32> to vector<1x16xf32>
        tpu.vector_store %arg12[%swap3A_1726, %swap3A_1727], %swap3A_1730 {strides = array<i32>} : memref<64x128xf32, #tpu.memory_space<vmem>>, vector<1x16xf32>,
        %add3A_1731 = arith.addf %get3A_1688, %get3A_1408 : vector<16xf32>
        %swap3A_1732 = arith.index_cast %add3A_1656 : i32 to index
        %swap3A_1733 = arith.constant 112 : index
        %swap3A_1734 = tpu.vector_load %arg12[%swap3A_1732, %swap3A_1733] {strides = array<i32>} : memref<64x128xf32, #tpu.memory_space<vmem>>, vector<1x16xf32>,
        %swap3A_1735 = vector.shape_cast %swap3A_1734 : vector<1x16xf32> to vector<16xf32>
        %swap3A_1736 = vector.shape_cast %add3A_1731 : vector<16xf32> to vector<1x16xf32>
        tpu.vector_store %arg12[%swap3A_1732, %swap3A_1733], %swap3A_1736 {strides = array<i32>} : memref<64x128xf32, #tpu.memory_space<vmem>>, vector<1x16xf32>,
        %add3A_1737 = arith.constant 32 : i32
        %add3A_1738 = arith.addi %add3A_1737, %scan3A_1375 : i32
        %get3A_1739 = arith.index_cast %add3A_1738 : i32 to index
        %get3A_1740 = arith.constant 0 : index
        %get3A_1741 = tpu.vector_load %arg10[%get3A_1739, %get3A_1740] {strides = array<i32>} : memref<64x128xf32, #tpu.memory_space<vmem>>, vector<1x16xf32>,
        %get3A_1742 = vector.shape_cast %get3A_1741 : vector<1x16xf32> to vector<16xf32>
        %get3A_1743 = arith.index_cast %add3A_1738 : i32 to index
        %get3A_1744 = arith.constant 16 : index
        %get3A_1745 = tpu.vector_load %arg10[%get3A_1743, %get3A_1744] {strides = array<i32>} : memref<64x128xf32, #tpu.memory_space<vmem>>, vector<1x16xf32>,
        %get3A_1746 = vector.shape_cast %get3A_1745 : vector<1x16xf32> to vector<16xf32>
        %get3A_1747 = arith.index_cast %add3A_1738 : i32 to index
        %get3A_1748 = arith.constant 32 : index
        %get3A_1749 = tpu.vector_load %arg10[%get3A_1747, %get3A_1748] {strides = array<i32>} : memref<64x128xf32, #tpu.memory_space<vmem>>, vector<1x16xf32>,
        %get3A_1750 = vector.shape_cast %get3A_1749 : vector<1x16xf32> to vector<16xf32>
        %get3A_1751 = arith.index_cast %add3A_1738 : i32 to index
        %get3A_1752 = arith.constant 48 : index
        %get3A_1753 = tpu.vector_load %arg10[%get3A_1751, %get3A_1752] {strides = array<i32>} : memref<64x128xf32, #tpu.memory_space<vmem>>, vector<1x16xf32>,
        %get3A_1754 = vector.shape_cast %get3A_1753 : vector<1x16xf32> to vector<16xf32>
        %get3A_1755 = arith.index_cast %add3A_1738 : i32 to index
        %get3A_1756 = arith.constant 64 : index
        %get3A_1757 = tpu.vector_load %arg10[%get3A_1755, %get3A_1756] {strides = array<i32>} : memref<64x128xf32, #tpu.memory_space<vmem>>, vector<1x16xf32>,
        %get3A_1758 = vector.shape_cast %get3A_1757 : vector<1x16xf32> to vector<16xf32>
        %get3A_1759 = arith.index_cast %add3A_1738 : i32 to index
        %get3A_1760 = arith.constant 80 : index
        %get3A_1761 = tpu.vector_load %arg10[%get3A_1759, %get3A_1760] {strides = array<i32>} : memref<64x128xf32, #tpu.memory_space<vmem>>, vector<1x16xf32>,
        %get3A_1762 = vector.shape_cast %get3A_1761 : vector<1x16xf32> to vector<16xf32>
        %get3A_1763 = arith.index_cast %add3A_1738 : i32 to index
        %get3A_1764 = arith.constant 96 : index
        %get3A_1765 = tpu.vector_load %arg10[%get3A_1763, %get3A_1764] {strides = array<i32>} : memref<64x128xf32, #tpu.memory_space<vmem>>, vector<1x16xf32>,
        %get3A_1766 = vector.shape_cast %get3A_1765 : vector<1x16xf32> to vector<16xf32>
        %get3A_1767 = arith.index_cast %add3A_1738 : i32 to index
        %get3A_1768 = arith.constant 112 : index
        %get3A_1769 = tpu.vector_load %arg10[%get3A_1767, %get3A_1768] {strides = array<i32>} : memref<64x128xf32, #tpu.memory_space<vmem>>, vector<1x16xf32>,
        %get3A_1770 = vector.shape_cast %get3A_1769 : vector<1x16xf32> to vector<16xf32>
        %add3A_1771 = arith.addf %get3A_1742, %get3A_1380 : vector<16xf32>
        %swap3A_1772 = arith.index_cast %add3A_1738 : i32 to index
        %swap3A_1773 = arith.constant 0 : index
        %swap3A_1774 = tpu.vector_load %arg12[%swap3A_1772, %swap3A_1773] {strides = array<i32>} : memref<64x128xf32, #tpu.memory_space<vmem>>, vector<1x16xf32>,
        %swap3A_1775 = vector.shape_cast %swap3A_1774 : vector<1x16xf32> to vector<16xf32>
        %swap3A_1776 = vector.shape_cast %add3A_1771 : vector<16xf32> to vector<1x16xf32>
        tpu.vector_store %arg12[%swap3A_1772, %swap3A_1773], %swap3A_1776 {strides = array<i32>} : memref<64x128xf32, #tpu.memory_space<vmem>>, vector<1x16xf32>,
        %add3A_1777 = arith.addf %get3A_1746, %get3A_1384 : vector<16xf32>
        %swap3A_1778 = arith.index_cast %add3A_1738 : i32 to index
        %swap3A_1779 = arith.constant 16 : index
        %swap3A_1780 = tpu.vector_load %arg12[%swap3A_1778, %swap3A_1779] {strides = array<i32>} : memref<64x128xf32, #tpu.memory_space<vmem>>, vector<1x16xf32>,
        %swap3A_1781 = vector.shape_cast %swap3A_1780 : vector<1x16xf32> to vector<16xf32>
        %swap3A_1782 = vector.shape_cast %add3A_1777 : vector<16xf32> to vector<1x16xf32>
        tpu.vector_store %arg12[%swap3A_1778, %swap3A_1779], %swap3A_1782 {strides = array<i32>} : memref<64x128xf32, #tpu.memory_space<vmem>>, vector<1x16xf32>,
        %add3A_1783 = arith.addf %get3A_1750, %get3A_1388 : vector<16xf32>
        %swap3A_1784 = arith.index_cast %add3A_1738 : i32 to index
        %swap3A_1785 = arith.constant 32 : index
        %swap3A_1786 = tpu.vector_load %arg12[%swap3A_1784, %swap3A_1785] {strides = array<i32>} : memref<64x128xf32, #tpu.memory_space<vmem>>, vector<1x16xf32>,
        %swap3A_1787 = vector.shape_cast %swap3A_1786 : vector<1x16xf32> to vector<16xf32>
        %swap3A_1788 = vector.shape_cast %add3A_1783 : vector<16xf32> to vector<1x16xf32>
        tpu.vector_store %arg12[%swap3A_1784, %swap3A_1785], %swap3A_1788 {strides = array<i32>} : memref<64x128xf32, #tpu.memory_space<vmem>>, vector<1x16xf32>,
        %add3A_1789 = arith.addf %get3A_1754, %get3A_1392 : vector<16xf32>
        %swap3A_1790 = arith.index_cast %add3A_1738 : i32 to index
        %swap3A_1791 = arith.constant 48 : index
        %swap3A_1792 = tpu.vector_load %arg12[%swap3A_1790, %swap3A_1791] {strides = array<i32>} : memref<64x128xf32, #tpu.memory_space<vmem>>, vector<1x16xf32>,
        %swap3A_1793 = vector.shape_cast %swap3A_1792 : vector<1x16xf32> to vector<16xf32>
        %swap3A_1794 = vector.shape_cast %add3A_1789 : vector<16xf32> to vector<1x16xf32>
        tpu.vector_store %arg12[%swap3A_1790, %swap3A_1791], %swap3A_1794 {strides = array<i32>} : memref<64x128xf32, #tpu.memory_space<vmem>>, vector<1x16xf32>,
        %add3A_1795 = arith.addf %get3A_1758, %get3A_1396 : vector<16xf32>
        %swap3A_1796 = arith.index_cast %add3A_1738 : i32 to index
        %swap3A_1797 = arith.constant 64 : index
        %swap3A_1798 = tpu.vector_load %arg12[%swap3A_1796, %swap3A_1797] {strides = array<i32>} : memref<64x128xf32, #tpu.memory_space<vmem>>, vector<1x16xf32>,
        %swap3A_1799 = vector.shape_cast %swap3A_1798 : vector<1x16xf32> to vector<16xf32>
        %swap3A_1800 = vector.shape_cast %add3A_1795 : vector<16xf32> to vector<1x16xf32>
        tpu.vector_store %arg12[%swap3A_1796, %swap3A_1797], %swap3A_1800 {strides = array<i32>} : memref<64x128xf32, #tpu.memory_space<vmem>>, vector<1x16xf32>,
        %add3A_1801 = arith.addf %get3A_1762, %get3A_1400 : vector<16xf32>
        %swap3A_1802 = arith.index_cast %add3A_1738 : i32 to index
        %swap3A_1803 = arith.constant 80 : index
        %swap3A_1804 = tpu.vector_load %arg12[%swap3A_1802, %swap3A_1803] {strides = array<i32>} : memref<64x128xf32, #tpu.memory_space<vmem>>, vector<1x16xf32>,
        %swap3A_1805 = vector.shape_cast %swap3A_1804 : vector<1x16xf32> to vector<16xf32>
        %swap3A_1806 = vector.shape_cast %add3A_1801 : vector<16xf32> to vector<1x16xf32>
        tpu.vector_store %arg12[%swap3A_1802, %swap3A_1803], %swap3A_1806 {strides = array<i32>} : memref<64x128xf32, #tpu.memory_space<vmem>>, vector<1x16xf32>,
        %add3A_1807 = arith.addf %get3A_1766, %get3A_1404 : vector<16xf32>
        %swap3A_1808 = arith.index_cast %add3A_1738 : i32 to index
        %swap3A_1809 = arith.constant 96 : index
        %swap3A_1810 = tpu.vector_load %arg12[%swap3A_1808, %swap3A_1809] {strides = array<i32>} : memref<64x128xf32, #tpu.memory_space<vmem>>, vector<1x16xf32>,
        %swap3A_1811 = vector.shape_cast %swap3A_1810 : vector<1x16xf32> to vector<16xf32>
        %swap3A_1812 = vector.shape_cast %add3A_1807 : vector<16xf32> to vector<1x16xf32>
        tpu.vector_store %arg12[%swap3A_1808, %swap3A_1809], %swap3A_1812 {strides = array<i32>} : memref<64x128xf32, #tpu.memory_space<vmem>>, vector<1x16xf32>,
        %add3A_1813 = arith.addf %get3A_1770, %get3A_1408 : vector<16xf32>
        %swap3A_1814 = arith.index_cast %add3A_1738 : i32 to index
        %swap3A_1815 = arith.constant 112 : index
        %swap3A_1816 = tpu.vector_load %arg12[%swap3A_1814, %swap3A_1815] {strides = array<i32>} : memref<64x128xf32, #tpu.memory_space<vmem>>, vector<1x16xf32>,
        %swap3A_1817 = vector.shape_cast %swap3A_1816 : vector<1x16xf32> to vector<16xf32>
        %swap3A_1818 = vector.shape_cast %add3A_1813 : vector<16xf32> to vector<1x16xf32>
        tpu.vector_store %arg12[%swap3A_1814, %swap3A_1815], %swap3A_1818 {strides = array<i32>} : memref<64x128xf32, #tpu.memory_space<vmem>>, vector<1x16xf32>,
        %add3A_1819 = arith.constant 40 : i32
        %add3A_1820 = arith.addi %add3A_1819, %scan3A_1375 : i32
        %get3A_1821 = arith.index_cast %add3A_1820 : i32 to index
        %get3A_1822 = arith.constant 0 : index
        %get3A_1823 = tpu.vector_load %arg10[%get3A_1821, %get3A_1822] {strides = array<i32>} : memref<64x128xf32, #tpu.memory_space<vmem>>, vector<1x16xf32>,
        %get3A_1824 = vector.shape_cast %get3A_1823 : vector<1x16xf32> to vector<16xf32>
        %get3A_1825 = arith.index_cast %add3A_1820 : i32 to index
        %get3A_1826 = arith.constant 16 : index
        %get3A_1827 = tpu.vector_load %arg10[%get3A_1825, %get3A_1826] {strides = array<i32>} : memref<64x128xf32, #tpu.memory_space<vmem>>, vector<1x16xf32>,
        %get3A_1828 = vector.shape_cast %get3A_1827 : vector<1x16xf32> to vector<16xf32>
        %get3A_1829 = arith.index_cast %add3A_1820 : i32 to index
        %get3A_1830 = arith.constant 32 : index
        %get3A_1831 = tpu.vector_load %arg10[%get3A_1829, %get3A_1830] {strides = array<i32>} : memref<64x128xf32, #tpu.memory_space<vmem>>, vector<1x16xf32>,
        %get3A_1832 = vector.shape_cast %get3A_1831 : vector<1x16xf32> to vector<16xf32>
        %get3A_1833 = arith.index_cast %add3A_1820 : i32 to index
        %get3A_1834 = arith.constant 48 : index
        %get3A_1835 = tpu.vector_load %arg10[%get3A_1833, %get3A_1834] {strides = array<i32>} : memref<64x128xf32, #tpu.memory_space<vmem>>, vector<1x16xf32>,
        %get3A_1836 = vector.shape_cast %get3A_1835 : vector<1x16xf32> to vector<16xf32>
        %get3A_1837 = arith.index_cast %add3A_1820 : i32 to index
        %get3A_1838 = arith.constant 64 : index
        %get3A_1839 = tpu.vector_load %arg10[%get3A_1837, %get3A_1838] {strides = array<i32>} : memref<64x128xf32, #tpu.memory_space<vmem>>, vector<1x16xf32>,
        %get3A_1840 = vector.shape_cast %get3A_1839 : vector<1x16xf32> to vector<16xf32>
        %get3A_1841 = arith.index_cast %add3A_1820 : i32 to index
        %get3A_1842 = arith.constant 80 : index
        %get3A_1843 = tpu.vector_load %arg10[%get3A_1841, %get3A_1842] {strides = array<i32>} : memref<64x128xf32, #tpu.memory_space<vmem>>, vector<1x16xf32>,
        %get3A_1844 = vector.shape_cast %get3A_1843 : vector<1x16xf32> to vector<16xf32>
        %get3A_1845 = arith.index_cast %add3A_1820 : i32 to index
        %get3A_1846 = arith.constant 96 : index
        %get3A_1847 = tpu.vector_load %arg10[%get3A_1845, %get3A_1846] {strides = array<i32>} : memref<64x128xf32, #tpu.memory_space<vmem>>, vector<1x16xf32>,
        %get3A_1848 = vector.shape_cast %get3A_1847 : vector<1x16xf32> to vector<16xf32>
        %get3A_1849 = arith.index_cast %add3A_1820 : i32 to index
        %get3A_1850 = arith.constant 112 : index
        %get3A_1851 = tpu.vector_load %arg10[%get3A_1849, %get3A_1850] {strides = array<i32>} : memref<64x128xf32, #tpu.memory_space<vmem>>, vector<1x16xf32>,
        %get3A_1852 = vector.shape_cast %get3A_1851 : vector<1x16xf32> to vector<16xf32>
        %add3A_1853 = arith.addf %get3A_1824, %get3A_1380 : vector<16xf32>
        %swap3A_1854 = arith.index_cast %add3A_1820 : i32 to index
        %swap3A_1855 = arith.constant 0 : index
        %swap3A_1856 = tpu.vector_load %arg12[%swap3A_1854, %swap3A_1855] {strides = array<i32>} : memref<64x128xf32, #tpu.memory_space<vmem>>, vector<1x16xf32>,
        %swap3A_1857 = vector.shape_cast %swap3A_1856 : vector<1x16xf32> to vector<16xf32>
        %swap3A_1858 = vector.shape_cast %add3A_1853 : vector<16xf32> to vector<1x16xf32>
        tpu.vector_store %arg12[%swap3A_1854, %swap3A_1855], %swap3A_1858 {strides = array<i32>} : memref<64x128xf32, #tpu.memory_space<vmem>>, vector<1x16xf32>,
        %add3A_1859 = arith.addf %get3A_1828, %get3A_1384 : vector<16xf32>
        %swap3A_1860 = arith.index_cast %add3A_1820 : i32 to index
        %swap3A_1861 = arith.constant 16 : index
        %swap3A_1862 = tpu.vector_load %arg12[%swap3A_1860, %swap3A_1861] {strides = array<i32>} : memref<64x128xf32, #tpu.memory_space<vmem>>, vector<1x16xf32>,
        %swap3A_1863 = vector.shape_cast %swap3A_1862 : vector<1x16xf32> to vector<16xf32>
        %swap3A_1864 = vector.shape_cast %add3A_1859 : vector<16xf32> to vector<1x16xf32>
        tpu.vector_store %arg12[%swap3A_1860, %swap3A_1861], %swap3A_1864 {strides = array<i32>} : memref<64x128xf32, #tpu.memory_space<vmem>>, vector<1x16xf32>,
        %add3A_1865 = arith.addf %get3A_1832, %get3A_1388 : vector<16xf32>
        %swap3A_1866 = arith.index_cast %add3A_1820 : i32 to index
        %swap3A_1867 = arith.constant 32 : index
        %swap3A_1868 = tpu.vector_load %arg12[%swap3A_1866, %swap3A_1867] {strides = array<i32>} : memref<64x128xf32, #tpu.memory_space<vmem>>, vector<1x16xf32>,
        %swap3A_1869 = vector.shape_cast %swap3A_1868 : vector<1x16xf32> to vector<16xf32>
        %swap3A_1870 = vector.shape_cast %add3A_1865 : vector<16xf32> to vector<1x16xf32>
        tpu.vector_store %arg12[%swap3A_1866, %swap3A_1867], %swap3A_1870 {strides = array<i32>} : memref<64x128xf32, #tpu.memory_space<vmem>>, vector<1x16xf32>,
        %add3A_1871 = arith.addf %get3A_1836, %get3A_1392 : vector<16xf32>
        %swap3A_1872 = arith.index_cast %add3A_1820 : i32 to index
        %swap3A_1873 = arith.constant 48 : index
        %swap3A_1874 = tpu.vector_load %arg12[%swap3A_1872, %swap3A_1873] {strides = array<i32>} : memref<64x128xf32, #tpu.memory_space<vmem>>, vector<1x16xf32>,
        %swap3A_1875 = vector.shape_cast %swap3A_1874 : vector<1x16xf32> to vector<16xf32>
        %swap3A_1876 = vector.shape_cast %add3A_1871 : vector<16xf32> to vector<1x16xf32>
        tpu.vector_store %arg12[%swap3A_1872, %swap3A_1873], %swap3A_1876 {strides = array<i32>} : memref<64x128xf32, #tpu.memory_space<vmem>>, vector<1x16xf32>,
        %add3A_1877 = arith.addf %get3A_1840, %get3A_1396 : vector<16xf32>
        %swap3A_1878 = arith.index_cast %add3A_1820 : i32 to index
        %swap3A_1879 = arith.constant 64 : index
        %swap3A_1880 = tpu.vector_load %arg12[%swap3A_1878, %swap3A_1879] {strides = array<i32>} : memref<64x128xf32, #tpu.memory_space<vmem>>, vector<1x16xf32>,
        %swap3A_1881 = vector.shape_cast %swap3A_1880 : vector<1x16xf32> to vector<16xf32>
        %swap3A_1882 = vector.shape_cast %add3A_1877 : vector<16xf32> to vector<1x16xf32>
        tpu.vector_store %arg12[%swap3A_1878, %swap3A_1879], %swap3A_1882 {strides = array<i32>} : memref<64x128xf32, #tpu.memory_space<vmem>>, vector<1x16xf32>,
        %add3A_1883 = arith.addf %get3A_1844, %get3A_1400 : vector<16xf32>
        %swap3A_1884 = arith.index_cast %add3A_1820 : i32 to index
        %swap3A_1885 = arith.constant 80 : index
        %swap3A_1886 = tpu.vector_load %arg12[%swap3A_1884, %swap3A_1885] {strides = array<i32>} : memref<64x128xf32, #tpu.memory_space<vmem>>, vector<1x16xf32>,
        %swap3A_1887 = vector.shape_cast %swap3A_1886 : vector<1x16xf32> to vector<16xf32>
        %swap3A_1888 = vector.shape_cast %add3A_1883 : vector<16xf32> to vector<1x16xf32>
        tpu.vector_store %arg12[%swap3A_1884, %swap3A_1885], %swap3A_1888 {strides = array<i32>} : memref<64x128xf32, #tpu.memory_space<vmem>>, vector<1x16xf32>,
        %add3A_1889 = arith.addf %get3A_1848, %get3A_1404 : vector<16xf32>
        %swap3A_1890 = arith.index_cast %add3A_1820 : i32 to index
        %swap3A_1891 = arith.constant 96 : index
        %swap3A_1892 = tpu.vector_load %arg12[%swap3A_1890, %swap3A_1891] {strides = array<i32>} : memref<64x128xf32, #tpu.memory_space<vmem>>, vector<1x16xf32>,
        %swap3A_1893 = vector.shape_cast %swap3A_1892 : vector<1x16xf32> to vector<16xf32>
        %swap3A_1894 = vector.shape_cast %add3A_1889 : vector<16xf32> to vector<1x16xf32>
        tpu.vector_store %arg12[%swap3A_1890, %swap3A_1891], %swap3A_1894 {strides = array<i32>} : memref<64x128xf32, #tpu.memory_space<vmem>>, vector<1x16xf32>,
        %add3A_1895 = arith.addf %get3A_1852, %get3A_1408 : vector<16xf32>
        %swap3A_1896 = arith.index_cast %add3A_1820 : i32 to index
        %swap3A_1897 = arith.constant 112 : index
        %swap3A_1898 = tpu.vector_load %arg12[%swap3A_1896, %swap3A_1897] {strides = array<i32>} : memref<64x128xf32, #tpu.memory_space<vmem>>, vector<1x16xf32>,
        %swap3A_1899 = vector.shape_cast %swap3A_1898 : vector<1x16xf32> to vector<16xf32>
        %swap3A_1900 = vector.shape_cast %add3A_1895 : vector<16xf32> to vector<1x16xf32>
        tpu.vector_store %arg12[%swap3A_1896, %swap3A_1897], %swap3A_1900 {strides = array<i32>} : memref<64x128xf32, #tpu.memory_space<vmem>>, vector<1x16xf32>,
        %add3A_1901 = arith.constant 48 : i32
        %add3A_1902 = arith.addi %add3A_1901, %scan3A_1375 : i32
        %get3A_1903 = arith.index_cast %add3A_1902 : i32 to index
        %get3A_1904 = arith.constant 0 : index
        %get3A_1905 = tpu.vector_load %arg10[%get3A_1903, %get3A_1904] {strides = array<i32>} : memref<64x128xf32, #tpu.memory_space<vmem>>, vector<1x16xf32>,
        %get3A_1906 = vector.shape_cast %get3A_1905 : vector<1x16xf32> to vector<16xf32>
        %get3A_1907 = arith.index_cast %add3A_1902 : i32 to index
        %get3A_1908 = arith.constant 16 : index
        %get3A_1909 = tpu.vector_load %arg10[%get3A_1907, %get3A_1908] {strides = array<i32>} : memref<64x128xf32, #tpu.memory_space<vmem>>, vector<1x16xf32>,
        %get3A_1910 = vector.shape_cast %get3A_1909 : vector<1x16xf32> to vector<16xf32>
        %get3A_1911 = arith.index_cast %add3A_1902 : i32 to index
        %get3A_1912 = arith.constant 32 : index
        %get3A_1913 = tpu.vector_load %arg10[%get3A_1911, %get3A_1912] {strides = array<i32>} : memref<64x128xf32, #tpu.memory_space<vmem>>, vector<1x16xf32>,
        %get3A_1914 = vector.shape_cast %get3A_1913 : vector<1x16xf32> to vector<16xf32>
        %get3A_1915 = arith.index_cast %add3A_1902 : i32 to index
        %get3A_1916 = arith.constant 48 : index
        %get3A_1917 = tpu.vector_load %arg10[%get3A_1915, %get3A_1916] {strides = array<i32>} : memref<64x128xf32, #tpu.memory_space<vmem>>, vector<1x16xf32>,
        %get3A_1918 = vector.shape_cast %get3A_1917 : vector<1x16xf32> to vector<16xf32>
        %get3A_1919 = arith.index_cast %add3A_1902 : i32 to index
        %get3A_1920 = arith.constant 64 : index
        %get3A_1921 = tpu.vector_load %arg10[%get3A_1919, %get3A_1920] {strides = array<i32>} : memref<64x128xf32, #tpu.memory_space<vmem>>, vector<1x16xf32>,
        %get3A_1922 = vector.shape_cast %get3A_1921 : vector<1x16xf32> to vector<16xf32>
        %get3A_1923 = arith.index_cast %add3A_1902 : i32 to index
        %get3A_1924 = arith.constant 80 : index
        %get3A_1925 = tpu.vector_load %arg10[%get3A_1923, %get3A_1924] {strides = array<i32>} : memref<64x128xf32, #tpu.memory_space<vmem>>, vector<1x16xf32>,
        %get3A_1926 = vector.shape_cast %get3A_1925 : vector<1x16xf32> to vector<16xf32>
        %get3A_1927 = arith.index_cast %add3A_1902 : i32 to index
        %get3A_1928 = arith.constant 96 : index
        %get3A_1929 = tpu.vector_load %arg10[%get3A_1927, %get3A_1928] {strides = array<i32>} : memref<64x128xf32, #tpu.memory_space<vmem>>, vector<1x16xf32>,
        %get3A_1930 = vector.shape_cast %get3A_1929 : vector<1x16xf32> to vector<16xf32>
        %get3A_1931 = arith.index_cast %add3A_1902 : i32 to index
        %get3A_1932 = arith.constant 112 : index
        %get3A_1933 = tpu.vector_load %arg10[%get3A_1931, %get3A_1932] {strides = array<i32>} : memref<64x128xf32, #tpu.memory_space<vmem>>, vector<1x16xf32>,
        %get3A_1934 = vector.shape_cast %get3A_1933 : vector<1x16xf32> to vector<16xf32>
        %add3A_1935 = arith.addf %get3A_1906, %get3A_1380 : vector<16xf32>
        %swap3A_1936 = arith.index_cast %add3A_1902 : i32 to index
        %swap3A_1937 = arith.constant 0 : index
        %swap3A_1938 = tpu.vector_load %arg12[%swap3A_1936, %swap3A_1937] {strides = array<i32>} : memref<64x128xf32, #tpu.memory_space<vmem>>, vector<1x16xf32>,
        %swap3A_1939 = vector.shape_cast %swap3A_1938 : vector<1x16xf32> to vector<16xf32>
        %swap3A_1940 = vector.shape_cast %add3A_1935 : vector<16xf32> to vector<1x16xf32>
        tpu.vector_store %arg12[%swap3A_1936, %swap3A_1937], %swap3A_1940 {strides = array<i32>} : memref<64x128xf32, #tpu.memory_space<vmem>>, vector<1x16xf32>,
        %add3A_1941 = arith.addf %get3A_1910, %get3A_1384 : vector<16xf32>
        %swap3A_1942 = arith.index_cast %add3A_1902 : i32 to index
        %swap3A_1943 = arith.constant 16 : index
        %swap3A_1944 = tpu.vector_load %arg12[%swap3A_1942, %swap3A_1943] {strides = array<i32>} : memref<64x128xf32, #tpu.memory_space<vmem>>, vector<1x16xf32>,
        %swap3A_1945 = vector.shape_cast %swap3A_1944 : vector<1x16xf32> to vector<16xf32>
        %swap3A_1946 = vector.shape_cast %add3A_1941 : vector<16xf32> to vector<1x16xf32>
        tpu.vector_store %arg12[%swap3A_1942, %swap3A_1943], %swap3A_1946 {strides = array<i32>} : memref<64x128xf32, #tpu.memory_space<vmem>>, vector<1x16xf32>,
        %add3A_1947 = arith.addf %get3A_1914, %get3A_1388 : vector<16xf32>
        %swap3A_1948 = arith.index_cast %add3A_1902 : i32 to index
        %swap3A_1949 = arith.constant 32 : index
        %swap3A_1950 = tpu.vector_load %arg12[%swap3A_1948, %swap3A_1949] {strides = array<i32>} : memref<64x128xf32, #tpu.memory_space<vmem>>, vector<1x16xf32>,
        %swap3A_1951 = vector.shape_cast %swap3A_1950 : vector<1x16xf32> to vector<16xf32>
        %swap3A_1952 = vector.shape_cast %add3A_1947 : vector<16xf32> to vector<1x16xf32>
        tpu.vector_store %arg12[%swap3A_1948, %swap3A_1949], %swap3A_1952 {strides = array<i32>} : memref<64x128xf32, #tpu.memory_space<vmem>>, vector<1x16xf32>,
        %add3A_1953 = arith.addf %get3A_1918, %get3A_1392 : vector<16xf32>
        %swap3A_1954 = arith.index_cast %add3A_1902 : i32 to index
        %swap3A_1955 = arith.constant 48 : index
        %swap3A_1956 = tpu.vector_load %arg12[%swap3A_1954, %swap3A_1955] {strides = array<i32>} : memref<64x128xf32, #tpu.memory_space<vmem>>, vector<1x16xf32>,
        %swap3A_1957 = vector.shape_cast %swap3A_1956 : vector<1x16xf32> to vector<16xf32>
        %swap3A_1958 = vector.shape_cast %add3A_1953 : vector<16xf32> to vector<1x16xf32>
        tpu.vector_store %arg12[%swap3A_1954, %swap3A_1955], %swap3A_1958 {strides = array<i32>} : memref<64x128xf32, #tpu.memory_space<vmem>>, vector<1x16xf32>,
        %add3A_1959 = arith.addf %get3A_1922, %get3A_1396 : vector<16xf32>
        %swap3A_1960 = arith.index_cast %add3A_1902 : i32 to index
        %swap3A_1961 = arith.constant 64 : index
        %swap3A_1962 = tpu.vector_load %arg12[%swap3A_1960, %swap3A_1961] {strides = array<i32>} : memref<64x128xf32, #tpu.memory_space<vmem>>, vector<1x16xf32>,
        %swap3A_1963 = vector.shape_cast %swap3A_1962 : vector<1x16xf32> to vector<16xf32>
        %swap3A_1964 = vector.shape_cast %add3A_1959 : vector<16xf32> to vector<1x16xf32>
        tpu.vector_store %arg12[%swap3A_1960, %swap3A_1961], %swap3A_1964 {strides = array<i32>} : memref<64x128xf32, #tpu.memory_space<vmem>>, vector<1x16xf32>,
        %add3A_1965 = arith.addf %get3A_1926, %get3A_1400 : vector<16xf32>
        %swap3A_1966 = arith.index_cast %add3A_1902 : i32 to index
        %swap3A_1967 = arith.constant 80 : index
        %swap3A_1968 = tpu.vector_load %arg12[%swap3A_1966, %swap3A_1967] {strides = array<i32>} : memref<64x128xf32, #tpu.memory_space<vmem>>, vector<1x16xf32>,
        %swap3A_1969 = vector.shape_cast %swap3A_1968 : vector<1x16xf32> to vector<16xf32>
        %swap3A_1970 = vector.shape_cast %add3A_1965 : vector<16xf32> to vector<1x16xf32>
        tpu.vector_store %arg12[%swap3A_1966, %swap3A_1967], %swap3A_1970 {strides = array<i32>} : memref<64x128xf32, #tpu.memory_space<vmem>>, vector<1x16xf32>,
        %add3A_1971 = arith.addf %get3A_1930, %get3A_1404 : vector<16xf32>
        %swap3A_1972 = arith.index_cast %add3A_1902 : i32 to index
        %swap3A_1973 = arith.constant 96 : index
        %swap3A_1974 = tpu.vector_load %arg12[%swap3A_1972, %swap3A_1973] {strides = array<i32>} : memref<64x128xf32, #tpu.memory_space<vmem>>, vector<1x16xf32>,
        %swap3A_1975 = vector.shape_cast %swap3A_1974 : vector<1x16xf32> to vector<16xf32>
        %swap3A_1976 = vector.shape_cast %add3A_1971 : vector<16xf32> to vector<1x16xf32>
        tpu.vector_store %arg12[%swap3A_1972, %swap3A_1973], %swap3A_1976 {strides = array<i32>} : memref<64x128xf32, #tpu.memory_space<vmem>>, vector<1x16xf32>,
        %add3A_1977 = arith.addf %get3A_1934, %get3A_1408 : vector<16xf32>
        %swap3A_1978 = arith.index_cast %add3A_1902 : i32 to index
        %swap3A_1979 = arith.constant 112 : index
        %swap3A_1980 = tpu.vector_load %arg12[%swap3A_1978, %swap3A_1979] {strides = array<i32>} : memref<64x128xf32, #tpu.memory_space<vmem>>, vector<1x16xf32>,
        %swap3A_1981 = vector.shape_cast %swap3A_1980 : vector<1x16xf32> to vector<16xf32>
        %swap3A_1982 = vector.shape_cast %add3A_1977 : vector<16xf32> to vector<1x16xf32>
        tpu.vector_store %arg12[%swap3A_1978, %swap3A_1979], %swap3A_1982 {strides = array<i32>} : memref<64x128xf32, #tpu.memory_space<vmem>>, vector<1x16xf32>,
        %add3A_1983 = arith.constant 56 : i32
        %add3A_1984 = arith.addi %add3A_1983, %scan3A_1375 : i32
        %get3A_1985 = arith.index_cast %add3A_1984 : i32 to index
        %get3A_1986 = arith.constant 0 : index
        %get3A_1987 = tpu.vector_load %arg10[%get3A_1985, %get3A_1986] {strides = array<i32>} : memref<64x128xf32, #tpu.memory_space<vmem>>, vector<1x16xf32>,
        %get3A_1988 = vector.shape_cast %get3A_1987 : vector<1x16xf32> to vector<16xf32>
        %get3A_1989 = arith.index_cast %add3A_1984 : i32 to index
        %get3A_1990 = arith.constant 16 : index
        %get3A_1991 = tpu.vector_load %arg10[%get3A_1989, %get3A_1990] {strides = array<i32>} : memref<64x128xf32, #tpu.memory_space<vmem>>, vector<1x16xf32>,
        %get3A_1992 = vector.shape_cast %get3A_1991 : vector<1x16xf32> to vector<16xf32>
        %get3A_1993 = arith.index_cast %add3A_1984 : i32 to index
        %get3A_1994 = arith.constant 32 : index
        %get3A_1995 = tpu.vector_load %arg10[%get3A_1993, %get3A_1994] {strides = array<i32>} : memref<64x128xf32, #tpu.memory_space<vmem>>, vector<1x16xf32>,
        %get3A_1996 = vector.shape_cast %get3A_1995 : vector<1x16xf32> to vector<16xf32>
        %get3A_1997 = arith.index_cast %add3A_1984 : i32 to index
        %get3A_1998 = arith.constant 48 : index
        %get3A_1999 = tpu.vector_load %arg10[%get3A_1997, %get3A_1998] {strides = array<i32>} : memref<64x128xf32, #tpu.memory_space<vmem>>, vector<1x16xf32>,
        %get3A_2000 = vector.shape_cast %get3A_1999 : vector<1x16xf32> to vector<16xf32>
        %get3A_2001 = arith.index_cast %add3A_1984 : i32 to index
        %get3A_2002 = arith.constant 64 : index
        %get3A_2003 = tpu.vector_load %arg10[%get3A_2001, %get3A_2002] {strides = array<i32>} : memref<64x128xf32, #tpu.memory_space<vmem>>, vector<1x16xf32>,
        %get3A_2004 = vector.shape_cast %get3A_2003 : vector<1x16xf32> to vector<16xf32>
        %get3A_2005 = arith.index_cast %add3A_1984 : i32 to index
        %get3A_2006 = arith.constant 80 : index
        %get3A_2007 = tpu.vector_load %arg10[%get3A_2005, %get3A_2006] {strides = array<i32>} : memref<64x128xf32, #tpu.memory_space<vmem>>, vector<1x16xf32>,
        %get3A_2008 = vector.shape_cast %get3A_2007 : vector<1x16xf32> to vector<16xf32>
        %get3A_2009 = arith.index_cast %add3A_1984 : i32 to index
        %get3A_2010 = arith.constant 96 : index
        %get3A_2011 = tpu.vector_load %arg10[%get3A_2009, %get3A_2010] {strides = array<i32>} : memref<64x128xf32, #tpu.memory_space<vmem>>, vector<1x16xf32>,
        %get3A_2012 = vector.shape_cast %get3A_2011 : vector<1x16xf32> to vector<16xf32>
        %get3A_2013 = arith.index_cast %add3A_1984 : i32 to index
        %get3A_2014 = arith.constant 112 : index
        %get3A_2015 = tpu.vector_load %arg10[%get3A_2013, %get3A_2014] {strides = array<i32>} : memref<64x128xf32, #tpu.memory_space<vmem>>, vector<1x16xf32>,
        %get3A_2016 = vector.shape_cast %get3A_2015 : vector<1x16xf32> to vector<16xf32>
        %add3A_2017 = arith.addf %get3A_1988, %get3A_1380 : vector<16xf32>
        %swap3A_2018 = arith.index_cast %add3A_1984 : i32 to index
        %swap3A_2019 = arith.constant 0 : index
        %swap3A_2020 = tpu.vector_load %arg12[%swap3A_2018, %swap3A_2019] {strides = array<i32>} : memref<64x128xf32, #tpu.memory_space<vmem>>, vector<1x16xf32>,
        %swap3A_2021 = vector.shape_cast %swap3A_2020 : vector<1x16xf32> to vector<16xf32>
        %swap3A_2022 = vector.shape_cast %add3A_2017 : vector<16xf32> to vector<1x16xf32>
        tpu.vector_store %arg12[%swap3A_2018, %swap3A_2019], %swap3A_2022 {strides = array<i32>} : memref<64x128xf32, #tpu.memory_space<vmem>>, vector<1x16xf32>,
        %add3A_2023 = arith.addf %get3A_1992, %get3A_1384 : vector<16xf32>
        %swap3A_2024 = arith.index_cast %add3A_1984 : i32 to index
        %swap3A_2025 = arith.constant 16 : index
        %swap3A_2026 = tpu.vector_load %arg12[%swap3A_2024, %swap3A_2025] {strides = array<i32>} : memref<64x128xf32, #tpu.memory_space<vmem>>, vector<1x16xf32>,
        %swap3A_2027 = vector.shape_cast %swap3A_2026 : vector<1x16xf32> to vector<16xf32>
        %swap3A_2028 = vector.shape_cast %add3A_2023 : vector<16xf32> to vector<1x16xf32>
        tpu.vector_store %arg12[%swap3A_2024, %swap3A_2025], %swap3A_2028 {strides = array<i32>} : memref<64x128xf32, #tpu.memory_space<vmem>>, vector<1x16xf32>,
        %add3A_2029 = arith.addf %get3A_1996, %get3A_1388 : vector<16xf32>
        %swap3A_2030 = arith.index_cast %add3A_1984 : i32 to index
        %swap3A_2031 = arith.constant 32 : index
        %swap3A_2032 = tpu.vector_load %arg12[%swap3A_2030, %swap3A_2031] {strides = array<i32>} : memref<64x128xf32, #tpu.memory_space<vmem>>, vector<1x16xf32>,
        %swap3A_2033 = vector.shape_cast %swap3A_2032 : vector<1x16xf32> to vector<16xf32>
        %swap3A_2034 = vector.shape_cast %add3A_2029 : vector<16xf32> to vector<1x16xf32>
        tpu.vector_store %arg12[%swap3A_2030, %swap3A_2031], %swap3A_2034 {strides = array<i32>} : memref<64x128xf32, #tpu.memory_space<vmem>>, vector<1x16xf32>,
        %add3A_2035 = arith.addf %get3A_2000, %get3A_1392 : vector<16xf32>
        %swap3A_2036 = arith.index_cast %add3A_1984 : i32 to index
        %swap3A_2037 = arith.constant 48 : index
        %swap3A_2038 = tpu.vector_load %arg12[%swap3A_2036, %swap3A_2037] {strides = array<i32>} : memref<64x128xf32, #tpu.memory_space<vmem>>, vector<1x16xf32>,
        %swap3A_2039 = vector.shape_cast %swap3A_2038 : vector<1x16xf32> to vector<16xf32>
        %swap3A_2040 = vector.shape_cast %add3A_2035 : vector<16xf32> to vector<1x16xf32>
        tpu.vector_store %arg12[%swap3A_2036, %swap3A_2037], %swap3A_2040 {strides = array<i32>} : memref<64x128xf32, #tpu.memory_space<vmem>>, vector<1x16xf32>,
        %add3A_2041 = arith.addf %get3A_2004, %get3A_1396 : vector<16xf32>
        %swap3A_2042 = arith.index_cast %add3A_1984 : i32 to index
        %swap3A_2043 = arith.constant 64 : index
        %swap3A_2044 = tpu.vector_load %arg12[%swap3A_2042, %swap3A_2043] {strides = array<i32>} : memref<64x128xf32, #tpu.memory_space<vmem>>, vector<1x16xf32>,
        %swap3A_2045 = vector.shape_cast %swap3A_2044 : vector<1x16xf32> to vector<16xf32>
        %swap3A_2046 = vector.shape_cast %add3A_2041 : vector<16xf32> to vector<1x16xf32>
        tpu.vector_store %arg12[%swap3A_2042, %swap3A_2043], %swap3A_2046 {strides = array<i32>} : memref<64x128xf32, #tpu.memory_space<vmem>>, vector<1x16xf32>,
        %add3A_2047 = arith.addf %get3A_2008, %get3A_1400 : vector<16xf32>
        %swap3A_2048 = arith.index_cast %add3A_1984 : i32 to index
        %swap3A_2049 = arith.constant 80 : index
        %swap3A_2050 = tpu.vector_load %arg12[%swap3A_2048, %swap3A_2049] {strides = array<i32>} : memref<64x128xf32, #tpu.memory_space<vmem>>, vector<1x16xf32>,
        %swap3A_2051 = vector.shape_cast %swap3A_2050 : vector<1x16xf32> to vector<16xf32>
        %swap3A_2052 = vector.shape_cast %add3A_2047 : vector<16xf32> to vector<1x16xf32>
        tpu.vector_store %arg12[%swap3A_2048, %swap3A_2049], %swap3A_2052 {strides = array<i32>} : memref<64x128xf32, #tpu.memory_space<vmem>>, vector<1x16xf32>,
        %add3A_2053 = arith.addf %get3A_2012, %get3A_1404 : vector<16xf32>
        %swap3A_2054 = arith.index_cast %add3A_1984 : i32 to index
        %swap3A_2055 = arith.constant 96 : index
        %swap3A_2056 = tpu.vector_load %arg12[%swap3A_2054, %swap3A_2055] {strides = array<i32>} : memref<64x128xf32, #tpu.memory_space<vmem>>, vector<1x16xf32>,
        %swap3A_2057 = vector.shape_cast %swap3A_2056 : vector<1x16xf32> to vector<16xf32>
        %swap3A_2058 = vector.shape_cast %add3A_2053 : vector<16xf32> to vector<1x16xf32>
        tpu.vector_store %arg12[%swap3A_2054, %swap3A_2055], %swap3A_2058 {strides = array<i32>} : memref<64x128xf32, #tpu.memory_space<vmem>>, vector<1x16xf32>,
        %add3A_2059 = arith.addf %get3A_2016, %get3A_1408 : vector<16xf32>
        %swap3A_2060 = arith.index_cast %add3A_1984 : i32 to index
        %swap3A_2061 = arith.constant 112 : index
        %swap3A_2062 = tpu.vector_load %arg12[%swap3A_2060, %swap3A_2061] {strides = array<i32>} : memref<64x128xf32, #tpu.memory_space<vmem>>, vector<1x16xf32>,
        %swap3A_2063 = vector.shape_cast %swap3A_2062 : vector<1x16xf32> to vector<16xf32>
        %swap3A_2064 = vector.shape_cast %add3A_2059 : vector<16xf32> to vector<1x16xf32>
        tpu.vector_store %arg12[%swap3A_2060, %swap3A_2061], %swap3A_2064 {strides = array<i32>} : memref<64x128xf32, #tpu.memory_space<vmem>>, vector<1x16xf32>,
        %scan3A_2065 = arith.constant 0 : i32
        scf.yield %scan3A_2065 : i32
      }
      %scan3A_513 = arith.constant 8 : i32
      %lt3A_514 = arith.constant 49 : i32
      %lt3A_515 = arith.cmpi slt, %scan3A_287, %lt3A_514 : i32
      %convert_element_type3A_516 = arith.extui %lt3A_515 : i1 to i32
      %cond3A_517 = arith.constant 0 : i32
      %cond3A_518 = arith.cmpi ne, %convert_element_type3A_516, %cond3A_517 : i32
      scf.if %cond3A_518 {
        %add3A_684 = arith.constant 2 : i32
        %add3A_685 = arith.addi %add3A_489, %add3A_684 : i32
        %div3A_686 = arith.constant 25 : i32
        %div3A_687 = arith.divsi %add3A_685, %div3A_686 : i32
        %rem3A_688 = arith.constant 25 : i32
        %rem3A_689 = arith.remsi %add3A_685, %rem3A_688 : i32
        %mul3A_690 = arith.constant 8 : i32
        %mul3A_691 = arith.muli %div3A_687, %mul3A_690 : i32
        %add3A_692 = arith.constant 0 : i32
        %add3A_693 = arith.addi %mul3A_691, %add3A_692 : i32
        %mul3A_694 = arith.constant 200 : i32
        %mul3A_695 = arith.muli %add3A_693, %mul3A_694 : i32
        %mul3A_696 = arith.constant 8 : i32
        %mul3A_697 = arith.muli %rem3A_689, %mul3A_696 : i32
        %add3A_698 = arith.addi %mul3A_695, %mul3A_697 : i32
        %dma_start3A_699 = arith.constant 0 : i32
        %dma_start3A_700 = arith.constant 0 : i32
        %dma_start3A_701 = tpu.memref_slice %arg10[%dma_start3A_699, %dma_start3A_700] : memref<64x128xf32, #tpu.memory_space<vmem>> -> memref<8x128xf32, #tpu.memory_space<vmem>>
        %dma_start3A_702 = tpu.memref_slice %arg6[%add3A_698] : memref<6400xi32, #tpu.memory_space<vmem>> -> memref<8xi32, #tpu.memory_space<vmem>>
        %dma_start3A_703 = arith.constant 0 : i32
        %dma_start3A_704 = arith.constant 0 : i32
        %dma_start3A_705 = tpu.memref_slice %arg3[%dma_start3A_703, %dma_start3A_704] : memref<100000x128xf32, #tpu.memory_space<hbm>> -> memref<100000x128xf32, #tpu.memory_space<hbm>>
        tpu.enqueue_indirect_dma source(%dma_start3A_705 : memref<100000x128xf32, #tpu.memory_space<hbm>>) target(%dma_start3A_701 : memref<8x128xf32, #tpu.memory_space<vmem>>) offsets(%dma_start3A_702 : memref<8xi32, #tpu.memory_space<vmem>>) semaphore(%arg14 : memref<!tpu.dma_semaphore, #tpu.memory_space<semaphore_mem>>)
        %mul3A_706 = arith.constant 8 : i32
        %mul3A_707 = arith.muli %div3A_687, %mul3A_706 : i32
        %add3A_708 = arith.constant 1 : i32
        %add3A_709 = arith.addi %mul3A_707, %add3A_708 : i32
        %mul3A_710 = arith.constant 200 : i32
        %mul3A_711 = arith.muli %add3A_709, %mul3A_710 : i32
        %mul3A_712 = arith.constant 8 : i32
        %mul3A_713 = arith.muli %rem3A_689, %mul3A_712 : i32
        %add3A_714 = arith.addi %mul3A_711, %mul3A_713 : i32
        %dma_start3A_715 = arith.constant 8 : i32
        %dma_start3A_716 = arith.constant 0 : i32
        %dma_start3A_717 = tpu.memref_slice %arg10[%dma_start3A_715, %dma_start3A_716] : memref<64x128xf32, #tpu.memory_space<vmem>> -> memref<8x128xf32, #tpu.memory_space<vmem>>
        %dma_start3A_718 = tpu.memref_slice %arg6[%add3A_714] : memref<6400xi32, #tpu.memory_space<vmem>> -> memref<8xi32, #tpu.memory_space<vmem>>
        %dma_start3A_719 = arith.constant 0 : i32
        %dma_start3A_720 = arith.constant 0 : i32
        %dma_start3A_721 = tpu.memref_slice %arg3[%dma_start3A_719, %dma_start3A_720] : memref<100000x128xf32, #tpu.memory_space<hbm>> -> memref<100000x128xf32, #tpu.memory_space<hbm>>
        tpu.enqueue_indirect_dma source(%dma_start3A_721 : memref<100000x128xf32, #tpu.memory_space<hbm>>) target(%dma_start3A_717 : memref<8x128xf32, #tpu.memory_space<vmem>>) offsets(%dma_start3A_718 : memref<8xi32, #tpu.memory_space<vmem>>) semaphore(%arg14 : memref<!tpu.dma_semaphore, #tpu.memory_space<semaphore_mem>>)
        %mul3A_722 = arith.constant 8 : i32
        %mul3A_723 = arith.muli %div3A_687, %mul3A_722 : i32
        %add3A_724 = arith.constant 2 : i32
        %add3A_725 = arith.addi %mul3A_723, %add3A_724 : i32
        %mul3A_726 = arith.constant 200 : i32
        %mul3A_727 = arith.muli %add3A_725, %mul3A_726 : i32
        %mul3A_728 = arith.constant 8 : i32
        %mul3A_729 = arith.muli %rem3A_689, %mul3A_728 : i32
        %add3A_730 = arith.addi %mul3A_727, %mul3A_729 : i32
        %dma_start3A_731 = arith.constant 16 : i32
        %dma_start3A_732 = arith.constant 0 : i32
        %dma_start3A_733 = tpu.memref_slice %arg10[%dma_start3A_731, %dma_start3A_732] : memref<64x128xf32, #tpu.memory_space<vmem>> -> memref<8x128xf32, #tpu.memory_space<vmem>>
        %dma_start3A_734 = tpu.memref_slice %arg6[%add3A_730] : memref<6400xi32, #tpu.memory_space<vmem>> -> memref<8xi32, #tpu.memory_space<vmem>>
        %dma_start3A_735 = arith.constant 0 : i32
        %dma_start3A_736 = arith.constant 0 : i32
        %dma_start3A_737 = tpu.memref_slice %arg3[%dma_start3A_735, %dma_start3A_736] : memref<100000x128xf32, #tpu.memory_space<hbm>> -> memref<100000x128xf32, #tpu.memory_space<hbm>>
        tpu.enqueue_indirect_dma source(%dma_start3A_737 : memref<100000x128xf32, #tpu.memory_space<hbm>>) target(%dma_start3A_733 : memref<8x128xf32, #tpu.memory_space<vmem>>) offsets(%dma_start3A_734 : memref<8xi32, #tpu.memory_space<vmem>>) semaphore(%arg14 : memref<!tpu.dma_semaphore, #tpu.memory_space<semaphore_mem>>)
        %mul3A_738 = arith.constant 8 : i32
        %mul3A_739 = arith.muli %div3A_687, %mul3A_738 : i32
        %add3A_740 = arith.constant 3 : i32
        %add3A_741 = arith.addi %mul3A_739, %add3A_740 : i32
        %mul3A_742 = arith.constant 200 : i32
        %mul3A_743 = arith.muli %add3A_741, %mul3A_742 : i32
        %mul3A_744 = arith.constant 8 : i32
        %mul3A_745 = arith.muli %rem3A_689, %mul3A_744 : i32
        %add3A_746 = arith.addi %mul3A_743, %mul3A_745 : i32
        %dma_start3A_747 = arith.constant 24 : i32
        %dma_start3A_748 = arith.constant 0 : i32
        %dma_start3A_749 = tpu.memref_slice %arg10[%dma_start3A_747, %dma_start3A_748] : memref<64x128xf32, #tpu.memory_space<vmem>> -> memref<8x128xf32, #tpu.memory_space<vmem>>
        %dma_start3A_750 = tpu.memref_slice %arg6[%add3A_746] : memref<6400xi32, #tpu.memory_space<vmem>> -> memref<8xi32, #tpu.memory_space<vmem>>
        %dma_start3A_751 = arith.constant 0 : i32
        %dma_start3A_752 = arith.constant 0 : i32
        %dma_start3A_753 = tpu.memref_slice %arg3[%dma_start3A_751, %dma_start3A_752] : memref<100000x128xf32, #tpu.memory_space<hbm>> -> memref<100000x128xf32, #tpu.memory_space<hbm>>
        tpu.enqueue_indirect_dma source(%dma_start3A_753 : memref<100000x128xf32, #tpu.memory_space<hbm>>) target(%dma_start3A_749 : memref<8x128xf32, #tpu.memory_space<vmem>>) offsets(%dma_start3A_750 : memref<8xi32, #tpu.memory_space<vmem>>) semaphore(%arg14 : memref<!tpu.dma_semaphore, #tpu.memory_space<semaphore_mem>>)
        %mul3A_754 = arith.constant 8 : i32
        %mul3A_755 = arith.muli %div3A_687, %mul3A_754 : i32
        %add3A_756 = arith.constant 4 : i32
        %add3A_757 = arith.addi %mul3A_755, %add3A_756 : i32
        %mul3A_758 = arith.constant 200 : i32
        %mul3A_759 = arith.muli %add3A_757, %mul3A_758 : i32
        %mul3A_760 = arith.constant 8 : i32
        %mul3A_761 = arith.muli %rem3A_689, %mul3A_760 : i32
        %add3A_762 = arith.addi %mul3A_759, %mul3A_761 : i32
        %dma_start3A_763 = arith.constant 32 : i32
        %dma_start3A_764 = arith.constant 0 : i32
        %dma_start3A_765 = tpu.memref_slice %arg10[%dma_start3A_763, %dma_start3A_764] : memref<64x128xf32, #tpu.memory_space<vmem>> -> memref<8x128xf32, #tpu.memory_space<vmem>>
        %dma_start3A_766 = tpu.memref_slice %arg6[%add3A_762] : memref<6400xi32, #tpu.memory_space<vmem>> -> memref<8xi32, #tpu.memory_space<vmem>>
        %dma_start3A_767 = arith.constant 0 : i32
        %dma_start3A_768 = arith.constant 0 : i32
        %dma_start3A_769 = tpu.memref_slice %arg3[%dma_start3A_767, %dma_start3A_768] : memref<100000x128xf32, #tpu.memory_space<hbm>> -> memref<100000x128xf32, #tpu.memory_space<hbm>>
        tpu.enqueue_indirect_dma source(%dma_start3A_769 : memref<100000x128xf32, #tpu.memory_space<hbm>>) target(%dma_start3A_765 : memref<8x128xf32, #tpu.memory_space<vmem>>) offsets(%dma_start3A_766 : memref<8xi32, #tpu.memory_space<vmem>>) semaphore(%arg14 : memref<!tpu.dma_semaphore, #tpu.memory_space<semaphore_mem>>)
        %mul3A_770 = arith.constant 8 : i32
        %mul3A_771 = arith.muli %div3A_687, %mul3A_770 : i32
        %add3A_772 = arith.constant 5 : i32
        %add3A_773 = arith.addi %mul3A_771, %add3A_772 : i32
        %mul3A_774 = arith.constant 200 : i32
        %mul3A_775 = arith.muli %add3A_773, %mul3A_774 : i32
        %mul3A_776 = arith.constant 8 : i32
        %mul3A_777 = arith.muli %rem3A_689, %mul3A_776 : i32
        %add3A_778 = arith.addi %mul3A_775, %mul3A_777 : i32
        %dma_start3A_779 = arith.constant 40 : i32
        %dma_start3A_780 = arith.constant 0 : i32
        %dma_start3A_781 = tpu.memref_slice %arg10[%dma_start3A_779, %dma_start3A_780] : memref<64x128xf32, #tpu.memory_space<vmem>> -> memref<8x128xf32, #tpu.memory_space<vmem>>
        %dma_start3A_782 = tpu.memref_slice %arg6[%add3A_778] : memref<6400xi32, #tpu.memory_space<vmem>> -> memref<8xi32, #tpu.memory_space<vmem>>
        %dma_start3A_783 = arith.constant 0 : i32
        %dma_start3A_784 = arith.constant 0 : i32
        %dma_start3A_785 = tpu.memref_slice %arg3[%dma_start3A_783, %dma_start3A_784] : memref<100000x128xf32, #tpu.memory_space<hbm>> -> memref<100000x128xf32, #tpu.memory_space<hbm>>
        tpu.enqueue_indirect_dma source(%dma_start3A_785 : memref<100000x128xf32, #tpu.memory_space<hbm>>) target(%dma_start3A_781 : memref<8x128xf32, #tpu.memory_space<vmem>>) offsets(%dma_start3A_782 : memref<8xi32, #tpu.memory_space<vmem>>) semaphore(%arg14 : memref<!tpu.dma_semaphore, #tpu.memory_space<semaphore_mem>>)
        %mul3A_786 = arith.constant 8 : i32
        %mul3A_787 = arith.muli %div3A_687, %mul3A_786 : i32
        %add3A_788 = arith.constant 6 : i32
        %add3A_789 = arith.addi %mul3A_787, %add3A_788 : i32
        %mul3A_790 = arith.constant 200 : i32
        %mul3A_791 = arith.muli %add3A_789, %mul3A_790 : i32
        %mul3A_792 = arith.constant 8 : i32
        %mul3A_793 = arith.muli %rem3A_689, %mul3A_792 : i32
        %add3A_794 = arith.addi %mul3A_791, %mul3A_793 : i32
        %dma_start3A_795 = arith.constant 48 : i32
        %dma_start3A_796 = arith.constant 0 : i32
        %dma_start3A_797 = tpu.memref_slice %arg10[%dma_start3A_795, %dma_start3A_796] : memref<64x128xf32, #tpu.memory_space<vmem>> -> memref<8x128xf32, #tpu.memory_space<vmem>>
        %dma_start3A_798 = tpu.memref_slice %arg6[%add3A_794] : memref<6400xi32, #tpu.memory_space<vmem>> -> memref<8xi32, #tpu.memory_space<vmem>>
        %dma_start3A_799 = arith.constant 0 : i32
        %dma_start3A_800 = arith.constant 0 : i32
        %dma_start3A_801 = tpu.memref_slice %arg3[%dma_start3A_799, %dma_start3A_800] : memref<100000x128xf32, #tpu.memory_space<hbm>> -> memref<100000x128xf32, #tpu.memory_space<hbm>>
        tpu.enqueue_indirect_dma source(%dma_start3A_801 : memref<100000x128xf32, #tpu.memory_space<hbm>>) target(%dma_start3A_797 : memref<8x128xf32, #tpu.memory_space<vmem>>) offsets(%dma_start3A_798 : memref<8xi32, #tpu.memory_space<vmem>>) semaphore(%arg14 : memref<!tpu.dma_semaphore, #tpu.memory_space<semaphore_mem>>)
        %mul3A_802 = arith.constant 8 : i32
        %mul3A_803 = arith.muli %div3A_687, %mul3A_802 : i32
        %add3A_804 = arith.constant 7 : i32
        %add3A_805 = arith.addi %mul3A_803, %add3A_804 : i32
        %mul3A_806 = arith.constant 200 : i32
        %mul3A_807 = arith.muli %add3A_805, %mul3A_806 : i32
        %mul3A_808 = arith.constant 8 : i32
        %mul3A_809 = arith.muli %rem3A_689, %mul3A_808 : i32
        %add3A_810 = arith.addi %mul3A_807, %mul3A_809 : i32
        %dma_start3A_811 = arith.constant 56 : i32
        %dma_start3A_812 = arith.constant 0 : i32
        %dma_start3A_813 = tpu.memref_slice %arg10[%dma_start3A_811, %dma_start3A_812] : memref<64x128xf32, #tpu.memory_space<vmem>> -> memref<8x128xf32, #tpu.memory_space<vmem>>
        %dma_start3A_814 = tpu.memref_slice %arg6[%add3A_810] : memref<6400xi32, #tpu.memory_space<vmem>> -> memref<8xi32, #tpu.memory_space<vmem>>
        %dma_start3A_815 = arith.constant 0 : i32
        %dma_start3A_816 = arith.constant 0 : i32
        %dma_start3A_817 = tpu.memref_slice %arg3[%dma_start3A_815, %dma_start3A_816] : memref<100000x128xf32, #tpu.memory_space<hbm>> -> memref<100000x128xf32, #tpu.memory_space<hbm>>
        tpu.enqueue_indirect_dma source(%dma_start3A_817 : memref<100000x128xf32, #tpu.memory_space<hbm>>) target(%dma_start3A_813 : memref<8x128xf32, #tpu.memory_space<vmem>>) offsets(%dma_start3A_814 : memref<8xi32, #tpu.memory_space<vmem>>) semaphore(%arg14 : memref<!tpu.dma_semaphore, #tpu.memory_space<semaphore_mem>>)
      } else {
      }
      %div3A_519 = arith.constant 25 : i32
      %div3A_520 = arith.divsi %add3A_489, %div3A_519 : i32
      %rem3A_521 = arith.constant 25 : i32
      %rem3A_522 = arith.remsi %add3A_489, %rem3A_521 : i32
      %mul3A_523 = arith.constant 8 : i32
      %mul3A_524 = arith.muli %div3A_520, %mul3A_523 : i32
      %add3A_525 = arith.constant 0 : i32
      %add3A_526 = arith.addi %mul3A_524, %add3A_525 : i32
      %mul3A_527 = arith.constant 200 : i32
      %mul3A_528 = arith.muli %add3A_526, %mul3A_527 : i32
      %mul3A_529 = arith.constant 8 : i32
      %mul3A_530 = arith.muli %rem3A_522, %mul3A_529 : i32
      %add3A_531 = arith.addi %mul3A_528, %mul3A_530 : i32
      %add3A_532 = arith.addi %mul3A_2, %add3A_531 : i32
      %dma_start3A_533 = arith.constant 0 : i32
      %dma_start3A_534 = arith.constant 0 : i32
      %dma_start3A_535 = tpu.memref_slice %arg12[%dma_start3A_533, %dma_start3A_534] : memref<64x128xf32, #tpu.memory_space<vmem>> -> memref<8x128xf32, #tpu.memory_space<vmem>>
      %dma_start3A_536 = arith.constant 0 : i32
      %dma_start3A_537 = tpu.memref_slice %arg5[%add3A_532, %dma_start3A_536] : memref<204800x128xf32, #tpu.memory_space<hbm>> -> memref<8x128xf32, #tpu.memory_space<hbm>>
      %dma_start3A_538 = arith.constant 0 : i32
      %dma_start3A_539 = tpu.memref_slice %arg5[%add3A_532, %dma_start3A_538] : memref<204800x128xf32, #tpu.memory_space<hbm>> -> memref<8x128xf32, #tpu.memory_space<hbm>>
      %dma_start3A_540 = arith.constant 0 : i32
      %dma_start3A_541 = arith.constant 0 : i32
      %dma_start3A_542 = tpu.memref_slice %arg12[%dma_start3A_540, %dma_start3A_541] : memref<64x128xf32, #tpu.memory_space<vmem>> -> memref<8x128xf32, #tpu.memory_space<vmem>>
      tpu.enqueue_dma source(%dma_start3A_542 : memref<8x128xf32, #tpu.memory_space<vmem>>) target(%dma_start3A_539 : memref<8x128xf32, #tpu.memory_space<hbm>>) target_semaphore(%arg16 : memref<!tpu.dma_semaphore, #tpu.memory_space<semaphore_mem>>)
      %mul3A_543 = arith.constant 8 : i32
      %mul3A_544 = arith.muli %div3A_520, %mul3A_543 : i32
      %add3A_545 = arith.constant 1 : i32
      %add3A_546 = arith.addi %mul3A_544, %add3A_545 : i32
      %mul3A_547 = arith.constant 200 : i32
      %mul3A_548 = arith.muli %add3A_546, %mul3A_547 : i32
      %mul3A_549 = arith.constant 8 : i32
      %mul3A_550 = arith.muli %rem3A_522, %mul3A_549 : i32
      %add3A_551 = arith.addi %mul3A_548, %mul3A_550 : i32
      %add3A_552 = arith.addi %mul3A_2, %add3A_551 : i32
      %dma_start3A_553 = arith.constant 8 : i32
      %dma_start3A_554 = arith.constant 0 : i32
      %dma_start3A_555 = tpu.memref_slice %arg12[%dma_start3A_553, %dma_start3A_554] : memref<64x128xf32, #tpu.memory_space<vmem>> -> memref<8x128xf32, #tpu.memory_space<vmem>>
      %dma_start3A_556 = arith.constant 0 : i32
      %dma_start3A_557 = tpu.memref_slice %arg5[%add3A_552, %dma_start3A_556] : memref<204800x128xf32, #tpu.memory_space<hbm>> -> memref<8x128xf32, #tpu.memory_space<hbm>>
      %dma_start3A_558 = arith.constant 0 : i32
      %dma_start3A_559 = tpu.memref_slice %arg5[%add3A_552, %dma_start3A_558] : memref<204800x128xf32, #tpu.memory_space<hbm>> -> memref<8x128xf32, #tpu.memory_space<hbm>>
      %dma_start3A_560 = arith.constant 8 : i32
      %dma_start3A_561 = arith.constant 0 : i32
      %dma_start3A_562 = tpu.memref_slice %arg12[%dma_start3A_560, %dma_start3A_561] : memref<64x128xf32, #tpu.memory_space<vmem>> -> memref<8x128xf32, #tpu.memory_space<vmem>>
      tpu.enqueue_dma source(%dma_start3A_562 : memref<8x128xf32, #tpu.memory_space<vmem>>) target(%dma_start3A_559 : memref<8x128xf32, #tpu.memory_space<hbm>>) target_semaphore(%arg16 : memref<!tpu.dma_semaphore, #tpu.memory_space<semaphore_mem>>)
      %mul3A_563 = arith.constant 8 : i32
      %mul3A_564 = arith.muli %div3A_520, %mul3A_563 : i32
      %add3A_565 = arith.constant 2 : i32
      %add3A_566 = arith.addi %mul3A_564, %add3A_565 : i32
      %mul3A_567 = arith.constant 200 : i32
      %mul3A_568 = arith.muli %add3A_566, %mul3A_567 : i32
      %mul3A_569 = arith.constant 8 : i32
      %mul3A_570 = arith.muli %rem3A_522, %mul3A_569 : i32
      %add3A_571 = arith.addi %mul3A_568, %mul3A_570 : i32
      %add3A_572 = arith.addi %mul3A_2, %add3A_571 : i32
      %dma_start3A_573 = arith.constant 16 : i32
      %dma_start3A_574 = arith.constant 0 : i32
      %dma_start3A_575 = tpu.memref_slice %arg12[%dma_start3A_573, %dma_start3A_574] : memref<64x128xf32, #tpu.memory_space<vmem>> -> memref<8x128xf32, #tpu.memory_space<vmem>>
      %dma_start3A_576 = arith.constant 0 : i32
      %dma_start3A_577 = tpu.memref_slice %arg5[%add3A_572, %dma_start3A_576] : memref<204800x128xf32, #tpu.memory_space<hbm>> -> memref<8x128xf32, #tpu.memory_space<hbm>>
      %dma_start3A_578 = arith.constant 0 : i32
      %dma_start3A_579 = tpu.memref_slice %arg5[%add3A_572, %dma_start3A_578] : memref<204800x128xf32, #tpu.memory_space<hbm>> -> memref<8x128xf32, #tpu.memory_space<hbm>>
      %dma_start3A_580 = arith.constant 16 : i32
      %dma_start3A_581 = arith.constant 0 : i32
      %dma_start3A_582 = tpu.memref_slice %arg12[%dma_start3A_580, %dma_start3A_581] : memref<64x128xf32, #tpu.memory_space<vmem>> -> memref<8x128xf32, #tpu.memory_space<vmem>>
      tpu.enqueue_dma source(%dma_start3A_582 : memref<8x128xf32, #tpu.memory_space<vmem>>) target(%dma_start3A_579 : memref<8x128xf32, #tpu.memory_space<hbm>>) target_semaphore(%arg16 : memref<!tpu.dma_semaphore, #tpu.memory_space<semaphore_mem>>)
      %mul3A_583 = arith.constant 8 : i32
      %mul3A_584 = arith.muli %div3A_520, %mul3A_583 : i32
      %add3A_585 = arith.constant 3 : i32
      %add3A_586 = arith.addi %mul3A_584, %add3A_585 : i32
      %mul3A_587 = arith.constant 200 : i32
      %mul3A_588 = arith.muli %add3A_586, %mul3A_587 : i32
      %mul3A_589 = arith.constant 8 : i32
      %mul3A_590 = arith.muli %rem3A_522, %mul3A_589 : i32
      %add3A_591 = arith.addi %mul3A_588, %mul3A_590 : i32
      %add3A_592 = arith.addi %mul3A_2, %add3A_591 : i32
      %dma_start3A_593 = arith.constant 24 : i32
      %dma_start3A_594 = arith.constant 0 : i32
      %dma_start3A_595 = tpu.memref_slice %arg12[%dma_start3A_593, %dma_start3A_594] : memref<64x128xf32, #tpu.memory_space<vmem>> -> memref<8x128xf32, #tpu.memory_space<vmem>>
      %dma_start3A_596 = arith.constant 0 : i32
      %dma_start3A_597 = tpu.memref_slice %arg5[%add3A_592, %dma_start3A_596] : memref<204800x128xf32, #tpu.memory_space<hbm>> -> memref<8x128xf32, #tpu.memory_space<hbm>>
      %dma_start3A_598 = arith.constant 0 : i32
      %dma_start3A_599 = tpu.memref_slice %arg5[%add3A_592, %dma_start3A_598] : memref<204800x128xf32, #tpu.memory_space<hbm>> -> memref<8x128xf32, #tpu.memory_space<hbm>>
      %dma_start3A_600 = arith.constant 24 : i32
      %dma_start3A_601 = arith.constant 0 : i32
      %dma_start3A_602 = tpu.memref_slice %arg12[%dma_start3A_600, %dma_start3A_601] : memref<64x128xf32, #tpu.memory_space<vmem>> -> memref<8x128xf32, #tpu.memory_space<vmem>>
      tpu.enqueue_dma source(%dma_start3A_602 : memref<8x128xf32, #tpu.memory_space<vmem>>) target(%dma_start3A_599 : memref<8x128xf32, #tpu.memory_space<hbm>>) target_semaphore(%arg16 : memref<!tpu.dma_semaphore, #tpu.memory_space<semaphore_mem>>)
      %mul3A_603 = arith.constant 8 : i32
      %mul3A_604 = arith.muli %div3A_520, %mul3A_603 : i32
      %add3A_605 = arith.constant 4 : i32
      %add3A_606 = arith.addi %mul3A_604, %add3A_605 : i32
      %mul3A_607 = arith.constant 200 : i32
      %mul3A_608 = arith.muli %add3A_606, %mul3A_607 : i32
      %mul3A_609 = arith.constant 8 : i32
      %mul3A_610 = arith.muli %rem3A_522, %mul3A_609 : i32
      %add3A_611 = arith.addi %mul3A_608, %mul3A_610 : i32
      %add3A_612 = arith.addi %mul3A_2, %add3A_611 : i32
      %dma_start3A_613 = arith.constant 32 : i32
      %dma_start3A_614 = arith.constant 0 : i32
      %dma_start3A_615 = tpu.memref_slice %arg12[%dma_start3A_613, %dma_start3A_614] : memref<64x128xf32, #tpu.memory_space<vmem>> -> memref<8x128xf32, #tpu.memory_space<vmem>>
      %dma_start3A_616 = arith.constant 0 : i32
      %dma_start3A_617 = tpu.memref_slice %arg5[%add3A_612, %dma_start3A_616] : memref<204800x128xf32, #tpu.memory_space<hbm>> -> memref<8x128xf32, #tpu.memory_space<hbm>>
      %dma_start3A_618 = arith.constant 0 : i32
      %dma_start3A_619 = tpu.memref_slice %arg5[%add3A_612, %dma_start3A_618] : memref<204800x128xf32, #tpu.memory_space<hbm>> -> memref<8x128xf32, #tpu.memory_space<hbm>>
      %dma_start3A_620 = arith.constant 32 : i32
      %dma_start3A_621 = arith.constant 0 : i32
      %dma_start3A_622 = tpu.memref_slice %arg12[%dma_start3A_620, %dma_start3A_621] : memref<64x128xf32, #tpu.memory_space<vmem>> -> memref<8x128xf32, #tpu.memory_space<vmem>>
      tpu.enqueue_dma source(%dma_start3A_622 : memref<8x128xf32, #tpu.memory_space<vmem>>) target(%dma_start3A_619 : memref<8x128xf32, #tpu.memory_space<hbm>>) target_semaphore(%arg16 : memref<!tpu.dma_semaphore, #tpu.memory_space<semaphore_mem>>)
      %mul3A_623 = arith.constant 8 : i32
      %mul3A_624 = arith.muli %div3A_520, %mul3A_623 : i32
      %add3A_625 = arith.constant 5 : i32
      %add3A_626 = arith.addi %mul3A_624, %add3A_625 : i32
      %mul3A_627 = arith.constant 200 : i32
      %mul3A_628 = arith.muli %add3A_626, %mul3A_627 : i32
      %mul3A_629 = arith.constant 8 : i32
      %mul3A_630 = arith.muli %rem3A_522, %mul3A_629 : i32
      %add3A_631 = arith.addi %mul3A_628, %mul3A_630 : i32
      %add3A_632 = arith.addi %mul3A_2, %add3A_631 : i32
      %dma_start3A_633 = arith.constant 40 : i32
      %dma_start3A_634 = arith.constant 0 : i32
      %dma_start3A_635 = tpu.memref_slice %arg12[%dma_start3A_633, %dma_start3A_634] : memref<64x128xf32, #tpu.memory_space<vmem>> -> memref<8x128xf32, #tpu.memory_space<vmem>>
      %dma_start3A_636 = arith.constant 0 : i32
      %dma_start3A_637 = tpu.memref_slice %arg5[%add3A_632, %dma_start3A_636] : memref<204800x128xf32, #tpu.memory_space<hbm>> -> memref<8x128xf32, #tpu.memory_space<hbm>>
      %dma_start3A_638 = arith.constant 0 : i32
      %dma_start3A_639 = tpu.memref_slice %arg5[%add3A_632, %dma_start3A_638] : memref<204800x128xf32, #tpu.memory_space<hbm>> -> memref<8x128xf32, #tpu.memory_space<hbm>>
      %dma_start3A_640 = arith.constant 40 : i32
      %dma_start3A_641 = arith.constant 0 : i32
      %dma_start3A_642 = tpu.memref_slice %arg12[%dma_start3A_640, %dma_start3A_641] : memref<64x128xf32, #tpu.memory_space<vmem>> -> memref<8x128xf32, #tpu.memory_space<vmem>>
      tpu.enqueue_dma source(%dma_start3A_642 : memref<8x128xf32, #tpu.memory_space<vmem>>) target(%dma_start3A_639 : memref<8x128xf32, #tpu.memory_space<hbm>>) target_semaphore(%arg16 : memref<!tpu.dma_semaphore, #tpu.memory_space<semaphore_mem>>)
      %mul3A_643 = arith.constant 8 : i32
      %mul3A_644 = arith.muli %div3A_520, %mul3A_643 : i32
      %add3A_645 = arith.constant 6 : i32
      %add3A_646 = arith.addi %mul3A_644, %add3A_645 : i32
      %mul3A_647 = arith.constant 200 : i32
      %mul3A_648 = arith.muli %add3A_646, %mul3A_647 : i32
      %mul3A_649 = arith.constant 8 : i32
      %mul3A_650 = arith.muli %rem3A_522, %mul3A_649 : i32
      %add3A_651 = arith.addi %mul3A_648, %mul3A_650 : i32
      %add3A_652 = arith.addi %mul3A_2, %add3A_651 : i32
      %dma_start3A_653 = arith.constant 48 : i32
      %dma_start3A_654 = arith.constant 0 : i32
      %dma_start3A_655 = tpu.memref_slice %arg12[%dma_start3A_653, %dma_start3A_654] : memref<64x128xf32, #tpu.memory_space<vmem>> -> memref<8x128xf32, #tpu.memory_space<vmem>>
      %dma_start3A_656 = arith.constant 0 : i32
      %dma_start3A_657 = tpu.memref_slice %arg5[%add3A_652, %dma_start3A_656] : memref<204800x128xf32, #tpu.memory_space<hbm>> -> memref<8x128xf32, #tpu.memory_space<hbm>>
      %dma_start3A_658 = arith.constant 0 : i32
      %dma_start3A_659 = tpu.memref_slice %arg5[%add3A_652, %dma_start3A_658] : memref<204800x128xf32, #tpu.memory_space<hbm>> -> memref<8x128xf32, #tpu.memory_space<hbm>>
      %dma_start3A_660 = arith.constant 48 : i32
      %dma_start3A_661 = arith.constant 0 : i32
      %dma_start3A_662 = tpu.memref_slice %arg12[%dma_start3A_660, %dma_start3A_661] : memref<64x128xf32, #tpu.memory_space<vmem>> -> memref<8x128xf32, #tpu.memory_space<vmem>>
      tpu.enqueue_dma source(%dma_start3A_662 : memref<8x128xf32, #tpu.memory_space<vmem>>) target(%dma_start3A_659 : memref<8x128xf32, #tpu.memory_space<hbm>>) target_semaphore(%arg16 : memref<!tpu.dma_semaphore, #tpu.memory_space<semaphore_mem>>)
      %mul3A_663 = arith.constant 8 : i32
      %mul3A_664 = arith.muli %div3A_520, %mul3A_663 : i32
      %add3A_665 = arith.constant 7 : i32
      %add3A_666 = arith.addi %mul3A_664, %add3A_665 : i32
      %mul3A_667 = arith.constant 200 : i32
      %mul3A_668 = arith.muli %add3A_666, %mul3A_667 : i32
      %mul3A_669 = arith.constant 8 : i32
      %mul3A_670 = arith.muli %rem3A_522, %mul3A_669 : i32
      %add3A_671 = arith.addi %mul3A_668, %mul3A_670 : i32
      %add3A_672 = arith.addi %mul3A_2, %add3A_671 : i32
      %dma_start3A_673 = arith.constant 56 : i32
      %dma_start3A_674 = arith.constant 0 : i32
      %dma_start3A_675 = tpu.memref_slice %arg12[%dma_start3A_673, %dma_start3A_674] : memref<64x128xf32, #tpu.memory_space<vmem>> -> memref<8x128xf32, #tpu.memory_space<vmem>>
      %dma_start3A_676 = arith.constant 0 : i32
      %dma_start3A_677 = tpu.memref_slice %arg5[%add3A_672, %dma_start3A_676] : memref<204800x128xf32, #tpu.memory_space<hbm>> -> memref<8x128xf32, #tpu.memory_space<hbm>>
      %dma_start3A_678 = arith.constant 0 : i32
      %dma_start3A_679 = tpu.memref_slice %arg5[%add3A_672, %dma_start3A_678] : memref<204800x128xf32, #tpu.memory_space<hbm>> -> memref<8x128xf32, #tpu.memory_space<hbm>>
      %dma_start3A_680 = arith.constant 56 : i32
      %dma_start3A_681 = arith.constant 0 : i32
      %dma_start3A_682 = tpu.memref_slice %arg12[%dma_start3A_680, %dma_start3A_681] : memref<64x128xf32, #tpu.memory_space<vmem>> -> memref<8x128xf32, #tpu.memory_space<vmem>>
      tpu.enqueue_dma source(%dma_start3A_682 : memref<8x128xf32, #tpu.memory_space<vmem>>) target(%dma_start3A_679 : memref<8x128xf32, #tpu.memory_space<hbm>>) target_semaphore(%arg16 : memref<!tpu.dma_semaphore, #tpu.memory_space<semaphore_mem>>)
      %scan3A_683 = arith.constant 0 : i32
      scf.yield %scan3A_683 : i32
    }
    %scan3A_279 = arith.constant 50 : i32
    %dma_wait3A = arith.constant 0 : i32
    %dma_wait3A_280 = tpu.memref_slice %arg5[%mul3A_2, %dma_wait3A] : memref<204800x128xf32, #tpu.memory_space<hbm>> -> memref<64x128xf32, #tpu.memory_space<hbm>>
    %dma_wait3A_281 = arith.constant 0 : i32
    %dma_wait3A_282 = tpu.memref_slice %arg5[%mul3A_2, %dma_wait3A_281] : memref<204800x128xf32, #tpu.memory_space<hbm>> -> memref<64x128xf32, #tpu.memory_space<hbm>>
    tpu.wait_dma2 semaphore(%arg15 : memref<!tpu.dma_semaphore, #tpu.memory_space<semaphore_mem>>) src(%arg11 : memref<64x128xf32, #tpu.memory_space<vmem>>) dst(%dma_wait3A_282 : memref<64x128xf32, #tpu.memory_space<hbm>>)
    %dma_wait3A_283 = arith.constant 0 : i32
    %dma_wait3A_284 = tpu.memref_slice %arg5[%mul3A_2, %dma_wait3A_283] : memref<204800x128xf32, #tpu.memory_space<hbm>> -> memref<64x128xf32, #tpu.memory_space<hbm>>
    %dma_wait3A_285 = arith.constant 0 : i32
    %dma_wait3A_286 = tpu.memref_slice %arg5[%mul3A_2, %dma_wait3A_285] : memref<204800x128xf32, #tpu.memory_space<hbm>> -> memref<64x128xf32, #tpu.memory_space<hbm>>
    tpu.wait_dma2 semaphore(%arg16 : memref<!tpu.dma_semaphore, #tpu.memory_space<semaphore_mem>>) src(%arg12 : memref<64x128xf32, #tpu.memory_space<vmem>>) dst(%dma_wait3A_286 : memref<64x128xf32, #tpu.memory_space<hbm>>)
    return
  }
}

</mosaic_0001>

<sc_bundles>
// kernel: pos_word_embedding_sc.3.cloned.1.call-start
scs
__scs_entry_jumppad:
0x0: {  	(pc) =	sbr.rel $0x88, $3  }
0x1: {  	(tag) =	ssettag $0x0;
	lr =	simm.s32 $0x1  }
0x2: {  	[smem:$0x3F9E] =	sst lr;
	_ =	strace $0xD0000000  }
0x3: {  	_ = 	snop  }
0x4: {  	_ = 	snop  }
0x5: {  	_ = 	snop  }
0x6: {  	_ = 	snop  }
0x7: {  	_ = 	snop  }
__scs_overlays_trampoline_lowered:
0x8: {  	[smem:$0x3FAD] =	sst s0  }
0x9: {  	[smem:$0x3FAE] =	sst s1  }
0xa: {  	[smem:$0x3FAF] =	sst s2  }
0xb: {  	[smem:$0x3FB0] =	sst s3  }
0xc: {  	[smem:$0x3FB1] =	sst s4  }
0xd: {  	[smem:$0x3FB2] =	sst s5  }
0xe: {  	[smem:$0x3FB3] =	sst s6  }
0xf: {  	[smem:$0x3FB4] =	sst s7  }
0x10: {  	[smem:$0x3FB5] =	sst s8  }
0x11: {  	[smem:$0x3FB6] =	sst s9;
	s0 =	simm.s32 @!p0 $0x0  }
0x12: {  	s1 =	sld [smem:$0x3F9C];
	s0 =	simm.s32 @p0 $0x1  }
0x13: {  	[smem:$0x3FB7] =	sst s0;
	s0 =	simm.s32 @!p1 $0x0  }
0x14: {  	s2 =	sld [smem:$0x3F9B];
	s0 =	simm.s32 @p1 $0x1  }
0x15: {  	[smem:$0x3FB8] =	sst s0;
	s0 =	simm.s32 @!p2 $0x0  }
0x16: {  	s3 =	sld [smem:$0x3FDB];
	s0 =	simm.s32 @p2 $0x1  }
0x17: {  	s4 =	simm.s32 $0x1BF5;
	[smem:$0x3FBA] =	sst s0  }
0x18: {  	s0 =	sld [smem:$0x3F9D];
	_ =	swait.ge [sflag:s4], $0x0  }
0x19: {  	s7 =	sld [smem:$0x3F9E]  }
0x1a: {  	s8 =	sadd.s32 $0xFFFFE003, lr  }
0x1b: {  	s9 =	sadd.s32 $0xFFFFFEF7, lr;
	s5 =	simm.s32 $0xFFFFFFFF;
	p2 =	slt.u32 s8, $0xFFFFF086  }
0x1c: {  	p1 =	slt.u32 s9, $0xF7A;
	s5 =	simm.s32 @!p2 $0x0  }
0x1d: {  	s5 =	simm.s32 @p1 $0x1;
	p0 =	seq.s32 s7, s2  }
0x1e: {  	s7 =	smul.u32 @!p0 $0xF7A, s2;
	p2 =	seq.s32 @!p0 s5, $0x0  }
0x1f: {  	s9 =	smul.u32 $0xF7A, s1;
	s8 =	simm.s32 @!p0 $0x1BF5;
	p2 =	por !p2, p0  }
0x20: {  	[sflag:s8] =	ssyncset.s32 @!p0 $0xFFFFF086;
	s6 =	sadd.s32 @!p0 s3, s7;
	s7 =	simm.s32 @!p0 $0x108  }
0x21: {  	s3 =	sadd.s32 s3, s9;
	s6 =	sadd.s32 @!p0 $0x88, s6;
	s7 =	simm.s32 @p2 $0x1082  }
0x22: {  	[simem:s7], [sflag:s8] =	dma.local @!p0 [hbm:s6], $0xF7A  }
0x23: {  	s9 =	sor.u32 $0xD0000000, s2;
	s6 =	simm.s32 $0x108;
	_ =	swait.ge @!p0 [sflag:s8], $0x0  }
0x24: {  	s3 =	sadd.s32 $0x88, s3;
	s6 =	simm.s32 @!p1 $0x1082;
	[sflag:s4] =	ssyncset.s32 $0xFFFFF086  }
0x25: {  	[simem:s6], [sflag:s4] =	dma.local [hbm:s3], $0xF7A  }
0x26: {  	[smem:$0x3F9E] =	sst s1;
	(tag) =	ssettag s2;
	_ =	strace s9  }
0x27: {  	s1 =	sld [smem:$0x3FAE]  }
0x28: {  	s2 =	sld [smem:$0x3FAF]  }
0x29: {  	s4 =	sld [smem:$0x3FB1]  }
0x2a: {  	p0 =	seq.s32 s5, $0x0;
	s5 =	sld [smem:$0x3FB2]  }
0x2b: {  	s6 =	sld [smem:$0x3FB3]  }
0x2c: {  	s7 =	sld [smem:$0x3FB4]  }
0x2d: {  	s3 =	simm.s32 $0x108;
	s8 =	sld [smem:$0x3FB5]  }
0x2e: {  	s3 =	simm.s32 @!p0 $0x1082;
	s9 =	sld [smem:$0x3FB6]  }
0x2f: {  	lr =	sadd.s32 s0, s3;
	s0 =	sld [smem:$0x3FAD]  }
0x30: {  	s3 =	sld [smem:$0x3FB0]  }
0x31: {  	[smem:$0x3FB9] =	sst s10  }
0x32: {  	s10 =	sld [smem:$0x3FB7];
	_ =	sdelay $0x3  }
0x33: {  	p0 =	seq.s32 s10, $0x1;
	s10 =	sld [smem:$0x3FB9];
	_ =	sdelay $0x3  }
0x34: {  	[smem:$0x3FB9] =	sst s10  }
0x35: {  	s10 =	sld [smem:$0x3FB8];
	_ =	sdelay $0x3  }
0x36: {  	p1 =	seq.s32 s10, $0x1;
	s10 =	sld [smem:$0x3FB9];
	_ =	sdelay $0x3  }
0x37: {  	[smem:$0x3FB9] =	sst s10  }
0x38: {  	s10 =	sld [smem:$0x3FBA]  }
0x39: {  	_ = 	snop;
	(pc) =	sbr.ind lr, $3  }
0x3a: {  	_ = 	snop  }
0x3b: {  	_ = 	snop  }
0x3c: {  	p2 =	seq.s32 s10, $0x1;
	s10 =	sld [smem:$0x3FB9]  }
0x3d: {  	_ =	shalt  }
0x3e: {  	_ =	shalt  }
0x3f: {  	_ =	shalt  }
0x40: {  	_ =	shalt  }
0x41: {  	_ =	shalt  }
0x42: {  	_ =	shalt  }
0x43: {  	_ =	shalt  }
0x44: {  	_ =	shalt  }
0x45: {  	_ =	shalt  }
0x46: {  	_ =	shalt  }
0x47: {  	_ =	shalt  }
0x48: {  	_ =	shalt  }
0x49: {  	_ =	shalt  }
0x4a: {  	_ =	shalt  }
0x4b: {  	_ =	shalt  }
0x4c: {  	_ =	shalt  }
0x4d: {  	_ =	shalt  }
0x4e: {  	_ =	shalt  }
0x4f: {  	_ =	shalt  }
0x50: {  	_ =	shalt  }
0x51: {  	_ =	shalt  }
0x52: {  	_ =	shalt  }
0x53: {  	_ =	shalt  }
0x54: {  	_ =	shalt  }
0x55: {  	_ =	shalt  }
0x56: {  	_ =	shalt  }
0x57: {  	_ =	shalt  }
0x58: {  	_ =	shalt  }
0x59: {  	_ =	shalt  }
0x5a: {  	_ =	shalt  }
0x5b: {  	_ =	shalt  }
0x5c: {  	_ =	shalt  }
0x5d: {  	_ =	shalt  }
0x5e: {  	_ =	shalt  }
0x5f: {  	_ =	shalt  }
0x60: {  	_ =	shalt  }
0x61: {  	_ =	shalt  }
0x62: {  	_ =	shalt  }
0x63: {  	_ =	shalt  }
0x64: {  	_ =	shalt  }
0x65: {  	_ =	shalt  }
0x66: {  	_ =	shalt  }
0x67: {  	_ =	shalt  }
0x68: {  	_ =	shalt  }
0x69: {  	_ =	shalt  }
0x6a: {  	_ =	shalt  }
0x6b: {  	_ =	shalt  }
0x6c: {  	_ =	shalt  }
0x6d: {  	_ =	shalt  }
0x6e: {  	_ =	shalt  }
0x6f: {  	_ =	shalt  }
0x70: {  	_ =	shalt  }
0x71: {  	_ =	shalt  }
0x72: {  	_ =	shalt  }
0x73: {  	_ =	shalt  }
0x74: {  	_ =	shalt  }
0x75: {  	_ =	shalt  }
0x76: {  	_ =	shalt  }
0x77: {  	_ =	shalt  }
0x78: {  	_ =	shalt  }
0x79: {  	_ =	shalt  }
0x7a: {  	_ =	shalt  }
0x7b: {  	_ =	shalt  }
0x7c: {  	_ =	shalt  }
0x7d: {  	_ =	shalt  }
0x7e: {  	_ =	shalt  }
0x7f: {  	_ =	shalt  }
0x80: {  	_ =	shalt  }
0x81: {  	_ =	shalt  }
0x82: {  	_ =	shalt  }
0x83: {  	_ =	shalt  }
0x84: {  	_ =	shalt  }
0x85: {  	_ =	shalt  }
0x86: {  	_ =	shalt  }
0x87: {  	_ =	shalt  }
.Lfunc_end0:
.L_simem_size_0:
called_computation_lowered:
.L_overlay_start_0:
0x88: {  	s2 =	sld [smem:$0x3FD9]  }
0x89: {  	s3 =	sld [smem:$0x3FFE];
	_ =	sdelay $0x1  }
0x8a: {  	s1 =	srdreg.scid  }
0x8b: {  	s0 =	sand.u32 $0x1, s1  }
0x8c: {  	s18 =	sshll.u32 s0, $0xA;
	s2 =	sadd.s32 s3, s2  }
0x8d: {  	s2 =	sadd.s32 s2, s18  }
0x8e: {  	[smem:$0x3FC5] =	sst s2  }
0x8f: {  	_ = 	snop  }
0x90: {  	s2 =	sld [smem:$0x3FC9]  }
0x91: {  	s19 =	sld [smem:$0x3FC8]  }
0x92: {  	s4 =	sld [smem:$0x3FC7]  }
0x93: {  	s5 =	sld [smem:$0x3FD0];
	(tm) =	ssettm $0x1  }
0x94: {  	s6 =	sld [smem:$0x3FFB];
	_ =	sdelay $0x3  }
0x95: {  	_ =	strace s6  }
0x96: {  	s6 =	sld [smem:$0x3FFC];
	_ =	sdelay $0x3  }
0x97: {  	_ =	strace s6  }
0x98: {  	s6 =	sld [smem:$0x3FFD];
	_ =	sdelay $0x3  }
0x99: {  	_ =	strace s6  }
0x9a: {  	_ =	strace $0x8FFFFFFF  }
0x9b: {  	s20 =	sld [smem:$0x3FDB];
	_ =	sdelay $0x1  }
0x9c: {  	s7 =	simm.s32 $_scs_section_size  }
0x9d: {  	s8 =	simm.s32 $_size__tile_overlayer_lowered;
	s9 =	simm.s32 $_tile_overlayer_lowered  }
0x9e: {  	s23 =	simm.s32 $0x1BFF;
	s22 =	sshll.u32 s9, $0x1;
	s6 =	sadd.s32 s7, s20  }
0x9f: {  	s10 =	simm.s32 $0x0;
	s21 =	sshll.u32 s8, $0x1;
	s8 =	sadd.s32 s22, s6  }
0xa0: {  	[timem:s10], [sflag:s23] =	dma.local [hbm:s8], s21  }
0xa1: {  	_ =	swait.ge [sflag:s23], s21  }
0xa2: {  	s7 =	ssub.s32 $0x0, s21;
	[sflag:s23] =	ssyncset.done $0x0  }
0xa3: {  	[sflag:s23] =	ssyncadd.s32 s7;
	_ =	sdelay $0x1  }
0xa4: {  	s24 =	simm.s32 $0x1B8B  }
0xa5: {  	_ =	swait.ge [sflag:s24], $0x1  }
0xa6: {  	[sflag:s24] =	ssyncset.done $0x0  }
0xa7: {  	s25 =	simm.s32 $0x1B8E;
	[sflag:s24] =	ssyncadd.s32 $0xFFFFFFFF  }
0xa8: {  	s26 =	simm.s32 $execute0_lowered;
	[smem:$0x3FD2] =	sst s25  }
0xa9: {  	s7 =	sshll.u32 s26, $0x1;
	_ =	strace $0x80000046;
	[dreg:$0x1] =	wrdreg $0xFFFFFFFF  }
0xaa: {  	s28 =	simm.s32 $_size_execute0_lowered;
	s6 =	sadd.s32 s6, s7;
	[dreg:$0x0] =	wrdreg $0x0  }
0xab: {  	s7 =	sshll.u32 s28, $0x1;
	[dreg:$0x2] =	wrdreg s6  }
0xac: {  	[dreg:$0x3] =	wrdreg s7  }
0xad: {  	[dreg:$0x4] =	wrdreg $0xC0  }
0xae: {  	_ =	task [dreg:s10], $0x5FFFF  }
0xaf: {  	[dreg:$0x1] =	wrdreg $0xFFFFFFFF  }
0xb0: {  	[dreg:$0x0] =	wrdreg $0x60  }
0xb1: {  	[dreg:$0x2] =	wrdreg s2  }
0xb2: {  	[dreg:$0x3] =	wrdreg s19  }
0xb3: {  	[dreg:$0x4] =	wrdreg s4  }
0xb4: {  	[dreg:$0x5] =	wrdreg s5  }
0xb5: {  	[dreg:$0x6] =	wrdreg $0x9  }
0xb6: {  	_ =	task.clear_ibuf [dreg:s10], $0x7FFFF;
	_ =	strace $0x90000046  }
0xb7: {  	s29 =	simm.s32 $0x9;
	_ =	strace $0x80000048  }
0xb8: {  	_ =	swait.ge [sflag:s29], $0x1  }
0xb9: {  	[sflag:s29] =	ssyncadd.s32 $0xFFFFFFFF  }
0xba: {  	_ =	strace $0x90000048  }
0xbb: {  	_ =	sfence  }
0xbc: {  	s30 =	sld [smem:$0x0];
	_ =	sdelay $0x2  }
0xbd: {  	s31 =	sshll.u32 s1, $0xD;
	s1 =	sshrl.u32 s1, $0x2  }
0xbe: {  	s3 =	sand.u32 $0x4000, s31;
	s1 =	sadd.s32 s1, s30  }
0xbf: {  	s0 =	sor.u32 s3, s0;
	s1 =	sshll.u32 s1, $0x11  }
0xc0: {  	s0 =	sor.u32 s1, s0  }
0xc1: {  	s0 =	sadd.s32 $0x8F2B, s0  }
0xc2: {  	[sflag:s0] =	ssyncadd.remote.s32 $0x1  }
0xc3: {  	_ =	sfence.sel $0xFFFF  }
0xc4: {  	[dreg:$0x0] =	wrdreg $0xFFFFFFFF;
	(pc) =	sbr.abs _section_cstart, $3  }
0xc5: {  	[dreg:$0x1] =	wrdreg $0xFFFFFFFF  }
0xc6: {  	_ =	task.clear_ibuf [dreg:s10], $0x2FFFF;
	_ =	strace $0x9FFFFFFF  }
0xc7: {  	(tm) =	ssettm $0x7FFFFFFF  }
tec
execute0_lowered:
.L_overlay_start_1:
0x0: {  	(tag) =	ssettag $0x1  }
0x1: {  	s0 =	rddreg [dreg:$0x0]  }
0x2: {  	s1 =	rddreg [dreg:$0x1]  }
0x3: {  	s2 =	srdreg.scid;
	s3 =	stileid.u32  }
0x4: {  	s4 =	rddreg [dreg:$0x3];
	s5 =	simm.s32 $0x0;
	s28 =	simm.s32 $0xDD00  }
0x5: {  	s29 =	simm.s32 $0xE100;
	s30 =	simm.s32 $0xE500;
	s31 =	simm.s32 $0xE900  }
0x6: {  	s7 =	simm.s32 $0xF500;
	s2 =	sand.u32 $0x1, s2;
	s3 =	sshll.u32 s3, $0x1  }
0x7: {  	s15 =	simm.s32 $0xF900;
	s18 =	simm.s32 $0x0;
	s3 =	sor.u32 s2, s3  }
0x8: {  	[smem:$0x7FF] =	sst s5;
	s2 =	ssub.s32 $0x2, s2;
	s6 =	smul.u32 $0x1900, s3  }
0x9: {  	_ =	strace $0x80000047;
	s24 =	sshrl.u32 s2, $0x1;
	s3 =	simm.s32 $0x2  }
0xa: {  	s2 =	ssub.s32 s2, s24;
	s24 =	simm.s32 $0xD500;
	s25 =	sshrl.u32 s6, $0x3  }
0xb: {  	s8 =	sor.u32 $0xC8, s6;
	s9 =	sadd.s32 $0x190, s6;
	s10 =	sadd.s32 $0x258, s6  }
0xc: {  	s11 =	sadd.s32 $0x320, s6;
	s12 =	sadd.s32 $0x3E8, s6;
	s13 =	sadd.s32 $0x4B0, s6  }
0xd: {  	s14 =	sadd.s32 $0x578, s6;
	s26 =	smax.u32 s2, $0x1;
	s2 =	simm.s32 $0xED00  }
0xe: {  	s0 =	sadd.s32 s0, s25;
	[dreg:$0x6] =	wrdreg s26;
	s25 =	simm.s32 $0xD900  }
0xf: {  	s26 =	simm.s32 $0x3;
	[dreg:$0x5] =	wrdreg s0;
	s0 =	simm.s32 $0xF100  }
.LBB2_1:
0x10: {  	[dreg:$0x7] =	wrdreg s18  }
0x11: {  	s16 =	rddreg [dreg:$0x5];
	s21 =	simm.s32 $0x6  }
0x12: {  	[tilespmem:s5], [sflag:$0x6] =	stream.linear.gather [hbm4b:s16+s5], $0x1900, $0x38;
	[tilespmem:$0xFD00] =	vst v63  }
0x13: {  	_ =	swait.ge [sflag:s21], $0x1900  }
0x14: {  	[sflag:s21] =	ssyncset.done $0x0  }
0x15: {  	s17 =	simm.s32 $0x7D00;
	s16 =	simm.s32 $0x8;
	[sflag:s21] =	ssyncadd.s32 $0xFFFFE700  }
0x16: {  	[tilespmem:s17], [sflag:$0x2] =	stream.indirect.gather [hbm4b:s1+s16], $0x80, s5, s16, $0xb8;
	[tilespmem:$0xFD00] =	vst v63  }
0x17: {  	s22 =	simm.s32 $0xC8;
	s23 =	simm.s32 $0x8100  }
0x18: {  	[tilespmem:s23], [sflag:$0x2] =	stream.indirect.gather [hbm4b:s1+s16], $0x80, s22, s16, $0xb8;
	[tilespmem:$0xFD00] =	vst v63  }
0x19: {  	s18 =	simm.s32 $0x190;
	s19 =	simm.s32 $0x8500  }
0x1a: {  	[tilespmem:s19], [sflag:$0x2] =	stream.indirect.gather [hbm4b:s1+s16], $0x80, s18, s16, $0xb8;
	[tilespmem:$0xFD00] =	vst v63  }
0x1b: {  	s20 =	simm.s32 $0x258;
	s21 =	simm.s32 $0x8900  }
0x1c: {  	[tilespmem:s21], [sflag:$0x2] =	stream.indirect.gather [hbm4b:s1+s16], $0x80, s20, s16, $0xb8;
	[tilespmem:$0xFD00] =	vst v63  }
0x1d: {  	s22 =	simm.s32 $0x320;
	s23 =	simm.s32 $0x8D00  }
0x1e: {  	[tilespmem:s23], [sflag:$0x2] =	stream.indirect.gather [hbm4b:s1+s16], $0x80, s22, s16, $0xb8;
	[tilespmem:$0xFD00] =	vst v63  }
0x1f: {  	s18 =	simm.s32 $0x3E8;
	s19 =	simm.s32 $0x9100  }
0x20: {  	[tilespmem:s19], [sflag:$0x2] =	stream.indirect.gather [hbm4b:s1+s16], $0x80, s18, s16, $0xb8;
	[tilespmem:$0xFD00] =	vst v63  }
0x21: {  	s20 =	simm.s32 $0x4B0;
	s21 =	simm.s32 $0x9500  }
0x22: {  	[tilespmem:s21], [sflag:$0x2] =	stream.indirect.gather [hbm4b:s1+s16], $0x80, s20, s16, $0xb8;
	[tilespmem:$0xFD00] =	vst v63  }
0x23: {  	s22 =	simm.s32 $0x578;
	s23 =	simm.s32 $0x9900  }
0x24: {  	[tilespmem:s23], [sflag:$0x2] =	stream.indirect.gather [hbm4b:s1+s16], $0x80, s22, s16, $0xb8;
	[tilespmem:$0xFD00] =	vst v63  }
0x25: {  	s19 =	simm.s32 $0x9D00  }
0x26: {  	[tilespmem:s19], [sflag:$0x3] =	stream.indirect.gather [hbm4b:s1+s16], $0x80, s16, s16, $0xb8;
	[tilespmem:$0xFD00] =	vst v63  }
0x27: {  	s20 =	simm.s32 $0xD0;
	s21 =	simm.s32 $0xA100  }
0x28: {  	[tilespmem:s21], [sflag:$0x3] =	stream.indirect.gather [hbm4b:s1+s16], $0x80, s20, s16, $0xb8;
	[tilespmem:$0xFD00] =	vst v63  }
0x29: {  	s22 =	simm.s32 $0x198;
	s23 =	simm.s32 $0xA500  }
0x2a: {  	[tilespmem:s23], [sflag:$0x3] =	stream.indirect.gather [hbm4b:s1+s16], $0x80, s22, s16, $0xb8;
	[tilespmem:$0xFD00] =	vst v63  }
0x2b: {  	s18 =	simm.s32 $0x260;
	s19 =	simm.s32 $0xA900  }
0x2c: {  	[tilespmem:s19], [sflag:$0x3] =	stream.indirect.gather [hbm4b:s1+s16], $0x80, s18, s16, $0xb8;
	[tilespmem:$0xFD00] =	vst v63  }
0x2d: {  	s20 =	simm.s32 $0x328;
	s21 =	simm.s32 $0xAD00  }
0x2e: {  	[tilespmem:s21], [sflag:$0x3] =	stream.indirect.gather [hbm4b:s1+s16], $0x80, s20, s16, $0xb8;
	[tilespmem:$0xFD00] =	vst v63  }
0x2f: {  	s22 =	simm.s32 $0x3F0;
	s23 =	simm.s32 $0xB100  }
0x30: {  	[tilespmem:s23], [sflag:$0x3] =	stream.indirect.gather [hbm4b:s1+s16], $0x80, s22, s16, $0xb8;
	[tilespmem:$0xFD00] =	vst v63  }
0x31: {  	s18 =	simm.s32 $0x4B8;
	s19 =	simm.s32 $0xB500  }
0x32: {  	[tilespmem:s19], [sflag:$0x3] =	stream.indirect.gather [hbm4b:s1+s16], $0x80, s18, s16, $0xb8;
	[tilespmem:$0xFD00] =	vst v63  }
0x33: {  	s20 =	simm.s32 $0x580;
	s21 =	simm.s32 $0xB900  }
0x34: {  	[tilespmem:s21], [sflag:$0x3] =	stream.indirect.gather [hbm4b:s1+s16], $0x80, s20, s16, $0xb8;
	[tilespmem:$0xFD00] =	vst v63  }
0x35: {  	s22 =	rddreg [dreg:$0x2];
	s23 =	simm.s32 $0x1900;
	s16 =	simm.s32 $0x0  }
0x36: {  	[tilespmem:s23], [sflag:$0x1] =	stream.linear.gather [hbm4b:s22+s5], $0x6400, $0x38;
	[tilespmem:$0xFD00] =	vst v63  }
.LBB2_2:
0x37: {  	p0 =	sne.s32 s16, $0x0  }
0x38: {  	s18 =	simm.s32 @p0 $0x4  }
0x39: {  	s17 =	sshll.u32 s16, $0x1;
	_ =	swait.ge @p0 [sflag:s18], $0x2000  }
0x3a: {  	s19 =	smul.u32 $0x29, s17;
	[sflag:s18] =	ssyncset.done @p0 $0x0  }
0x3b: {  	[sflag:s18] =	ssyncadd.s32 @p0 $0xFFFFE000;
	s18 =	simm.s32 @!p0 $0x1  }
0x3c: {  	s19 =	sshrl.u32 s19, $0xA;
	_ =	swait.ge @!p0 [sflag:s18], $0x6400  }
0x3d: {  	s19 =	smul.u32 $0x19, s19;
	[sflag:s18] =	ssyncset.done @!p0 $0x0  }
0x3e: {  	[sflag:s18] =	ssyncadd.s32 @!p0 $0xFFFF9C00  }
0x3f: {  	s23 =	ssub.s32 s17, s19;
	_ =	swait.ge [sflag:s3], $0x2000  }
0x40: {  	s18 =	sshll.u32 s23, $0x3;
	[sflag:s3] =	ssyncset.done $0x0  }
0x41: {  	s19 =	simm.s32 $0x0;
	s18 =	sand.u32 $0xF8, s18;
	[sflag:s3] =	ssyncadd.s32 $0xFFFFE000  }
.LBB2_3:
0x42: {  	s20 =	sadd.s32 s18, s19  }
0x43: {  	s20 =	sshll.u32 s20, $0x7  }
0x44: {  	s20 =	sand.u32 $0x3FFFFF80, s20  }
0x45: {  	v7 =	vld [tilespmem:s20+$0x1900]  }
0x46: {  	v6 =	vld [tilespmem:s20+$0x1910]  }
0x47: {  	v5 =	vld [tilespmem:s20+$0x1920]  }
0x48: {  	v4 =	vld [tilespmem:s20+$0x1930]  }
0x49: {  	v3 =	vld [tilespmem:s20+$0x1940]  }
0x4a: {  	v2 =	vld [tilespmem:s20+$0x1950]  }
0x4b: {  	v1 =	vld [tilespmem:s20+$0x1960]  }
0x4c: {  	v0 =	vld [tilespmem:s20+$0x1970];
	s20 =	sshll.u32 s19, $0x7  }
0x4d: {  	v8 =	vld [tilespmem:s20+$0x7D00]  }
0x4e: {  	v9 =	vld [tilespmem:s20+$0x7D10]  }
0x4f: {  	v10 =	vld [tilespmem:s20+$0x7D20]  }
0x50: {  	v11 =	vld [tilespmem:s20+$0x7D30]  }
0x51: {  	v12 =	vld [tilespmem:s20+$0x7D40]  }
0x52: {  	v13 =	vld [tilespmem:s20+$0x7D50];
	v8 =	vadd.f32 v8, v7  }
0x53: {  	v14 =	vld [tilespmem:s20+$0x7D60];
	v9 =	vadd.f32 v9, v6  }
0x54: {  	v15 =	vld [tilespmem:s20+$0x7D70];
	v43 =	vadd.f32 v10, v5;
	[tilespmem:s20+$0xBD00] =	vst v8  }
0x55: {  	v45 =	vld [tilespmem:s20+$0x8100];
	v44 =	vadd.f32 v11, v4;
	[tilespmem:s20+$0xBD10] =	vst v9  }
0x56: {  	v47 =	vld [tilespmem:s20+$0x8110];
	v46 =	vadd.f32 v12, v3;
	[tilespmem:s20+$0xBD20] =	vst v43  }
0x57: {  	v49 =	vld [tilespmem:s20+$0x8120];
	v48 =	vadd.f32 v13, v2;
	[tilespmem:s20+$0xBD30] =	vst v44  }
0x58: {  	v51 =	vld [tilespmem:s20+$0x8130];
	v50 =	vadd.f32 v14, v1;
	[tilespmem:s20+$0xBD40] =	vst v46  }
0x59: {  	v53 =	vld [tilespmem:s20+$0x8140];
	v52 =	vadd.f32 v15, v0;
	[tilespmem:s20+$0xBD50] =	vst v48  }
0x5a: {  	v56 =	vld [tilespmem:s20+$0x8170];
	v10 =	vadd.f32 v45, v7;
	[tilespmem:s20+$0xBD60] =	vst v50  }
0x5b: {  	v59 =	vld [tilespmem:s20+$0x8500];
	v11 =	vadd.f32 v47, v6;
	[tilespmem:s20+$0xBD70] =	vst v52  }
0x5c: {  	v61 =	vld [tilespmem:s20+$0x8510];
	v57 =	vadd.f32 v49, v5;
	[tilespmem:s20+$0xC100] =	vst v10  }
0x5d: {  	v18 =	vld [tilespmem:s20+$0x8540];
	v58 =	vadd.f32 v51, v4;
	[tilespmem:s20+$0xC110] =	vst v11  }
0x5e: {  	v21 =	vld [tilespmem:s20+$0x8570];
	v60 =	vadd.f32 v53, v3;
	[tilespmem:s20+$0xC120] =	vst v57  }
0x5f: {  	v28 =	vld [tilespmem:s20+$0x8940];
	v17 =	vadd.f32 v56, v0;
	[tilespmem:s20+$0xC130] =	vst v58  }
0x60: {  	v31 =	vld [tilespmem:s20+$0x8970];
	v12 =	vadd.f32 v59, v7;
	[tilespmem:s20+$0xC140] =	vst v60  }
0x61: {  	v41 =	vld [tilespmem:s20+$0x8D70];
	v13 =	vadd.f32 v61, v6;
	[tilespmem:s20+$0xC170] =	vst v17  }
0x62: {  	v54 =	vld [tilespmem:s20+$0x8150];
	v23 =	vadd.f32 v18, v3;
	[tilespmem:s20+$0xC500] =	vst v12  }
0x63: {  	v55 =	vld [tilespmem:s20+$0x8160];
	v27 =	vadd.f32 v21, v0;
	[tilespmem:s20+$0xC510] =	vst v13  }
0x64: {  	v62 =	vld [tilespmem:s20+$0x8520];
	v33 =	vadd.f32 v28, v3;
	[tilespmem:s20+$0xC540] =	vst v23  }
0x65: {  	v63 =	vld [tilespmem:s20+$0x8530];
	v37 =	vadd.f32 v31, v0;
	[tilespmem:s20+$0xC570] =	vst v27  }
0x66: {  	v22 =	vld [tilespmem:s20+$0x8900];
	v47 =	vadd.f32 v41, v0;
	[tilespmem:s20+$0xC940] =	vst v33  }
0x67: {  	v24 =	vld [tilespmem:s20+$0x8910];
	v8 =	vadd.f32 v54, v2;
	[tilespmem:s20+$0xC970] =	vst v37  }
0x68: {  	v38 =	vld [tilespmem:s20+$0x8D40];
	v9 =	vadd.f32 v55, v1;
	[tilespmem:s20+$0xCD70] =	vst v47  }
0x69: {  	v19 =	vld [tilespmem:s20+$0x8550];
	v11 =	vadd.f32 v62, v5;
	[tilespmem:s20+$0xC150] =	vst v8  }
0x6a: {  	v20 =	vld [tilespmem:s20+$0x8560];
	v10 =	vadd.f32 v63, v4;
	[tilespmem:s20+$0xC160] =	vst v9  }
0x6b: {  	v25 =	vld [tilespmem:s20+$0x8920];
	v12 =	vadd.f32 v22, v7;
	[tilespmem:s20+$0xC520] =	vst v11  }
0x6c: {  	v26 =	vld [tilespmem:s20+$0x8930];
	v13 =	vadd.f32 v24, v6;
	[tilespmem:s20+$0xC530] =	vst v10  }
0x6d: {  	v32 =	vld [tilespmem:s20+$0x8D00];
	v43 =	vadd.f32 v38, v3;
	[tilespmem:s20+$0xC900] =	vst v12  }
0x6e: {  	v34 =	vld [tilespmem:s20+$0x8D10];
	v9 =	vadd.f32 v19, v2;
	[tilespmem:s20+$0xC910] =	vst v13  }
0x6f: {  	v51 =	vld [tilespmem:s20+$0x9170];
	v8 =	vadd.f32 v20, v1;
	[tilespmem:s20+$0xCD40] =	vst v43  }
0x70: {  	v61 =	vld [tilespmem:s20+$0x9570];
	v10 =	vadd.f32 v25, v5;
	[tilespmem:s20+$0xC550] =	vst v9  }
0x71: {  	v29 =	vld [tilespmem:s20+$0x8950];
	v11 =	vadd.f32 v26, v4;
	[tilespmem:s20+$0xC560] =	vst v8  }
0x72: {  	v30 =	vld [tilespmem:s20+$0x8960];
	v12 =	vadd.f32 v32, v7;
	[tilespmem:s20+$0xC920] =	vst v10  }
0x73: {  	v35 =	vld [tilespmem:s20+$0x8D20];
	v13 =	vadd.f32 v34, v6;
	[tilespmem:s20+$0xC930] =	vst v11  }
0x74: {  	v36 =	vld [tilespmem:s20+$0x8D30];
	v57 =	vadd.f32 v51, v0;
	[tilespmem:s20+$0xCD00] =	vst v12  }
0x75: {  	v42 =	vld [tilespmem:s20+$0x9100];
	v19 =	vadd.f32 v61, v0;
	[tilespmem:s20+$0xCD10] =	vst v13  }
0x76: {  	v44 =	vld [tilespmem:s20+$0x9110];
	v8 =	vadd.f32 v29, v2;
	[tilespmem:s20+$0xD170] =	vst v57  }
0x77: {  	v48 =	vld [tilespmem:s20+$0x9140];
	v9 =	vadd.f32 v30, v1;
	[tilespmem:s20+$0xD570] =	vst v19  }
0x78: {  	v58 =	vld [tilespmem:s20+$0x9540];
	v11 =	vadd.f32 v35, v5;
	[tilespmem:s20+$0xC950] =	vst v8  }
0x79: {  	v23 =	vld [tilespmem:s20+$0x9970];
	v10 =	vadd.f32 v36, v4;
	[tilespmem:s20+$0xC960] =	vst v9  }
0x7a: {  	v39 =	vld [tilespmem:s20+$0x8D50];
	v12 =	vadd.f32 v42, v7;
	[tilespmem:s20+$0xCD20] =	vst v11  }
0x7b: {  	v40 =	vld [tilespmem:s20+$0x8D60];
	v13 =	vadd.f32 v44, v6;
	[tilespmem:s20+$0xCD30] =	vst v10  }
0x7c: {  	v45 =	vld [tilespmem:s20+$0x9120];
	v53 =	vadd.f32 v48, v3;
	[tilespmem:s20+$0xD100] =	vst v12  }
0x7d: {  	v46 =	vld [tilespmem:s20+$0x9130];
	v63 =	vadd.f32 v58, v3;
	[tilespmem:s20+$0xD110] =	vst v13  }
0x7e: {  	v52 =	vld [tilespmem:s20+$0x9500];
	v0 =	vadd.f32 v23, v0;
	[tilespmem:s20+$0xD140] =	vst v53  }
0x7f: {  	v62 =	vld [tilespmem:s20+$0x9900];
	v9 =	vadd.f32 v39, v2;
	[tilespmem:s20+$0xD540] =	vst v63  }
0x80: {  	v54 =	vld [tilespmem:s20+$0x9510];
	v8 =	vadd.f32 v40, v1;
	[tilespmem:s20+$0xD970] =	vst v0  }
0x81: {  	v16 =	vld [tilespmem:s20+$0x9910];
	v10 =	vadd.f32 v45, v5;
	[tilespmem:s20+$0xCD50] =	vst v9  }
0x82: {  	v20 =	vld [tilespmem:s20+$0x9940];
	v11 =	vadd.f32 v46, v4;
	[tilespmem:s20+$0xCD60] =	vst v8  }
0x83: {  	v49 =	vld [tilespmem:s20+$0x9150];
	v12 =	vadd.f32 v52, v7;
	[tilespmem:s20+$0xD120] =	vst v10  }
0x84: {  	v50 =	vld [tilespmem:s20+$0x9160];
	v7 =	vadd.f32 v62, v7;
	[tilespmem:s20+$0xD130] =	vst v11  }
0x85: {  	v55 =	vld [tilespmem:s20+$0x9520];
	v13 =	vadd.f32 v54, v6;
	[tilespmem:s20+$0xD500] =	vst v12  }
0x86: {  	v56 =	vld [tilespmem:s20+$0x9530];
	v6 =	vadd.f32 v16, v6;
	[tilespmem:s20+$0xD900] =	vst v7  }
0x87: {  	v17 =	vld [tilespmem:s20+$0x9920];
	v3 =	vadd.f32 v20, v3;
	[tilespmem:s20+$0xD510] =	vst v13  }
0x88: {  	v18 =	vld [tilespmem:s20+$0x9930];
	v8 =	vadd.f32 v49, v2;
	[tilespmem:s20+$0xD910] =	vst v6  }
0x89: {  	v59 =	vld [tilespmem:s20+$0x9550];
	v9 =	vadd.f32 v50, v1;
	[tilespmem:s20+$0xD940] =	vst v3  }
0x8a: {  	v60 =	vld [tilespmem:s20+$0x9560];
	v11 =	vadd.f32 v55, v5;
	[tilespmem:s20+$0xD150] =	vst v8  }
0x8b: {  	v21 =	vld [tilespmem:s20+$0x9950];
	v10 =	vadd.f32 v56, v4;
	[tilespmem:s20+$0xD160] =	vst v9  }
0x8c: {  	v22 =	vld [tilespmem:s20+$0x9960];
	v5 =	vadd.f32 v17, v5;
	[tilespmem:s20+$0xD520] =	vst v11  }
0x8d: {  	v4 =	vadd.f32 v18, v4;
	[tilespmem:s20+$0xD530] =	vst v10  }
0x8e: {  	v9 =	vadd.f32 v59, v2;
	[tilespmem:s20+$0xD920] =	vst v5  }
0x8f: {  	v8 =	vadd.f32 v60, v1;
	[tilespmem:s20+$0xD930] =	vst v4  }
0x90: {  	s21 =	sor.u32 $0x1, s19;
	v2 =	vadd.f32 v21, v2;
	[tilespmem:s20+$0xD550] =	vst v9  }
0x91: {  	s22 =	sadd.s32 s18, s21;
	v1 =	vadd.f32 v22, v1;
	[tilespmem:s20+$0xD560] =	vst v8  }
0x92: {  	s22 =	sshll.u32 s22, $0x7;
	[tilespmem:s20+$0xD950] =	vst v2  }
0x93: {  	s22 =	sand.u32 $0x3FFFFF80, s22;
	[tilespmem:s20+$0xD960] =	vst v1  }
0x94: {  	v7 =	vld [tilespmem:s22+$0x1900]  }
0x95: {  	v6 =	vld [tilespmem:s22+$0x1910]  }
0x96: {  	v5 =	vld [tilespmem:s22+$0x1920]  }
0x97: {  	v4 =	vld [tilespmem:s22+$0x1930]  }
0x98: {  	v3 =	vld [tilespmem:s22+$0x1940]  }
0x99: {  	v2 =	vld [tilespmem:s22+$0x1950]  }
0x9a: {  	v1 =	vld [tilespmem:s22+$0x1960]  }
0x9b: {  	s21 =	sshll.u32 s21, $0x7;
	v0 =	vld [tilespmem:s22+$0x1970]  }
0x9c: {  	v24 =	vld [tilespmem:s21+$0x7D00]  }
0x9d: {  	v25 =	vld [tilespmem:s21+$0x7D10]  }
0x9e: {  	v26 =	vld [tilespmem:s21+$0x7D20]  }
0x9f: {  	v27 =	vld [tilespmem:s21+$0x7D30]  }
0xa0: {  	v28 =	vld [tilespmem:s21+$0x7D40]  }
0xa1: {  	v29 =	vld [tilespmem:s21+$0x7D50];
	v8 =	vadd.f32 v24, v7  }
0xa2: {  	v30 =	vld [tilespmem:s21+$0x7D60];
	v9 =	vadd.f32 v25, v6  }
0xa3: {  	v31 =	vld [tilespmem:s21+$0x7D70];
	v32 =	vadd.f32 v26, v5;
	[tilespmem:s21+$0xBD00] =	vst v8  }
0xa4: {  	v33 =	vadd.f32 v27, v4;
	[tilespmem:s21+$0xBD10] =	vst v9  }
0xa5: {  	v34 =	vadd.f32 v28, v3;
	[tilespmem:s21+$0xBD20] =	vst v32  }
0xa6: {  	v35 =	vadd.f32 v29, v2;
	[tilespmem:s21+$0xBD30] =	vst v33  }
0xa7: {  	v36 =	vadd.f32 v30, v1;
	[tilespmem:s21+$0xBD40] =	vst v34  }
0xa8: {  	v37 =	vadd.f32 v31, v0;
	[tilespmem:s21+$0xBD50] =	vst v35  }
0xa9: {  	[tilespmem:s21+$0xBD60] =	vst v36  }
0xaa: {  	[tilespmem:s21+$0xBD70] =	vst v37  }
0xab: {  	v8 =	vld [tilespmem:s20+$0x8180]  }
0xac: {  	v9 =	vld [tilespmem:s20+$0x8190]  }
0xad: {  	v38 =	vld [tilespmem:s20+$0x81A0]  }
0xae: {  	v39 =	vld [tilespmem:s20+$0x81B0]  }
0xaf: {  	v40 =	vld [tilespmem:s20+$0x81C0]  }
0xb0: {  	v41 =	vld [tilespmem:s20+$0x81D0];
	v8 =	vadd.f32 v8, v7  }
0xb1: {  	v42 =	vld [tilespmem:s20+$0x81E0];
	v9 =	vadd.f32 v9, v6  }
0xb2: {  	v43 =	vld [tilespmem:s20+$0x81F0];
	v44 =	vadd.f32 v38, v5;
	[tilespmem:s20+$0xC180] =	vst v8  }
0xb3: {  	v46 =	vld [tilespmem:s20+$0x8580];
	v45 =	vadd.f32 v39, v4;
	[tilespmem:s20+$0xC190] =	vst v9  }
0xb4: {  	v48 =	vld [tilespmem:s20+$0x8590];
	v47 =	vadd.f32 v40, v3;
	[tilespmem:s20+$0xC1A0] =	vst v44  }
0xb5: {  	v50 =	vld [tilespmem:s20+$0x85A0];
	v49 =	vadd.f32 v41, v2;
	[tilespmem:s20+$0xC1B0] =	vst v45  }
0xb6: {  	v52 =	vld [tilespmem:s20+$0x85B0];
	v51 =	vadd.f32 v42, v1;
	[tilespmem:s20+$0xC1C0] =	vst v47  }
0xb7: {  	v54 =	vld [tilespmem:s20+$0x85C0];
	v53 =	vadd.f32 v43, v0;
	[tilespmem:s20+$0xC1D0] =	vst v49  }
0xb8: {  	v57 =	vld [tilespmem:s20+$0x85F0];
	v10 =	vadd.f32 v46, v7;
	[tilespmem:s20+$0xC1E0] =	vst v51  }
0xb9: {  	v60 =	vld [tilespmem:s20+$0x8980];
	v11 =	vadd.f32 v48, v6;
	[tilespmem:s20+$0xC1F0] =	vst v53  }
0xba: {  	v62 =	vld [tilespmem:s20+$0x8990];
	v58 =	vadd.f32 v50, v5;
	[tilespmem:s20+$0xC580] =	vst v10  }
0xbb: {  	v20 =	vld [tilespmem:s20+$0x89C0];
	v59 =	vadd.f32 v52, v4;
	[tilespmem:s20+$0xC590] =	vst v11  }
0xbc: {  	v23 =	vld [tilespmem:s20+$0x89F0];
	v61 =	vadd.f32 v54, v3;
	[tilespmem:s20+$0xC5A0] =	vst v58  }
0xbd: {  	v30 =	vld [tilespmem:s20+$0x8DC0];
	v19 =	vadd.f32 v57, v0;
	[tilespmem:s20+$0xC5B0] =	vst v59  }
0xbe: {  	v33 =	vld [tilespmem:s20+$0x8DF0];
	v12 =	vadd.f32 v60, v7;
	[tilespmem:s20+$0xC5C0] =	vst v61  }
0xbf: {  	v55 =	vld [tilespmem:s20+$0x85D0];
	v13 =	vadd.f32 v62, v6;
	[tilespmem:s20+$0xC5F0] =	vst v19  }
0xc0: {  	v56 =	vld [tilespmem:s20+$0x85E0];
	v25 =	vadd.f32 v20, v3;
	[tilespmem:s20+$0xC980] =	vst v12  }
0xc1: {  	v63 =	vld [tilespmem:s20+$0x89A0];
	v29 =	vadd.f32 v23, v0;
	[tilespmem:s20+$0xC990] =	vst v13  }
0xc2: {  	v18 =	vld [tilespmem:s20+$0x89B0];
	v35 =	vadd.f32 v30, v3;
	[tilespmem:s20+$0xC9C0] =	vst v25  }
0xc3: {  	v24 =	vld [tilespmem:s20+$0x8D80];
	v39 =	vadd.f32 v33, v0;
	[tilespmem:s20+$0xC9F0] =	vst v29  }
0xc4: {  	v26 =	vld [tilespmem:s20+$0x8D90];
	v8 =	vadd.f32 v55, v2;
	[tilespmem:s20+$0xCDC0] =	vst v35  }
0xc5: {  	v21 =	vld [tilespmem:s20+$0x89D0];
	v9 =	vadd.f32 v56, v1;
	[tilespmem:s20+$0xCDF0] =	vst v39  }
0xc6: {  	v22 =	vld [tilespmem:s20+$0x89E0];
	v11 =	vadd.f32 v63, v5;
	[tilespmem:s20+$0xC5D0] =	vst v8  }
0xc7: {  	v27 =	vld [tilespmem:s20+$0x8DA0];
	v10 =	vadd.f32 v18, v4;
	[tilespmem:s20+$0xC5E0] =	vst v9  }
0xc8: {  	v28 =	vld [tilespmem:s20+$0x8DB0];
	v12 =	vadd.f32 v24, v7;
	[tilespmem:s20+$0xC9A0] =	vst v11  }
0xc9: {  	v34 =	vld [tilespmem:s20+$0x9180];
	v13 =	vadd.f32 v26, v6;
	[tilespmem:s20+$0xC9B0] =	vst v10  }
0xca: {  	v36 =	vld [tilespmem:s20+$0x9190];
	v9 =	vadd.f32 v21, v2;
	[tilespmem:s20+$0xCD80] =	vst v12  }
0xcb: {  	v40 =	vld [tilespmem:s20+$0x91C0];
	v8 =	vadd.f32 v22, v1;
	[tilespmem:s20+$0xCD90] =	vst v13  }
0xcc: {  	v43 =	vld [tilespmem:s20+$0x91F0];
	v10 =	vadd.f32 v27, v5;
	[tilespmem:s20+$0xC9D0] =	vst v9  }
0xcd: {  	v50 =	vld [tilespmem:s20+$0x95C0];
	v11 =	vadd.f32 v28, v4;
	[tilespmem:s20+$0xC9E0] =	vst v8  }
0xce: {  	v60 =	vld [tilespmem:s20+$0x99C0];
	v12 =	vadd.f32 v34, v7;
	[tilespmem:s20+$0xCDA0] =	vst v10  }
0xcf: {  	v31 =	vld [tilespmem:s20+$0x8DD0];
	v13 =	vadd.f32 v36, v6;
	[tilespmem:s20+$0xCDB0] =	vst v11  }
0xd0: {  	v32 =	vld [tilespmem:s20+$0x8DE0];
	v45 =	vadd.f32 v40, v3;
	[tilespmem:s20+$0xD180] =	vst v12  }
0xd1: {  	v37 =	vld [tilespmem:s20+$0x91A0];
	v49 =	vadd.f32 v43, v0;
	[tilespmem:s20+$0xD190] =	vst v13  }
0xd2: {  	v38 =	vld [tilespmem:s20+$0x91B0];
	v55 =	vadd.f32 v50, v3;
	[tilespmem:s20+$0xD1C0] =	vst v45  }
0xd3: {  	v46 =	vld [tilespmem:s20+$0x9590];
	v3 =	vadd.f32 v60, v3;
	[tilespmem:s20+$0xD1F0] =	vst v49  }
0xd4: {  	v44 =	vld [tilespmem:s20+$0x9580];
	v8 =	vadd.f32 v31, v2;
	[tilespmem:s20+$0xD5C0] =	vst v55  }
0xd5: {  	v53 =	vld [tilespmem:s20+$0x95F0];
	v9 =	vadd.f32 v32, v1;
	[tilespmem:s20+$0xD9C0] =	vst v3  }
0xd6: {  	v54 =	vld [tilespmem:s20+$0x9980];
	v11 =	vadd.f32 v37, v5;
	[tilespmem:s20+$0xCDD0] =	vst v8  }
0xd7: {  	v56 =	vld [tilespmem:s20+$0x9990];
	v10 =	vadd.f32 v38, v4;
	[tilespmem:s20+$0xCDE0] =	vst v9  }
0xd8: {  	v63 =	vld [tilespmem:s20+$0x99F0];
	v13 =	vadd.f32 v46, v6;
	[tilespmem:s20+$0xD1A0] =	vst v11  }
0xd9: {  	v41 =	vld [tilespmem:s20+$0x91D0];
	v12 =	vadd.f32 v44, v7;
	[tilespmem:s20+$0xD1B0] =	vst v10  }
0xda: {  	v42 =	vld [tilespmem:s20+$0x91E0];
	v59 =	vadd.f32 v53, v0;
	[tilespmem:s20+$0xD590] =	vst v13  }
0xdb: {  	v47 =	vld [tilespmem:s20+$0x95A0];
	v7 =	vadd.f32 v54, v7;
	[tilespmem:s20+$0xD580] =	vst v12  }
0xdc: {  	v48 =	vld [tilespmem:s20+$0x95B0];
	v6 =	vadd.f32 v56, v6;
	[tilespmem:s20+$0xD5F0] =	vst v59  }
0xdd: {  	v57 =	vld [tilespmem:s20+$0x99A0];
	v0 =	vadd.f32 v63, v0;
	[tilespmem:s20+$0xD980] =	vst v7  }
0xde: {  	v58 =	vld [tilespmem:s20+$0x99B0];
	v9 =	vadd.f32 v41, v2;
	[tilespmem:s20+$0xD990] =	vst v6  }
0xdf: {  	v51 =	vld [tilespmem:s20+$0x95D0];
	v8 =	vadd.f32 v42, v1;
	[tilespmem:s20+$0xD9F0] =	vst v0  }
0xe0: {  	v52 =	vld [tilespmem:s20+$0x95E0];
	v10 =	vadd.f32 v47, v5;
	[tilespmem:s20+$0xD1D0] =	vst v9  }
0xe1: {  	v61 =	vld [tilespmem:s20+$0x99D0];
	v11 =	vadd.f32 v48, v4;
	[tilespmem:s20+$0xD1E0] =	vst v8  }
0xe2: {  	v62 =	vld [tilespmem:s20+$0x99E0];
	v5 =	vadd.f32 v57, v5;
	[tilespmem:s20+$0xD5A0] =	vst v10  }
0xe3: {  	v4 =	vadd.f32 v58, v4;
	[tilespmem:s20+$0xD5B0] =	vst v11  }
0xe4: {  	p0 =	slt.u32 s19, $0x6;
	v8 =	vadd.f32 v51, v2;
	[tilespmem:s20+$0xD9A0] =	vst v5  }
.Ltmp0:
0xe5: {  	v9 =	vadd.f32 v52, v1;
	[tilespmem:s20+$0xD9B0] =	vst v4;
	(pc) =	sbr.rel @p0 .LBB2_3-.Ltmp0, $4  }
0xe6: {  	v2 =	vadd.f32 v61, v2;
	[tilespmem:s20+$0xD5D0] =	vst v8  }
0xe7: {  	v1 =	vadd.f32 v62, v1;
	[tilespmem:s20+$0xD5E0] =	vst v9  }
0xe8: {  	s23 =	sadd.s32 $0x2, s19;
	[tilespmem:s20+$0xD9D0] =	vst v2  }
0xe9: {  	s19 =	smov.u32 s23;
	[tilespmem:s20+$0xD9E0] =	vst v1  }
0xea: {  	p0 =	seq.s32 s16, $0x31  }
0xeb: {  	s19 =	sadd.s32 @!p0 $0x2, s17  }
0xec: {  	s20 =	smulhi.u32 @!p0 $0x51EB851F, s19;
	_ =	sdelay $0x1  }
0xed: {  	s20 =	sshrl.u32 @!p0 s20, $0x3  }
0xee: {  	s21 =	smul.u32 @!p0 $0x19, s20  }
0xef: {  	s20 =	smul.u32 @!p0 $0x1900, s20  }
0xf0: {  	s19 =	ssub.s32 @!p0 s19, s21  }
0xf1: {  	s20 =	sshra.s32 @!p0 s20, $0x2;
	s19 =	sshll.u32 @!p0 s19, $0x3  }
0xf2: {  	s21 =	simm.s32 @!p0 $0x7D00;
	s19 =	sadd.s32 @!p0 s19, s20;
	s20 =	simm.s32 @!p0 $0x8  }
0xf3: {  	[tilespmem:s21], [sflag:$0x2] =	stream.indirect.gather @!p0 [hbm4b:s1+s20], $0x80, s19, s20, $0xb8;
	[tilespmem:$0xFD00] =	vst v63  }
0xf4: {  	s22 =	simm.s32 @!p0 $0x8100;
	s21 =	sadd.s32 @!p0 $0xC8, s19  }
0xf5: {  	[tilespmem:s22], [sflag:$0x2] =	stream.indirect.gather @!p0 [hbm4b:s1+s20], $0x80, s21, s20, $0xb8;
	[tilespmem:$0xFD00] =	vst v63  }
0xf6: {  	s21 =	sadd.s32 @!p0 $0x190, s19;
	s22 =	simm.s32 @!p0 $0x8500  }
0xf7: {  	[tilespmem:s22], [sflag:$0x2] =	stream.indirect.gather @!p0 [hbm4b:s1+s20], $0x80, s21, s20, $0xb8;
	[tilespmem:$0xFD00] =	vst v63  }
0xf8: {  	s21 =	sadd.s32 @!p0 $0x258, s19;
	s22 =	simm.s32 @!p0 $0x8900  }
0xf9: {  	[tilespmem:s22], [sflag:$0x2] =	stream.indirect.gather @!p0 [hbm4b:s1+s20], $0x80, s21, s20, $0xb8;
	[tilespmem:$0xFD00] =	vst v63  }
0xfa: {  	s21 =	sadd.s32 @!p0 $0x320, s19;
	s22 =	simm.s32 @!p0 $0x8D00  }
0xfb: {  	[tilespmem:s22], [sflag:$0x2] =	stream.indirect.gather @!p0 [hbm4b:s1+s20], $0x80, s21, s20, $0xb8;
	[tilespmem:$0xFD00] =	vst v63  }
0xfc: {  	s23 =	smulhi.u32 $0x51EB851F, s17;
	s21 =	sadd.s32 @!p0 $0x3E8, s19;
	s22 =	simm.s32 @!p0 $0x9100  }
0xfd: {  	[tilespmem:s22], [sflag:$0x2] =	stream.indirect.gather @!p0 [hbm4b:s1+s20], $0x80, s21, s20, $0xb8;
	[tilespmem:$0xFD00] =	vst v63  }
0xfe: {  	s23 =	sshrl.u32 s23, $0x3;
	s21 =	sadd.s32 @!p0 $0x4B0, s19;
	s22 =	simm.s32 @!p0 $0x9500  }
0xff: {  	[tilespmem:s22], [sflag:$0x2] =	stream.indirect.gather @!p0 [hbm4b:s1+s20], $0x80, s21, s20, $0xb8;
	[tilespmem:$0xFD00] =	vst v63  }
0x100: {  	s19 =	sadd.s32 @!p0 $0x578, s19;
	s22 =	simm.s32 @!p0 $0x9900;
	s21 =	smul.u32 $0x640, s23  }
0x101: {  	[tilespmem:s22], [sflag:$0x2] =	stream.indirect.gather @!p0 [hbm4b:s1+s20], $0x80, s19, s20, $0xb8;
	[tilespmem:$0xFD00] =	vst v63  }
0x102: {  	s22 =	sadd.s32 s6, s21  }
0x103: {  	s19 =	sadd.s32 s18, s22  }
0x104: {  	s19 =	sshll.u32 s19, $0x4  }
0x105: {  	s23 =	simm.s32 $0xBD00;
	s22 =	sadd.s32 s21, s8;
	s19 =	sadd.s32 s4, s19  }
0x106: {  	[hbm4b:s19+s5] =	stream.linear.scatter [tilespmem:s23], [sflag:$0x4], $0x400, $0x38;
	[tilespmem:$0xFD00] =	vst v63  }
0x107: {  	s19 =	sadd.s32 s18, s22  }
0x108: {  	s19 =	sshll.u32 s19, $0x4  }
0x109: {  	s23 =	simm.s32 $0xC100;
	s22 =	sadd.s32 s21, s9;
	s19 =	sadd.s32 s4, s19  }
0x10a: {  	[hbm4b:s19+s5] =	stream.linear.scatter [tilespmem:s23], [sflag:$0x4], $0x400, $0x38;
	[tilespmem:$0xFD00] =	vst v63  }
0x10b: {  	s19 =	sadd.s32 s18, s22  }
0x10c: {  	s19 =	sshll.u32 s19, $0x4  }
0x10d: {  	s23 =	simm.s32 $0xC500;
	s22 =	sadd.s32 s21, s10;
	s19 =	sadd.s32 s4, s19  }
0x10e: {  	[hbm4b:s19+s5] =	stream.linear.scatter [tilespmem:s23], [sflag:$0x4], $0x400, $0x38;
	[tilespmem:$0xFD00] =	vst v63  }
0x10f: {  	s19 =	sadd.s32 s18, s22  }
0x110: {  	s19 =	sshll.u32 s19, $0x4  }
0x111: {  	s23 =	simm.s32 $0xC900;
	s22 =	sadd.s32 s21, s11;
	s19 =	sadd.s32 s4, s19  }
0x112: {  	[hbm4b:s19+s5] =	stream.linear.scatter [tilespmem:s23], [sflag:$0x4], $0x400, $0x38;
	[tilespmem:$0xFD00] =	vst v63  }
0x113: {  	s19 =	sadd.s32 s18, s22  }
0x114: {  	s19 =	sshll.u32 s19, $0x4  }
0x115: {  	s23 =	simm.s32 $0xCD00;
	s22 =	sadd.s32 s21, s12;
	s19 =	sadd.s32 s4, s19  }
0x116: {  	[hbm4b:s19+s5] =	stream.linear.scatter [tilespmem:s23], [sflag:$0x4], $0x400, $0x38;
	[tilespmem:$0xFD00] =	vst v63  }
0x117: {  	s19 =	sadd.s32 s18, s22  }
0x118: {  	s19 =	sshll.u32 s19, $0x4  }
0x119: {  	s23 =	simm.s32 $0xD100;
	s22 =	sadd.s32 s21, s13;
	s19 =	sadd.s32 s4, s19  }
0x11a: {  	[hbm4b:s19+s5] =	stream.linear.scatter [tilespmem:s23], [sflag:$0x4], $0x400, $0x38;
	[tilespmem:$0xFD00] =	vst v63  }
0x11b: {  	s19 =	sadd.s32 s18, s22;
	s23 =	sadd.s32 s21, s14  }
0x11c: {  	p1 =	seq.s32 s16, $0x0;
	s19 =	sshll.u32 s19, $0x4;
	s20 =	sadd.s32 s18, s23  }
0x11d: {  	s21 =	sor.u32 $0x1, s17;
	s19 =	sadd.s32 s4, s19;
	s18 =	sshll.u32 s20, $0x4  }
0x11e: {  	[hbm4b:s19+s5] =	stream.linear.scatter [tilespmem:s24], [sflag:$0x4], $0x400, $0x38;
	[tilespmem:$0xFD00] =	vst v63  }
0x11f: {  	s22 =	smulhi.u32 $0x51EB851F, s21;
	s20 =	simm.s32 @!p1 $0x5;
	s18 =	sadd.s32 s4, s18  }
0x120: {  	[hbm4b:s18+s5] =	stream.linear.scatter [tilespmem:s25], [sflag:$0x4], $0x400, $0x38;
	[tilespmem:$0xFD00] =	vst v63  }
0x121: {  	_ =	swait.ge @!p1 [sflag:s20], $0x2000  }
0x122: {  	s19 =	sshrl.u32 s22, $0x3;
	[sflag:s20] =	ssyncset.done @!p1 $0x0  }
0x123: {  	s23 =	smul.u32 $0x19, s19;
	[sflag:s20] =	ssyncadd.s32 @!p1 $0xFFFFE000  }
0x124: {  	_ =	swait.ge [sflag:s26], $0x2000  }
0x125: {  	s18 =	ssub.s32 s21, s23;
	[sflag:s26] =	ssyncset.done $0x0  }
0x126: {  	s18 =	sshll.u32 s18, $0x3;
	s20 =	simm.s32 $0x0;
	[sflag:s26] =	ssyncadd.s32 $0xFFFFE000  }
.LBB2_5:
0x127: {  	s21 =	sadd.s32 s18, s20  }
0x128: {  	s21 =	sshll.u32 s21, $0x7  }
0x129: {  	s21 =	sand.u32 $0x3FFFFF80, s21  }
0x12a: {  	v7 =	vld [tilespmem:s21+$0x1900]  }
0x12b: {  	v6 =	vld [tilespmem:s21+$0x1910]  }
0x12c: {  	v5 =	vld [tilespmem:s21+$0x1920]  }
0x12d: {  	v4 =	vld [tilespmem:s21+$0x1930]  }
0x12e: {  	v3 =	vld [tilespmem:s21+$0x1940]  }
0x12f: {  	v2 =	vld [tilespmem:s21+$0x1950]  }
0x130: {  	v1 =	vld [tilespmem:s21+$0x1960]  }
0x131: {  	v0 =	vld [tilespmem:s21+$0x1970];
	s21 =	sshll.u32 s20, $0x7  }
0x132: {  	v8 =	vld [tilespmem:s21+$0x9D00]  }
0x133: {  	v9 =	vld [tilespmem:s21+$0x9D10]  }
0x134: {  	v10 =	vld [tilespmem:s21+$0x9D20]  }
0x135: {  	v11 =	vld [tilespmem:s21+$0x9D30]  }
0x136: {  	v12 =	vld [tilespmem:s21+$0x9D40]  }
0x137: {  	v13 =	vld [tilespmem:s21+$0x9D50];
	v8 =	vadd.f32 v8, v7  }
0x138: {  	v14 =	vld [tilespmem:s21+$0x9D60];
	v9 =	vadd.f32 v9, v6  }
0x139: {  	v15 =	vld [tilespmem:s21+$0x9D70];
	v43 =	vadd.f32 v10, v5;
	[tilespmem:s21+$0xDD00] =	vst v8  }
0x13a: {  	v45 =	vld [tilespmem:s21+$0xA100];
	v44 =	vadd.f32 v11, v4;
	[tilespmem:s21+$0xDD10] =	vst v9  }
0x13b: {  	v47 =	vld [tilespmem:s21+$0xA110];
	v46 =	vadd.f32 v12, v3;
	[tilespmem:s21+$0xDD20] =	vst v43  }
0x13c: {  	v49 =	vld [tilespmem:s21+$0xA120];
	v48 =	vadd.f32 v13, v2;
	[tilespmem:s21+$0xDD30] =	vst v44  }
0x13d: {  	v51 =	vld [tilespmem:s21+$0xA130];
	v50 =	vadd.f32 v14, v1;
	[tilespmem:s21+$0xDD40] =	vst v46  }
0x13e: {  	v53 =	vld [tilespmem:s21+$0xA140];
	v52 =	vadd.f32 v15, v0;
	[tilespmem:s21+$0xDD50] =	vst v48  }
0x13f: {  	v56 =	vld [tilespmem:s21+$0xA170];
	v10 =	vadd.f32 v45, v7;
	[tilespmem:s21+$0xDD60] =	vst v50  }
0x140: {  	v59 =	vld [tilespmem:s21+$0xA500];
	v11 =	vadd.f32 v47, v6;
	[tilespmem:s21+$0xDD70] =	vst v52  }
0x141: {  	v61 =	vld [tilespmem:s21+$0xA510];
	v57 =	vadd.f32 v49, v5;
	[tilespmem:s21+$0xE100] =	vst v10  }
0x142: {  	v18 =	vld [tilespmem:s21+$0xA540];
	v58 =	vadd.f32 v51, v4;
	[tilespmem:s21+$0xE110] =	vst v11  }
0x143: {  	v21 =	vld [tilespmem:s21+$0xA570];
	v60 =	vadd.f32 v53, v3;
	[tilespmem:s21+$0xE120] =	vst v57  }
0x144: {  	v28 =	vld [tilespmem:s21+$0xA940];
	v17 =	vadd.f32 v56, v0;
	[tilespmem:s21+$0xE130] =	vst v58  }
0x145: {  	v31 =	vld [tilespmem:s21+$0xA970];
	v12 =	vadd.f32 v59, v7;
	[tilespmem:s21+$0xE140] =	vst v60  }
0x146: {  	v41 =	vld [tilespmem:s21+$0xAD70];
	v13 =	vadd.f32 v61, v6;
	[tilespmem:s21+$0xE170] =	vst v17  }
0x147: {  	v54 =	vld [tilespmem:s21+$0xA150];
	v23 =	vadd.f32 v18, v3;
	[tilespmem:s21+$0xE500] =	vst v12  }
0x148: {  	v55 =	vld [tilespmem:s21+$0xA160];
	v27 =	vadd.f32 v21, v0;
	[tilespmem:s21+$0xE510] =	vst v13  }
0x149: {  	v62 =	vld [tilespmem:s21+$0xA520];
	v33 =	vadd.f32 v28, v3;
	[tilespmem:s21+$0xE540] =	vst v23  }
0x14a: {  	v63 =	vld [tilespmem:s21+$0xA530];
	v37 =	vadd.f32 v31, v0;
	[tilespmem:s21+$0xE570] =	vst v27  }
0x14b: {  	v22 =	vld [tilespmem:s21+$0xA900];
	v47 =	vadd.f32 v41, v0;
	[tilespmem:s21+$0xE940] =	vst v33  }
0x14c: {  	v24 =	vld [tilespmem:s21+$0xA910];
	v8 =	vadd.f32 v54, v2;
	[tilespmem:s21+$0xE970] =	vst v37  }
0x14d: {  	v38 =	vld [tilespmem:s21+$0xAD40];
	v9 =	vadd.f32 v55, v1;
	[tilespmem:s21+$0xED70] =	vst v47  }
0x14e: {  	v19 =	vld [tilespmem:s21+$0xA550];
	v11 =	vadd.f32 v62, v5;
	[tilespmem:s21+$0xE150] =	vst v8  }
0x14f: {  	v20 =	vld [tilespmem:s21+$0xA560];
	v10 =	vadd.f32 v63, v4;
	[tilespmem:s21+$0xE160] =	vst v9  }
0x150: {  	v25 =	vld [tilespmem:s21+$0xA920];
	v12 =	vadd.f32 v22, v7;
	[tilespmem:s21+$0xE520] =	vst v11  }
0x151: {  	v26 =	vld [tilespmem:s21+$0xA930];
	v13 =	vadd.f32 v24, v6;
	[tilespmem:s21+$0xE530] =	vst v10  }
0x152: {  	v32 =	vld [tilespmem:s21+$0xAD00];
	v43 =	vadd.f32 v38, v3;
	[tilespmem:s21+$0xE900] =	vst v12  }
0x153: {  	v34 =	vld [tilespmem:s21+$0xAD10];
	v9 =	vadd.f32 v19, v2;
	[tilespmem:s21+$0xE910] =	vst v13  }
0x154: {  	v51 =	vld [tilespmem:s21+$0xB170];
	v8 =	vadd.f32 v20, v1;
	[tilespmem:s21+$0xED40] =	vst v43  }
0x155: {  	v61 =	vld [tilespmem:s21+$0xB570];
	v10 =	vadd.f32 v25, v5;
	[tilespmem:s21+$0xE550] =	vst v9  }
0x156: {  	v29 =	vld [tilespmem:s21+$0xA950];
	v11 =	vadd.f32 v26, v4;
	[tilespmem:s21+$0xE560] =	vst v8  }
0x157: {  	v30 =	vld [tilespmem:s21+$0xA960];
	v12 =	vadd.f32 v32, v7;
	[tilespmem:s21+$0xE920] =	vst v10  }
0x158: {  	v35 =	vld [tilespmem:s21+$0xAD20];
	v13 =	vadd.f32 v34, v6;
	[tilespmem:s21+$0xE930] =	vst v11  }
0x159: {  	v36 =	vld [tilespmem:s21+$0xAD30];
	v57 =	vadd.f32 v51, v0;
	[tilespmem:s21+$0xED00] =	vst v12  }
0x15a: {  	v42 =	vld [tilespmem:s21+$0xB100];
	v19 =	vadd.f32 v61, v0;
	[tilespmem:s21+$0xED10] =	vst v13  }
0x15b: {  	v44 =	vld [tilespmem:s21+$0xB110];
	v8 =	vadd.f32 v29, v2;
	[tilespmem:s21+$0xF170] =	vst v57  }
0x15c: {  	v48 =	vld [tilespmem:s21+$0xB140];
	v9 =	vadd.f32 v30, v1;
	[tilespmem:s21+$0xF570] =	vst v19  }
0x15d: {  	v58 =	vld [tilespmem:s21+$0xB540];
	v11 =	vadd.f32 v35, v5;
	[tilespmem:s21+$0xE950] =	vst v8  }
0x15e: {  	v23 =	vld [tilespmem:s21+$0xB970];
	v10 =	vadd.f32 v36, v4;
	[tilespmem:s21+$0xE960] =	vst v9  }
0x15f: {  	v39 =	vld [tilespmem:s21+$0xAD50];
	v12 =	vadd.f32 v42, v7;
	[tilespmem:s21+$0xED20] =	vst v11  }
0x160: {  	v40 =	vld [tilespmem:s21+$0xAD60];
	v13 =	vadd.f32 v44, v6;
	[tilespmem:s21+$0xED30] =	vst v10  }
0x161: {  	v45 =	vld [tilespmem:s21+$0xB120];
	v53 =	vadd.f32 v48, v3;
	[tilespmem:s21+$0xF100] =	vst v12  }
0x162: {  	v46 =	vld [tilespmem:s21+$0xB130];
	v63 =	vadd.f32 v58, v3;
	[tilespmem:s21+$0xF110] =	vst v13  }
0x163: {  	v52 =	vld [tilespmem:s21+$0xB500];
	v0 =	vadd.f32 v23, v0;
	[tilespmem:s21+$0xF140] =	vst v53  }
0x164: {  	v62 =	vld [tilespmem:s21+$0xB900];
	v9 =	vadd.f32 v39, v2;
	[tilespmem:s21+$0xF540] =	vst v63  }
0x165: {  	v54 =	vld [tilespmem:s21+$0xB510];
	v8 =	vadd.f32 v40, v1;
	[tilespmem:s21+$0xF970] =	vst v0  }
0x166: {  	v16 =	vld [tilespmem:s21+$0xB910];
	v10 =	vadd.f32 v45, v5;
	[tilespmem:s21+$0xED50] =	vst v9  }
0x167: {  	v20 =	vld [tilespmem:s21+$0xB940];
	v11 =	vadd.f32 v46, v4;
	[tilespmem:s21+$0xED60] =	vst v8  }
0x168: {  	v49 =	vld [tilespmem:s21+$0xB150];
	v12 =	vadd.f32 v52, v7;
	[tilespmem:s21+$0xF120] =	vst v10  }
0x169: {  	v50 =	vld [tilespmem:s21+$0xB160];
	v7 =	vadd.f32 v62, v7;
	[tilespmem:s21+$0xF130] =	vst v11  }
0x16a: {  	v55 =	vld [tilespmem:s21+$0xB520];
	v13 =	vadd.f32 v54, v6;
	[tilespmem:s21+$0xF500] =	vst v12  }
0x16b: {  	v56 =	vld [tilespmem:s21+$0xB530];
	v6 =	vadd.f32 v16, v6;
	[tilespmem:s21+$0xF900] =	vst v7  }
0x16c: {  	v17 =	vld [tilespmem:s21+$0xB920];
	v3 =	vadd.f32 v20, v3;
	[tilespmem:s21+$0xF510] =	vst v13  }
0x16d: {  	v18 =	vld [tilespmem:s21+$0xB930];
	v8 =	vadd.f32 v49, v2;
	[tilespmem:s21+$0xF910] =	vst v6  }
0x16e: {  	v59 =	vld [tilespmem:s21+$0xB550];
	v9 =	vadd.f32 v50, v1;
	[tilespmem:s21+$0xF940] =	vst v3  }
0x16f: {  	v60 =	vld [tilespmem:s21+$0xB560];
	v11 =	vadd.f32 v55, v5;
	[tilespmem:s21+$0xF150] =	vst v8  }
0x170: {  	v21 =	vld [tilespmem:s21+$0xB950];
	v10 =	vadd.f32 v56, v4;
	[tilespmem:s21+$0xF160] =	vst v9  }
0x171: {  	v22 =	vld [tilespmem:s21+$0xB960];
	v5 =	vadd.f32 v17, v5;
	[tilespmem:s21+$0xF520] =	vst v11  }
0x172: {  	v4 =	vadd.f32 v18, v4;
	[tilespmem:s21+$0xF530] =	vst v10  }
0x173: {  	v9 =	vadd.f32 v59, v2;
	[tilespmem:s21+$0xF920] =	vst v5  }
0x174: {  	v8 =	vadd.f32 v60, v1;
	[tilespmem:s21+$0xF930] =	vst v4  }
0x175: {  	s22 =	sor.u32 $0x1, s20;
	v2 =	vadd.f32 v21, v2;
	[tilespmem:s21+$0xF550] =	vst v9  }
0x176: {  	s23 =	sadd.s32 s18, s22;
	v1 =	vadd.f32 v22, v1;
	[tilespmem:s21+$0xF560] =	vst v8  }
0x177: {  	s23 =	sshll.u32 s23, $0x7;
	[tilespmem:s21+$0xF950] =	vst v2  }
0x178: {  	s23 =	sand.u32 $0x3FFFFF80, s23;
	[tilespmem:s21+$0xF960] =	vst v1  }
0x179: {  	v7 =	vld [tilespmem:s23+$0x1900]  }
0x17a: {  	v6 =	vld [tilespmem:s23+$0x1910]  }
0x17b: {  	v5 =	vld [tilespmem:s23+$0x1920]  }
0x17c: {  	v4 =	vld [tilespmem:s23+$0x1930]  }
0x17d: {  	v3 =	vld [tilespmem:s23+$0x1940]  }
0x17e: {  	v2 =	vld [tilespmem:s23+$0x1950]  }
0x17f: {  	v1 =	vld [tilespmem:s23+$0x1960]  }
0x180: {  	s22 =	sshll.u32 s22, $0x7;
	v0 =	vld [tilespmem:s23+$0x1970]  }
0x181: {  	v24 =	vld [tilespmem:s22+$0x9D00]  }
0x182: {  	v25 =	vld [tilespmem:s22+$0x9D10]  }
0x183: {  	v26 =	vld [tilespmem:s22+$0x9D20]  }
0x184: {  	v27 =	vld [tilespmem:s22+$0x9D30]  }
0x185: {  	v28 =	vld [tilespmem:s22+$0x9D40]  }
0x186: {  	v29 =	vld [tilespmem:s22+$0x9D50];
	v8 =	vadd.f32 v24, v7  }
0x187: {  	v30 =	vld [tilespmem:s22+$0x9D60];
	v9 =	vadd.f32 v25, v6  }
0x188: {  	v31 =	vld [tilespmem:s22+$0x9D70];
	v32 =	vadd.f32 v26, v5;
	[tilespmem:s22+$0xDD00] =	vst v8  }
0x189: {  	v33 =	vadd.f32 v27, v4;
	[tilespmem:s22+$0xDD10] =	vst v9  }
0x18a: {  	v34 =	vadd.f32 v28, v3;
	[tilespmem:s22+$0xDD20] =	vst v32  }
0x18b: {  	v35 =	vadd.f32 v29, v2;
	[tilespmem:s22+$0xDD30] =	vst v33  }
0x18c: {  	v36 =	vadd.f32 v30, v1;
	[tilespmem:s22+$0xDD40] =	vst v34  }
0x18d: {  	v37 =	vadd.f32 v31, v0;
	[tilespmem:s22+$0xDD50] =	vst v35  }
0x18e: {  	[tilespmem:s22+$0xDD60] =	vst v36  }
0x18f: {  	[tilespmem:s22+$0xDD70] =	vst v37  }
0x190: {  	v8 =	vld [tilespmem:s21+$0xA180]  }
0x191: {  	v9 =	vld [tilespmem:s21+$0xA190]  }
0x192: {  	v38 =	vld [tilespmem:s21+$0xA1A0]  }
0x193: {  	v39 =	vld [tilespmem:s21+$0xA1B0]  }
0x194: {  	v40 =	vld [tilespmem:s21+$0xA1C0]  }
0x195: {  	v41 =	vld [tilespmem:s21+$0xA1D0];
	v8 =	vadd.f32 v8, v7  }
0x196: {  	v42 =	vld [tilespmem:s21+$0xA1E0];
	v9 =	vadd.f32 v9, v6  }
0x197: {  	v43 =	vld [tilespmem:s21+$0xA1F0];
	v44 =	vadd.f32 v38, v5;
	[tilespmem:s21+$0xE180] =	vst v8  }
0x198: {  	v46 =	vld [tilespmem:s21+$0xA580];
	v45 =	vadd.f32 v39, v4;
	[tilespmem:s21+$0xE190] =	vst v9  }
0x199: {  	v48 =	vld [tilespmem:s21+$0xA590];
	v47 =	vadd.f32 v40, v3;
	[tilespmem:s21+$0xE1A0] =	vst v44  }
0x19a: {  	v50 =	vld [tilespmem:s21+$0xA5A0];
	v49 =	vadd.f32 v41, v2;
	[tilespmem:s21+$0xE1B0] =	vst v45  }
0x19b: {  	v52 =	vld [tilespmem:s21+$0xA5B0];
	v51 =	vadd.f32 v42, v1;
	[tilespmem:s21+$0xE1C0] =	vst v47  }
0x19c: {  	v54 =	vld [tilespmem:s21+$0xA5C0];
	v53 =	vadd.f32 v43, v0;
	[tilespmem:s21+$0xE1D0] =	vst v49  }
0x19d: {  	v57 =	vld [tilespmem:s21+$0xA5F0];
	v10 =	vadd.f32 v46, v7;
	[tilespmem:s21+$0xE1E0] =	vst v51  }
0x19e: {  	v60 =	vld [tilespmem:s21+$0xA980];
	v11 =	vadd.f32 v48, v6;
	[tilespmem:s21+$0xE1F0] =	vst v53  }
0x19f: {  	v62 =	vld [tilespmem:s21+$0xA990];
	v58 =	vadd.f32 v50, v5;
	[tilespmem:s21+$0xE580] =	vst v10  }
0x1a0: {  	v20 =	vld [tilespmem:s21+$0xA9C0];
	v59 =	vadd.f32 v52, v4;
	[tilespmem:s21+$0xE590] =	vst v11  }
0x1a1: {  	v23 =	vld [tilespmem:s21+$0xA9F0];
	v61 =	vadd.f32 v54, v3;
	[tilespmem:s21+$0xE5A0] =	vst v58  }
0x1a2: {  	v30 =	vld [tilespmem:s21+$0xADC0];
	v19 =	vadd.f32 v57, v0;
	[tilespmem:s21+$0xE5B0] =	vst v59  }
0x1a3: {  	v33 =	vld [tilespmem:s21+$0xADF0];
	v12 =	vadd.f32 v60, v7;
	[tilespmem:s21+$0xE5C0] =	vst v61  }
0x1a4: {  	v55 =	vld [tilespmem:s21+$0xA5D0];
	v13 =	vadd.f32 v62, v6;
	[tilespmem:s21+$0xE5F0] =	vst v19  }
0x1a5: {  	v56 =	vld [tilespmem:s21+$0xA5E0];
	v25 =	vadd.f32 v20, v3;
	[tilespmem:s21+$0xE980] =	vst v12  }
0x1a6: {  	v63 =	vld [tilespmem:s21+$0xA9A0];
	v29 =	vadd.f32 v23, v0;
	[tilespmem:s21+$0xE990] =	vst v13  }
0x1a7: {  	v18 =	vld [tilespmem:s21+$0xA9B0];
	v35 =	vadd.f32 v30, v3;
	[tilespmem:s21+$0xE9C0] =	vst v25  }
0x1a8: {  	v24 =	vld [tilespmem:s21+$0xAD80];
	v39 =	vadd.f32 v33, v0;
	[tilespmem:s21+$0xE9F0] =	vst v29  }
0x1a9: {  	v26 =	vld [tilespmem:s21+$0xAD90];
	v8 =	vadd.f32 v55, v2;
	[tilespmem:s21+$0xEDC0] =	vst v35  }
0x1aa: {  	v21 =	vld [tilespmem:s21+$0xA9D0];
	v9 =	vadd.f32 v56, v1;
	[tilespmem:s21+$0xEDF0] =	vst v39  }
0x1ab: {  	v22 =	vld [tilespmem:s21+$0xA9E0];
	v11 =	vadd.f32 v63, v5;
	[tilespmem:s21+$0xE5D0] =	vst v8  }
0x1ac: {  	v27 =	vld [tilespmem:s21+$0xADA0];
	v10 =	vadd.f32 v18, v4;
	[tilespmem:s21+$0xE5E0] =	vst v9  }
0x1ad: {  	v28 =	vld [tilespmem:s21+$0xADB0];
	v12 =	vadd.f32 v24, v7;
	[tilespmem:s21+$0xE9A0] =	vst v11  }
0x1ae: {  	v34 =	vld [tilespmem:s21+$0xB180];
	v13 =	vadd.f32 v26, v6;
	[tilespmem:s21+$0xE9B0] =	vst v10  }
0x1af: {  	v36 =	vld [tilespmem:s21+$0xB190];
	v9 =	vadd.f32 v21, v2;
	[tilespmem:s21+$0xED80] =	vst v12  }
0x1b0: {  	v40 =	vld [tilespmem:s21+$0xB1C0];
	v8 =	vadd.f32 v22, v1;
	[tilespmem:s21+$0xED90] =	vst v13  }
0x1b1: {  	v43 =	vld [tilespmem:s21+$0xB1F0];
	v10 =	vadd.f32 v27, v5;
	[tilespmem:s21+$0xE9D0] =	vst v9  }
0x1b2: {  	v50 =	vld [tilespmem:s21+$0xB5C0];
	v11 =	vadd.f32 v28, v4;
	[tilespmem:s21+$0xE9E0] =	vst v8  }
0x1b3: {  	v60 =	vld [tilespmem:s21+$0xB9C0];
	v12 =	vadd.f32 v34, v7;
	[tilespmem:s21+$0xEDA0] =	vst v10  }
0x1b4: {  	v31 =	vld [tilespmem:s21+$0xADD0];
	v13 =	vadd.f32 v36, v6;
	[tilespmem:s21+$0xEDB0] =	vst v11  }
0x1b5: {  	v32 =	vld [tilespmem:s21+$0xADE0];
	v45 =	vadd.f32 v40, v3;
	[tilespmem:s21+$0xF180] =	vst v12  }
0x1b6: {  	v37 =	vld [tilespmem:s21+$0xB1A0];
	v49 =	vadd.f32 v43, v0;
	[tilespmem:s21+$0xF190] =	vst v13  }
0x1b7: {  	v38 =	vld [tilespmem:s21+$0xB1B0];
	v55 =	vadd.f32 v50, v3;
	[tilespmem:s21+$0xF1C0] =	vst v45  }
0x1b8: {  	v46 =	vld [tilespmem:s21+$0xB590];
	v3 =	vadd.f32 v60, v3;
	[tilespmem:s21+$0xF1F0] =	vst v49  }
0x1b9: {  	v44 =	vld [tilespmem:s21+$0xB580];
	v8 =	vadd.f32 v31, v2;
	[tilespmem:s21+$0xF5C0] =	vst v55  }
0x1ba: {  	v53 =	vld [tilespmem:s21+$0xB5F0];
	v9 =	vadd.f32 v32, v1;
	[tilespmem:s21+$0xF9C0] =	vst v3  }
0x1bb: {  	v54 =	vld [tilespmem:s21+$0xB980];
	v11 =	vadd.f32 v37, v5;
	[tilespmem:s21+$0xEDD0] =	vst v8  }
0x1bc: {  	v56 =	vld [tilespmem:s21+$0xB990];
	v10 =	vadd.f32 v38, v4;
	[tilespmem:s21+$0xEDE0] =	vst v9  }
0x1bd: {  	v63 =	vld [tilespmem:s21+$0xB9F0];
	v13 =	vadd.f32 v46, v6;
	[tilespmem:s21+$0xF1A0] =	vst v11  }
0x1be: {  	v41 =	vld [tilespmem:s21+$0xB1D0];
	v12 =	vadd.f32 v44, v7;
	[tilespmem:s21+$0xF1B0] =	vst v10  }
0x1bf: {  	v42 =	vld [tilespmem:s21+$0xB1E0];
	v59 =	vadd.f32 v53, v0;
	[tilespmem:s21+$0xF590] =	vst v13  }
0x1c0: {  	v47 =	vld [tilespmem:s21+$0xB5A0];
	v7 =	vadd.f32 v54, v7;
	[tilespmem:s21+$0xF580] =	vst v12  }
0x1c1: {  	v48 =	vld [tilespmem:s21+$0xB5B0];
	v6 =	vadd.f32 v56, v6;
	[tilespmem:s21+$0xF5F0] =	vst v59  }
0x1c2: {  	v57 =	vld [tilespmem:s21+$0xB9A0];
	v0 =	vadd.f32 v63, v0;
	[tilespmem:s21+$0xF980] =	vst v7  }
0x1c3: {  	v58 =	vld [tilespmem:s21+$0xB9B0];
	v9 =	vadd.f32 v41, v2;
	[tilespmem:s21+$0xF990] =	vst v6  }
0x1c4: {  	v51 =	vld [tilespmem:s21+$0xB5D0];
	v8 =	vadd.f32 v42, v1;
	[tilespmem:s21+$0xF9F0] =	vst v0  }
0x1c5: {  	v52 =	vld [tilespmem:s21+$0xB5E0];
	v10 =	vadd.f32 v47, v5;
	[tilespmem:s21+$0xF1D0] =	vst v9  }
0x1c6: {  	v61 =	vld [tilespmem:s21+$0xB9D0];
	v11 =	vadd.f32 v48, v4;
	[tilespmem:s21+$0xF1E0] =	vst v8  }
0x1c7: {  	v62 =	vld [tilespmem:s21+$0xB9E0];
	v5 =	vadd.f32 v57, v5;
	[tilespmem:s21+$0xF5A0] =	vst v10  }
0x1c8: {  	v4 =	vadd.f32 v58, v4;
	[tilespmem:s21+$0xF5B0] =	vst v11  }
0x1c9: {  	p1 =	slt.u32 s20, $0x6;
	v8 =	vadd.f32 v51, v2;
	[tilespmem:s21+$0xF9A0] =	vst v5  }
.Ltmp1:
0x1ca: {  	v9 =	vadd.f32 v52, v1;
	[tilespmem:s21+$0xF9B0] =	vst v4;
	(pc) =	sbr.rel @p1 .LBB2_5-.Ltmp1, $4  }
0x1cb: {  	v2 =	vadd.f32 v61, v2;
	[tilespmem:s21+$0xF5D0] =	vst v8  }
0x1cc: {  	v1 =	vadd.f32 v62, v1;
	[tilespmem:s21+$0xF5E0] =	vst v9  }
0x1cd: {  	s23 =	sadd.s32 $0x2, s20;
	[tilespmem:s21+$0xF9D0] =	vst v2  }
0x1ce: {  	s20 =	smov.u32 s23;
	[tilespmem:s21+$0xF9E0] =	vst v1  }
0x1cf: {  	s17 =	sadd.s32 @!p0 $0x3, s17  }
0x1d0: {  	s20 =	smulhi.u32 @!p0 $0x51EB851F, s17;
	_ =	sdelay $0x1  }
0x1d1: {  	s20 =	sshrl.u32 @!p0 s20, $0x3  }
0x1d2: {  	s21 =	smul.u32 @!p0 $0x19, s20  }
0x1d3: {  	s20 =	smul.u32 @!p0 $0x1900, s20  }
0x1d4: {  	s17 =	ssub.s32 @!p0 s17, s21  }
0x1d5: {  	s20 =	sshra.s32 @!p0 s20, $0x2;
	s17 =	sshll.u32 @!p0 s17, $0x3  }
0x1d6: {  	s21 =	simm.s32 @!p0 $0x9D00;
	s17 =	sadd.s32 @!p0 s17, s20;
	s20 =	simm.s32 @!p0 $0x8  }
0x1d7: {  	[tilespmem:s21], [sflag:$0x3] =	stream.indirect.gather @!p0 [hbm4b:s1+s20], $0x80, s17, s20, $0xb8;
	[tilespmem:$0xFD00] =	vst v63  }
0x1d8: {  	s22 =	simm.s32 @!p0 $0xA100;
	s21 =	sadd.s32 @!p0 $0xC8, s17  }
0x1d9: {  	[tilespmem:s22], [sflag:$0x3] =	stream.indirect.gather @!p0 [hbm4b:s1+s20], $0x80, s21, s20, $0xb8;
	[tilespmem:$0xFD00] =	vst v63  }
0x1da: {  	s21 =	sadd.s32 @!p0 $0x190, s17;
	s22 =	simm.s32 @!p0 $0xA500  }
0x1db: {  	[tilespmem:s22], [sflag:$0x3] =	stream.indirect.gather @!p0 [hbm4b:s1+s20], $0x80, s21, s20, $0xb8;
	[tilespmem:$0xFD00] =	vst v63  }
0x1dc: {  	s21 =	sadd.s32 @!p0 $0x258, s17;
	s22 =	simm.s32 @!p0 $0xA900  }
0x1dd: {  	[tilespmem:s22], [sflag:$0x3] =	stream.indirect.gather @!p0 [hbm4b:s1+s20], $0x80, s21, s20, $0xb8;
	[tilespmem:$0xFD00] =	vst v63  }
0x1de: {  	s21 =	sadd.s32 @!p0 $0x320, s17;
	s22 =	simm.s32 @!p0 $0xAD00  }
0x1df: {  	[tilespmem:s22], [sflag:$0x3] =	stream.indirect.gather @!p0 [hbm4b:s1+s20], $0x80, s21, s20, $0xb8;
	[tilespmem:$0xFD00] =	vst v63  }
0x1e0: {  	s21 =	sadd.s32 @!p0 $0x3E8, s17;
	s22 =	simm.s32 @!p0 $0xB100  }
0x1e1: {  	[tilespmem:s22], [sflag:$0x3] =	stream.indirect.gather @!p0 [hbm4b:s1+s20], $0x80, s21, s20, $0xb8;
	[tilespmem:$0xFD00] =	vst v63  }
0x1e2: {  	s21 =	sadd.s32 @!p0 $0x4B0, s17;
	s22 =	simm.s32 @!p0 $0xB500  }
0x1e3: {  	[tilespmem:s22], [sflag:$0x3] =	stream.indirect.gather @!p0 [hbm4b:s1+s20], $0x80, s21, s20, $0xb8;
	[tilespmem:$0xFD00] =	vst v63  }
0x1e4: {  	s17 =	sadd.s32 @!p0 $0x578, s17;
	s21 =	simm.s32 @!p0 $0xB900  }
0x1e5: {  	[tilespmem:s21], [sflag:$0x3] =	stream.indirect.gather @!p0 [hbm4b:s1+s20], $0x80, s17, s20, $0xb8;
	[tilespmem:$0xFD00] =	vst v63  }
0x1e6: {  	s17 =	smul.u32 $0x640, s19  }
0x1e7: {  	s21 =	sor.u32 s6, s18  }
0x1e8: {  	s19 =	sadd.s32 s17, s21  }
0x1e9: {  	s19 =	sshll.u32 s19, $0x4  }
0x1ea: {  	s22 =	sadd.s32 s17, s8;
	s19 =	sadd.s32 s4, s19  }
0x1eb: {  	[hbm4b:s19+s5] =	stream.linear.scatter [tilespmem:s28], [sflag:$0x5], $0x400, $0x38;
	[tilespmem:$0xFD00] =	vst v63  }
0x1ec: {  	s19 =	sadd.s32 s18, s22  }
0x1ed: {  	s19 =	sshll.u32 s19, $0x4  }
0x1ee: {  	s23 =	sadd.s32 s17, s9;
	s19 =	sadd.s32 s4, s19  }
0x1ef: {  	[hbm4b:s19+s5] =	stream.linear.scatter [tilespmem:s29], [sflag:$0x5], $0x400, $0x38;
	[tilespmem:$0xFD00] =	vst v63  }
0x1f0: {  	s19 =	sadd.s32 s18, s23  }
0x1f1: {  	s19 =	sshll.u32 s19, $0x4  }
0x1f2: {  	s20 =	sadd.s32 s17, s10;
	s19 =	sadd.s32 s4, s19  }
0x1f3: {  	[hbm4b:s19+s5] =	stream.linear.scatter [tilespmem:s30], [sflag:$0x5], $0x400, $0x38;
	[tilespmem:$0xFD00] =	vst v63  }
0x1f4: {  	s19 =	sadd.s32 s18, s20  }
0x1f5: {  	s19 =	sshll.u32 s19, $0x4  }
0x1f6: {  	s21 =	sadd.s32 s17, s11;
	s19 =	sadd.s32 s4, s19  }
0x1f7: {  	[hbm4b:s19+s5] =	stream.linear.scatter [tilespmem:s31], [sflag:$0x5], $0x400, $0x38;
	[tilespmem:$0xFD00] =	vst v63  }
0x1f8: {  	s19 =	sadd.s32 s18, s21  }
0x1f9: {  	s19 =	sshll.u32 s19, $0x4  }
0x1fa: {  	s22 =	sadd.s32 s17, s12;
	s19 =	sadd.s32 s4, s19  }
0x1fb: {  	[hbm4b:s19+s5] =	stream.linear.scatter [tilespmem:s2], [sflag:$0x5], $0x400, $0x38;
	[tilespmem:$0xFD00] =	vst v63  }
0x1fc: {  	s19 =	sadd.s32 s18, s22  }
0x1fd: {  	s19 =	sshll.u32 s19, $0x4  }
0x1fe: {  	s16 =	sadd.s32 $0x1, s16;
	s23 =	sadd.s32 s17, s13;
	s19 =	sadd.s32 s4, s19  }
0x1ff: {  	[hbm4b:s19+s5] =	stream.linear.scatter [tilespmem:s0], [sflag:$0x5], $0x400, $0x38;
	[tilespmem:$0xFD00] =	vst v63  }
0x200: {  	p0 =	sne.s32 s16, $0x32;
	s17 =	sadd.s32 s17, s14;
	s19 =	sadd.s32 s18, s23  }
.Ltmp2:
0x201: {  	s17 =	sadd.s32 s18, s17;
	s19 =	sshll.u32 s19, $0x4;
	(pc) =	sbr.rel @p0 .LBB2_2-.Ltmp2, $4  }
0x202: {  	s17 =	sshll.u32 s17, $0x4;
	s19 =	sadd.s32 s4, s19  }
0x203: {  	[hbm4b:s19+s5] =	stream.linear.scatter [tilespmem:s7], [sflag:$0x5], $0x400, $0x38;
	[tilespmem:$0xFD00] =	vst v63  }
0x204: {  	s17 =	sadd.s32 s4, s17  }
0x205: {  	[hbm4b:s17+s5] =	stream.linear.scatter [tilespmem:s15], [sflag:$0x5], $0x400, $0x38;
	[tilespmem:$0xFD00] =	vst v63  }
0x206: {  	s16 =	simm.s32 $0x4  }
0x207: {  	_ =	swait.ge [sflag:s16], $0x2000  }
0x208: {  	[sflag:s16] =	ssyncset.done $0x0  }
0x209: {  	s17 =	simm.s32 $0x5;
	[sflag:s16] =	ssyncadd.s32 $0xFFFFE000  }
0x20a: {  	_ =	swait.ge [sflag:s17], $0x2000  }
0x20b: {  	s18 =	rddreg [dreg:$0x7]  }
0x20c: {  	s23 =	rddreg [dreg:$0x6];
	s18 =	sadd.s32 $0x1, s18  }
0x20d: {  	p0 =	sne.s32 s18, s23  }
.Ltmp3:
0x20e: {  	_ = 	snop;
	(pc) =	sbr.rel @p0 .LBB2_1-.Ltmp3, $3  }
0x20f: {  	_ =	sdelay $0x1  }
0x210: {  	[sflag:s17] =	ssyncset.done $0x0  }
0x211: {  	[sflag:s17] =	ssyncadd.s32 $0xFFFFE000  }
0x212: {  	_ =	sfence.sel $0x180000  }
0x213: {  	[bflag:$0x0] =	sbarrier.arrive $0xFFFF  }
0x214: {  	_ =	strace $0x90000047  }
0x215: {  	s0 =	stileid.u32;
	[bflag:$0x2] =	sbarrier.arrive $0xFFFF  }
0x216: {  	p0 =	sne.s32 s0, $0x0;
	s0 =	rddreg [dreg:$0x4]  }
0x217: {  	s0 =	sadd.s32 @!p0 $0x100000, s0  }
0x218: {  	[sflag:s0] =	ssyncadd.tile.s32 @!p0 $0x1;
	_ =	shalt  }
.Lfunc_end2:
_tile_overlayer_lowered:
.L_overlay_start_2:
0x219: {  	(tag) =	ssettag $0x2  }
0x21a: {  	s0 =	rddreg [dreg:$0x0];
	s2 =	stileid.u32  }
0x21b: {  	s1 =	rddreg [dreg:$0x1];
	p0 =	sne.s32 s2, $0x0  }
0x21c: {  	s3 =	rddreg [dreg:$0x2];
	[bflag:$0x3] =	sbarrier.arrive $0xFFFF;
	s2 =	simm.s32 @!p0 $0x1C06  }
0x21d: {  	[timem:s3], [sflag:s2] =	dma.local @!p0 [hbm:s0], s1  }
0x21e: {  	s0 =	simm.s32 @!p0 $0x6  }
0x21f: {  	_ =	swait.ge @!p0 [sflag:s0], s1  }
0x220: {  	s1 =	ssub.s32 @!p0 $0x0, s1;
	[sflag:s0] =	ssyncset.done @!p0 $0x0  }
0x221: {  	[sflag:s0] =	ssyncadd.s32 @!p0 s1  }
0x222: {  	[bflag:$0x3] =	sbarrier.arrive $0xFFFF  }
0x223: {  	_ =	shalt  }

</sc_bundles>
